<compile_context>
chip_gen: v7x
topology: tpu7x:2x2x1
jax: 0.10.2.dev20260603
libtpu: 0.0.44.dev20260713+nightly
codegen_flags: <defaults>
</compile_context>

<pallas_src>
import functools

import jax
import jax.numpy as jnp
from jax import lax
from jax.experimental import pallas as pl
from jax.experimental.pallas import tpu as pltpu
from jax.experimental.pallas import tpu_sc as plsc

N_NODES = 10000
D_FEAT = 128
HIDDEN = 1024
ROW_BLK = 400

LANES = 16
HC = HIDDEN // LANES
NW = 32
VPW = 320
SUB = 32
NSUB = VPW // SUB
SCHUNK = 2048
EPAD = 327680
NPAD = NW * VPW
NBND = NW * NSUB + 1
UN = 8



def _xform_body(x_ref, wl_ref, bl_ref, wr_ref, xl_ref, xr_ref):
    x = x_ref[...]
    xl_ref[...] = jnp.dot(x, wl_ref[...], preferred_element_type=jnp.float32) + bl_ref[...]
    xr_ref[...] = jnp.dot(x, wr_ref[...], preferred_element_type=jnp.float32)


def _input_transform(x, Wl, bl, Wr):
    n = x.shape[0]
    blk = 256
    return pl.pallas_call(
        _xform_body,
        grid=(n // blk,),
        in_specs=[
            pl.BlockSpec((blk, D_FEAT), lambda i: (i, 0)),
            pl.BlockSpec((D_FEAT, HIDDEN), lambda i: (0, 0)),
            pl.BlockSpec((HIDDEN,), lambda i: (0,)),
            pl.BlockSpec((D_FEAT, HIDDEN), lambda i: (0, 0)),
        ],
        out_specs=[
            pl.BlockSpec((blk, HIDDEN), lambda i: (i, 0)),
            pl.BlockSpec((blk, HIDDEN), lambda i: (i, 0)),
        ],
        out_shape=[
            jax.ShapeDtypeStruct((n, HIDDEN), jnp.float32),
            jax.ShapeDtypeStruct((n, HIDDEN), jnp.float32),
        ],
    )(x, Wl, bl, Wr)



def _mlp_body(num_ref, den_ref, bconv_ref, w1_ref, b1_ref, w2_ref, b2_ref,
              wc_ref, bc_ref, out_ref):
    den = den_ref[:, 0:1]
    h = num_ref[...] * (1.0 / (den + 1e-16)) + bconv_ref[...]
    h = jnp.maximum(h, 0.0)
    t1 = jnp.maximum(jnp.dot(h, w1_ref[...], preferred_element_type=jnp.float32) + b1_ref[...], 0.0)
    t2 = jnp.maximum(jnp.dot(t1, w2_ref[...], preferred_element_type=jnp.float32) + b2_ref[...], 0.0)
    out_ref[...] = jnp.dot(t2, wc_ref[...], preferred_element_type=jnp.float32) + bc_ref[...]


def _mlp_head(num, den, b_conv, W1, b1, W2, b2, Wc, bc):
    n = N_NODES
    nc = Wc.shape[1]
    return pl.pallas_call(
        _mlp_body,
        grid=(n // ROW_BLK,),
        in_specs=[
            pl.BlockSpec((ROW_BLK, HIDDEN), lambda i: (i, 0)),
            pl.BlockSpec((ROW_BLK, 128), lambda i: (i, 0)),
            pl.BlockSpec((HIDDEN,), lambda i: (0,)),
            pl.BlockSpec((HIDDEN, 512), lambda i: (0, 0)),
            pl.BlockSpec((512,), lambda i: (0,)),
            pl.BlockSpec((512, 128), lambda i: (0, 0)),
            pl.BlockSpec((128,), lambda i: (0,)),
            pl.BlockSpec((128, nc), lambda i: (0, 0)),
            pl.BlockSpec((nc,), lambda i: (0,)),
        ],
        out_specs=pl.BlockSpec((ROW_BLK, nc), lambda i: (i, 0)),
        out_shape=jax.ShapeDtypeStruct((n, nc), jnp.float32),
    )(num[:n], den[:n], b_conv, W1, b1, W2, b2, Wc, bc)



def _g(v, idx):
    return lax.gather(
        v, idx[:, None],
        lax.GatherDimensionNumbers(offset_dims=(), collapsed_slice_dims=(0,),
                                   start_index_map=(0,)),
        slice_sizes=(1,), mode=lax.GatherScatterMode.PROMISE_IN_BOUNDS)


def _lanesum(v, iota):
    for k in (8, 4, 2, 1):
        v = v + _g(v, iota ^ k)
    return v


def _lane(v, j, iota):
    return _g(v, (iota + j) & (LANES - 1))[0]


def _sc_body(xl_hbm, xr_hbm, att_hbm, srcs_hbm, dsts_hbm, bnd_hbm,
             num_hbm, den_hbm,
             sbuf, dbuf, att_v, bnd_v, xlb0, xlb1, xrw, hacc, den_m,
             idx0, idx1, sem0, sem1, semw):
    cid = lax.axis_index("c")
    sid = lax.axis_index("s")
    wid = cid * 16 + sid
    vbase = wid * VPW
    iota = lax.iota(jnp.int32, LANES)
    zv = jnp.zeros((LANES,), jnp.float32)

    pltpu.sync_copy(att_hbm, att_v)
    pltpu.sync_copy(bnd_hbm, bnd_v)

    def bnd(i):
        chunk = bnd_v[pl.ds((i // LANES) * LANES, LANES)]
        return _lane(chunk.astype(jnp.float32), i & (LANES - 1),
                     iota).astype(jnp.int32)

    def window(t, _):
        wrow = vbase + t * SUB
        bidx = wid * NSUB + t
        lo = bnd(bidx)
        hi = bnd(bidx + 1)
        n_g = (hi - lo + LANES - 1) // LANES

        wr8 = pl.multiple_of(wrow, SUB)
        cw = pltpu.async_copy(xr_hbm.at[pl.ds(wr8, SUB)], xrw, semw)

        def zrow(v, __):
            for c in range(HC):
                hacc[v, pl.ds(c * LANES, LANES)] = zv
            for c in range(128 // LANES):
                den_m[v, pl.ds(c * LANES, LANES)] = zv
            return 0

        lax.fori_loop(0, SUB, zrow, 0)
        cw.wait()

        def issue(g, wbase, xlb_p, idx_p, sem_p):
            cursor = lo + g * LANES
            need = jnp.logical_and(cursor + LANES > wbase + SCHUNK, g < n_g)
            nbase = jnp.where(need, (cursor // 8) * 8, wbase)

            @pl.when(need)
            def _():
                ab = pl.multiple_of(nbase, 8)
                pltpu.sync_copy(srcs_hbm.at[pl.ds(ab, SCHUNK)], sbuf)
                pltpu.sync_copy(dsts_hbm.at[pl.ds(ab, SCHUNK)], dbuf)

            off = jnp.minimum(cursor - nbase, SCHUNK - LANES)
            src16 = sbuf[pl.ds(off, LANES)]
            dst16 = dbuf[pl.ds(off, LANES)]

            @pl.when(g < n_g)
            def _():
                idx_p[...] = jnp.minimum(src16, N_NODES - 1)
                pltpu.async_copy(xl_hbm.at[idx_p], xlb_p, sem_p)

            return nbase, dst16

        def compute(g, dst16, xlb_p, idx_p, sem_p):
            pltpu.make_async_copy(xl_hbm.at[idx_p], xlb_p, sem_p).wait()
            nlive = hi - (lo + g * LANES)
            dstloc = jnp.clip(dst16 - wrow, 0, SUB - 1).astype(jnp.float32)

            def edge(j, __):
                dl = _lane(dstloc, j, iota).astype(jnp.int32)

                def chunk_acc(c, acc):
                    xlv = xlb_p[j, pl.ds(c * LANES, LANES)]
                    xrv = xrw[dl, pl.ds(c * LANES, LANES)]
                    av = att_v[pl.ds(c * LANES, LANES)]
                    z = xlv + xrv
                    lrz = jnp.maximum(z, 0.2 * z)
                    return acc + lrz * av

                acc = lax.fori_loop(0, HC, chunk_acc, zv, unroll=UN)
                wj = jnp.exp(_lanesum(acc, iota))
                wj = jnp.where(j < nlive, wj, 0.0)

                def chunk_add(c, ___):
                    xlv = xlb_p[j, pl.ds(c * LANES, LANES)]
                    hacc[dl, pl.ds(c * LANES, LANES)] = (
                        hacc[dl, pl.ds(c * LANES, LANES)] + wj * xlv)
                    return 0

                lax.fori_loop(0, HC, chunk_add, 0, unroll=UN)
                den_m[dl, pl.ds(0, LANES)] = (
                    den_m[dl, pl.ds(0, LANES)] + jnp.where(iota == 0, wj, 0.0))
                return 0

            lax.fori_loop(0, LANES, edge, 0)

        wbase0, dstA = issue(0, jnp.int32(-(2 ** 30)), xlb0, idx0, sem0)

        def pair(k, carry):
            wbase, dstP = carry
            g0 = 2 * k
            g1 = g0 + 1
            wbase, dstQ = issue(g1, wbase, xlb1, idx1, sem1)

            @pl.when(g0 < n_g)
            def _():
                compute(g0, dstP, xlb0, idx0, sem0)

            wbase, dstR = issue(g0 + 2, wbase, xlb0, idx0, sem0)

            @pl.when(g1 < n_g)
            def _():
                compute(g1, dstQ, xlb1, idx1, sem1)

            return wbase, dstR

        lax.fori_loop(0, (n_g + 1) // 2, pair, (wbase0, dstA))

        pltpu.sync_copy(hacc, num_hbm.at[pl.ds(wr8, SUB)])
        pltpu.sync_copy(den_m, den_hbm.at[pl.ds(wr8, SUB)])
        return 0

    lax.fori_loop(0, NSUB, window, 0)


def _gat_middle_sc(xl, xr, att, src_s, dst_s, bounds):
    mesh = plsc.VectorSubcoreMesh(core_axis_name="c", subcore_axis_name="s")
    f = pl.kernel(
        _sc_body,
        out_type=[
            jax.ShapeDtypeStruct((NPAD, HIDDEN), jnp.float32),
            jax.ShapeDtypeStruct((NPAD, 128), jnp.float32),
        ],
        mesh=mesh,
        scratch_types=[
            pltpu.VMEM((SCHUNK,), jnp.int32),
            pltpu.VMEM((SCHUNK,), jnp.int32),
            pltpu.VMEM((HIDDEN,), jnp.float32),
            pltpu.VMEM((336,), jnp.int32),
            pltpu.VMEM((LANES, HIDDEN), jnp.float32),
            pltpu.VMEM((LANES, HIDDEN), jnp.float32),
            pltpu.VMEM((SUB, HIDDEN), jnp.float32),
            pltpu.VMEM((SUB, HIDDEN), jnp.float32),
            pltpu.VMEM((SUB, 128), jnp.float32),
            pltpu.VMEM((LANES,), jnp.int32),
            pltpu.VMEM((LANES,), jnp.int32),
            pltpu.SemaphoreType.DMA,
            pltpu.SemaphoreType.DMA,
            pltpu.SemaphoreType.DMA,
        ],
    )
    return f(xl, xr, att, src_s, dst_s, bounds)


def kernel(x, edge_index, Wl, bl, Wr, att, b_conv, W1, b1, W2, b2, Wc, bc):
    src = edge_index[0]
    dst = edge_index[1]
    e = src.shape[0]

    perm = jnp.argsort(dst)
    src_s = jnp.take(src, perm)
    dst_s = jnp.take(dst, perm)
    pad = EPAD - e
    src_s = jnp.concatenate([src_s, jnp.arange(pad, dtype=jnp.int32) % N_NODES])
    dst_s = jnp.concatenate([dst_s, jnp.full((pad,), 2 ** 20, jnp.int32)])
    thresholds = jnp.minimum(jnp.arange(336, dtype=jnp.int32) * SUB, N_NODES)
    bounds = jnp.searchsorted(dst_s[:e], thresholds, side="left").astype(jnp.int32)

    xpad = jnp.concatenate(
        [x, jnp.zeros((NPAD - x.shape[0], D_FEAT), jnp.float32)])
    xl, xr = _input_transform(xpad, Wl, bl, Wr)
    num, den = _gat_middle_sc(xl, xr, att, src_s, dst_s, bounds)
    return _mlp_head(num, den, b_conv, W1, b1, W2, b2, Wc, bc)

# --- scband reference (transcript-rebuilt; emitter-appended) ---
"""Pipeline reference for scband-one-gatcn-87720412053584 (READ-ONLY COPY).

The authoritative reference and input builder live on the scoring server;
editing this copy changes nothing except your own understanding.
"""

import jax, jax.numpy as jnp
import numpy as np

N_NODES = 10000
N_EDGES = 320000
D_FEAT = 128
HIDDEN = 1024
NUM_CLASSES = 40


def setup_inputs(seed: int = 0) -> dict:
    key = jax.random.key(seed)
    ks = jax.random.split(key, 16)
    x = jax.random.normal(ks[0], (N_NODES, D_FEAT), dtype=jnp.float32)
    edge_index = jax.random.randint(ks[1], (2, N_EDGES), 0, N_NODES, dtype=jnp.int32)
    s_in = 1.0 / np.sqrt(D_FEAT)
    # GATv2Conv params (heads=1): lin_l (with bias), lin_r (no bias), attention vector, output bias
    Wl = jax.random.normal(ks[2], (D_FEAT, HIDDEN), dtype=jnp.float32) * s_in
    bl = jnp.zeros((HIDDEN,), dtype=jnp.float32)
    Wr = jax.random.normal(ks[3], (D_FEAT, HIDDEN), dtype=jnp.float32) * s_in
    att = jax.random.normal(ks[4], (HIDDEN,), dtype=jnp.float32) * (1.0 / np.sqrt(HIDDEN))
    b_conv = jnp.zeros((HIDDEN,), dtype=jnp.float32)
    # MLP head
    W1 = jax.random.normal(ks[5], (HIDDEN, 512), dtype=jnp.float32) * (1.0 / np.sqrt(HIDDEN))
    b1 = jnp.zeros((512,), dtype=jnp.float32)
    W2 = jax.random.normal(ks[6], (512, 128), dtype=jnp.float32) * (1.0 / np.sqrt(512))
    b2 = jnp.zeros((128,), dtype=jnp.float32)
    Wc = jax.random.normal(ks[7], (128, NUM_CLASSES), dtype=jnp.float32) * (1.0 / np.sqrt(128))
    bc = jnp.zeros((NUM_CLASSES,), dtype=jnp.float32)
    return {"x": x, "edge_index": edge_index, "Wl": Wl, "bl": bl, "Wr": Wr, "att": att,
            "b_conv": b_conv, "W1": W1, "b1": b1, "W2": W2, "b2": b2, "Wc": Wc, "bc": bc}


def reference(x, edge_index, Wl, bl, Wr, att, b_conv, W1, b1, W2, b2, Wc, bc):
    N = x.shape[0]
    src = edge_index[0]
    dst = edge_index[1]
    # GATv2Conv, single head
    x_l = x @ Wl + bl          # source-side transform (also the message)
    x_r = x @ Wr               # target-side transform
    feat = jax.nn.leaky_relu(x_l[src] + x_r[dst], negative_slope=0.2)
    e = feat @ att             # [E]
    m = jax.ops.segment_max(e, dst, num_segments=N)
    m = jnp.where(jnp.isfinite(m), m, 0.0)
    exp_e = jnp.exp(e - m[dst])
    denom = jax.ops.segment_sum(exp_e, dst, num_segments=N)
    alpha = exp_e / (denom[dst] + 1e-16)
    h = jax.ops.segment_sum(alpha[:, None] * x_l[src], dst, num_segments=N) + b_conv
    # MLP head
    h = jax.nn.relu(h)
    h = jax.nn.relu(h @ W1 + b1)
    h = jax.nn.relu(h @ W2 + b2)
    return h @ Wc + bc

if __name__ == "__main__":
    import jax
    _d = setup_inputs()
    print(jax.jit(kernel)(*tuple(_d.values())))

</pallas_src>

<mosaic_0001>
#map = affine_map<(d0, d1) -> (0, 0)>
#map1 = affine_map<(d0, d1) -> (0)>
module attributes {stable_mosaic.version = 14 : i64} {
  func.func @_sc_body(%arg0: i32, %arg1: i32, %arg2: memref<10240x1024xf32, #tpu.memory_space<hbm>>, %arg3: memref<10240x1024xf32, #tpu.memory_space<hbm>>, %arg4: memref<1024xf32, #tpu.memory_space<hbm>>, %arg5: memref<327680xi32, #tpu.memory_space<hbm>>, %arg6: memref<327680xi32, #tpu.memory_space<hbm>>, %arg7: memref<336xi32, #tpu.memory_space<hbm>>, %arg8: memref<10240x1024xf32, #tpu.memory_space<hbm>>, %arg9: memref<10240x128xf32, #tpu.memory_space<hbm>>, %arg10: memref<2048xi32, #tpu.memory_space<vmem>>, %arg11: memref<2048xi32, #tpu.memory_space<vmem>>, %arg12: memref<1024xf32, #tpu.memory_space<vmem>>, %arg13: memref<336xi32, #tpu.memory_space<vmem>>, %arg14: memref<16x1024xf32, #tpu.memory_space<vmem>>, %arg15: memref<16x1024xf32, #tpu.memory_space<vmem>>, %arg16: memref<32x1024xf32, #tpu.memory_space<vmem>>, %arg17: memref<32x1024xf32, #tpu.memory_space<vmem>>, %arg18: memref<32x128xf32, #tpu.memory_space<vmem>>, %arg19: memref<16xi32, #tpu.memory_space<vmem>>, %arg20: memref<16xi32, #tpu.memory_space<vmem>>, %arg21: memref<!tpu.dma_semaphore, #tpu.memory_space<semaphore_mem>>, %arg22: memref<!tpu.dma_semaphore, #tpu.memory_space<semaphore_mem>>, %arg23: memref<!tpu.dma_semaphore, #tpu.memory_space<semaphore_mem>>) attributes {dimension_semantics = [#tpu.dimension_semantics<core_parallel>, #tpu.dimension_semantics<subcore_parallel>], iteration_bounds = array<i64: 2, 16>, scalar_prefetch = 0 : i64, scratch_operands = 14 : i64, tpu.core_type = #tpu.core_type<sc_vector_subcore>, window_params = [{transform_indices = #map}, {transform_indices = #map}, {transform_indices = #map1}, {transform_indices = #map1}, {transform_indices = #map1}, {transform_indices = #map1}, {transform_indices = #map}, {transform_indices = #map}]} {
    %mul3A = arith.constant 16 : i32
    %mul3A_0 = arith.muli %arg0, %mul3A : i32
    %add3A = arith.addi %mul3A_0, %arg1 : i32
    %mul3A_1 = arith.constant 320 : i32
    %mul3A_2 = arith.muli %add3A, %mul3A_1 : i32
    %iota3A = tpu.iota {dimensions = array<i32: 0>} : vector<16xi32>
    %broadcast_in_dim3A = arith.constant 0.000000e+00 : f32
    %broadcast_in_dim3A_3 = vector.broadcast %broadcast_in_dim3A : f32 to vector<16xf32>
    "tpu.region"() ({
      %run_scoped3A = tpu.sem_alloc : memref<!tpu.dma_semaphore, #tpu.memory_space<semaphore_mem>>
      tpu.enqueue_dma source(%arg4 : memref<1024xf32, #tpu.memory_space<hbm>>) target(%arg12 : memref<1024xf32, #tpu.memory_space<vmem>>) target_semaphore(%run_scoped3A : memref<!tpu.dma_semaphore, #tpu.memory_space<semaphore_mem>>)
      tpu.wait_dma2 semaphore(%run_scoped3A : memref<!tpu.dma_semaphore, #tpu.memory_space<semaphore_mem>>) src(%arg4 : memref<1024xf32, #tpu.memory_space<hbm>>) dst(%arg12 : memref<1024xf32, #tpu.memory_space<vmem>>)
      tpu.yield
    }) : () -> ()
    "tpu.region"() ({
      %run_scoped3A = tpu.sem_alloc : memref<!tpu.dma_semaphore, #tpu.memory_space<semaphore_mem>>
      tpu.enqueue_dma source(%arg7 : memref<336xi32, #tpu.memory_space<hbm>>) target(%arg13 : memref<336xi32, #tpu.memory_space<vmem>>) target_semaphore(%run_scoped3A : memref<!tpu.dma_semaphore, #tpu.memory_space<semaphore_mem>>)
      tpu.wait_dma2 semaphore(%run_scoped3A : memref<!tpu.dma_semaphore, #tpu.memory_space<semaphore_mem>>) src(%arg7 : memref<336xi32, #tpu.memory_space<hbm>>) dst(%arg13 : memref<336xi32, #tpu.memory_space<vmem>>)
      tpu.yield
    }) : () -> ()
    %scan3A = arith.constant 0 : i32
    %scan3A_4 = arith.constant 0 : i32
    %scan3A_5 = arith.constant 10 : i32
    %scan3A_6 = arith.addi %scan3A_4, %scan3A_5 : i32
    %scan3A_7 = arith.constant 1 : i32
    %scan3A_8 = scf.for %scan3A_10 = %scan3A_4 to %scan3A_6 step %scan3A_7 iter_args(%scan3A_11 = %scan3A) -> (i32)  : i32 {
      %mul3A_12 = arith.constant 32 : i32
      %mul3A_13 = arith.muli %scan3A_10, %mul3A_12 : i32
      %add3A_14 = arith.addi %mul3A_2, %mul3A_13 : i32
      %mul3A_15 = arith.constant 10 : i32
      %mul3A_16 = arith.muli %add3A, %mul3A_15 : i32
      %add3A_17 = arith.addi %mul3A_16, %scan3A_10 : i32
      %jit3A = arith.constant 16 : i32
      %div3A = arith.divsi %add3A_17, %jit3A : i32
      %sign3A = arith.constant 0 : i32
      %sign3A_18 = arith.cmpi sgt, %add3A_17, %sign3A : i32
      %sign3A_19 = arith.extui %sign3A_18 : i1 to i32
      %sign3A_20 = arith.constant 0 : i32
      %sign3A_21 = arith.cmpi slt, %add3A_17, %sign3A_20 : i32
      %sign3A_22 = arith.extui %sign3A_21 : i1 to i32
      %sign3A_23 = arith.subi %sign3A_19, %sign3A_22 : i32
      %sign3A_24 = arith.constant 0 : i32
      %sign3A_25 = arith.cmpi sgt, %jit3A, %sign3A_24 : i32
      %sign3A_26 = arith.extui %sign3A_25 : i1 to i32
      %sign3A_27 = arith.constant 0 : i32
      %sign3A_28 = arith.cmpi slt, %jit3A, %sign3A_27 : i32
      %sign3A_29 = arith.extui %sign3A_28 : i1 to i32
      %sign3A_30 = arith.subi %sign3A_26, %sign3A_29 : i32
      %ne3A = arith.cmpi ne, %sign3A_23, %sign3A_30 : i32
      %rem3A = arith.remsi %add3A_17, %jit3A : i32
      %ne3A_31 = arith.constant 0 : i32
      %ne3A_32 = arith.cmpi ne, %rem3A, %ne3A_31 : i32
      %and3A = arith.andi %ne3A, %ne3A_32 : i1
      %sub3A = arith.constant 1 : i32
      %sub3A_33 = arith.subi %div3A, %sub3A : i32
      %select_n3A = arith.select %and3A, %sub3A_33, %div3A : i32
      %mul3A_34 = arith.constant 16 : i32
      %mul3A_35 = arith.muli %select_n3A, %mul3A_34 : i32
      %get3A = arith.index_cast %mul3A_35 : i32 to index
      %get3A_36 = tpu.vector_load %arg13[%get3A] {strides = array<i32>} : memref<336xi32, #tpu.memory_space<vmem>>, vector<16xi32>,
      %get3A_37 = vector.shape_cast %get3A_36 : vector<16xi32> to vector<16xi32>
      %convert_element_type3A = arith.sitofp %get3A_37 : vector<16xi32> to vector<16xf32>
      %and3A_38 = arith.constant 15 : i32
      %and3A_39 = arith.andi %add3A_17, %and3A_38 : i32
      %add3A_40 = vector.broadcast %and3A_39 : i32 to vector<16xi32>
      %add3A_41 = arith.addi %iota3A, %add3A_40 : vector<16xi32>
      %and3A_42 = arith.constant 15 : i32
      %and3A_43 = vector.broadcast %and3A_42 : i32 to vector<16xi32>
      %and3A_44 = arith.andi %add3A_41, %and3A_43 : vector<16xi32>
      %broadcast_in_dim3A_45 = vector.shape_cast %and3A_44 : vector<16xi32> to vector<16x1xi32>
      %gather3A = vector.shape_cast %broadcast_in_dim3A_45 : vector<16x1xi32> to vector<16xi32>
      %gather3A_46 = tpu.dynamic_gather %convert_element_type3A[%gather3A] in [0] : vector<16xf32>, vector<16xi32> -> vector<16xf32>
      %slice3A = vector.extract_strided_slice %gather3A_46 {offsets = [0], sizes = [1], strides = [1]} : vector<16xf32> to vector<1xf32>
      %squeeze3A = vector.extract %slice3A[0] : f32 from vector<1xf32>
      %convert_element_type3A_47 = arith.fptosi %squeeze3A : f32 to i32
      %add3A_48 = arith.constant 1 : i32
      %add3A_49 = arith.addi %add3A_17, %add3A_48 : i32
      %jit3A_50 = arith.constant 16 : i32
      %div3A_51 = arith.divsi %add3A_49, %jit3A_50 : i32
      %sign3A_52 = arith.constant 0 : i32
      %sign3A_53 = arith.cmpi sgt, %add3A_49, %sign3A_52 : i32
      %sign3A_54 = arith.extui %sign3A_53 : i1 to i32
      %sign3A_55 = arith.constant 0 : i32
      %sign3A_56 = arith.cmpi slt, %add3A_49, %sign3A_55 : i32
      %sign3A_57 = arith.extui %sign3A_56 : i1 to i32
      %sign3A_58 = arith.subi %sign3A_54, %sign3A_57 : i32
      %sign3A_59 = arith.constant 0 : i32
      %sign3A_60 = arith.cmpi sgt, %jit3A_50, %sign3A_59 : i32
      %sign3A_61 = arith.extui %sign3A_60 : i1 to i32
      %sign3A_62 = arith.constant 0 : i32
      %sign3A_63 = arith.cmpi slt, %jit3A_50, %sign3A_62 : i32
      %sign3A_64 = arith.extui %sign3A_63 : i1 to i32
      %sign3A_65 = arith.subi %sign3A_61, %sign3A_64 : i32
      %ne3A_66 = arith.cmpi ne, %sign3A_58, %sign3A_65 : i32
      %rem3A_67 = arith.remsi %add3A_49, %jit3A_50 : i32
      %ne3A_68 = arith.constant 0 : i32
      %ne3A_69 = arith.cmpi ne, %rem3A_67, %ne3A_68 : i32
      %and3A_70 = arith.andi %ne3A_66, %ne3A_69 : i1
      %sub3A_71 = arith.constant 1 : i32
      %sub3A_72 = arith.subi %div3A_51, %sub3A_71 : i32
      %select_n3A_73 = arith.select %and3A_70, %sub3A_72, %div3A_51 : i32
      %mul3A_74 = arith.constant 16 : i32
      %mul3A_75 = arith.muli %select_n3A_73, %mul3A_74 : i32
      %get3A_76 = arith.index_cast %mul3A_75 : i32 to index
      %get3A_77 = tpu.vector_load %arg13[%get3A_76] {strides = array<i32>} : memref<336xi32, #tpu.memory_space<vmem>>, vector<16xi32>,
      %get3A_78 = vector.shape_cast %get3A_77 : vector<16xi32> to vector<16xi32>
      %convert_element_type3A_79 = arith.sitofp %get3A_78 : vector<16xi32> to vector<16xf32>
      %and3A_80 = arith.constant 15 : i32
      %and3A_81 = arith.andi %add3A_49, %and3A_80 : i32
      %add3A_82 = vector.broadcast %and3A_81 : i32 to vector<16xi32>
      %add3A_83 = arith.addi %iota3A, %add3A_82 : vector<16xi32>
      %and3A_84 = arith.constant 15 : i32
      %and3A_85 = vector.broadcast %and3A_84 : i32 to vector<16xi32>
      %and3A_86 = arith.andi %add3A_83, %and3A_85 : vector<16xi32>
      %broadcast_in_dim3A_87 = vector.shape_cast %and3A_86 : vector<16xi32> to vector<16x1xi32>
      %gather3A_88 = vector.shape_cast %broadcast_in_dim3A_87 : vector<16x1xi32> to vector<16xi32>
      %gather3A_89 = tpu.dynamic_gather %convert_element_type3A_79[%gather3A_88] in [0] : vector<16xf32>, vector<16xi32> -> vector<16xf32>
      %slice3A_90 = vector.extract_strided_slice %gather3A_89 {offsets = [0], sizes = [1], strides = [1]} : vector<16xf32> to vector<1xf32>
      %squeeze3A_91 = vector.extract %slice3A_90[0] : f32 from vector<1xf32>
      %convert_element_type3A_92 = arith.fptosi %squeeze3A_91 : f32 to i32
      %sub3A_93 = arith.subi %convert_element_type3A_92, %convert_element_type3A_47 : i32
      %add3A_94 = arith.constant 16 : i32
      %add3A_95 = arith.addi %sub3A_93, %add3A_94 : i32
      %sub3A_96 = arith.constant 1 : i32
      %sub3A_97 = arith.subi %add3A_95, %sub3A_96 : i32
      %jit3A_98 = arith.constant 16 : i32
      %div3A_99 = arith.divsi %sub3A_97, %jit3A_98 : i32
      %sign3A_100 = arith.constant 0 : i32
      %sign3A_101 = arith.cmpi sgt, %sub3A_97, %sign3A_100 : i32
      %sign3A_102 = arith.extui %sign3A_101 : i1 to i32
      %sign3A_103 = arith.constant 0 : i32
      %sign3A_104 = arith.cmpi slt, %sub3A_97, %sign3A_103 : i32
      %sign3A_105 = arith.extui %sign3A_104 : i1 to i32
      %sign3A_106 = arith.subi %sign3A_102, %sign3A_105 : i32
      %sign3A_107 = arith.constant 0 : i32
      %sign3A_108 = arith.cmpi sgt, %jit3A_98, %sign3A_107 : i32
      %sign3A_109 = arith.extui %sign3A_108 : i1 to i32
      %sign3A_110 = arith.constant 0 : i32
      %sign3A_111 = arith.cmpi slt, %jit3A_98, %sign3A_110 : i32
      %sign3A_112 = arith.extui %sign3A_111 : i1 to i32
      %sign3A_113 = arith.subi %sign3A_109, %sign3A_112 : i32
      %ne3A_114 = arith.cmpi ne, %sign3A_106, %sign3A_113 : i32
      %rem3A_115 = arith.remsi %sub3A_97, %jit3A_98 : i32
      %ne3A_116 = arith.constant 0 : i32
      %ne3A_117 = arith.cmpi ne, %rem3A_115, %ne3A_116 : i32
      %and3A_118 = arith.andi %ne3A_114, %ne3A_117 : i1
      %sub3A_119 = arith.constant 1 : i32
      %sub3A_120 = arith.subi %div3A_99, %sub3A_119 : i32
      %select_n3A_121 = arith.select %and3A_118, %sub3A_120, %div3A_99 : i32
      %multiple_of3A = tpu.assume_multiple %add3A_14, 32 : i32
      %dma_start3A = arith.constant 0 : i32
      %dma_start3A_122 = tpu.memref_slice %arg3[%multiple_of3A, %dma_start3A] : memref<10240x1024xf32, #tpu.memory_space<hbm>> -> memref<32x1024xf32, #tpu.memory_space<hbm>>
      %dma_start3A_123 = arith.constant 0 : i32
      %dma_start3A_124 = tpu.memref_slice %arg3[%multiple_of3A, %dma_start3A_123] : memref<10240x1024xf32, #tpu.memory_space<hbm>> -> memref<32x1024xf32, #tpu.memory_space<hbm>>
      tpu.enqueue_dma source(%dma_start3A_124 : memref<32x1024xf32, #tpu.memory_space<hbm>>) target(%arg16 : memref<32x1024xf32, #tpu.memory_space<vmem>>) target_semaphore(%arg23 : memref<!tpu.dma_semaphore, #tpu.memory_space<semaphore_mem>>)
      %scan3A_125 = arith.constant 0 : i32
      %scan3A_126 = arith.constant 0 : i32
      %scan3A_127 = arith.constant 32 : i32
      %scan3A_128 = arith.addi %scan3A_126, %scan3A_127 : i32
      %scan3A_129 = arith.constant 1 : i32
      %scan3A_130 = scf.for %scan3A_225 = %scan3A_126 to %scan3A_128 step %scan3A_129 iter_args(%scan3A_226 = %scan3A_125) -> (i32)  : i32 {
        %swap3A = arith.index_cast %scan3A_225 : i32 to index
        %swap3A_227 = arith.constant 0 : index
        %swap3A_228 = tpu.vector_load %arg17[%swap3A, %swap3A_227] {strides = array<i32>} : memref<32x1024xf32, #tpu.memory_space<vmem>>, vector<1x16xf32>,
        %swap3A_229 = vector.shape_cast %swap3A_228 : vector<1x16xf32> to vector<16xf32>
        %swap3A_230 = vector.shape_cast %broadcast_in_dim3A_3 : vector<16xf32> to vector<1x16xf32>
        tpu.vector_store %arg17[%swap3A, %swap3A_227], %swap3A_230 {strides = array<i32>} : memref<32x1024xf32, #tpu.memory_space<vmem>>, vector<1x16xf32>,
        %swap3A_231 = arith.index_cast %scan3A_225 : i32 to index
        %swap3A_232 = arith.constant 16 : index
        %swap3A_233 = tpu.vector_load %arg17[%swap3A_231, %swap3A_232] {strides = array<i32>} : memref<32x1024xf32, #tpu.memory_space<vmem>>, vector<1x16xf32>,
        %swap3A_234 = vector.shape_cast %swap3A_233 : vector<1x16xf32> to vector<16xf32>
        %swap3A_235 = vector.shape_cast %broadcast_in_dim3A_3 : vector<16xf32> to vector<1x16xf32>
        tpu.vector_store %arg17[%swap3A_231, %swap3A_232], %swap3A_235 {strides = array<i32>} : memref<32x1024xf32, #tpu.memory_space<vmem>>, vector<1x16xf32>,
        %swap3A_236 = arith.index_cast %scan3A_225 : i32 to index
        %swap3A_237 = arith.constant 32 : index
        %swap3A_238 = tpu.vector_load %arg17[%swap3A_236, %swap3A_237] {strides = array<i32>} : memref<32x1024xf32, #tpu.memory_space<vmem>>, vector<1x16xf32>,
        %swap3A_239 = vector.shape_cast %swap3A_238 : vector<1x16xf32> to vector<16xf32>
        %swap3A_240 = vector.shape_cast %broadcast_in_dim3A_3 : vector<16xf32> to vector<1x16xf32>
        tpu.vector_store %arg17[%swap3A_236, %swap3A_237], %swap3A_240 {strides = array<i32>} : memref<32x1024xf32, #tpu.memory_space<vmem>>, vector<1x16xf32>,
        %swap3A_241 = arith.index_cast %scan3A_225 : i32 to index
        %swap3A_242 = arith.constant 48 : index
        %swap3A_243 = tpu.vector_load %arg17[%swap3A_241, %swap3A_242] {strides = array<i32>} : memref<32x1024xf32, #tpu.memory_space<vmem>>, vector<1x16xf32>,
        %swap3A_244 = vector.shape_cast %swap3A_243 : vector<1x16xf32> to vector<16xf32>
        %swap3A_245 = vector.shape_cast %broadcast_in_dim3A_3 : vector<16xf32> to vector<1x16xf32>
        tpu.vector_store %arg17[%swap3A_241, %swap3A_242], %swap3A_245 {strides = array<i32>} : memref<32x1024xf32, #tpu.memory_space<vmem>>, vector<1x16xf32>,
        %swap3A_246 = arith.index_cast %scan3A_225 : i32 to index
        %swap3A_247 = arith.constant 64 : index
        %swap3A_248 = tpu.vector_load %arg17[%swap3A_246, %swap3A_247] {strides = array<i32>} : memref<32x1024xf32, #tpu.memory_space<vmem>>, vector<1x16xf32>,
        %swap3A_249 = vector.shape_cast %swap3A_248 : vector<1x16xf32> to vector<16xf32>
        %swap3A_250 = vector.shape_cast %broadcast_in_dim3A_3 : vector<16xf32> to vector<1x16xf32>
        tpu.vector_store %arg17[%swap3A_246, %swap3A_247], %swap3A_250 {strides = array<i32>} : memref<32x1024xf32, #tpu.memory_space<vmem>>, vector<1x16xf32>,
        %swap3A_251 = arith.index_cast %scan3A_225 : i32 to index
        %swap3A_252 = arith.constant 80 : index
        %swap3A_253 = tpu.vector_load %arg17[%swap3A_251, %swap3A_252] {strides = array<i32>} : memref<32x1024xf32, #tpu.memory_space<vmem>>, vector<1x16xf32>,
        %swap3A_254 = vector.shape_cast %swap3A_253 : vector<1x16xf32> to vector<16xf32>
        %swap3A_255 = vector.shape_cast %broadcast_in_dim3A_3 : vector<16xf32> to vector<1x16xf32>
        tpu.vector_store %arg17[%swap3A_251, %swap3A_252], %swap3A_255 {strides = array<i32>} : memref<32x1024xf32, #tpu.memory_space<vmem>>, vector<1x16xf32>,
        %swap3A_256 = arith.index_cast %scan3A_225 : i32 to index
        %swap3A_257 = arith.constant 96 : index
        %swap3A_258 = tpu.vector_load %arg17[%swap3A_256, %swap3A_257] {strides = array<i32>} : memref<32x1024xf32, #tpu.memory_space<vmem>>, vector<1x16xf32>,
        %swap3A_259 = vector.shape_cast %swap3A_258 : vector<1x16xf32> to vector<16xf32>
        %swap3A_260 = vector.shape_cast %broadcast_in_dim3A_3 : vector<16xf32> to vector<1x16xf32>
        tpu.vector_store %arg17[%swap3A_256, %swap3A_257], %swap3A_260 {strides = array<i32>} : memref<32x1024xf32, #tpu.memory_space<vmem>>, vector<1x16xf32>,
        %swap3A_261 = arith.index_cast %scan3A_225 : i32 to index
        %swap3A_262 = arith.constant 112 : index
        %swap3A_263 = tpu.vector_load %arg17[%swap3A_261, %swap3A_262] {strides = array<i32>} : memref<32x1024xf32, #tpu.memory_space<vmem>>, vector<1x16xf32>,
        %swap3A_264 = vector.shape_cast %swap3A_263 : vector<1x16xf32> to vector<16xf32>
        %swap3A_265 = vector.shape_cast %broadcast_in_dim3A_3 : vector<16xf32> to vector<1x16xf32>
        tpu.vector_store %arg17[%swap3A_261, %swap3A_262], %swap3A_265 {strides = array<i32>} : memref<32x1024xf32, #tpu.memory_space<vmem>>, vector<1x16xf32>,
        %swap3A_266 = arith.index_cast %scan3A_225 : i32 to index
        %swap3A_267 = arith.constant 128 : index
        %swap3A_268 = tpu.vector_load %arg17[%swap3A_266, %swap3A_267] {strides = array<i32>} : memref<32x1024xf32, #tpu.memory_space<vmem>>, vector<1x16xf32>,
        %swap3A_269 = vector.shape_cast %swap3A_268 : vector<1x16xf32> to vector<16xf32>
        %swap3A_270 = vector.shape_cast %broadcast_in_dim3A_3 : vector<16xf32> to vector<1x16xf32>
        tpu.vector_store %arg17[%swap3A_266, %swap3A_267], %swap3A_270 {strides = array<i32>} : memref<32x1024xf32, #tpu.memory_space<vmem>>, vector<1x16xf32>,
        %swap3A_271 = arith.index_cast %scan3A_225 : i32 to index
        %swap3A_272 = arith.constant 144 : index
        %swap3A_273 = tpu.vector_load %arg17[%swap3A_271, %swap3A_272] {strides = array<i32>} : memref<32x1024xf32, #tpu.memory_space<vmem>>, vector<1x16xf32>,
        %swap3A_274 = vector.shape_cast %swap3A_273 : vector<1x16xf32> to vector<16xf32>
        %swap3A_275 = vector.shape_cast %broadcast_in_dim3A_3 : vector<16xf32> to vector<1x16xf32>
        tpu.vector_store %arg17[%swap3A_271, %swap3A_272], %swap3A_275 {strides = array<i32>} : memref<32x1024xf32, #tpu.memory_space<vmem>>, vector<1x16xf32>,
        %swap3A_276 = arith.index_cast %scan3A_225 : i32 to index
        %swap3A_277 = arith.constant 160 : index
        %swap3A_278 = tpu.vector_load %arg17[%swap3A_276, %swap3A_277] {strides = array<i32>} : memref<32x1024xf32, #tpu.memory_space<vmem>>, vector<1x16xf32>,
        %swap3A_279 = vector.shape_cast %swap3A_278 : vector<1x16xf32> to vector<16xf32>
        %swap3A_280 = vector.shape_cast %broadcast_in_dim3A_3 : vector<16xf32> to vector<1x16xf32>
        tpu.vector_store %arg17[%swap3A_276, %swap3A_277], %swap3A_280 {strides = array<i32>} : memref<32x1024xf32, #tpu.memory_space<vmem>>, vector<1x16xf32>,
        %swap3A_281 = arith.index_cast %scan3A_225 : i32 to index
        %swap3A_282 = arith.constant 176 : index
        %swap3A_283 = tpu.vector_load %arg17[%swap3A_281, %swap3A_282] {strides = array<i32>} : memref<32x1024xf32, #tpu.memory_space<vmem>>, vector<1x16xf32>,
        %swap3A_284 = vector.shape_cast %swap3A_283 : vector<1x16xf32> to vector<16xf32>
        %swap3A_285 = vector.shape_cast %broadcast_in_dim3A_3 : vector<16xf32> to vector<1x16xf32>
        tpu.vector_store %arg17[%swap3A_281, %swap3A_282], %swap3A_285 {strides = array<i32>} : memref<32x1024xf32, #tpu.memory_space<vmem>>, vector<1x16xf32>,
        %swap3A_286 = arith.index_cast %scan3A_225 : i32 to index
        %swap3A_287 = arith.constant 192 : index
        %swap3A_288 = tpu.vector_load %arg17[%swap3A_286, %swap3A_287] {strides = array<i32>} : memref<32x1024xf32, #tpu.memory_space<vmem>>, vector<1x16xf32>,
        %swap3A_289 = vector.shape_cast %swap3A_288 : vector<1x16xf32> to vector<16xf32>
        %swap3A_290 = vector.shape_cast %broadcast_in_dim3A_3 : vector<16xf32> to vector<1x16xf32>
        tpu.vector_store %arg17[%swap3A_286, %swap3A_287], %swap3A_290 {strides = array<i32>} : memref<32x1024xf32, #tpu.memory_space<vmem>>, vector<1x16xf32>,
        %swap3A_291 = arith.index_cast %scan3A_225 : i32 to index
        %swap3A_292 = arith.constant 208 : index
        %swap3A_293 = tpu.vector_load %arg17[%swap3A_291, %swap3A_292] {strides = array<i32>} : memref<32x1024xf32, #tpu.memory_space<vmem>>, vector<1x16xf32>,
        %swap3A_294 = vector.shape_cast %swap3A_293 : vector<1x16xf32> to vector<16xf32>
        %swap3A_295 = vector.shape_cast %broadcast_in_dim3A_3 : vector<16xf32> to vector<1x16xf32>
        tpu.vector_store %arg17[%swap3A_291, %swap3A_292], %swap3A_295 {strides = array<i32>} : memref<32x1024xf32, #tpu.memory_space<vmem>>, vector<1x16xf32>,
        %swap3A_296 = arith.index_cast %scan3A_225 : i32 to index
        %swap3A_297 = arith.constant 224 : index
        %swap3A_298 = tpu.vector_load %arg17[%swap3A_296, %swap3A_297] {strides = array<i32>} : memref<32x1024xf32, #tpu.memory_space<vmem>>, vector<1x16xf32>,
        %swap3A_299 = vector.shape_cast %swap3A_298 : vector<1x16xf32> to vector<16xf32>
        %swap3A_300 = vector.shape_cast %broadcast_in_dim3A_3 : vector<16xf32> to vector<1x16xf32>
        tpu.vector_store %arg17[%swap3A_296, %swap3A_297], %swap3A_300 {strides = array<i32>} : memref<32x1024xf32, #tpu.memory_space<vmem>>, vector<1x16xf32>,
        %swap3A_301 = arith.index_cast %scan3A_225 : i32 to index
        %swap3A_302 = arith.constant 240 : index
        %swap3A_303 = tpu.vector_load %arg17[%swap3A_301, %swap3A_302] {strides = array<i32>} : memref<32x1024xf32, #tpu.memory_space<vmem>>, vector<1x16xf32>,
        %swap3A_304 = vector.shape_cast %swap3A_303 : vector<1x16xf32> to vector<16xf32>
        %swap3A_305 = vector.shape_cast %broadcast_in_dim3A_3 : vector<16xf32> to vector<1x16xf32>
        tpu.vector_store %arg17[%swap3A_301, %swap3A_302], %swap3A_305 {strides = array<i32>} : memref<32x1024xf32, #tpu.memory_space<vmem>>, vector<1x16xf32>,
        %swap3A_306 = arith.index_cast %scan3A_225 : i32 to index
        %swap3A_307 = arith.constant 256 : index
        %swap3A_308 = tpu.vector_load %arg17[%swap3A_306, %swap3A_307] {strides = array<i32>} : memref<32x1024xf32, #tpu.memory_space<vmem>>, vector<1x16xf32>,
        %swap3A_309 = vector.shape_cast %swap3A_308 : vector<1x16xf32> to vector<16xf32>
        %swap3A_310 = vector.shape_cast %broadcast_in_dim3A_3 : vector<16xf32> to vector<1x16xf32>
        tpu.vector_store %arg17[%swap3A_306, %swap3A_307], %swap3A_310 {strides = array<i32>} : memref<32x1024xf32, #tpu.memory_space<vmem>>, vector<1x16xf32>,
        %swap3A_311 = arith.index_cast %scan3A_225 : i32 to index
        %swap3A_312 = arith.constant 272 : index
        %swap3A_313 = tpu.vector_load %arg17[%swap3A_311, %swap3A_312] {strides = array<i32>} : memref<32x1024xf32, #tpu.memory_space<vmem>>, vector<1x16xf32>,
        %swap3A_314 = vector.shape_cast %swap3A_313 : vector<1x16xf32> to vector<16xf32>
        %swap3A_315 = vector.shape_cast %broadcast_in_dim3A_3 : vector<16xf32> to vector<1x16xf32>
        tpu.vector_store %arg17[%swap3A_311, %swap3A_312], %swap3A_315 {strides = array<i32>} : memref<32x1024xf32, #tpu.memory_space<vmem>>, vector<1x16xf32>,
        %swap3A_316 = arith.index_cast %scan3A_225 : i32 to index
        %swap3A_317 = arith.constant 288 : index
        %swap3A_318 = tpu.vector_load %arg17[%swap3A_316, %swap3A_317] {strides = array<i32>} : memref<32x1024xf32, #tpu.memory_space<vmem>>, vector<1x16xf32>,
        %swap3A_319 = vector.shape_cast %swap3A_318 : vector<1x16xf32> to vector<16xf32>
        %swap3A_320 = vector.shape_cast %broadcast_in_dim3A_3 : vector<16xf32> to vector<1x16xf32>
        tpu.vector_store %arg17[%swap3A_316, %swap3A_317], %swap3A_320 {strides = array<i32>} : memref<32x1024xf32, #tpu.memory_space<vmem>>, vector<1x16xf32>,
        %swap3A_321 = arith.index_cast %scan3A_225 : i32 to index
        %swap3A_322 = arith.constant 304 : index
        %swap3A_323 = tpu.vector_load %arg17[%swap3A_321, %swap3A_322] {strides = array<i32>} : memref<32x1024xf32, #tpu.memory_space<vmem>>, vector<1x16xf32>,
        %swap3A_324 = vector.shape_cast %swap3A_323 : vector<1x16xf32> to vector<16xf32>
        %swap3A_325 = vector.shape_cast %broadcast_in_dim3A_3 : vector<16xf32> to vector<1x16xf32>
        tpu.vector_store %arg17[%swap3A_321, %swap3A_322], %swap3A_325 {strides = array<i32>} : memref<32x1024xf32, #tpu.memory_space<vmem>>, vector<1x16xf32>,
        %swap3A_326 = arith.index_cast %scan3A_225 : i32 to index
        %swap3A_327 = arith.constant 320 : index
        %swap3A_328 = tpu.vector_load %arg17[%swap3A_326, %swap3A_327] {strides = array<i32>} : memref<32x1024xf32, #tpu.memory_space<vmem>>, vector<1x16xf32>,
        %swap3A_329 = vector.shape_cast %swap3A_328 : vector<1x16xf32> to vector<16xf32>
        %swap3A_330 = vector.shape_cast %broadcast_in_dim3A_3 : vector<16xf32> to vector<1x16xf32>
        tpu.vector_store %arg17[%swap3A_326, %swap3A_327], %swap3A_330 {strides = array<i32>} : memref<32x1024xf32, #tpu.memory_space<vmem>>, vector<1x16xf32>,
        %swap3A_331 = arith.index_cast %scan3A_225 : i32 to index
        %swap3A_332 = arith.constant 336 : index
        %swap3A_333 = tpu.vector_load %arg17[%swap3A_331, %swap3A_332] {strides = array<i32>} : memref<32x1024xf32, #tpu.memory_space<vmem>>, vector<1x16xf32>,
        %swap3A_334 = vector.shape_cast %swap3A_333 : vector<1x16xf32> to vector<16xf32>
        %swap3A_335 = vector.shape_cast %broadcast_in_dim3A_3 : vector<16xf32> to vector<1x16xf32>
        tpu.vector_store %arg17[%swap3A_331, %swap3A_332], %swap3A_335 {strides = array<i32>} : memref<32x1024xf32, #tpu.memory_space<vmem>>, vector<1x16xf32>,
        %swap3A_336 = arith.index_cast %scan3A_225 : i32 to index
        %swap3A_337 = arith.constant 352 : index
        %swap3A_338 = tpu.vector_load %arg17[%swap3A_336, %swap3A_337] {strides = array<i32>} : memref<32x1024xf32, #tpu.memory_space<vmem>>, vector<1x16xf32>,
        %swap3A_339 = vector.shape_cast %swap3A_338 : vector<1x16xf32> to vector<16xf32>
        %swap3A_340 = vector.shape_cast %broadcast_in_dim3A_3 : vector<16xf32> to vector<1x16xf32>
        tpu.vector_store %arg17[%swap3A_336, %swap3A_337], %swap3A_340 {strides = array<i32>} : memref<32x1024xf32, #tpu.memory_space<vmem>>, vector<1x16xf32>,
        %swap3A_341 = arith.index_cast %scan3A_225 : i32 to index
        %swap3A_342 = arith.constant 368 : index
        %swap3A_343 = tpu.vector_load %arg17[%swap3A_341, %swap3A_342] {strides = array<i32>} : memref<32x1024xf32, #tpu.memory_space<vmem>>, vector<1x16xf32>,
        %swap3A_344 = vector.shape_cast %swap3A_343 : vector<1x16xf32> to vector<16xf32>
        %swap3A_345 = vector.shape_cast %broadcast_in_dim3A_3 : vector<16xf32> to vector<1x16xf32>
        tpu.vector_store %arg17[%swap3A_341, %swap3A_342], %swap3A_345 {strides = array<i32>} : memref<32x1024xf32, #tpu.memory_space<vmem>>, vector<1x16xf32>,
        %swap3A_346 = arith.index_cast %scan3A_225 : i32 to index
        %swap3A_347 = arith.constant 384 : index
        %swap3A_348 = tpu.vector_load %arg17[%swap3A_346, %swap3A_347] {strides = array<i32>} : memref<32x1024xf32, #tpu.memory_space<vmem>>, vector<1x16xf32>,
        %swap3A_349 = vector.shape_cast %swap3A_348 : vector<1x16xf32> to vector<16xf32>
        %swap3A_350 = vector.shape_cast %broadcast_in_dim3A_3 : vector<16xf32> to vector<1x16xf32>
        tpu.vector_store %arg17[%swap3A_346, %swap3A_347], %swap3A_350 {strides = array<i32>} : memref<32x1024xf32, #tpu.memory_space<vmem>>, vector<1x16xf32>,
        %swap3A_351 = arith.index_cast %scan3A_225 : i32 to index
        %swap3A_352 = arith.constant 400 : index
        %swap3A_353 = tpu.vector_load %arg17[%swap3A_351, %swap3A_352] {strides = array<i32>} : memref<32x1024xf32, #tpu.memory_space<vmem>>, vector<1x16xf32>,
        %swap3A_354 = vector.shape_cast %swap3A_353 : vector<1x16xf32> to vector<16xf32>
        %swap3A_355 = vector.shape_cast %broadcast_in_dim3A_3 : vector<16xf32> to vector<1x16xf32>
        tpu.vector_store %arg17[%swap3A_351, %swap3A_352], %swap3A_355 {strides = array<i32>} : memref<32x1024xf32, #tpu.memory_space<vmem>>, vector<1x16xf32>,
        %swap3A_356 = arith.index_cast %scan3A_225 : i32 to index
        %swap3A_357 = arith.constant 416 : index
        %swap3A_358 = tpu.vector_load %arg17[%swap3A_356, %swap3A_357] {strides = array<i32>} : memref<32x1024xf32, #tpu.memory_space<vmem>>, vector<1x16xf32>,
        %swap3A_359 = vector.shape_cast %swap3A_358 : vector<1x16xf32> to vector<16xf32>
        %swap3A_360 = vector.shape_cast %broadcast_in_dim3A_3 : vector<16xf32> to vector<1x16xf32>
        tpu.vector_store %arg17[%swap3A_356, %swap3A_357], %swap3A_360 {strides = array<i32>} : memref<32x1024xf32, #tpu.memory_space<vmem>>, vector<1x16xf32>,
        %swap3A_361 = arith.index_cast %scan3A_225 : i32 to index
        %swap3A_362 = arith.constant 432 : index
        %swap3A_363 = tpu.vector_load %arg17[%swap3A_361, %swap3A_362] {strides = array<i32>} : memref<32x1024xf32, #tpu.memory_space<vmem>>, vector<1x16xf32>,
        %swap3A_364 = vector.shape_cast %swap3A_363 : vector<1x16xf32> to vector<16xf32>
        %swap3A_365 = vector.shape_cast %broadcast_in_dim3A_3 : vector<16xf32> to vector<1x16xf32>
        tpu.vector_store %arg17[%swap3A_361, %swap3A_362], %swap3A_365 {strides = array<i32>} : memref<32x1024xf32, #tpu.memory_space<vmem>>, vector<1x16xf32>,
        %swap3A_366 = arith.index_cast %scan3A_225 : i32 to index
        %swap3A_367 = arith.constant 448 : index
        %swap3A_368 = tpu.vector_load %arg17[%swap3A_366, %swap3A_367] {strides = array<i32>} : memref<32x1024xf32, #tpu.memory_space<vmem>>, vector<1x16xf32>,
        %swap3A_369 = vector.shape_cast %swap3A_368 : vector<1x16xf32> to vector<16xf32>
        %swap3A_370 = vector.shape_cast %broadcast_in_dim3A_3 : vector<16xf32> to vector<1x16xf32>
        tpu.vector_store %arg17[%swap3A_366, %swap3A_367], %swap3A_370 {strides = array<i32>} : memref<32x1024xf32, #tpu.memory_space<vmem>>, vector<1x16xf32>,
        %swap3A_371 = arith.index_cast %scan3A_225 : i32 to index
        %swap3A_372 = arith.constant 464 : index
        %swap3A_373 = tpu.vector_load %arg17[%swap3A_371, %swap3A_372] {strides = array<i32>} : memref<32x1024xf32, #tpu.memory_space<vmem>>, vector<1x16xf32>,
        %swap3A_374 = vector.shape_cast %swap3A_373 : vector<1x16xf32> to vector<16xf32>
        %swap3A_375 = vector.shape_cast %broadcast_in_dim3A_3 : vector<16xf32> to vector<1x16xf32>
        tpu.vector_store %arg17[%swap3A_371, %swap3A_372], %swap3A_375 {strides = array<i32>} : memref<32x1024xf32, #tpu.memory_space<vmem>>, vector<1x16xf32>,
        %swap3A_376 = arith.index_cast %scan3A_225 : i32 to index
        %swap3A_377 = arith.constant 480 : index
        %swap3A_378 = tpu.vector_load %arg17[%swap3A_376, %swap3A_377] {strides = array<i32>} : memref<32x1024xf32, #tpu.memory_space<vmem>>, vector<1x16xf32>,
        %swap3A_379 = vector.shape_cast %swap3A_378 : vector<1x16xf32> to vector<16xf32>
        %swap3A_380 = vector.shape_cast %broadcast_in_dim3A_3 : vector<16xf32> to vector<1x16xf32>
        tpu.vector_store %arg17[%swap3A_376, %swap3A_377], %swap3A_380 {strides = array<i32>} : memref<32x1024xf32, #tpu.memory_space<vmem>>, vector<1x16xf32>,
        %swap3A_381 = arith.index_cast %scan3A_225 : i32 to index
        %swap3A_382 = arith.constant 496 : index
        %swap3A_383 = tpu.vector_load %arg17[%swap3A_381, %swap3A_382] {strides = array<i32>} : memref<32x1024xf32, #tpu.memory_space<vmem>>, vector<1x16xf32>,
        %swap3A_384 = vector.shape_cast %swap3A_383 : vector<1x16xf32> to vector<16xf32>
        %swap3A_385 = vector.shape_cast %broadcast_in_dim3A_3 : vector<16xf32> to vector<1x16xf32>
        tpu.vector_store %arg17[%swap3A_381, %swap3A_382], %swap3A_385 {strides = array<i32>} : memref<32x1024xf32, #tpu.memory_space<vmem>>, vector<1x16xf32>,
        %swap3A_386 = arith.index_cast %scan3A_225 : i32 to index
        %swap3A_387 = arith.constant 512 : index
        %swap3A_388 = tpu.vector_load %arg17[%swap3A_386, %swap3A_387] {strides = array<i32>} : memref<32x1024xf32, #tpu.memory_space<vmem>>, vector<1x16xf32>,
        %swap3A_389 = vector.shape_cast %swap3A_388 : vector<1x16xf32> to vector<16xf32>
        %swap3A_390 = vector.shape_cast %broadcast_in_dim3A_3 : vector<16xf32> to vector<1x16xf32>
        tpu.vector_store %arg17[%swap3A_386, %swap3A_387], %swap3A_390 {strides = array<i32>} : memref<32x1024xf32, #tpu.memory_space<vmem>>, vector<1x16xf32>,
        %swap3A_391 = arith.index_cast %scan3A_225 : i32 to index
        %swap3A_392 = arith.constant 528 : index
        %swap3A_393 = tpu.vector_load %arg17[%swap3A_391, %swap3A_392] {strides = array<i32>} : memref<32x1024xf32, #tpu.memory_space<vmem>>, vector<1x16xf32>,
        %swap3A_394 = vector.shape_cast %swap3A_393 : vector<1x16xf32> to vector<16xf32>
        %swap3A_395 = vector.shape_cast %broadcast_in_dim3A_3 : vector<16xf32> to vector<1x16xf32>
        tpu.vector_store %arg17[%swap3A_391, %swap3A_392], %swap3A_395 {strides = array<i32>} : memref<32x1024xf32, #tpu.memory_space<vmem>>, vector<1x16xf32>,
        %swap3A_396 = arith.index_cast %scan3A_225 : i32 to index
        %swap3A_397 = arith.constant 544 : index
        %swap3A_398 = tpu.vector_load %arg17[%swap3A_396, %swap3A_397] {strides = array<i32>} : memref<32x1024xf32, #tpu.memory_space<vmem>>, vector<1x16xf32>,
        %swap3A_399 = vector.shape_cast %swap3A_398 : vector<1x16xf32> to vector<16xf32>
        %swap3A_400 = vector.shape_cast %broadcast_in_dim3A_3 : vector<16xf32> to vector<1x16xf32>
        tpu.vector_store %arg17[%swap3A_396, %swap3A_397], %swap3A_400 {strides = array<i32>} : memref<32x1024xf32, #tpu.memory_space<vmem>>, vector<1x16xf32>,
        %swap3A_401 = arith.index_cast %scan3A_225 : i32 to index
        %swap3A_402 = arith.constant 560 : index
        %swap3A_403 = tpu.vector_load %arg17[%swap3A_401, %swap3A_402] {strides = array<i32>} : memref<32x1024xf32, #tpu.memory_space<vmem>>, vector<1x16xf32>,
        %swap3A_404 = vector.shape_cast %swap3A_403 : vector<1x16xf32> to vector<16xf32>
        %swap3A_405 = vector.shape_cast %broadcast_in_dim3A_3 : vector<16xf32> to vector<1x16xf32>
        tpu.vector_store %arg17[%swap3A_401, %swap3A_402], %swap3A_405 {strides = array<i32>} : memref<32x1024xf32, #tpu.memory_space<vmem>>, vector<1x16xf32>,
        %swap3A_406 = arith.index_cast %scan3A_225 : i32 to index
        %swap3A_407 = arith.constant 576 : index
        %swap3A_408 = tpu.vector_load %arg17[%swap3A_406, %swap3A_407] {strides = array<i32>} : memref<32x1024xf32, #tpu.memory_space<vmem>>, vector<1x16xf32>,
        %swap3A_409 = vector.shape_cast %swap3A_408 : vector<1x16xf32> to vector<16xf32>
        %swap3A_410 = vector.shape_cast %broadcast_in_dim3A_3 : vector<16xf32> to vector<1x16xf32>
        tpu.vector_store %arg17[%swap3A_406, %swap3A_407], %swap3A_410 {strides = array<i32>} : memref<32x1024xf32, #tpu.memory_space<vmem>>, vector<1x16xf32>,
        %swap3A_411 = arith.index_cast %scan3A_225 : i32 to index
        %swap3A_412 = arith.constant 592 : index
        %swap3A_413 = tpu.vector_load %arg17[%swap3A_411, %swap3A_412] {strides = array<i32>} : memref<32x1024xf32, #tpu.memory_space<vmem>>, vector<1x16xf32>,
        %swap3A_414 = vector.shape_cast %swap3A_413 : vector<1x16xf32> to vector<16xf32>
        %swap3A_415 = vector.shape_cast %broadcast_in_dim3A_3 : vector<16xf32> to vector<1x16xf32>
        tpu.vector_store %arg17[%swap3A_411, %swap3A_412], %swap3A_415 {strides = array<i32>} : memref<32x1024xf32, #tpu.memory_space<vmem>>, vector<1x16xf32>,
        %swap3A_416 = arith.index_cast %scan3A_225 : i32 to index
        %swap3A_417 = arith.constant 608 : index
        %swap3A_418 = tpu.vector_load %arg17[%swap3A_416, %swap3A_417] {strides = array<i32>} : memref<32x1024xf32, #tpu.memory_space<vmem>>, vector<1x16xf32>,
        %swap3A_419 = vector.shape_cast %swap3A_418 : vector<1x16xf32> to vector<16xf32>
        %swap3A_420 = vector.shape_cast %broadcast_in_dim3A_3 : vector<16xf32> to vector<1x16xf32>
        tpu.vector_store %arg17[%swap3A_416, %swap3A_417], %swap3A_420 {strides = array<i32>} : memref<32x1024xf32, #tpu.memory_space<vmem>>, vector<1x16xf32>,
        %swap3A_421 = arith.index_cast %scan3A_225 : i32 to index
        %swap3A_422 = arith.constant 624 : index
        %swap3A_423 = tpu.vector_load %arg17[%swap3A_421, %swap3A_422] {strides = array<i32>} : memref<32x1024xf32, #tpu.memory_space<vmem>>, vector<1x16xf32>,
        %swap3A_424 = vector.shape_cast %swap3A_423 : vector<1x16xf32> to vector<16xf32>
        %swap3A_425 = vector.shape_cast %broadcast_in_dim3A_3 : vector<16xf32> to vector<1x16xf32>
        tpu.vector_store %arg17[%swap3A_421, %swap3A_422], %swap3A_425 {strides = array<i32>} : memref<32x1024xf32, #tpu.memory_space<vmem>>, vector<1x16xf32>,
        %swap3A_426 = arith.index_cast %scan3A_225 : i32 to index
        %swap3A_427 = arith.constant 640 : index
        %swap3A_428 = tpu.vector_load %arg17[%swap3A_426, %swap3A_427] {strides = array<i32>} : memref<32x1024xf32, #tpu.memory_space<vmem>>, vector<1x16xf32>,
        %swap3A_429 = vector.shape_cast %swap3A_428 : vector<1x16xf32> to vector<16xf32>
        %swap3A_430 = vector.shape_cast %broadcast_in_dim3A_3 : vector<16xf32> to vector<1x16xf32>
        tpu.vector_store %arg17[%swap3A_426, %swap3A_427], %swap3A_430 {strides = array<i32>} : memref<32x1024xf32, #tpu.memory_space<vmem>>, vector<1x16xf32>,
        %swap3A_431 = arith.index_cast %scan3A_225 : i32 to index
        %swap3A_432 = arith.constant 656 : index
        %swap3A_433 = tpu.vector_load %arg17[%swap3A_431, %swap3A_432] {strides = array<i32>} : memref<32x1024xf32, #tpu.memory_space<vmem>>, vector<1x16xf32>,
        %swap3A_434 = vector.shape_cast %swap3A_433 : vector<1x16xf32> to vector<16xf32>
        %swap3A_435 = vector.shape_cast %broadcast_in_dim3A_3 : vector<16xf32> to vector<1x16xf32>
        tpu.vector_store %arg17[%swap3A_431, %swap3A_432], %swap3A_435 {strides = array<i32>} : memref<32x1024xf32, #tpu.memory_space<vmem>>, vector<1x16xf32>,
        %swap3A_436 = arith.index_cast %scan3A_225 : i32 to index
        %swap3A_437 = arith.constant 672 : index
        %swap3A_438 = tpu.vector_load %arg17[%swap3A_436, %swap3A_437] {strides = array<i32>} : memref<32x1024xf32, #tpu.memory_space<vmem>>, vector<1x16xf32>,
        %swap3A_439 = vector.shape_cast %swap3A_438 : vector<1x16xf32> to vector<16xf32>
        %swap3A_440 = vector.shape_cast %broadcast_in_dim3A_3 : vector<16xf32> to vector<1x16xf32>
        tpu.vector_store %arg17[%swap3A_436, %swap3A_437], %swap3A_440 {strides = array<i32>} : memref<32x1024xf32, #tpu.memory_space<vmem>>, vector<1x16xf32>,
        %swap3A_441 = arith.index_cast %scan3A_225 : i32 to index
        %swap3A_442 = arith.constant 688 : index
        %swap3A_443 = tpu.vector_load %arg17[%swap3A_441, %swap3A_442] {strides = array<i32>} : memref<32x1024xf32, #tpu.memory_space<vmem>>, vector<1x16xf32>,
        %swap3A_444 = vector.shape_cast %swap3A_443 : vector<1x16xf32> to vector<16xf32>
        %swap3A_445 = vector.shape_cast %broadcast_in_dim3A_3 : vector<16xf32> to vector<1x16xf32>
        tpu.vector_store %arg17[%swap3A_441, %swap3A_442], %swap3A_445 {strides = array<i32>} : memref<32x1024xf32, #tpu.memory_space<vmem>>, vector<1x16xf32>,
        %swap3A_446 = arith.index_cast %scan3A_225 : i32 to index
        %swap3A_447 = arith.constant 704 : index
        %swap3A_448 = tpu.vector_load %arg17[%swap3A_446, %swap3A_447] {strides = array<i32>} : memref<32x1024xf32, #tpu.memory_space<vmem>>, vector<1x16xf32>,
        %swap3A_449 = vector.shape_cast %swap3A_448 : vector<1x16xf32> to vector<16xf32>
        %swap3A_450 = vector.shape_cast %broadcast_in_dim3A_3 : vector<16xf32> to vector<1x16xf32>
        tpu.vector_store %arg17[%swap3A_446, %swap3A_447], %swap3A_450 {strides = array<i32>} : memref<32x1024xf32, #tpu.memory_space<vmem>>, vector<1x16xf32>,
        %swap3A_451 = arith.index_cast %scan3A_225 : i32 to index
        %swap3A_452 = arith.constant 720 : index
        %swap3A_453 = tpu.vector_load %arg17[%swap3A_451, %swap3A_452] {strides = array<i32>} : memref<32x1024xf32, #tpu.memory_space<vmem>>, vector<1x16xf32>,
        %swap3A_454 = vector.shape_cast %swap3A_453 : vector<1x16xf32> to vector<16xf32>
        %swap3A_455 = vector.shape_cast %broadcast_in_dim3A_3 : vector<16xf32> to vector<1x16xf32>
        tpu.vector_store %arg17[%swap3A_451, %swap3A_452], %swap3A_455 {strides = array<i32>} : memref<32x1024xf32, #tpu.memory_space<vmem>>, vector<1x16xf32>,
        %swap3A_456 = arith.index_cast %scan3A_225 : i32 to index
        %swap3A_457 = arith.constant 736 : index
        %swap3A_458 = tpu.vector_load %arg17[%swap3A_456, %swap3A_457] {strides = array<i32>} : memref<32x1024xf32, #tpu.memory_space<vmem>>, vector<1x16xf32>,
        %swap3A_459 = vector.shape_cast %swap3A_458 : vector<1x16xf32> to vector<16xf32>
        %swap3A_460 = vector.shape_cast %broadcast_in_dim3A_3 : vector<16xf32> to vector<1x16xf32>
        tpu.vector_store %arg17[%swap3A_456, %swap3A_457], %swap3A_460 {strides = array<i32>} : memref<32x1024xf32, #tpu.memory_space<vmem>>, vector<1x16xf32>,
        %swap3A_461 = arith.index_cast %scan3A_225 : i32 to index
        %swap3A_462 = arith.constant 752 : index
        %swap3A_463 = tpu.vector_load %arg17[%swap3A_461, %swap3A_462] {strides = array<i32>} : memref<32x1024xf32, #tpu.memory_space<vmem>>, vector<1x16xf32>,
        %swap3A_464 = vector.shape_cast %swap3A_463 : vector<1x16xf32> to vector<16xf32>
        %swap3A_465 = vector.shape_cast %broadcast_in_dim3A_3 : vector<16xf32> to vector<1x16xf32>
        tpu.vector_store %arg17[%swap3A_461, %swap3A_462], %swap3A_465 {strides = array<i32>} : memref<32x1024xf32, #tpu.memory_space<vmem>>, vector<1x16xf32>,
        %swap3A_466 = arith.index_cast %scan3A_225 : i32 to index
        %swap3A_467 = arith.constant 768 : index
        %swap3A_468 = tpu.vector_load %arg17[%swap3A_466, %swap3A_467] {strides = array<i32>} : memref<32x1024xf32, #tpu.memory_space<vmem>>, vector<1x16xf32>,
        %swap3A_469 = vector.shape_cast %swap3A_468 : vector<1x16xf32> to vector<16xf32>
        %swap3A_470 = vector.shape_cast %broadcast_in_dim3A_3 : vector<16xf32> to vector<1x16xf32>
        tpu.vector_store %arg17[%swap3A_466, %swap3A_467], %swap3A_470 {strides = array<i32>} : memref<32x1024xf32, #tpu.memory_space<vmem>>, vector<1x16xf32>,
        %swap3A_471 = arith.index_cast %scan3A_225 : i32 to index
        %swap3A_472 = arith.constant 784 : index
        %swap3A_473 = tpu.vector_load %arg17[%swap3A_471, %swap3A_472] {strides = array<i32>} : memref<32x1024xf32, #tpu.memory_space<vmem>>, vector<1x16xf32>,
        %swap3A_474 = vector.shape_cast %swap3A_473 : vector<1x16xf32> to vector<16xf32>
        %swap3A_475 = vector.shape_cast %broadcast_in_dim3A_3 : vector<16xf32> to vector<1x16xf32>
        tpu.vector_store %arg17[%swap3A_471, %swap3A_472], %swap3A_475 {strides = array<i32>} : memref<32x1024xf32, #tpu.memory_space<vmem>>, vector<1x16xf32>,
        %swap3A_476 = arith.index_cast %scan3A_225 : i32 to index
        %swap3A_477 = arith.constant 800 : index
        %swap3A_478 = tpu.vector_load %arg17[%swap3A_476, %swap3A_477] {strides = array<i32>} : memref<32x1024xf32, #tpu.memory_space<vmem>>, vector<1x16xf32>,
        %swap3A_479 = vector.shape_cast %swap3A_478 : vector<1x16xf32> to vector<16xf32>
        %swap3A_480 = vector.shape_cast %broadcast_in_dim3A_3 : vector<16xf32> to vector<1x16xf32>
        tpu.vector_store %arg17[%swap3A_476, %swap3A_477], %swap3A_480 {strides = array<i32>} : memref<32x1024xf32, #tpu.memory_space<vmem>>, vector<1x16xf32>,
        %swap3A_481 = arith.index_cast %scan3A_225 : i32 to index
        %swap3A_482 = arith.constant 816 : index
        %swap3A_483 = tpu.vector_load %arg17[%swap3A_481, %swap3A_482] {strides = array<i32>} : memref<32x1024xf32, #tpu.memory_space<vmem>>, vector<1x16xf32>,
        %swap3A_484 = vector.shape_cast %swap3A_483 : vector<1x16xf32> to vector<16xf32>
        %swap3A_485 = vector.shape_cast %broadcast_in_dim3A_3 : vector<16xf32> to vector<1x16xf32>
        tpu.vector_store %arg17[%swap3A_481, %swap3A_482], %swap3A_485 {strides = array<i32>} : memref<32x1024xf32, #tpu.memory_space<vmem>>, vector<1x16xf32>,
        %swap3A_486 = arith.index_cast %scan3A_225 : i32 to index
        %swap3A_487 = arith.constant 832 : index
        %swap3A_488 = tpu.vector_load %arg17[%swap3A_486, %swap3A_487] {strides = array<i32>} : memref<32x1024xf32, #tpu.memory_space<vmem>>, vector<1x16xf32>,
        %swap3A_489 = vector.shape_cast %swap3A_488 : vector<1x16xf32> to vector<16xf32>
        %swap3A_490 = vector.shape_cast %broadcast_in_dim3A_3 : vector<16xf32> to vector<1x16xf32>
        tpu.vector_store %arg17[%swap3A_486, %swap3A_487], %swap3A_490 {strides = array<i32>} : memref<32x1024xf32, #tpu.memory_space<vmem>>, vector<1x16xf32>,
        %swap3A_491 = arith.index_cast %scan3A_225 : i32 to index
        %swap3A_492 = arith.constant 848 : index
        %swap3A_493 = tpu.vector_load %arg17[%swap3A_491, %swap3A_492] {strides = array<i32>} : memref<32x1024xf32, #tpu.memory_space<vmem>>, vector<1x16xf32>,
        %swap3A_494 = vector.shape_cast %swap3A_493 : vector<1x16xf32> to vector<16xf32>
        %swap3A_495 = vector.shape_cast %broadcast_in_dim3A_3 : vector<16xf32> to vector<1x16xf32>
        tpu.vector_store %arg17[%swap3A_491, %swap3A_492], %swap3A_495 {strides = array<i32>} : memref<32x1024xf32, #tpu.memory_space<vmem>>, vector<1x16xf32>,
        %swap3A_496 = arith.index_cast %scan3A_225 : i32 to index
        %swap3A_497 = arith.constant 864 : index
        %swap3A_498 = tpu.vector_load %arg17[%swap3A_496, %swap3A_497] {strides = array<i32>} : memref<32x1024xf32, #tpu.memory_space<vmem>>, vector<1x16xf32>,
        %swap3A_499 = vector.shape_cast %swap3A_498 : vector<1x16xf32> to vector<16xf32>
        %swap3A_500 = vector.shape_cast %broadcast_in_dim3A_3 : vector<16xf32> to vector<1x16xf32>
        tpu.vector_store %arg17[%swap3A_496, %swap3A_497], %swap3A_500 {strides = array<i32>} : memref<32x1024xf32, #tpu.memory_space<vmem>>, vector<1x16xf32>,
        %swap3A_501 = arith.index_cast %scan3A_225 : i32 to index
        %swap3A_502 = arith.constant 880 : index
        %swap3A_503 = tpu.vector_load %arg17[%swap3A_501, %swap3A_502] {strides = array<i32>} : memref<32x1024xf32, #tpu.memory_space<vmem>>, vector<1x16xf32>,
        %swap3A_504 = vector.shape_cast %swap3A_503 : vector<1x16xf32> to vector<16xf32>
        %swap3A_505 = vector.shape_cast %broadcast_in_dim3A_3 : vector<16xf32> to vector<1x16xf32>
        tpu.vector_store %arg17[%swap3A_501, %swap3A_502], %swap3A_505 {strides = array<i32>} : memref<32x1024xf32, #tpu.memory_space<vmem>>, vector<1x16xf32>,
        %swap3A_506 = arith.index_cast %scan3A_225 : i32 to index
        %swap3A_507 = arith.constant 896 : index
        %swap3A_508 = tpu.vector_load %arg17[%swap3A_506, %swap3A_507] {strides = array<i32>} : memref<32x1024xf32, #tpu.memory_space<vmem>>, vector<1x16xf32>,
        %swap3A_509 = vector.shape_cast %swap3A_508 : vector<1x16xf32> to vector<16xf32>
        %swap3A_510 = vector.shape_cast %broadcast_in_dim3A_3 : vector<16xf32> to vector<1x16xf32>
        tpu.vector_store %arg17[%swap3A_506, %swap3A_507], %swap3A_510 {strides = array<i32>} : memref<32x1024xf32, #tpu.memory_space<vmem>>, vector<1x16xf32>,
        %swap3A_511 = arith.index_cast %scan3A_225 : i32 to index
        %swap3A_512 = arith.constant 912 : index
        %swap3A_513 = tpu.vector_load %arg17[%swap3A_511, %swap3A_512] {strides = array<i32>} : memref<32x1024xf32, #tpu.memory_space<vmem>>, vector<1x16xf32>,
        %swap3A_514 = vector.shape_cast %swap3A_513 : vector<1x16xf32> to vector<16xf32>
        %swap3A_515 = vector.shape_cast %broadcast_in_dim3A_3 : vector<16xf32> to vector<1x16xf32>
        tpu.vector_store %arg17[%swap3A_511, %swap3A_512], %swap3A_515 {strides = array<i32>} : memref<32x1024xf32, #tpu.memory_space<vmem>>, vector<1x16xf32>,
        %swap3A_516 = arith.index_cast %scan3A_225 : i32 to index
        %swap3A_517 = arith.constant 928 : index
        %swap3A_518 = tpu.vector_load %arg17[%swap3A_516, %swap3A_517] {strides = array<i32>} : memref<32x1024xf32, #tpu.memory_space<vmem>>, vector<1x16xf32>,
        %swap3A_519 = vector.shape_cast %swap3A_518 : vector<1x16xf32> to vector<16xf32>
        %swap3A_520 = vector.shape_cast %broadcast_in_dim3A_3 : vector<16xf32> to vector<1x16xf32>
        tpu.vector_store %arg17[%swap3A_516, %swap3A_517], %swap3A_520 {strides = array<i32>} : memref<32x1024xf32, #tpu.memory_space<vmem>>, vector<1x16xf32>,
        %swap3A_521 = arith.index_cast %scan3A_225 : i32 to index
        %swap3A_522 = arith.constant 944 : index
        %swap3A_523 = tpu.vector_load %arg17[%swap3A_521, %swap3A_522] {strides = array<i32>} : memref<32x1024xf32, #tpu.memory_space<vmem>>, vector<1x16xf32>,
        %swap3A_524 = vector.shape_cast %swap3A_523 : vector<1x16xf32> to vector<16xf32>
        %swap3A_525 = vector.shape_cast %broadcast_in_dim3A_3 : vector<16xf32> to vector<1x16xf32>
        tpu.vector_store %arg17[%swap3A_521, %swap3A_522], %swap3A_525 {strides = array<i32>} : memref<32x1024xf32, #tpu.memory_space<vmem>>, vector<1x16xf32>,
        %swap3A_526 = arith.index_cast %scan3A_225 : i32 to index
        %swap3A_527 = arith.constant 960 : index
        %swap3A_528 = tpu.vector_load %arg17[%swap3A_526, %swap3A_527] {strides = array<i32>} : memref<32x1024xf32, #tpu.memory_space<vmem>>, vector<1x16xf32>,
        %swap3A_529 = vector.shape_cast %swap3A_528 : vector<1x16xf32> to vector<16xf32>
        %swap3A_530 = vector.shape_cast %broadcast_in_dim3A_3 : vector<16xf32> to vector<1x16xf32>
        tpu.vector_store %arg17[%swap3A_526, %swap3A_527], %swap3A_530 {strides = array<i32>} : memref<32x1024xf32, #tpu.memory_space<vmem>>, vector<1x16xf32>,
        %swap3A_531 = arith.index_cast %scan3A_225 : i32 to index
        %swap3A_532 = arith.constant 976 : index
        %swap3A_533 = tpu.vector_load %arg17[%swap3A_531, %swap3A_532] {strides = array<i32>} : memref<32x1024xf32, #tpu.memory_space<vmem>>, vector<1x16xf32>,
        %swap3A_534 = vector.shape_cast %swap3A_533 : vector<1x16xf32> to vector<16xf32>
        %swap3A_535 = vector.shape_cast %broadcast_in_dim3A_3 : vector<16xf32> to vector<1x16xf32>
        tpu.vector_store %arg17[%swap3A_531, %swap3A_532], %swap3A_535 {strides = array<i32>} : memref<32x1024xf32, #tpu.memory_space<vmem>>, vector<1x16xf32>,
        %swap3A_536 = arith.index_cast %scan3A_225 : i32 to index
        %swap3A_537 = arith.constant 992 : index
        %swap3A_538 = tpu.vector_load %arg17[%swap3A_536, %swap3A_537] {strides = array<i32>} : memref<32x1024xf32, #tpu.memory_space<vmem>>, vector<1x16xf32>,
        %swap3A_539 = vector.shape_cast %swap3A_538 : vector<1x16xf32> to vector<16xf32>
        %swap3A_540 = vector.shape_cast %broadcast_in_dim3A_3 : vector<16xf32> to vector<1x16xf32>
        tpu.vector_store %arg17[%swap3A_536, %swap3A_537], %swap3A_540 {strides = array<i32>} : memref<32x1024xf32, #tpu.memory_space<vmem>>, vector<1x16xf32>,
        %swap3A_541 = arith.index_cast %scan3A_225 : i32 to index
        %swap3A_542 = arith.constant 1008 : index
        %swap3A_543 = tpu.vector_load %arg17[%swap3A_541, %swap3A_542] {strides = array<i32>} : memref<32x1024xf32, #tpu.memory_space<vmem>>, vector<1x16xf32>,
        %swap3A_544 = vector.shape_cast %swap3A_543 : vector<1x16xf32> to vector<16xf32>
        %swap3A_545 = vector.shape_cast %broadcast_in_dim3A_3 : vector<16xf32> to vector<1x16xf32>
        tpu.vector_store %arg17[%swap3A_541, %swap3A_542], %swap3A_545 {strides = array<i32>} : memref<32x1024xf32, #tpu.memory_space<vmem>>, vector<1x16xf32>,
        %swap3A_546 = arith.index_cast %scan3A_225 : i32 to index
        %swap3A_547 = arith.constant 0 : index
        %swap3A_548 = tpu.vector_load %arg18[%swap3A_546, %swap3A_547] {strides = array<i32>} : memref<32x128xf32, #tpu.memory_space<vmem>>, vector<1x16xf32>,
        %swap3A_549 = vector.shape_cast %swap3A_548 : vector<1x16xf32> to vector<16xf32>
        %swap3A_550 = vector.shape_cast %broadcast_in_dim3A_3 : vector<16xf32> to vector<1x16xf32>
        tpu.vector_store %arg18[%swap3A_546, %swap3A_547], %swap3A_550 {strides = array<i32>} : memref<32x128xf32, #tpu.memory_space<vmem>>, vector<1x16xf32>,
        %swap3A_551 = arith.index_cast %scan3A_225 : i32 to index
        %swap3A_552 = arith.constant 16 : index
        %swap3A_553 = tpu.vector_load %arg18[%swap3A_551, %swap3A_552] {strides = array<i32>} : memref<32x128xf32, #tpu.memory_space<vmem>>, vector<1x16xf32>,
        %swap3A_554 = vector.shape_cast %swap3A_553 : vector<1x16xf32> to vector<16xf32>
        %swap3A_555 = vector.shape_cast %broadcast_in_dim3A_3 : vector<16xf32> to vector<1x16xf32>
        tpu.vector_store %arg18[%swap3A_551, %swap3A_552], %swap3A_555 {strides = array<i32>} : memref<32x128xf32, #tpu.memory_space<vmem>>, vector<1x16xf32>,
        %swap3A_556 = arith.index_cast %scan3A_225 : i32 to index
        %swap3A_557 = arith.constant 32 : index
        %swap3A_558 = tpu.vector_load %arg18[%swap3A_556, %swap3A_557] {strides = array<i32>} : memref<32x128xf32, #tpu.memory_space<vmem>>, vector<1x16xf32>,
        %swap3A_559 = vector.shape_cast %swap3A_558 : vector<1x16xf32> to vector<16xf32>
        %swap3A_560 = vector.shape_cast %broadcast_in_dim3A_3 : vector<16xf32> to vector<1x16xf32>
        tpu.vector_store %arg18[%swap3A_556, %swap3A_557], %swap3A_560 {strides = array<i32>} : memref<32x128xf32, #tpu.memory_space<vmem>>, vector<1x16xf32>,
        %swap3A_561 = arith.index_cast %scan3A_225 : i32 to index
        %swap3A_562 = arith.constant 48 : index
        %swap3A_563 = tpu.vector_load %arg18[%swap3A_561, %swap3A_562] {strides = array<i32>} : memref<32x128xf32, #tpu.memory_space<vmem>>, vector<1x16xf32>,
        %swap3A_564 = vector.shape_cast %swap3A_563 : vector<1x16xf32> to vector<16xf32>
        %swap3A_565 = vector.shape_cast %broadcast_in_dim3A_3 : vector<16xf32> to vector<1x16xf32>
        tpu.vector_store %arg18[%swap3A_561, %swap3A_562], %swap3A_565 {strides = array<i32>} : memref<32x128xf32, #tpu.memory_space<vmem>>, vector<1x16xf32>,
        %swap3A_566 = arith.index_cast %scan3A_225 : i32 to index
        %swap3A_567 = arith.constant 64 : index
        %swap3A_568 = tpu.vector_load %arg18[%swap3A_566, %swap3A_567] {strides = array<i32>} : memref<32x128xf32, #tpu.memory_space<vmem>>, vector<1x16xf32>,
        %swap3A_569 = vector.shape_cast %swap3A_568 : vector<1x16xf32> to vector<16xf32>
        %swap3A_570 = vector.shape_cast %broadcast_in_dim3A_3 : vector<16xf32> to vector<1x16xf32>
        tpu.vector_store %arg18[%swap3A_566, %swap3A_567], %swap3A_570 {strides = array<i32>} : memref<32x128xf32, #tpu.memory_space<vmem>>, vector<1x16xf32>,
        %swap3A_571 = arith.index_cast %scan3A_225 : i32 to index
        %swap3A_572 = arith.constant 80 : index
        %swap3A_573 = tpu.vector_load %arg18[%swap3A_571, %swap3A_572] {strides = array<i32>} : memref<32x128xf32, #tpu.memory_space<vmem>>, vector<1x16xf32>,
        %swap3A_574 = vector.shape_cast %swap3A_573 : vector<1x16xf32> to vector<16xf32>
        %swap3A_575 = vector.shape_cast %broadcast_in_dim3A_3 : vector<16xf32> to vector<1x16xf32>
        tpu.vector_store %arg18[%swap3A_571, %swap3A_572], %swap3A_575 {strides = array<i32>} : memref<32x128xf32, #tpu.memory_space<vmem>>, vector<1x16xf32>,
        %swap3A_576 = arith.index_cast %scan3A_225 : i32 to index
        %swap3A_577 = arith.constant 96 : index
        %swap3A_578 = tpu.vector_load %arg18[%swap3A_576, %swap3A_577] {strides = array<i32>} : memref<32x128xf32, #tpu.memory_space<vmem>>, vector<1x16xf32>,
        %swap3A_579 = vector.shape_cast %swap3A_578 : vector<1x16xf32> to vector<16xf32>
        %swap3A_580 = vector.shape_cast %broadcast_in_dim3A_3 : vector<16xf32> to vector<1x16xf32>
        tpu.vector_store %arg18[%swap3A_576, %swap3A_577], %swap3A_580 {strides = array<i32>} : memref<32x128xf32, #tpu.memory_space<vmem>>, vector<1x16xf32>,
        %swap3A_581 = arith.index_cast %scan3A_225 : i32 to index
        %swap3A_582 = arith.constant 112 : index
        %swap3A_583 = tpu.vector_load %arg18[%swap3A_581, %swap3A_582] {strides = array<i32>} : memref<32x128xf32, #tpu.memory_space<vmem>>, vector<1x16xf32>,
        %swap3A_584 = vector.shape_cast %swap3A_583 : vector<1x16xf32> to vector<16xf32>
        %swap3A_585 = vector.shape_cast %broadcast_in_dim3A_3 : vector<16xf32> to vector<1x16xf32>
        tpu.vector_store %arg18[%swap3A_581, %swap3A_582], %swap3A_585 {strides = array<i32>} : memref<32x128xf32, #tpu.memory_space<vmem>>, vector<1x16xf32>,
        %scan3A_586 = arith.constant 0 : i32
        scf.yield %scan3A_586 : i32
      }
      %scan3A_131 = arith.constant 32 : i32
      %dma_wait3A = arith.constant 0 : i32
      %dma_wait3A_132 = tpu.memref_slice %arg3[%multiple_of3A, %dma_wait3A] : memref<10240x1024xf32, #tpu.memory_space<hbm>> -> memref<32x1024xf32, #tpu.memory_space<hbm>>
      %dma_wait3A_133 = arith.constant 0 : i32
      %dma_wait3A_134 = tpu.memref_slice %arg3[%multiple_of3A, %dma_wait3A_133] : memref<10240x1024xf32, #tpu.memory_space<hbm>> -> memref<32x1024xf32, #tpu.memory_space<hbm>>
      tpu.wait_dma2 semaphore(%arg23 : memref<!tpu.dma_semaphore, #tpu.memory_space<semaphore_mem>>) src(%dma_wait3A_134 : memref<32x1024xf32, #tpu.memory_space<hbm>>) dst(%arg16 : memref<32x1024xf32, #tpu.memory_space<vmem>>)
      %add3A_135 = arith.constant 0 : i32
      %add3A_136 = arith.addi %convert_element_type3A_47, %add3A_135 : i32
      %add3A_137 = arith.constant 16 : i32
      %add3A_138 = arith.addi %add3A_136, %add3A_137 : i32
      %add3A_139 = arith.constant -1073741824 : i32
      %add3A_140 = arith.constant 2048 : i32
      %add3A_141 = arith.addi %add3A_139, %add3A_140 : i32
      %gt3A = arith.cmpi sgt, %add3A_138, %add3A_141 : i32
      %gt3A_142 = arith.constant 0 : i32
      %gt3A_143 = arith.cmpi sgt, %select_n3A_121, %gt3A_142 : i32
      %and3A_144 = arith.andi %gt3A, %gt3A_143 : i1
      %jit3A_145 = arith.constant 8 : i32
      %div3A_146 = arith.divsi %add3A_136, %jit3A_145 : i32
      %sign3A_147 = arith.constant 0 : i32
      %sign3A_148 = arith.cmpi sgt, %add3A_136, %sign3A_147 : i32
      %sign3A_149 = arith.extui %sign3A_148 : i1 to i32
      %sign3A_150 = arith.constant 0 : i32
      %sign3A_151 = arith.cmpi slt, %add3A_136, %sign3A_150 : i32
      %sign3A_152 = arith.extui %sign3A_151 : i1 to i32
      %sign3A_153 = arith.subi %sign3A_149, %sign3A_152 : i32
      %sign3A_154 = arith.constant 0 : i32
      %sign3A_155 = arith.cmpi sgt, %jit3A_145, %sign3A_154 : i32
      %sign3A_156 = arith.extui %sign3A_155 : i1 to i32
      %sign3A_157 = arith.constant 0 : i32
      %sign3A_158 = arith.cmpi slt, %jit3A_145, %sign3A_157 : i32
      %sign3A_159 = arith.extui %sign3A_158 : i1 to i32
      %sign3A_160 = arith.subi %sign3A_156, %sign3A_159 : i32
      %ne3A_161 = arith.cmpi ne, %sign3A_153, %sign3A_160 : i32
      %rem3A_162 = arith.remsi %add3A_136, %jit3A_145 : i32
      %ne3A_163 = arith.constant 0 : i32
      %ne3A_164 = arith.cmpi ne, %rem3A_162, %ne3A_163 : i32
      %and3A_165 = arith.andi %ne3A_161, %ne3A_164 : i1
      %sub3A_166 = arith.constant 1 : i32
      %sub3A_167 = arith.subi %div3A_146, %sub3A_166 : i32
      %select_n3A_168 = arith.select %and3A_165, %sub3A_167, %div3A_146 : i32
      %mul3A_169 = arith.constant 8 : i32
      %mul3A_170 = arith.muli %select_n3A_168, %mul3A_169 : i32
      %jit3A_171 = arith.constant -1073741824 : i32
      %select_n3A_172 = arith.select %and3A_144, %mul3A_170, %jit3A_171 : i32
      %convert_element_type3A_173 = arith.extui %and3A_144 : i1 to i32
      %cond3A = arith.constant 0 : i32
      %cond3A_174 = arith.cmpi ne, %convert_element_type3A_173, %cond3A : i32
      scf.if %cond3A_174 {
        %multiple_of3A_225 = tpu.assume_multiple %select_n3A_172, 8 : i32
        "tpu.region"() ({
          %run_scoped3A = tpu.sem_alloc : memref<!tpu.dma_semaphore, #tpu.memory_space<semaphore_mem>>
          %dma_start3A_226 = tpu.memref_slice %arg5[%multiple_of3A_225] : memref<327680xi32, #tpu.memory_space<hbm>> -> memref<2048xi32, #tpu.memory_space<hbm>>
          %dma_start3A_227 = tpu.memref_slice %arg5[%multiple_of3A_225] : memref<327680xi32, #tpu.memory_space<hbm>> -> memref<2048xi32, #tpu.memory_space<hbm>>
          tpu.enqueue_dma source(%dma_start3A_227 : memref<2048xi32, #tpu.memory_space<hbm>>) target(%arg10 : memref<2048xi32, #tpu.memory_space<vmem>>) target_semaphore(%run_scoped3A : memref<!tpu.dma_semaphore, #tpu.memory_space<semaphore_mem>>)
          %dma_wait3A_228 = tpu.memref_slice %arg5[%multiple_of3A_225] : memref<327680xi32, #tpu.memory_space<hbm>> -> memref<2048xi32, #tpu.memory_space<hbm>>
          %dma_wait3A_229 = tpu.memref_slice %arg5[%multiple_of3A_225] : memref<327680xi32, #tpu.memory_space<hbm>> -> memref<2048xi32, #tpu.memory_space<hbm>>
          tpu.wait_dma2 semaphore(%run_scoped3A : memref<!tpu.dma_semaphore, #tpu.memory_space<semaphore_mem>>) src(%dma_wait3A_229 : memref<2048xi32, #tpu.memory_space<hbm>>) dst(%arg10 : memref<2048xi32, #tpu.memory_space<vmem>>)
          tpu.yield
        }) : () -> ()
        "tpu.region"() ({
          %run_scoped3A = tpu.sem_alloc : memref<!tpu.dma_semaphore, #tpu.memory_space<semaphore_mem>>
          %dma_start3A_226 = tpu.memref_slice %arg6[%multiple_of3A_225] : memref<327680xi32, #tpu.memory_space<hbm>> -> memref<2048xi32, #tpu.memory_space<hbm>>
          %dma_start3A_227 = tpu.memref_slice %arg6[%multiple_of3A_225] : memref<327680xi32, #tpu.memory_space<hbm>> -> memref<2048xi32, #tpu.memory_space<hbm>>
          tpu.enqueue_dma source(%dma_start3A_227 : memref<2048xi32, #tpu.memory_space<hbm>>) target(%arg11 : memref<2048xi32, #tpu.memory_space<vmem>>) target_semaphore(%run_scoped3A : memref<!tpu.dma_semaphore, #tpu.memory_space<semaphore_mem>>)
          %dma_wait3A_228 = tpu.memref_slice %arg6[%multiple_of3A_225] : memref<327680xi32, #tpu.memory_space<hbm>> -> memref<2048xi32, #tpu.memory_space<hbm>>
          %dma_wait3A_229 = tpu.memref_slice %arg6[%multiple_of3A_225] : memref<327680xi32, #tpu.memory_space<hbm>> -> memref<2048xi32, #tpu.memory_space<hbm>>
          tpu.wait_dma2 semaphore(%run_scoped3A : memref<!tpu.dma_semaphore, #tpu.memory_space<semaphore_mem>>) src(%dma_wait3A_229 : memref<2048xi32, #tpu.memory_space<hbm>>) dst(%arg11 : memref<2048xi32, #tpu.memory_space<vmem>>)
          tpu.yield
        }) : () -> ()
      } else {
      }
      %sub3A_175 = arith.subi %add3A_136, %select_n3A_172 : i32
      %min3A = arith.constant 2032 : i32
      %min3A_176 = arith.minsi %sub3A_175, %min3A : i32
      %get3A_177 = arith.index_cast %min3A_176 : i32 to index
      %get3A_178 = tpu.vector_load %arg10[%get3A_177] {strides = array<i32>} : memref<2048xi32, #tpu.memory_space<vmem>>, vector<16xi32>,
      %get3A_179 = vector.shape_cast %get3A_178 : vector<16xi32> to vector<16xi32>
      %get3A_180 = arith.index_cast %min3A_176 : i32 to index
      %get3A_181 = tpu.vector_load %arg11[%get3A_180] {strides = array<i32>} : memref<2048xi32, #tpu.memory_space<vmem>>, vector<16xi32>,
      %get3A_182 = vector.shape_cast %get3A_181 : vector<16xi32> to vector<16xi32>
      %gt3A_183 = arith.constant 0 : i32
      %gt3A_184 = arith.cmpi sgt, %select_n3A_121, %gt3A_183 : i32
      %convert_element_type3A_185 = arith.extui %gt3A_184 : i1 to i32
      %cond3A_186 = arith.constant 0 : i32
      %cond3A_187 = arith.cmpi ne, %convert_element_type3A_185, %cond3A_186 : i32
      scf.if %cond3A_187 {
        %min3A_225 = arith.constant 9999 : i32
        %min3A_226 = vector.broadcast %min3A_225 : i32 to vector<16xi32>
        %min3A_227 = arith.minsi %get3A_179, %min3A_226 : vector<16xi32>
        %swap3A = arith.constant 0 : index
        %swap3A_228 = tpu.vector_load %arg19[%swap3A] {strides = array<i32>} : memref<16xi32, #tpu.memory_space<vmem>>, vector<16xi32>,
        %swap3A_229 = vector.shape_cast %swap3A_228 : vector<16xi32> to vector<16xi32>
        %swap3A_230 = vector.shape_cast %min3A_227 : vector<16xi32> to vector<16xi32>
        tpu.vector_store %arg19[%swap3A], %swap3A_230 {strides = array<i32>} : memref<16xi32, #tpu.memory_space<vmem>>, vector<16xi32>,
        %dma_start3A_231 = arith.constant 0 : i32
        %dma_start3A_232 = arith.constant 0 : i32
        %dma_start3A_233 = tpu.memref_slice %arg2[%dma_start3A_231, %dma_start3A_232] : memref<10240x1024xf32, #tpu.memory_space<hbm>> -> memref<10240x1024xf32, #tpu.memory_space<hbm>>
        tpu.enqueue_indirect_dma source(%dma_start3A_233 : memref<10240x1024xf32, #tpu.memory_space<hbm>>) target(%arg14 : memref<16x1024xf32, #tpu.memory_space<vmem>>) offsets(%arg19 : memref<16xi32, #tpu.memory_space<vmem>>) semaphore(%arg21 : memref<!tpu.dma_semaphore, #tpu.memory_space<semaphore_mem>>)
      } else {
      }
      %add3A_188 = arith.constant 1 : i32
      %add3A_189 = arith.addi %select_n3A_121, %add3A_188 : i32
      %jit3A_190 = arith.constant 2 : i32
      %div3A_191 = arith.divsi %add3A_189, %jit3A_190 : i32
      %sign3A_192 = arith.constant 0 : i32
      %sign3A_193 = arith.cmpi sgt, %add3A_189, %sign3A_192 : i32
      %sign3A_194 = arith.extui %sign3A_193 : i1 to i32
      %sign3A_195 = arith.constant 0 : i32
      %sign3A_196 = arith.cmpi slt, %add3A_189, %sign3A_195 : i32
      %sign3A_197 = arith.extui %sign3A_196 : i1 to i32
      %sign3A_198 = arith.subi %sign3A_194, %sign3A_197 : i32
      %sign3A_199 = arith.constant 0 : i32
      %sign3A_200 = arith.cmpi sgt, %jit3A_190, %sign3A_199 : i32
      %sign3A_201 = arith.extui %sign3A_200 : i1 to i32
      %sign3A_202 = arith.constant 0 : i32
      %sign3A_203 = arith.cmpi slt, %jit3A_190, %sign3A_202 : i32
      %sign3A_204 = arith.extui %sign3A_203 : i1 to i32
      %sign3A_205 = arith.subi %sign3A_201, %sign3A_204 : i32
      %ne3A_206 = arith.cmpi ne, %sign3A_198, %sign3A_205 : i32
      %rem3A_207 = arith.remsi %add3A_189, %jit3A_190 : i32
      %ne3A_208 = arith.constant 0 : i32
      %ne3A_209 = arith.cmpi ne, %rem3A_207, %ne3A_208 : i32
      %and3A_210 = arith.andi %ne3A_206, %ne3A_209 : i1
      %sub3A_211 = arith.constant 1 : i32
      %sub3A_212 = arith.subi %div3A_191, %sub3A_211 : i32
      %select_n3A_213 = arith.select %and3A_210, %sub3A_212, %div3A_191 : i32
      %while3A = arith.constant 0 : i32
      %while3A_214 = arith.subi %select_n3A_213, %while3A : i32
      %while3A_215 = arith.addi %while3A, %while3A_214 : i32
      %while3A_216 = arith.constant 1 : i32
      %while3A_217 = arith.divsi %while3A_214, %while3A_216 : i32
      %while3A_218 = arith.muli %while3A_217, %while3A_216 : i32
      %while3A_219 = arith.addi %while3A, %while3A_218 : i32
      %while3A_220 = arith.constant 1 : i32
      %while3A_221:2 = scf.for %while3A_225 = %while3A to %while3A_219 step %while3A_220 iter_args(%while3A_226 = %select_n3A_172, %while3A_227 = %get3A_182) -> (i32, vector<16xi32>)  : i32 {
        %mul3A_228 = arith.constant 2 : i32
        %mul3A_229 = arith.muli %mul3A_228, %while3A_225 : i32
        %add3A_230 = arith.constant 1 : i32
        %add3A_231 = arith.addi %mul3A_229, %add3A_230 : i32
        %mul3A_232 = arith.constant 16 : i32
        %mul3A_233 = arith.muli %add3A_231, %mul3A_232 : i32
        %add3A_234 = arith.addi %convert_element_type3A_47, %mul3A_233 : i32
        %add3A_235 = arith.constant 16 : i32
        %add3A_236 = arith.addi %add3A_234, %add3A_235 : i32
        %add3A_237 = arith.constant 2048 : i32
        %add3A_238 = arith.addi %while3A_226, %add3A_237 : i32
        %gt3A_239 = arith.cmpi sgt, %add3A_236, %add3A_238 : i32
        %lt3A = arith.cmpi slt, %add3A_231, %select_n3A_121 : i32
        %and3A_240 = arith.andi %gt3A_239, %lt3A : i1
        %jit3A_241 = arith.constant 8 : i32
        %div3A_242 = arith.divsi %add3A_234, %jit3A_241 : i32
        %sign3A_243 = arith.constant 0 : i32
        %sign3A_244 = arith.cmpi sgt, %add3A_234, %sign3A_243 : i32
        %sign3A_245 = arith.extui %sign3A_244 : i1 to i32
        %sign3A_246 = arith.constant 0 : i32
        %sign3A_247 = arith.cmpi slt, %add3A_234, %sign3A_246 : i32
        %sign3A_248 = arith.extui %sign3A_247 : i1 to i32
        %sign3A_249 = arith.subi %sign3A_245, %sign3A_248 : i32
        %sign3A_250 = arith.constant 0 : i32
        %sign3A_251 = arith.cmpi sgt, %jit3A_241, %sign3A_250 : i32
        %sign3A_252 = arith.extui %sign3A_251 : i1 to i32
        %sign3A_253 = arith.constant 0 : i32
        %sign3A_254 = arith.cmpi slt, %jit3A_241, %sign3A_253 : i32
        %sign3A_255 = arith.extui %sign3A_254 : i1 to i32
        %sign3A_256 = arith.subi %sign3A_252, %sign3A_255 : i32
        %ne3A_257 = arith.cmpi ne, %sign3A_249, %sign3A_256 : i32
        %rem3A_258 = arith.remsi %add3A_234, %jit3A_241 : i32
        %ne3A_259 = arith.constant 0 : i32
        %ne3A_260 = arith.cmpi ne, %rem3A_258, %ne3A_259 : i32
        %and3A_261 = arith.andi %ne3A_257, %ne3A_260 : i1
        %sub3A_262 = arith.constant 1 : i32
        %sub3A_263 = arith.subi %div3A_242, %sub3A_262 : i32
        %select_n3A_264 = arith.select %and3A_261, %sub3A_263, %div3A_242 : i32
        %mul3A_265 = arith.constant 8 : i32
        %mul3A_266 = arith.muli %select_n3A_264, %mul3A_265 : i32
        %select_n3A_267 = arith.select %and3A_240, %mul3A_266, %while3A_226 : i32
        %convert_element_type3A_268 = arith.extui %and3A_240 : i1 to i32
        %cond3A_269 = arith.constant 0 : i32
        %cond3A_270 = arith.cmpi ne, %convert_element_type3A_268, %cond3A_269 : i32
        scf.if %cond3A_270 {
          %multiple_of3A_347 = tpu.assume_multiple %select_n3A_267, 8 : i32
          "tpu.region"() ({
            %run_scoped3A = tpu.sem_alloc : memref<!tpu.dma_semaphore, #tpu.memory_space<semaphore_mem>>
            %dma_start3A_348 = tpu.memref_slice %arg5[%multiple_of3A_347] : memref<327680xi32, #tpu.memory_space<hbm>> -> memref<2048xi32, #tpu.memory_space<hbm>>
            %dma_start3A_349 = tpu.memref_slice %arg5[%multiple_of3A_347] : memref<327680xi32, #tpu.memory_space<hbm>> -> memref<2048xi32, #tpu.memory_space<hbm>>
            tpu.enqueue_dma source(%dma_start3A_349 : memref<2048xi32, #tpu.memory_space<hbm>>) target(%arg10 : memref<2048xi32, #tpu.memory_space<vmem>>) target_semaphore(%run_scoped3A : memref<!tpu.dma_semaphore, #tpu.memory_space<semaphore_mem>>)
            %dma_wait3A_350 = tpu.memref_slice %arg5[%multiple_of3A_347] : memref<327680xi32, #tpu.memory_space<hbm>> -> memref<2048xi32, #tpu.memory_space<hbm>>
            %dma_wait3A_351 = tpu.memref_slice %arg5[%multiple_of3A_347] : memref<327680xi32, #tpu.memory_space<hbm>> -> memref<2048xi32, #tpu.memory_space<hbm>>
            tpu.wait_dma2 semaphore(%run_scoped3A : memref<!tpu.dma_semaphore, #tpu.memory_space<semaphore_mem>>) src(%dma_wait3A_351 : memref<2048xi32, #tpu.memory_space<hbm>>) dst(%arg10 : memref<2048xi32, #tpu.memory_space<vmem>>)
            tpu.yield
          }) : () -> ()
          "tpu.region"() ({
            %run_scoped3A = tpu.sem_alloc : memref<!tpu.dma_semaphore, #tpu.memory_space<semaphore_mem>>
            %dma_start3A_348 = tpu.memref_slice %arg6[%multiple_of3A_347] : memref<327680xi32, #tpu.memory_space<hbm>> -> memref<2048xi32, #tpu.memory_space<hbm>>
            %dma_start3A_349 = tpu.memref_slice %arg6[%multiple_of3A_347] : memref<327680xi32, #tpu.memory_space<hbm>> -> memref<2048xi32, #tpu.memory_space<hbm>>
            tpu.enqueue_dma source(%dma_start3A_349 : memref<2048xi32, #tpu.memory_space<hbm>>) target(%arg11 : memref<2048xi32, #tpu.memory_space<vmem>>) target_semaphore(%run_scoped3A : memref<!tpu.dma_semaphore, #tpu.memory_space<semaphore_mem>>)
            %dma_wait3A_350 = tpu.memref_slice %arg6[%multiple_of3A_347] : memref<327680xi32, #tpu.memory_space<hbm>> -> memref<2048xi32, #tpu.memory_space<hbm>>
            %dma_wait3A_351 = tpu.memref_slice %arg6[%multiple_of3A_347] : memref<327680xi32, #tpu.memory_space<hbm>> -> memref<2048xi32, #tpu.memory_space<hbm>>
            tpu.wait_dma2 semaphore(%run_scoped3A : memref<!tpu.dma_semaphore, #tpu.memory_space<semaphore_mem>>) src(%dma_wait3A_351 : memref<2048xi32, #tpu.memory_space<hbm>>) dst(%arg11 : memref<2048xi32, #tpu.memory_space<vmem>>)
            tpu.yield
          }) : () -> ()
        } else {
        }
        %sub3A_271 = arith.subi %add3A_234, %select_n3A_267 : i32
        %min3A_272 = arith.constant 2032 : i32
        %min3A_273 = arith.minsi %sub3A_271, %min3A_272 : i32
        %get3A_274 = arith.index_cast %min3A_273 : i32 to index
        %get3A_275 = tpu.vector_load %arg10[%get3A_274] {strides = array<i32>} : memref<2048xi32, #tpu.memory_space<vmem>>, vector<16xi32>,
        %get3A_276 = vector.shape_cast %get3A_275 : vector<16xi32> to vector<16xi32>
        %get3A_277 = arith.index_cast %min3A_273 : i32 to index
        %get3A_278 = tpu.vector_load %arg11[%get3A_277] {strides = array<i32>} : memref<2048xi32, #tpu.memory_space<vmem>>, vector<16xi32>,
        %get3A_279 = vector.shape_cast %get3A_278 : vector<16xi32> to vector<16xi32>
        %lt3A_280 = arith.cmpi slt, %add3A_231, %select_n3A_121 : i32
        %convert_element_type3A_281 = arith.extui %lt3A_280 : i1 to i32
        %cond3A_282 = arith.constant 0 : i32
        %cond3A_283 = arith.cmpi ne, %convert_element_type3A_281, %cond3A_282 : i32
        scf.if %cond3A_283 {
          %min3A_347 = arith.constant 9999 : i32
          %min3A_348 = vector.broadcast %min3A_347 : i32 to vector<16xi32>
          %min3A_349 = arith.minsi %get3A_276, %min3A_348 : vector<16xi32>
          %swap3A = arith.constant 0 : index
          %swap3A_350 = tpu.vector_load %arg20[%swap3A] {strides = array<i32>} : memref<16xi32, #tpu.memory_space<vmem>>, vector<16xi32>,
          %swap3A_351 = vector.shape_cast %swap3A_350 : vector<16xi32> to vector<16xi32>
          %swap3A_352 = vector.shape_cast %min3A_349 : vector<16xi32> to vector<16xi32>
          tpu.vector_store %arg20[%swap3A], %swap3A_352 {strides = array<i32>} : memref<16xi32, #tpu.memory_space<vmem>>, vector<16xi32>,
          %dma_start3A_353 = arith.constant 0 : i32
          %dma_start3A_354 = arith.constant 0 : i32
          %dma_start3A_355 = tpu.memref_slice %arg2[%dma_start3A_353, %dma_start3A_354] : memref<10240x1024xf32, #tpu.memory_space<hbm>> -> memref<10240x1024xf32, #tpu.memory_space<hbm>>
          tpu.enqueue_indirect_dma source(%dma_start3A_355 : memref<10240x1024xf32, #tpu.memory_space<hbm>>) target(%arg15 : memref<16x1024xf32, #tpu.memory_space<vmem>>) offsets(%arg20 : memref<16xi32, #tpu.memory_space<vmem>>) semaphore(%arg22 : memref<!tpu.dma_semaphore, #tpu.memory_space<semaphore_mem>>)
        } else {
        }
        %lt3A_284 = arith.cmpi slt, %mul3A_229, %select_n3A_121 : i32
        %convert_element_type3A_285 = arith.extui %lt3A_284 : i1 to i32
        %cond3A_286 = arith.constant 0 : i32
        %cond3A_287 = arith.cmpi ne, %convert_element_type3A_285, %cond3A_286 : i32
        scf.if %cond3A_287 {
          %dma_wait3A_347 = arith.constant 0 : i32
          %dma_wait3A_348 = arith.constant 0 : i32
          %dma_wait3A_349 = tpu.memref_slice %arg2[%dma_wait3A_347, %dma_wait3A_348] : memref<10240x1024xf32, #tpu.memory_space<hbm>> -> memref<10240x1024xf32, #tpu.memory_space<hbm>>
          tpu.wait_indirect_dma semaphore(%arg21 : memref<!tpu.dma_semaphore, #tpu.memory_space<semaphore_mem>>) src(%dma_wait3A_349 : memref<10240x1024xf32, #tpu.memory_space<hbm>>) dst(%arg14 : memref<16x1024xf32, #tpu.memory_space<vmem>>)
          %mul3A_350 = arith.constant 16 : i32
          %mul3A_351 = arith.muli %mul3A_229, %mul3A_350 : i32
          %add3A_352 = arith.addi %convert_element_type3A_47, %mul3A_351 : i32
          %sub3A_353 = arith.subi %convert_element_type3A_92, %add3A_352 : i32
          %sub3A_354 = vector.broadcast %add3A_14 : i32 to vector<16xi32>
          %sub3A_355 = arith.subi %while3A_227, %sub3A_354 : vector<16xi32>
          %jit3A_356 = arith.constant 0 : i32
          %jit3A_357 = arith.constant 31 : i32
          %max3A = vector.broadcast %jit3A_356 : i32 to vector<16xi32>
          %max3A_358 = arith.maxsi %max3A, %sub3A_355 : vector<16xi32>
          %min3A_359 = vector.broadcast %jit3A_357 : i32 to vector<16xi32>
          %min3A_360 = arith.minsi %min3A_359, %max3A_358 : vector<16xi32>
          %convert_element_type3A_361 = arith.sitofp %min3A_360 : vector<16xi32> to vector<16xf32>
          %scan3A_362 = arith.constant 0 : i32
          %scan3A_363 = arith.constant 0 : i32
          %scan3A_364 = arith.constant 16 : i32
          %scan3A_365 = arith.addi %scan3A_363, %scan3A_364 : i32
          %scan3A_366 = arith.constant 1 : i32
          %scan3A_367 = scf.for %scan3A_369 = %scan3A_363 to %scan3A_365 step %scan3A_366 iter_args(%scan3A_370 = %scan3A_362) -> (i32)  : i32 {
            %add3A_371 = vector.broadcast %scan3A_369 : i32 to vector<16xi32>
            %add3A_372 = arith.addi %iota3A, %add3A_371 : vector<16xi32>
            %and3A_373 = arith.constant 15 : i32
            %and3A_374 = vector.broadcast %and3A_373 : i32 to vector<16xi32>
            %and3A_375 = arith.andi %add3A_372, %and3A_374 : vector<16xi32>
            %broadcast_in_dim3A_376 = vector.shape_cast %and3A_375 : vector<16xi32> to vector<16x1xi32>
            %gather3A_377 = vector.shape_cast %broadcast_in_dim3A_376 : vector<16x1xi32> to vector<16xi32>
            %gather3A_378 = tpu.dynamic_gather %convert_element_type3A_361[%gather3A_377] in [0] : vector<16xf32>, vector<16xi32> -> vector<16xf32>
            %slice3A_379 = vector.extract_strided_slice %gather3A_378 {offsets = [0], sizes = [1], strides = [1]} : vector<16xf32> to vector<1xf32>
            %squeeze3A_380 = vector.extract %slice3A_379[0] : f32 from vector<1xf32>
            %convert_element_type3A_381 = arith.fptosi %squeeze3A_380 : f32 to i32
            %scan3A_382 = arith.constant 0 : i32
            %scan3A_383 = arith.constant 64 : i32
            %scan3A_384 = arith.addi %scan3A_382, %scan3A_383 : i32
            %scan3A_385 = arith.constant 8 : i32
            %scan3A_386 = scf.for %scan3A_441 = %scan3A_382 to %scan3A_384 step %scan3A_385 iter_args(%scan3A_442 = %broadcast_in_dim3A_3) -> (vector<16xf32>)  : i32 {
              %mul3A_443 = arith.constant 16 : i32
              %mul3A_444 = arith.muli %scan3A_441, %mul3A_443 : i32
              %get3A_445 = arith.index_cast %scan3A_369 : i32 to index
              %get3A_446 = arith.index_cast %mul3A_444 : i32 to index
              %get3A_447 = tpu.vector_load %arg14[%get3A_445, %get3A_446] {strides = array<i32>} : memref<16x1024xf32, #tpu.memory_space<vmem>>, vector<1x16xf32>,
              %get3A_448 = vector.shape_cast %get3A_447 : vector<1x16xf32> to vector<16xf32>
              %mul3A_449 = arith.constant 16 : i32
              %mul3A_450 = arith.muli %scan3A_441, %mul3A_449 : i32
              %get3A_451 = arith.index_cast %convert_element_type3A_381 : i32 to index
              %get3A_452 = arith.index_cast %mul3A_450 : i32 to index
              %get3A_453 = tpu.vector_load %arg16[%get3A_451, %get3A_452] {strides = array<i32>} : memref<32x1024xf32, #tpu.memory_space<vmem>>, vector<1x16xf32>,
              %get3A_454 = vector.shape_cast %get3A_453 : vector<1x16xf32> to vector<16xf32>
              %mul3A_455 = arith.constant 16 : i32
              %mul3A_456 = arith.muli %scan3A_441, %mul3A_455 : i32
              %get3A_457 = arith.index_cast %mul3A_456 : i32 to index
              %get3A_458 = tpu.vector_load %arg12[%get3A_457] {strides = array<i32>} : memref<1024xf32, #tpu.memory_space<vmem>>, vector<16xf32>,
              %get3A_459 = vector.shape_cast %get3A_458 : vector<16xf32> to vector<16xf32>
              %add3A_460 = arith.addf %get3A_448, %get3A_454 : vector<16xf32>
              %mul3A_461 = arith.constant 2.000000e-01 : f32
              %mul3A_462 = vector.broadcast %mul3A_461 : f32 to vector<16xf32>
              %mul3A_463 = arith.mulf %mul3A_462, %add3A_460 : vector<16xf32>
              %max3A_464 = arith.maximumf %add3A_460, %mul3A_463 : vector<16xf32>
              %mul3A_465 = arith.mulf %max3A_464, %get3A_459 : vector<16xf32>
              %add3A_466 = arith.addf %scan3A_442, %mul3A_465 : vector<16xf32>
              %scan3A_467 = arith.constant 1 : i32
              %scan3A_468 = arith.addi %scan3A_441, %scan3A_467 : i32
              %mul3A_469 = arith.constant 16 : i32
              %mul3A_470 = arith.muli %scan3A_468, %mul3A_469 : i32
              %get3A_471 = arith.index_cast %scan3A_369 : i32 to index
              %get3A_472 = arith.index_cast %mul3A_470 : i32 to index
              %get3A_473 = tpu.vector_load %arg14[%get3A_471, %get3A_472] {strides = array<i32>} : memref<16x1024xf32, #tpu.memory_space<vmem>>, vector<1x16xf32>,
              %get3A_474 = vector.shape_cast %get3A_473 : vector<1x16xf32> to vector<16xf32>
              %mul3A_475 = arith.constant 16 : i32
              %mul3A_476 = arith.muli %scan3A_468, %mul3A_475 : i32
              %get3A_477 = arith.index_cast %convert_element_type3A_381 : i32 to index
              %get3A_478 = arith.index_cast %mul3A_476 : i32 to index
              %get3A_479 = tpu.vector_load %arg16[%get3A_477, %get3A_478] {strides = array<i32>} : memref<32x1024xf32, #tpu.memory_space<vmem>>, vector<1x16xf32>,
              %get3A_480 = vector.shape_cast %get3A_479 : vector<1x16xf32> to vector<16xf32>
              %mul3A_481 = arith.constant 16 : i32
              %mul3A_482 = arith.muli %scan3A_468, %mul3A_481 : i32
              %get3A_483 = arith.index_cast %mul3A_482 : i32 to index
              %get3A_484 = tpu.vector_load %arg12[%get3A_483] {strides = array<i32>} : memref<1024xf32, #tpu.memory_space<vmem>>, vector<16xf32>,
              %get3A_485 = vector.shape_cast %get3A_484 : vector<16xf32> to vector<16xf32>
              %add3A_486 = arith.addf %get3A_474, %get3A_480 : vector<16xf32>
              %mul3A_487 = arith.constant 2.000000e-01 : f32
              %mul3A_488 = vector.broadcast %mul3A_487 : f32 to vector<16xf32>
              %mul3A_489 = arith.mulf %mul3A_488, %add3A_486 : vector<16xf32>
              %max3A_490 = arith.maximumf %add3A_486, %mul3A_489 : vector<16xf32>
              %mul3A_491 = arith.mulf %max3A_490, %get3A_485 : vector<16xf32>
              %add3A_492 = arith.addf %add3A_466, %mul3A_491 : vector<16xf32>
              %scan3A_493 = arith.constant 2 : i32
              %scan3A_494 = arith.addi %scan3A_441, %scan3A_493 : i32
              %mul3A_495 = arith.constant 16 : i32
              %mul3A_496 = arith.muli %scan3A_494, %mul3A_495 : i32
              %get3A_497 = arith.index_cast %scan3A_369 : i32 to index
              %get3A_498 = arith.index_cast %mul3A_496 : i32 to index
              %get3A_499 = tpu.vector_load %arg14[%get3A_497, %get3A_498] {strides = array<i32>} : memref<16x1024xf32, #tpu.memory_space<vmem>>, vector<1x16xf32>,
              %get3A_500 = vector.shape_cast %get3A_499 : vector<1x16xf32> to vector<16xf32>
              %mul3A_501 = arith.constant 16 : i32
              %mul3A_502 = arith.muli %scan3A_494, %mul3A_501 : i32
              %get3A_503 = arith.index_cast %convert_element_type3A_381 : i32 to index
              %get3A_504 = arith.index_cast %mul3A_502 : i32 to index
              %get3A_505 = tpu.vector_load %arg16[%get3A_503, %get3A_504] {strides = array<i32>} : memref<32x1024xf32, #tpu.memory_space<vmem>>, vector<1x16xf32>,
              %get3A_506 = vector.shape_cast %get3A_505 : vector<1x16xf32> to vector<16xf32>
              %mul3A_507 = arith.constant 16 : i32
              %mul3A_508 = arith.muli %scan3A_494, %mul3A_507 : i32
              %get3A_509 = arith.index_cast %mul3A_508 : i32 to index
              %get3A_510 = tpu.vector_load %arg12[%get3A_509] {strides = array<i32>} : memref<1024xf32, #tpu.memory_space<vmem>>, vector<16xf32>,
              %get3A_511 = vector.shape_cast %get3A_510 : vector<16xf32> to vector<16xf32>
              %add3A_512 = arith.addf %get3A_500, %get3A_506 : vector<16xf32>
              %mul3A_513 = arith.constant 2.000000e-01 : f32
              %mul3A_514 = vector.broadcast %mul3A_513 : f32 to vector<16xf32>
              %mul3A_515 = arith.mulf %mul3A_514, %add3A_512 : vector<16xf32>
              %max3A_516 = arith.maximumf %add3A_512, %mul3A_515 : vector<16xf32>
              %mul3A_517 = arith.mulf %max3A_516, %get3A_511 : vector<16xf32>
              %add3A_518 = arith.addf %add3A_492, %mul3A_517 : vector<16xf32>
              %scan3A_519 = arith.constant 3 : i32
              %scan3A_520 = arith.addi %scan3A_441, %scan3A_519 : i32
              %mul3A_521 = arith.constant 16 : i32
              %mul3A_522 = arith.muli %scan3A_520, %mul3A_521 : i32
              %get3A_523 = arith.index_cast %scan3A_369 : i32 to index
              %get3A_524 = arith.index_cast %mul3A_522 : i32 to index
              %get3A_525 = tpu.vector_load %arg14[%get3A_523, %get3A_524] {strides = array<i32>} : memref<16x1024xf32, #tpu.memory_space<vmem>>, vector<1x16xf32>,
              %get3A_526 = vector.shape_cast %get3A_525 : vector<1x16xf32> to vector<16xf32>
              %mul3A_527 = arith.constant 16 : i32
              %mul3A_528 = arith.muli %scan3A_520, %mul3A_527 : i32
              %get3A_529 = arith.index_cast %convert_element_type3A_381 : i32 to index
              %get3A_530 = arith.index_cast %mul3A_528 : i32 to index
              %get3A_531 = tpu.vector_load %arg16[%get3A_529, %get3A_530] {strides = array<i32>} : memref<32x1024xf32, #tpu.memory_space<vmem>>, vector<1x16xf32>,
              %get3A_532 = vector.shape_cast %get3A_531 : vector<1x16xf32> to vector<16xf32>
              %mul3A_533 = arith.constant 16 : i32
              %mul3A_534 = arith.muli %scan3A_520, %mul3A_533 : i32
              %get3A_535 = arith.index_cast %mul3A_534 : i32 to index
              %get3A_536 = tpu.vector_load %arg12[%get3A_535] {strides = array<i32>} : memref<1024xf32, #tpu.memory_space<vmem>>, vector<16xf32>,
              %get3A_537 = vector.shape_cast %get3A_536 : vector<16xf32> to vector<16xf32>
              %add3A_538 = arith.addf %get3A_526, %get3A_532 : vector<16xf32>
              %mul3A_539 = arith.constant 2.000000e-01 : f32
              %mul3A_540 = vector.broadcast %mul3A_539 : f32 to vector<16xf32>
              %mul3A_541 = arith.mulf %mul3A_540, %add3A_538 : vector<16xf32>
              %max3A_542 = arith.maximumf %add3A_538, %mul3A_541 : vector<16xf32>
              %mul3A_543 = arith.mulf %max3A_542, %get3A_537 : vector<16xf32>
              %add3A_544 = arith.addf %add3A_518, %mul3A_543 : vector<16xf32>
              %scan3A_545 = arith.constant 4 : i32
              %scan3A_546 = arith.addi %scan3A_441, %scan3A_545 : i32
              %mul3A_547 = arith.constant 16 : i32
              %mul3A_548 = arith.muli %scan3A_546, %mul3A_547 : i32
              %get3A_549 = arith.index_cast %scan3A_369 : i32 to index
              %get3A_550 = arith.index_cast %mul3A_548 : i32 to index
              %get3A_551 = tpu.vector_load %arg14[%get3A_549, %get3A_550] {strides = array<i32>} : memref<16x1024xf32, #tpu.memory_space<vmem>>, vector<1x16xf32>,
              %get3A_552 = vector.shape_cast %get3A_551 : vector<1x16xf32> to vector<16xf32>
              %mul3A_553 = arith.constant 16 : i32
              %mul3A_554 = arith.muli %scan3A_546, %mul3A_553 : i32
              %get3A_555 = arith.index_cast %convert_element_type3A_381 : i32 to index
              %get3A_556 = arith.index_cast %mul3A_554 : i32 to index
              %get3A_557 = tpu.vector_load %arg16[%get3A_555, %get3A_556] {strides = array<i32>} : memref<32x1024xf32, #tpu.memory_space<vmem>>, vector<1x16xf32>,
              %get3A_558 = vector.shape_cast %get3A_557 : vector<1x16xf32> to vector<16xf32>
              %mul3A_559 = arith.constant 16 : i32
              %mul3A_560 = arith.muli %scan3A_546, %mul3A_559 : i32
              %get3A_561 = arith.index_cast %mul3A_560 : i32 to index
              %get3A_562 = tpu.vector_load %arg12[%get3A_561] {strides = array<i32>} : memref<1024xf32, #tpu.memory_space<vmem>>, vector<16xf32>,
              %get3A_563 = vector.shape_cast %get3A_562 : vector<16xf32> to vector<16xf32>
              %add3A_564 = arith.addf %get3A_552, %get3A_558 : vector<16xf32>
              %mul3A_565 = arith.constant 2.000000e-01 : f32
              %mul3A_566 = vector.broadcast %mul3A_565 : f32 to vector<16xf32>
              %mul3A_567 = arith.mulf %mul3A_566, %add3A_564 : vector<16xf32>
              %max3A_568 = arith.maximumf %add3A_564, %mul3A_567 : vector<16xf32>
              %mul3A_569 = arith.mulf %max3A_568, %get3A_563 : vector<16xf32>
              %add3A_570 = arith.addf %add3A_544, %mul3A_569 : vector<16xf32>
              %scan3A_571 = arith.constant 5 : i32
              %scan3A_572 = arith.addi %scan3A_441, %scan3A_571 : i32
              %mul3A_573 = arith.constant 16 : i32
              %mul3A_574 = arith.muli %scan3A_572, %mul3A_573 : i32
              %get3A_575 = arith.index_cast %scan3A_369 : i32 to index
              %get3A_576 = arith.index_cast %mul3A_574 : i32 to index
              %get3A_577 = tpu.vector_load %arg14[%get3A_575, %get3A_576] {strides = array<i32>} : memref<16x1024xf32, #tpu.memory_space<vmem>>, vector<1x16xf32>,
              %get3A_578 = vector.shape_cast %get3A_577 : vector<1x16xf32> to vector<16xf32>
              %mul3A_579 = arith.constant 16 : i32
              %mul3A_580 = arith.muli %scan3A_572, %mul3A_579 : i32
              %get3A_581 = arith.index_cast %convert_element_type3A_381 : i32 to index
              %get3A_582 = arith.index_cast %mul3A_580 : i32 to index
              %get3A_583 = tpu.vector_load %arg16[%get3A_581, %get3A_582] {strides = array<i32>} : memref<32x1024xf32, #tpu.memory_space<vmem>>, vector<1x16xf32>,
              %get3A_584 = vector.shape_cast %get3A_583 : vector<1x16xf32> to vector<16xf32>
              %mul3A_585 = arith.constant 16 : i32
              %mul3A_586 = arith.muli %scan3A_572, %mul3A_585 : i32
              %get3A_587 = arith.index_cast %mul3A_586 : i32 to index
              %get3A_588 = tpu.vector_load %arg12[%get3A_587] {strides = array<i32>} : memref<1024xf32, #tpu.memory_space<vmem>>, vector<16xf32>,
              %get3A_589 = vector.shape_cast %get3A_588 : vector<16xf32> to vector<16xf32>
              %add3A_590 = arith.addf %get3A_578, %get3A_584 : vector<16xf32>
              %mul3A_591 = arith.constant 2.000000e-01 : f32
              %mul3A_592 = vector.broadcast %mul3A_591 : f32 to vector<16xf32>
              %mul3A_593 = arith.mulf %mul3A_592, %add3A_590 : vector<16xf32>
              %max3A_594 = arith.maximumf %add3A_590, %mul3A_593 : vector<16xf32>
              %mul3A_595 = arith.mulf %max3A_594, %get3A_589 : vector<16xf32>
              %add3A_596 = arith.addf %add3A_570, %mul3A_595 : vector<16xf32>
              %scan3A_597 = arith.constant 6 : i32
              %scan3A_598 = arith.addi %scan3A_441, %scan3A_597 : i32
              %mul3A_599 = arith.constant 16 : i32
              %mul3A_600 = arith.muli %scan3A_598, %mul3A_599 : i32
              %get3A_601 = arith.index_cast %scan3A_369 : i32 to index
              %get3A_602 = arith.index_cast %mul3A_600 : i32 to index
              %get3A_603 = tpu.vector_load %arg14[%get3A_601, %get3A_602] {strides = array<i32>} : memref<16x1024xf32, #tpu.memory_space<vmem>>, vector<1x16xf32>,
              %get3A_604 = vector.shape_cast %get3A_603 : vector<1x16xf32> to vector<16xf32>
              %mul3A_605 = arith.constant 16 : i32
              %mul3A_606 = arith.muli %scan3A_598, %mul3A_605 : i32
              %get3A_607 = arith.index_cast %convert_element_type3A_381 : i32 to index
              %get3A_608 = arith.index_cast %mul3A_606 : i32 to index
              %get3A_609 = tpu.vector_load %arg16[%get3A_607, %get3A_608] {strides = array<i32>} : memref<32x1024xf32, #tpu.memory_space<vmem>>, vector<1x16xf32>,
              %get3A_610 = vector.shape_cast %get3A_609 : vector<1x16xf32> to vector<16xf32>
              %mul3A_611 = arith.constant 16 : i32
              %mul3A_612 = arith.muli %scan3A_598, %mul3A_611 : i32
              %get3A_613 = arith.index_cast %mul3A_612 : i32 to index
              %get3A_614 = tpu.vector_load %arg12[%get3A_613] {strides = array<i32>} : memref<1024xf32, #tpu.memory_space<vmem>>, vector<16xf32>,
              %get3A_615 = vector.shape_cast %get3A_614 : vector<16xf32> to vector<16xf32>
              %add3A_616 = arith.addf %get3A_604, %get3A_610 : vector<16xf32>
              %mul3A_617 = arith.constant 2.000000e-01 : f32
              %mul3A_618 = vector.broadcast %mul3A_617 : f32 to vector<16xf32>
              %mul3A_619 = arith.mulf %mul3A_618, %add3A_616 : vector<16xf32>
              %max3A_620 = arith.maximumf %add3A_616, %mul3A_619 : vector<16xf32>
              %mul3A_621 = arith.mulf %max3A_620, %get3A_615 : vector<16xf32>
              %add3A_622 = arith.addf %add3A_596, %mul3A_621 : vector<16xf32>
              %scan3A_623 = arith.constant 7 : i32
              %scan3A_624 = arith.addi %scan3A_441, %scan3A_623 : i32
              %mul3A_625 = arith.constant 16 : i32
              %mul3A_626 = arith.muli %scan3A_624, %mul3A_625 : i32
              %get3A_627 = arith.index_cast %scan3A_369 : i32 to index
              %get3A_628 = arith.index_cast %mul3A_626 : i32 to index
              %get3A_629 = tpu.vector_load %arg14[%get3A_627, %get3A_628] {strides = array<i32>} : memref<16x1024xf32, #tpu.memory_space<vmem>>, vector<1x16xf32>,
              %get3A_630 = vector.shape_cast %get3A_629 : vector<1x16xf32> to vector<16xf32>
              %mul3A_631 = arith.constant 16 : i32
              %mul3A_632 = arith.muli %scan3A_624, %mul3A_631 : i32
              %get3A_633 = arith.index_cast %convert_element_type3A_381 : i32 to index
              %get3A_634 = arith.index_cast %mul3A_632 : i32 to index
              %get3A_635 = tpu.vector_load %arg16[%get3A_633, %get3A_634] {strides = array<i32>} : memref<32x1024xf32, #tpu.memory_space<vmem>>, vector<1x16xf32>,
              %get3A_636 = vector.shape_cast %get3A_635 : vector<1x16xf32> to vector<16xf32>
              %mul3A_637 = arith.constant 16 : i32
              %mul3A_638 = arith.muli %scan3A_624, %mul3A_637 : i32
              %get3A_639 = arith.index_cast %mul3A_638 : i32 to index
              %get3A_640 = tpu.vector_load %arg12[%get3A_639] {strides = array<i32>} : memref<1024xf32, #tpu.memory_space<vmem>>, vector<16xf32>,
              %get3A_641 = vector.shape_cast %get3A_640 : vector<16xf32> to vector<16xf32>
              %add3A_642 = arith.addf %get3A_630, %get3A_636 : vector<16xf32>
              %mul3A_643 = arith.constant 2.000000e-01 : f32
              %mul3A_644 = vector.broadcast %mul3A_643 : f32 to vector<16xf32>
              %mul3A_645 = arith.mulf %mul3A_644, %add3A_642 : vector<16xf32>
              %max3A_646 = arith.maximumf %add3A_642, %mul3A_645 : vector<16xf32>
              %mul3A_647 = arith.mulf %max3A_646, %get3A_641 : vector<16xf32>
              %add3A_648 = arith.addf %add3A_622, %mul3A_647 : vector<16xf32>
              scf.yield %add3A_648 : vector<16xf32>
            }
            %scan3A_387 = arith.constant 64 : i32
            %xor3A = arith.constant 8 : i32
            %xor3A_388 = vector.broadcast %xor3A : i32 to vector<16xi32>
            %xor3A_389 = arith.xori %iota3A, %xor3A_388 : vector<16xi32>
            %broadcast_in_dim3A_390 = vector.shape_cast %xor3A_389 : vector<16xi32> to vector<16x1xi32>
            %gather3A_391 = vector.shape_cast %broadcast_in_dim3A_390 : vector<16x1xi32> to vector<16xi32>
            %gather3A_392 = tpu.dynamic_gather %scan3A_386[%gather3A_391] in [0] : vector<16xf32>, vector<16xi32> -> vector<16xf32>
            %add3A_393 = arith.addf %scan3A_386, %gather3A_392 : vector<16xf32>
            %xor3A_394 = arith.constant 4 : i32
            %xor3A_395 = vector.broadcast %xor3A_394 : i32 to vector<16xi32>
            %xor3A_396 = arith.xori %iota3A, %xor3A_395 : vector<16xi32>
            %broadcast_in_dim3A_397 = vector.shape_cast %xor3A_396 : vector<16xi32> to vector<16x1xi32>
            %gather3A_398 = vector.shape_cast %broadcast_in_dim3A_397 : vector<16x1xi32> to vector<16xi32>
            %gather3A_399 = tpu.dynamic_gather %add3A_393[%gather3A_398] in [0] : vector<16xf32>, vector<16xi32> -> vector<16xf32>
            %add3A_400 = arith.addf %add3A_393, %gather3A_399 : vector<16xf32>
            %xor3A_401 = arith.constant 2 : i32
            %xor3A_402 = vector.broadcast %xor3A_401 : i32 to vector<16xi32>
            %xor3A_403 = arith.xori %iota3A, %xor3A_402 : vector<16xi32>
            %broadcast_in_dim3A_404 = vector.shape_cast %xor3A_403 : vector<16xi32> to vector<16x1xi32>
            %gather3A_405 = vector.shape_cast %broadcast_in_dim3A_404 : vector<16x1xi32> to vector<16xi32>
            %gather3A_406 = tpu.dynamic_gather %add3A_400[%gather3A_405] in [0] : vector<16xf32>, vector<16xi32> -> vector<16xf32>
            %add3A_407 = arith.addf %add3A_400, %gather3A_406 : vector<16xf32>
            %xor3A_408 = arith.constant 1 : i32
            %xor3A_409 = vector.broadcast %xor3A_408 : i32 to vector<16xi32>
            %xor3A_410 = arith.xori %iota3A, %xor3A_409 : vector<16xi32>
            %broadcast_in_dim3A_411 = vector.shape_cast %xor3A_410 : vector<16xi32> to vector<16x1xi32>
            %gather3A_412 = vector.shape_cast %broadcast_in_dim3A_411 : vector<16x1xi32> to vector<16xi32>
            %gather3A_413 = tpu.dynamic_gather %add3A_407[%gather3A_412] in [0] : vector<16xf32>, vector<16xi32> -> vector<16xf32>
            %add3A_414 = arith.addf %add3A_407, %gather3A_413 : vector<16xf32>
            %exp3A = math.exp %add3A_414 : vector<16xf32>
            %lt3A_415 = arith.cmpi slt, %scan3A_369, %sub3A_353 : i32
            %jit3A_416 = arith.constant 0.000000e+00 : f32
            %broadcast_in_dim3A_417 = vector.broadcast %jit3A_416 : f32 to vector<16xf32>
            %select_n3A_418 = arith.select %lt3A_415, %exp3A, %broadcast_in_dim3A_417 : vector<16xf32>
            %scan3A_419 = arith.constant 0 : i32
            %scan3A_420 = arith.constant 0 : i32
            %scan3A_421 = arith.constant 64 : i32
            %scan3A_422 = arith.addi %scan3A_420, %scan3A_421 : i32
            %scan3A_423 = arith.constant 8 : i32
            %scan3A_424 = scf.for %scan3A_441 = %scan3A_420 to %scan3A_422 step %scan3A_423 iter_args(%scan3A_442 = %scan3A_419) -> (i32)  : i32 {
              %mul3A_443 = arith.constant 16 : i32
              %mul3A_444 = arith.muli %scan3A_441, %mul3A_443 : i32
              %get3A_445 = arith.index_cast %scan3A_369 : i32 to index
              %get3A_446 = arith.index_cast %mul3A_444 : i32 to index
              %get3A_447 = tpu.vector_load %arg14[%get3A_445, %get3A_446] {strides = array<i32>} : memref<16x1024xf32, #tpu.memory_space<vmem>>, vector<1x16xf32>,
              %get3A_448 = vector.shape_cast %get3A_447 : vector<1x16xf32> to vector<16xf32>
              %mul3A_449 = arith.constant 16 : i32
              %mul3A_450 = arith.muli %scan3A_441, %mul3A_449 : i32
              %get3A_451 = arith.index_cast %convert_element_type3A_381 : i32 to index
              %get3A_452 = arith.index_cast %mul3A_450 : i32 to index
              %get3A_453 = tpu.vector_load %arg17[%get3A_451, %get3A_452] {strides = array<i32>} : memref<32x1024xf32, #tpu.memory_space<vmem>>, vector<1x16xf32>,
              %get3A_454 = vector.shape_cast %get3A_453 : vector<1x16xf32> to vector<16xf32>
              %mul3A_455 = arith.mulf %select_n3A_418, %get3A_448 : vector<16xf32>
              %add3A_456 = arith.addf %get3A_454, %mul3A_455 : vector<16xf32>
              %mul3A_457 = arith.constant 16 : i32
              %mul3A_458 = arith.muli %scan3A_441, %mul3A_457 : i32
              %swap3A_459 = arith.index_cast %convert_element_type3A_381 : i32 to index
              %swap3A_460 = arith.index_cast %mul3A_458 : i32 to index
              %swap3A_461 = tpu.vector_load %arg17[%swap3A_459, %swap3A_460] {strides = array<i32>} : memref<32x1024xf32, #tpu.memory_space<vmem>>, vector<1x16xf32>,
              %swap3A_462 = vector.shape_cast %swap3A_461 : vector<1x16xf32> to vector<16xf32>
              %swap3A_463 = vector.shape_cast %add3A_456 : vector<16xf32> to vector<1x16xf32>
              tpu.vector_store %arg17[%swap3A_459, %swap3A_460], %swap3A_463 {strides = array<i32>} : memref<32x1024xf32, #tpu.memory_space<vmem>>, vector<1x16xf32>,
              %scan3A_464 = arith.constant 0 : i32
              %scan3A_465 = arith.constant 1 : i32
              %scan3A_466 = arith.addi %scan3A_441, %scan3A_465 : i32
              %mul3A_467 = arith.constant 16 : i32
              %mul3A_468 = arith.muli %scan3A_466, %mul3A_467 : i32
              %get3A_469 = arith.index_cast %scan3A_369 : i32 to index
              %get3A_470 = arith.index_cast %mul3A_468 : i32 to index
              %get3A_471 = tpu.vector_load %arg14[%get3A_469, %get3A_470] {strides = array<i32>} : memref<16x1024xf32, #tpu.memory_space<vmem>>, vector<1x16xf32>,
              %get3A_472 = vector.shape_cast %get3A_471 : vector<1x16xf32> to vector<16xf32>
              %mul3A_473 = arith.constant 16 : i32
              %mul3A_474 = arith.muli %scan3A_466, %mul3A_473 : i32
              %get3A_475 = arith.index_cast %convert_element_type3A_381 : i32 to index
              %get3A_476 = arith.index_cast %mul3A_474 : i32 to index
              %get3A_477 = tpu.vector_load %arg17[%get3A_475, %get3A_476] {strides = array<i32>} : memref<32x1024xf32, #tpu.memory_space<vmem>>, vector<1x16xf32>,
              %get3A_478 = vector.shape_cast %get3A_477 : vector<1x16xf32> to vector<16xf32>
              %mul3A_479 = arith.mulf %select_n3A_418, %get3A_472 : vector<16xf32>
              %add3A_480 = arith.addf %get3A_478, %mul3A_479 : vector<16xf32>
              %mul3A_481 = arith.constant 16 : i32
              %mul3A_482 = arith.muli %scan3A_466, %mul3A_481 : i32
              %swap3A_483 = arith.index_cast %convert_element_type3A_381 : i32 to index
              %swap3A_484 = arith.index_cast %mul3A_482 : i32 to index
              %swap3A_485 = tpu.vector_load %arg17[%swap3A_483, %swap3A_484] {strides = array<i32>} : memref<32x1024xf32, #tpu.memory_space<vmem>>, vector<1x16xf32>,
              %swap3A_486 = vector.shape_cast %swap3A_485 : vector<1x16xf32> to vector<16xf32>
              %swap3A_487 = vector.shape_cast %add3A_480 : vector<16xf32> to vector<1x16xf32>
              tpu.vector_store %arg17[%swap3A_483, %swap3A_484], %swap3A_487 {strides = array<i32>} : memref<32x1024xf32, #tpu.memory_space<vmem>>, vector<1x16xf32>,
              %scan3A_488 = arith.constant 0 : i32
              %scan3A_489 = arith.constant 2 : i32
              %scan3A_490 = arith.addi %scan3A_441, %scan3A_489 : i32
              %mul3A_491 = arith.constant 16 : i32
              %mul3A_492 = arith.muli %scan3A_490, %mul3A_491 : i32
              %get3A_493 = arith.index_cast %scan3A_369 : i32 to index
              %get3A_494 = arith.index_cast %mul3A_492 : i32 to index
              %get3A_495 = tpu.vector_load %arg14[%get3A_493, %get3A_494] {strides = array<i32>} : memref<16x1024xf32, #tpu.memory_space<vmem>>, vector<1x16xf32>,
              %get3A_496 = vector.shape_cast %get3A_495 : vector<1x16xf32> to vector<16xf32>
              %mul3A_497 = arith.constant 16 : i32
              %mul3A_498 = arith.muli %scan3A_490, %mul3A_497 : i32
              %get3A_499 = arith.index_cast %convert_element_type3A_381 : i32 to index
              %get3A_500 = arith.index_cast %mul3A_498 : i32 to index
              %get3A_501 = tpu.vector_load %arg17[%get3A_499, %get3A_500] {strides = array<i32>} : memref<32x1024xf32, #tpu.memory_space<vmem>>, vector<1x16xf32>,
              %get3A_502 = vector.shape_cast %get3A_501 : vector<1x16xf32> to vector<16xf32>
              %mul3A_503 = arith.mulf %select_n3A_418, %get3A_496 : vector<16xf32>
              %add3A_504 = arith.addf %get3A_502, %mul3A_503 : vector<16xf32>
              %mul3A_505 = arith.constant 16 : i32
              %mul3A_506 = arith.muli %scan3A_490, %mul3A_505 : i32
              %swap3A_507 = arith.index_cast %convert_element_type3A_381 : i32 to index
              %swap3A_508 = arith.index_cast %mul3A_506 : i32 to index
              %swap3A_509 = tpu.vector_load %arg17[%swap3A_507, %swap3A_508] {strides = array<i32>} : memref<32x1024xf32, #tpu.memory_space<vmem>>, vector<1x16xf32>,
              %swap3A_510 = vector.shape_cast %swap3A_509 : vector<1x16xf32> to vector<16xf32>
              %swap3A_511 = vector.shape_cast %add3A_504 : vector<16xf32> to vector<1x16xf32>
              tpu.vector_store %arg17[%swap3A_507, %swap3A_508], %swap3A_511 {strides = array<i32>} : memref<32x1024xf32, #tpu.memory_space<vmem>>, vector<1x16xf32>,
              %scan3A_512 = arith.constant 0 : i32
              %scan3A_513 = arith.constant 3 : i32
              %scan3A_514 = arith.addi %scan3A_441, %scan3A_513 : i32
              %mul3A_515 = arith.constant 16 : i32
              %mul3A_516 = arith.muli %scan3A_514, %mul3A_515 : i32
              %get3A_517 = arith.index_cast %scan3A_369 : i32 to index
              %get3A_518 = arith.index_cast %mul3A_516 : i32 to index
              %get3A_519 = tpu.vector_load %arg14[%get3A_517, %get3A_518] {strides = array<i32>} : memref<16x1024xf32, #tpu.memory_space<vmem>>, vector<1x16xf32>,
              %get3A_520 = vector.shape_cast %get3A_519 : vector<1x16xf32> to vector<16xf32>
              %mul3A_521 = arith.constant 16 : i32
              %mul3A_522 = arith.muli %scan3A_514, %mul3A_521 : i32
              %get3A_523 = arith.index_cast %convert_element_type3A_381 : i32 to index
              %get3A_524 = arith.index_cast %mul3A_522 : i32 to index
              %get3A_525 = tpu.vector_load %arg17[%get3A_523, %get3A_524] {strides = array<i32>} : memref<32x1024xf32, #tpu.memory_space<vmem>>, vector<1x16xf32>,
              %get3A_526 = vector.shape_cast %get3A_525 : vector<1x16xf32> to vector<16xf32>
              %mul3A_527 = arith.mulf %select_n3A_418, %get3A_520 : vector<16xf32>
              %add3A_528 = arith.addf %get3A_526, %mul3A_527 : vector<16xf32>
              %mul3A_529 = arith.constant 16 : i32
              %mul3A_530 = arith.muli %scan3A_514, %mul3A_529 : i32
              %swap3A_531 = arith.index_cast %convert_element_type3A_381 : i32 to index
              %swap3A_532 = arith.index_cast %mul3A_530 : i32 to index
              %swap3A_533 = tpu.vector_load %arg17[%swap3A_531, %swap3A_532] {strides = array<i32>} : memref<32x1024xf32, #tpu.memory_space<vmem>>, vector<1x16xf32>,
              %swap3A_534 = vector.shape_cast %swap3A_533 : vector<1x16xf32> to vector<16xf32>
              %swap3A_535 = vector.shape_cast %add3A_528 : vector<16xf32> to vector<1x16xf32>
              tpu.vector_store %arg17[%swap3A_531, %swap3A_532], %swap3A_535 {strides = array<i32>} : memref<32x1024xf32, #tpu.memory_space<vmem>>, vector<1x16xf32>,
              %scan3A_536 = arith.constant 0 : i32
              %scan3A_537 = arith.constant 4 : i32
              %scan3A_538 = arith.addi %scan3A_441, %scan3A_537 : i32
              %mul3A_539 = arith.constant 16 : i32
              %mul3A_540 = arith.muli %scan3A_538, %mul3A_539 : i32
              %get3A_541 = arith.index_cast %scan3A_369 : i32 to index
              %get3A_542 = arith.index_cast %mul3A_540 : i32 to index
              %get3A_543 = tpu.vector_load %arg14[%get3A_541, %get3A_542] {strides = array<i32>} : memref<16x1024xf32, #tpu.memory_space<vmem>>, vector<1x16xf32>,
              %get3A_544 = vector.shape_cast %get3A_543 : vector<1x16xf32> to vector<16xf32>
              %mul3A_545 = arith.constant 16 : i32
              %mul3A_546 = arith.muli %scan3A_538, %mul3A_545 : i32
              %get3A_547 = arith.index_cast %convert_element_type3A_381 : i32 to index
              %get3A_548 = arith.index_cast %mul3A_546 : i32 to index
              %get3A_549 = tpu.vector_load %arg17[%get3A_547, %get3A_548] {strides = array<i32>} : memref<32x1024xf32, #tpu.memory_space<vmem>>, vector<1x16xf32>,
              %get3A_550 = vector.shape_cast %get3A_549 : vector<1x16xf32> to vector<16xf32>
              %mul3A_551 = arith.mulf %select_n3A_418, %get3A_544 : vector<16xf32>
              %add3A_552 = arith.addf %get3A_550, %mul3A_551 : vector<16xf32>
              %mul3A_553 = arith.constant 16 : i32
              %mul3A_554 = arith.muli %scan3A_538, %mul3A_553 : i32
              %swap3A_555 = arith.index_cast %convert_element_type3A_381 : i32 to index
              %swap3A_556 = arith.index_cast %mul3A_554 : i32 to index
              %swap3A_557 = tpu.vector_load %arg17[%swap3A_555, %swap3A_556] {strides = array<i32>} : memref<32x1024xf32, #tpu.memory_space<vmem>>, vector<1x16xf32>,
              %swap3A_558 = vector.shape_cast %swap3A_557 : vector<1x16xf32> to vector<16xf32>
              %swap3A_559 = vector.shape_cast %add3A_552 : vector<16xf32> to vector<1x16xf32>
              tpu.vector_store %arg17[%swap3A_555, %swap3A_556], %swap3A_559 {strides = array<i32>} : memref<32x1024xf32, #tpu.memory_space<vmem>>, vector<1x16xf32>,
              %scan3A_560 = arith.constant 0 : i32
              %scan3A_561 = arith.constant 5 : i32
              %scan3A_562 = arith.addi %scan3A_441, %scan3A_561 : i32
              %mul3A_563 = arith.constant 16 : i32
              %mul3A_564 = arith.muli %scan3A_562, %mul3A_563 : i32
              %get3A_565 = arith.index_cast %scan3A_369 : i32 to index
              %get3A_566 = arith.index_cast %mul3A_564 : i32 to index
              %get3A_567 = tpu.vector_load %arg14[%get3A_565, %get3A_566] {strides = array<i32>} : memref<16x1024xf32, #tpu.memory_space<vmem>>, vector<1x16xf32>,
              %get3A_568 = vector.shape_cast %get3A_567 : vector<1x16xf32> to vector<16xf32>
              %mul3A_569 = arith.constant 16 : i32
              %mul3A_570 = arith.muli %scan3A_562, %mul3A_569 : i32
              %get3A_571 = arith.index_cast %convert_element_type3A_381 : i32 to index
              %get3A_572 = arith.index_cast %mul3A_570 : i32 to index
              %get3A_573 = tpu.vector_load %arg17[%get3A_571, %get3A_572] {strides = array<i32>} : memref<32x1024xf32, #tpu.memory_space<vmem>>, vector<1x16xf32>,
              %get3A_574 = vector.shape_cast %get3A_573 : vector<1x16xf32> to vector<16xf32>
              %mul3A_575 = arith.mulf %select_n3A_418, %get3A_568 : vector<16xf32>
              %add3A_576 = arith.addf %get3A_574, %mul3A_575 : vector<16xf32>
              %mul3A_577 = arith.constant 16 : i32
              %mul3A_578 = arith.muli %scan3A_562, %mul3A_577 : i32
              %swap3A_579 = arith.index_cast %convert_element_type3A_381 : i32 to index
              %swap3A_580 = arith.index_cast %mul3A_578 : i32 to index
              %swap3A_581 = tpu.vector_load %arg17[%swap3A_579, %swap3A_580] {strides = array<i32>} : memref<32x1024xf32, #tpu.memory_space<vmem>>, vector<1x16xf32>,
              %swap3A_582 = vector.shape_cast %swap3A_581 : vector<1x16xf32> to vector<16xf32>
              %swap3A_583 = vector.shape_cast %add3A_576 : vector<16xf32> to vector<1x16xf32>
              tpu.vector_store %arg17[%swap3A_579, %swap3A_580], %swap3A_583 {strides = array<i32>} : memref<32x1024xf32, #tpu.memory_space<vmem>>, vector<1x16xf32>,
              %scan3A_584 = arith.constant 0 : i32
              %scan3A_585 = arith.constant 6 : i32
              %scan3A_586 = arith.addi %scan3A_441, %scan3A_585 : i32
              %mul3A_587 = arith.constant 16 : i32
              %mul3A_588 = arith.muli %scan3A_586, %mul3A_587 : i32
              %get3A_589 = arith.index_cast %scan3A_369 : i32 to index
              %get3A_590 = arith.index_cast %mul3A_588 : i32 to index
              %get3A_591 = tpu.vector_load %arg14[%get3A_589, %get3A_590] {strides = array<i32>} : memref<16x1024xf32, #tpu.memory_space<vmem>>, vector<1x16xf32>,
              %get3A_592 = vector.shape_cast %get3A_591 : vector<1x16xf32> to vector<16xf32>
              %mul3A_593 = arith.constant 16 : i32
              %mul3A_594 = arith.muli %scan3A_586, %mul3A_593 : i32
              %get3A_595 = arith.index_cast %convert_element_type3A_381 : i32 to index
              %get3A_596 = arith.index_cast %mul3A_594 : i32 to index
              %get3A_597 = tpu.vector_load %arg17[%get3A_595, %get3A_596] {strides = array<i32>} : memref<32x1024xf32, #tpu.memory_space<vmem>>, vector<1x16xf32>,
              %get3A_598 = vector.shape_cast %get3A_597 : vector<1x16xf32> to vector<16xf32>
              %mul3A_599 = arith.mulf %select_n3A_418, %get3A_592 : vector<16xf32>
              %add3A_600 = arith.addf %get3A_598, %mul3A_599 : vector<16xf32>
              %mul3A_601 = arith.constant 16 : i32
              %mul3A_602 = arith.muli %scan3A_586, %mul3A_601 : i32
              %swap3A_603 = arith.index_cast %convert_element_type3A_381 : i32 to index
              %swap3A_604 = arith.index_cast %mul3A_602 : i32 to index
              %swap3A_605 = tpu.vector_load %arg17[%swap3A_603, %swap3A_604] {strides = array<i32>} : memref<32x1024xf32, #tpu.memory_space<vmem>>, vector<1x16xf32>,
              %swap3A_606 = vector.shape_cast %swap3A_605 : vector<1x16xf32> to vector<16xf32>
              %swap3A_607 = vector.shape_cast %add3A_600 : vector<16xf32> to vector<1x16xf32>
              tpu.vector_store %arg17[%swap3A_603, %swap3A_604], %swap3A_607 {strides = array<i32>} : memref<32x1024xf32, #tpu.memory_space<vmem>>, vector<1x16xf32>,
              %scan3A_608 = arith.constant 0 : i32
              %scan3A_609 = arith.constant 7 : i32
              %scan3A_610 = arith.addi %scan3A_441, %scan3A_609 : i32
              %mul3A_611 = arith.constant 16 : i32
              %mul3A_612 = arith.muli %scan3A_610, %mul3A_611 : i32
              %get3A_613 = arith.index_cast %scan3A_369 : i32 to index
              %get3A_614 = arith.index_cast %mul3A_612 : i32 to index
              %get3A_615 = tpu.vector_load %arg14[%get3A_613, %get3A_614] {strides = array<i32>} : memref<16x1024xf32, #tpu.memory_space<vmem>>, vector<1x16xf32>,
              %get3A_616 = vector.shape_cast %get3A_615 : vector<1x16xf32> to vector<16xf32>
              %mul3A_617 = arith.constant 16 : i32
              %mul3A_618 = arith.muli %scan3A_610, %mul3A_617 : i32
              %get3A_619 = arith.index_cast %convert_element_type3A_381 : i32 to index
              %get3A_620 = arith.index_cast %mul3A_618 : i32 to index
              %get3A_621 = tpu.vector_load %arg17[%get3A_619, %get3A_620] {strides = array<i32>} : memref<32x1024xf32, #tpu.memory_space<vmem>>, vector<1x16xf32>,
              %get3A_622 = vector.shape_cast %get3A_621 : vector<1x16xf32> to vector<16xf32>
              %mul3A_623 = arith.mulf %select_n3A_418, %get3A_616 : vector<16xf32>
              %add3A_624 = arith.addf %get3A_622, %mul3A_623 : vector<16xf32>
              %mul3A_625 = arith.constant 16 : i32
              %mul3A_626 = arith.muli %scan3A_610, %mul3A_625 : i32
              %swap3A_627 = arith.index_cast %convert_element_type3A_381 : i32 to index
              %swap3A_628 = arith.index_cast %mul3A_626 : i32 to index
              %swap3A_629 = tpu.vector_load %arg17[%swap3A_627, %swap3A_628] {strides = array<i32>} : memref<32x1024xf32, #tpu.memory_space<vmem>>, vector<1x16xf32>,
              %swap3A_630 = vector.shape_cast %swap3A_629 : vector<1x16xf32> to vector<16xf32>
              %swap3A_631 = vector.shape_cast %add3A_624 : vector<16xf32> to vector<1x16xf32>
              tpu.vector_store %arg17[%swap3A_627, %swap3A_628], %swap3A_631 {strides = array<i32>} : memref<32x1024xf32, #tpu.memory_space<vmem>>, vector<1x16xf32>,
              %scan3A_632 = arith.constant 0 : i32
              scf.yield %scan3A_632 : i32
            }
            %scan3A_425 = arith.constant 64 : i32
            %get3A_426 = arith.index_cast %convert_element_type3A_381 : i32 to index
            %get3A_427 = arith.constant 0 : index
            %get3A_428 = tpu.vector_load %arg18[%get3A_426, %get3A_427] {strides = array<i32>} : memref<32x128xf32, #tpu.memory_space<vmem>>, vector<1x16xf32>,
            %get3A_429 = vector.shape_cast %get3A_428 : vector<1x16xf32> to vector<16xf32>
            %eq3A = arith.constant 0 : i32
            %eq3A_430 = vector.broadcast %eq3A : i32 to vector<16xi32>
            %eq3A_431 = arith.cmpi eq, %iota3A, %eq3A_430 : vector<16xi32>
            %jit3A_432 = arith.constant 0.000000e+00 : f32
            %broadcast_in_dim3A_433 = vector.broadcast %jit3A_432 : f32 to vector<16xf32>
            %select_n3A_434 = arith.select %eq3A_431, %select_n3A_418, %broadcast_in_dim3A_433 : vector<16xi1>, vector<16xf32>
            %add3A_435 = arith.addf %get3A_429, %select_n3A_434 : vector<16xf32>
            %swap3A = arith.index_cast %convert_element_type3A_381 : i32 to index
            %swap3A_436 = arith.constant 0 : index
            %swap3A_437 = tpu.vector_load %arg18[%swap3A, %swap3A_436] {strides = array<i32>} : memref<32x128xf32, #tpu.memory_space<vmem>>, vector<1x16xf32>,
            %swap3A_438 = vector.shape_cast %swap3A_437 : vector<1x16xf32> to vector<16xf32>
            %swap3A_439 = vector.shape_cast %add3A_435 : vector<16xf32> to vector<1x16xf32>
            tpu.vector_store %arg18[%swap3A, %swap3A_436], %swap3A_439 {strides = array<i32>} : memref<32x128xf32, #tpu.memory_space<vmem>>, vector<1x16xf32>,
            %scan3A_440 = arith.constant 0 : i32
            scf.yield %scan3A_440 : i32
          }
          %scan3A_368 = arith.constant 16 : i32
        } else {
        }
        %add3A_288 = arith.constant 2 : i32
        %add3A_289 = arith.addi %mul3A_229, %add3A_288 : i32
        %mul3A_290 = arith.constant 16 : i32
        %mul3A_291 = arith.muli %add3A_289, %mul3A_290 : i32
        %add3A_292 = arith.addi %convert_element_type3A_47, %mul3A_291 : i32
        %add3A_293 = arith.constant 16 : i32
        %add3A_294 = arith.addi %add3A_292, %add3A_293 : i32
        %add3A_295 = arith.constant 2048 : i32
        %add3A_296 = arith.addi %select_n3A_267, %add3A_295 : i32
        %gt3A_297 = arith.cmpi sgt, %add3A_294, %add3A_296 : i32
        %lt3A_298 = arith.cmpi slt, %add3A_289, %select_n3A_121 : i32
        %and3A_299 = arith.andi %gt3A_297, %lt3A_298 : i1
        %jit3A_300 = arith.constant 8 : i32
        %div3A_301 = arith.divsi %add3A_292, %jit3A_300 : i32
        %sign3A_302 = arith.constant 0 : i32
        %sign3A_303 = arith.cmpi sgt, %add3A_292, %sign3A_302 : i32
        %sign3A_304 = arith.extui %sign3A_303 : i1 to i32
        %sign3A_305 = arith.constant 0 : i32
        %sign3A_306 = arith.cmpi slt, %add3A_292, %sign3A_305 : i32
        %sign3A_307 = arith.extui %sign3A_306 : i1 to i32
        %sign3A_308 = arith.subi %sign3A_304, %sign3A_307 : i32
        %sign3A_309 = arith.constant 0 : i32
        %sign3A_310 = arith.cmpi sgt, %jit3A_300, %sign3A_309 : i32
        %sign3A_311 = arith.extui %sign3A_310 : i1 to i32
        %sign3A_312 = arith.constant 0 : i32
        %sign3A_313 = arith.cmpi slt, %jit3A_300, %sign3A_312 : i32
        %sign3A_314 = arith.extui %sign3A_313 : i1 to i32
        %sign3A_315 = arith.subi %sign3A_311, %sign3A_314 : i32
        %ne3A_316 = arith.cmpi ne, %sign3A_308, %sign3A_315 : i32
        %rem3A_317 = arith.remsi %add3A_292, %jit3A_300 : i32
        %ne3A_318 = arith.constant 0 : i32
        %ne3A_319 = arith.cmpi ne, %rem3A_317, %ne3A_318 : i32
        %and3A_320 = arith.andi %ne3A_316, %ne3A_319 : i1
        %sub3A_321 = arith.constant 1 : i32
        %sub3A_322 = arith.subi %div3A_301, %sub3A_321 : i32
        %select_n3A_323 = arith.select %and3A_320, %sub3A_322, %div3A_301 : i32
        %mul3A_324 = arith.constant 8 : i32
        %mul3A_325 = arith.muli %select_n3A_323, %mul3A_324 : i32
        %select_n3A_326 = arith.select %and3A_299, %mul3A_325, %select_n3A_267 : i32
        %convert_element_type3A_327 = arith.extui %and3A_299 : i1 to i32
        %cond3A_328 = arith.constant 0 : i32
        %cond3A_329 = arith.cmpi ne, %convert_element_type3A_327, %cond3A_328 : i32
        scf.if %cond3A_329 {
          %multiple_of3A_347 = tpu.assume_multiple %select_n3A_326, 8 : i32
          "tpu.region"() ({
            %run_scoped3A = tpu.sem_alloc : memref<!tpu.dma_semaphore, #tpu.memory_space<semaphore_mem>>
            %dma_start3A_348 = tpu.memref_slice %arg5[%multiple_of3A_347] : memref<327680xi32, #tpu.memory_space<hbm>> -> memref<2048xi32, #tpu.memory_space<hbm>>
            %dma_start3A_349 = tpu.memref_slice %arg5[%multiple_of3A_347] : memref<327680xi32, #tpu.memory_space<hbm>> -> memref<2048xi32, #tpu.memory_space<hbm>>
            tpu.enqueue_dma source(%dma_start3A_349 : memref<2048xi32, #tpu.memory_space<hbm>>) target(%arg10 : memref<2048xi32, #tpu.memory_space<vmem>>) target_semaphore(%run_scoped3A : memref<!tpu.dma_semaphore, #tpu.memory_space<semaphore_mem>>)
            %dma_wait3A_350 = tpu.memref_slice %arg5[%multiple_of3A_347] : memref<327680xi32, #tpu.memory_space<hbm>> -> memref<2048xi32, #tpu.memory_space<hbm>>
            %dma_wait3A_351 = tpu.memref_slice %arg5[%multiple_of3A_347] : memref<327680xi32, #tpu.memory_space<hbm>> -> memref<2048xi32, #tpu.memory_space<hbm>>
            tpu.wait_dma2 semaphore(%run_scoped3A : memref<!tpu.dma_semaphore, #tpu.memory_space<semaphore_mem>>) src(%dma_wait3A_351 : memref<2048xi32, #tpu.memory_space<hbm>>) dst(%arg10 : memref<2048xi32, #tpu.memory_space<vmem>>)
            tpu.yield
          }) : () -> ()
          "tpu.region"() ({
            %run_scoped3A = tpu.sem_alloc : memref<!tpu.dma_semaphore, #tpu.memory_space<semaphore_mem>>
            %dma_start3A_348 = tpu.memref_slice %arg6[%multiple_of3A_347] : memref<327680xi32, #tpu.memory_space<hbm>> -> memref<2048xi32, #tpu.memory_space<hbm>>
            %dma_start3A_349 = tpu.memref_slice %arg6[%multiple_of3A_347] : memref<327680xi32, #tpu.memory_space<hbm>> -> memref<2048xi32, #tpu.memory_space<hbm>>
            tpu.enqueue_dma source(%dma_start3A_349 : memref<2048xi32, #tpu.memory_space<hbm>>) target(%arg11 : memref<2048xi32, #tpu.memory_space<vmem>>) target_semaphore(%run_scoped3A : memref<!tpu.dma_semaphore, #tpu.memory_space<semaphore_mem>>)
            %dma_wait3A_350 = tpu.memref_slice %arg6[%multiple_of3A_347] : memref<327680xi32, #tpu.memory_space<hbm>> -> memref<2048xi32, #tpu.memory_space<hbm>>
            %dma_wait3A_351 = tpu.memref_slice %arg6[%multiple_of3A_347] : memref<327680xi32, #tpu.memory_space<hbm>> -> memref<2048xi32, #tpu.memory_space<hbm>>
            tpu.wait_dma2 semaphore(%run_scoped3A : memref<!tpu.dma_semaphore, #tpu.memory_space<semaphore_mem>>) src(%dma_wait3A_351 : memref<2048xi32, #tpu.memory_space<hbm>>) dst(%arg11 : memref<2048xi32, #tpu.memory_space<vmem>>)
            tpu.yield
          }) : () -> ()
        } else {
        }
        %sub3A_330 = arith.subi %add3A_292, %select_n3A_326 : i32
        %min3A_331 = arith.constant 2032 : i32
        %min3A_332 = arith.minsi %sub3A_330, %min3A_331 : i32
        %get3A_333 = arith.index_cast %min3A_332 : i32 to index
        %get3A_334 = tpu.vector_load %arg10[%get3A_333] {strides = array<i32>} : memref<2048xi32, #tpu.memory_space<vmem>>, vector<16xi32>,
        %get3A_335 = vector.shape_cast %get3A_334 : vector<16xi32> to vector<16xi32>
        %get3A_336 = arith.index_cast %min3A_332 : i32 to index
        %get3A_337 = tpu.vector_load %arg11[%get3A_336] {strides = array<i32>} : memref<2048xi32, #tpu.memory_space<vmem>>, vector<16xi32>,
        %get3A_338 = vector.shape_cast %get3A_337 : vector<16xi32> to vector<16xi32>
        %lt3A_339 = arith.cmpi slt, %add3A_289, %select_n3A_121 : i32
        %convert_element_type3A_340 = arith.extui %lt3A_339 : i1 to i32
        %cond3A_341 = arith.constant 0 : i32
        %cond3A_342 = arith.cmpi ne, %convert_element_type3A_340, %cond3A_341 : i32
        scf.if %cond3A_342 {
          %min3A_347 = arith.constant 9999 : i32
          %min3A_348 = vector.broadcast %min3A_347 : i32 to vector<16xi32>
          %min3A_349 = arith.minsi %get3A_335, %min3A_348 : vector<16xi32>
          %swap3A = arith.constant 0 : index
          %swap3A_350 = tpu.vector_load %arg19[%swap3A] {strides = array<i32>} : memref<16xi32, #tpu.memory_space<vmem>>, vector<16xi32>,
          %swap3A_351 = vector.shape_cast %swap3A_350 : vector<16xi32> to vector<16xi32>
          %swap3A_352 = vector.shape_cast %min3A_349 : vector<16xi32> to vector<16xi32>
          tpu.vector_store %arg19[%swap3A], %swap3A_352 {strides = array<i32>} : memref<16xi32, #tpu.memory_space<vmem>>, vector<16xi32>,
          %dma_start3A_353 = arith.constant 0 : i32
          %dma_start3A_354 = arith.constant 0 : i32
          %dma_start3A_355 = tpu.memref_slice %arg2[%dma_start3A_353, %dma_start3A_354] : memref<10240x1024xf32, #tpu.memory_space<hbm>> -> memref<10240x1024xf32, #tpu.memory_space<hbm>>
          tpu.enqueue_indirect_dma source(%dma_start3A_355 : memref<10240x1024xf32, #tpu.memory_space<hbm>>) target(%arg14 : memref<16x1024xf32, #tpu.memory_space<vmem>>) offsets(%arg19 : memref<16xi32, #tpu.memory_space<vmem>>) semaphore(%arg21 : memref<!tpu.dma_semaphore, #tpu.memory_space<semaphore_mem>>)
        } else {
        }
        %lt3A_343 = arith.cmpi slt, %add3A_231, %select_n3A_121 : i32
        %convert_element_type3A_344 = arith.extui %lt3A_343 : i1 to i32
        %cond3A_345 = arith.constant 0 : i32
        %cond3A_346 = arith.cmpi ne, %convert_element_type3A_344, %cond3A_345 : i32
        scf.if %cond3A_346 {
          %dma_wait3A_347 = arith.constant 0 : i32
          %dma_wait3A_348 = arith.constant 0 : i32
          %dma_wait3A_349 = tpu.memref_slice %arg2[%dma_wait3A_347, %dma_wait3A_348] : memref<10240x1024xf32, #tpu.memory_space<hbm>> -> memref<10240x1024xf32, #tpu.memory_space<hbm>>
          tpu.wait_indirect_dma semaphore(%arg22 : memref<!tpu.dma_semaphore, #tpu.memory_space<semaphore_mem>>) src(%dma_wait3A_349 : memref<10240x1024xf32, #tpu.memory_space<hbm>>) dst(%arg15 : memref<16x1024xf32, #tpu.memory_space<vmem>>)
          %mul3A_350 = arith.constant 16 : i32
          %mul3A_351 = arith.muli %add3A_231, %mul3A_350 : i32
          %add3A_352 = arith.addi %convert_element_type3A_47, %mul3A_351 : i32
          %sub3A_353 = arith.subi %convert_element_type3A_92, %add3A_352 : i32
          %sub3A_354 = vector.broadcast %add3A_14 : i32 to vector<16xi32>
          %sub3A_355 = arith.subi %get3A_279, %sub3A_354 : vector<16xi32>
          %jit3A_356 = arith.constant 0 : i32
          %jit3A_357 = arith.constant 31 : i32
          %max3A = vector.broadcast %jit3A_356 : i32 to vector<16xi32>
          %max3A_358 = arith.maxsi %max3A, %sub3A_355 : vector<16xi32>
          %min3A_359 = vector.broadcast %jit3A_357 : i32 to vector<16xi32>
          %min3A_360 = arith.minsi %min3A_359, %max3A_358 : vector<16xi32>
          %convert_element_type3A_361 = arith.sitofp %min3A_360 : vector<16xi32> to vector<16xf32>
          %scan3A_362 = arith.constant 0 : i32
          %scan3A_363 = arith.constant 0 : i32
          %scan3A_364 = arith.constant 16 : i32
          %scan3A_365 = arith.addi %scan3A_363, %scan3A_364 : i32
          %scan3A_366 = arith.constant 1 : i32
          %scan3A_367 = scf.for %scan3A_369 = %scan3A_363 to %scan3A_365 step %scan3A_366 iter_args(%scan3A_370 = %scan3A_362) -> (i32)  : i32 {
            %add3A_371 = vector.broadcast %scan3A_369 : i32 to vector<16xi32>
            %add3A_372 = arith.addi %iota3A, %add3A_371 : vector<16xi32>
            %and3A_373 = arith.constant 15 : i32
            %and3A_374 = vector.broadcast %and3A_373 : i32 to vector<16xi32>
            %and3A_375 = arith.andi %add3A_372, %and3A_374 : vector<16xi32>
            %broadcast_in_dim3A_376 = vector.shape_cast %and3A_375 : vector<16xi32> to vector<16x1xi32>
            %gather3A_377 = vector.shape_cast %broadcast_in_dim3A_376 : vector<16x1xi32> to vector<16xi32>
            %gather3A_378 = tpu.dynamic_gather %convert_element_type3A_361[%gather3A_377] in [0] : vector<16xf32>, vector<16xi32> -> vector<16xf32>
            %slice3A_379 = vector.extract_strided_slice %gather3A_378 {offsets = [0], sizes = [1], strides = [1]} : vector<16xf32> to vector<1xf32>
            %squeeze3A_380 = vector.extract %slice3A_379[0] : f32 from vector<1xf32>
            %convert_element_type3A_381 = arith.fptosi %squeeze3A_380 : f32 to i32
            %scan3A_382 = arith.constant 0 : i32
            %scan3A_383 = arith.constant 64 : i32
            %scan3A_384 = arith.addi %scan3A_382, %scan3A_383 : i32
            %scan3A_385 = arith.constant 8 : i32
            %scan3A_386 = scf.for %scan3A_441 = %scan3A_382 to %scan3A_384 step %scan3A_385 iter_args(%scan3A_442 = %broadcast_in_dim3A_3) -> (vector<16xf32>)  : i32 {
              %mul3A_443 = arith.constant 16 : i32
              %mul3A_444 = arith.muli %scan3A_441, %mul3A_443 : i32
              %get3A_445 = arith.index_cast %scan3A_369 : i32 to index
              %get3A_446 = arith.index_cast %mul3A_444 : i32 to index
              %get3A_447 = tpu.vector_load %arg15[%get3A_445, %get3A_446] {strides = array<i32>} : memref<16x1024xf32, #tpu.memory_space<vmem>>, vector<1x16xf32>,
              %get3A_448 = vector.shape_cast %get3A_447 : vector<1x16xf32> to vector<16xf32>
              %mul3A_449 = arith.constant 16 : i32
              %mul3A_450 = arith.muli %scan3A_441, %mul3A_449 : i32
              %get3A_451 = arith.index_cast %convert_element_type3A_381 : i32 to index
              %get3A_452 = arith.index_cast %mul3A_450 : i32 to index
              %get3A_453 = tpu.vector_load %arg16[%get3A_451, %get3A_452] {strides = array<i32>} : memref<32x1024xf32, #tpu.memory_space<vmem>>, vector<1x16xf32>,
              %get3A_454 = vector.shape_cast %get3A_453 : vector<1x16xf32> to vector<16xf32>
              %mul3A_455 = arith.constant 16 : i32
              %mul3A_456 = arith.muli %scan3A_441, %mul3A_455 : i32
              %get3A_457 = arith.index_cast %mul3A_456 : i32 to index
              %get3A_458 = tpu.vector_load %arg12[%get3A_457] {strides = array<i32>} : memref<1024xf32, #tpu.memory_space<vmem>>, vector<16xf32>,
              %get3A_459 = vector.shape_cast %get3A_458 : vector<16xf32> to vector<16xf32>
              %add3A_460 = arith.addf %get3A_448, %get3A_454 : vector<16xf32>
              %mul3A_461 = arith.constant 2.000000e-01 : f32
              %mul3A_462 = vector.broadcast %mul3A_461 : f32 to vector<16xf32>
              %mul3A_463 = arith.mulf %mul3A_462, %add3A_460 : vector<16xf32>
              %max3A_464 = arith.maximumf %add3A_460, %mul3A_463 : vector<16xf32>
              %mul3A_465 = arith.mulf %max3A_464, %get3A_459 : vector<16xf32>
              %add3A_466 = arith.addf %scan3A_442, %mul3A_465 : vector<16xf32>
              %scan3A_467 = arith.constant 1 : i32
              %scan3A_468 = arith.addi %scan3A_441, %scan3A_467 : i32
              %mul3A_469 = arith.constant 16 : i32
              %mul3A_470 = arith.muli %scan3A_468, %mul3A_469 : i32
              %get3A_471 = arith.index_cast %scan3A_369 : i32 to index
              %get3A_472 = arith.index_cast %mul3A_470 : i32 to index
              %get3A_473 = tpu.vector_load %arg15[%get3A_471, %get3A_472] {strides = array<i32>} : memref<16x1024xf32, #tpu.memory_space<vmem>>, vector<1x16xf32>,
              %get3A_474 = vector.shape_cast %get3A_473 : vector<1x16xf32> to vector<16xf32>
              %mul3A_475 = arith.constant 16 : i32
              %mul3A_476 = arith.muli %scan3A_468, %mul3A_475 : i32
              %get3A_477 = arith.index_cast %convert_element_type3A_381 : i32 to index
              %get3A_478 = arith.index_cast %mul3A_476 : i32 to index
              %get3A_479 = tpu.vector_load %arg16[%get3A_477, %get3A_478] {strides = array<i32>} : memref<32x1024xf32, #tpu.memory_space<vmem>>, vector<1x16xf32>,
              %get3A_480 = vector.shape_cast %get3A_479 : vector<1x16xf32> to vector<16xf32>
              %mul3A_481 = arith.constant 16 : i32
              %mul3A_482 = arith.muli %scan3A_468, %mul3A_481 : i32
              %get3A_483 = arith.index_cast %mul3A_482 : i32 to index
              %get3A_484 = tpu.vector_load %arg12[%get3A_483] {strides = array<i32>} : memref<1024xf32, #tpu.memory_space<vmem>>, vector<16xf32>,
              %get3A_485 = vector.shape_cast %get3A_484 : vector<16xf32> to vector<16xf32>
              %add3A_486 = arith.addf %get3A_474, %get3A_480 : vector<16xf32>
              %mul3A_487 = arith.constant 2.000000e-01 : f32
              %mul3A_488 = vector.broadcast %mul3A_487 : f32 to vector<16xf32>
              %mul3A_489 = arith.mulf %mul3A_488, %add3A_486 : vector<16xf32>
              %max3A_490 = arith.maximumf %add3A_486, %mul3A_489 : vector<16xf32>
              %mul3A_491 = arith.mulf %max3A_490, %get3A_485 : vector<16xf32>
              %add3A_492 = arith.addf %add3A_466, %mul3A_491 : vector<16xf32>
              %scan3A_493 = arith.constant 2 : i32
              %scan3A_494 = arith.addi %scan3A_441, %scan3A_493 : i32
              %mul3A_495 = arith.constant 16 : i32
              %mul3A_496 = arith.muli %scan3A_494, %mul3A_495 : i32
              %get3A_497 = arith.index_cast %scan3A_369 : i32 to index
              %get3A_498 = arith.index_cast %mul3A_496 : i32 to index
              %get3A_499 = tpu.vector_load %arg15[%get3A_497, %get3A_498] {strides = array<i32>} : memref<16x1024xf32, #tpu.memory_space<vmem>>, vector<1x16xf32>,
              %get3A_500 = vector.shape_cast %get3A_499 : vector<1x16xf32> to vector<16xf32>
              %mul3A_501 = arith.constant 16 : i32
              %mul3A_502 = arith.muli %scan3A_494, %mul3A_501 : i32
              %get3A_503 = arith.index_cast %convert_element_type3A_381 : i32 to index
              %get3A_504 = arith.index_cast %mul3A_502 : i32 to index
              %get3A_505 = tpu.vector_load %arg16[%get3A_503, %get3A_504] {strides = array<i32>} : memref<32x1024xf32, #tpu.memory_space<vmem>>, vector<1x16xf32>,
              %get3A_506 = vector.shape_cast %get3A_505 : vector<1x16xf32> to vector<16xf32>
              %mul3A_507 = arith.constant 16 : i32
              %mul3A_508 = arith.muli %scan3A_494, %mul3A_507 : i32
              %get3A_509 = arith.index_cast %mul3A_508 : i32 to index
              %get3A_510 = tpu.vector_load %arg12[%get3A_509] {strides = array<i32>} : memref<1024xf32, #tpu.memory_space<vmem>>, vector<16xf32>,
              %get3A_511 = vector.shape_cast %get3A_510 : vector<16xf32> to vector<16xf32>
              %add3A_512 = arith.addf %get3A_500, %get3A_506 : vector<16xf32>
              %mul3A_513 = arith.constant 2.000000e-01 : f32
              %mul3A_514 = vector.broadcast %mul3A_513 : f32 to vector<16xf32>
              %mul3A_515 = arith.mulf %mul3A_514, %add3A_512 : vector<16xf32>
              %max3A_516 = arith.maximumf %add3A_512, %mul3A_515 : vector<16xf32>
              %mul3A_517 = arith.mulf %max3A_516, %get3A_511 : vector<16xf32>
              %add3A_518 = arith.addf %add3A_492, %mul3A_517 : vector<16xf32>
              %scan3A_519 = arith.constant 3 : i32
              %scan3A_520 = arith.addi %scan3A_441, %scan3A_519 : i32
              %mul3A_521 = arith.constant 16 : i32
              %mul3A_522 = arith.muli %scan3A_520, %mul3A_521 : i32
              %get3A_523 = arith.index_cast %scan3A_369 : i32 to index
              %get3A_524 = arith.index_cast %mul3A_522 : i32 to index
              %get3A_525 = tpu.vector_load %arg15[%get3A_523, %get3A_524] {strides = array<i32>} : memref<16x1024xf32, #tpu.memory_space<vmem>>, vector<1x16xf32>,
              %get3A_526 = vector.shape_cast %get3A_525 : vector<1x16xf32> to vector<16xf32>
              %mul3A_527 = arith.constant 16 : i32
              %mul3A_528 = arith.muli %scan3A_520, %mul3A_527 : i32
              %get3A_529 = arith.index_cast %convert_element_type3A_381 : i32 to index
              %get3A_530 = arith.index_cast %mul3A_528 : i32 to index
              %get3A_531 = tpu.vector_load %arg16[%get3A_529, %get3A_530] {strides = array<i32>} : memref<32x1024xf32, #tpu.memory_space<vmem>>, vector<1x16xf32>,
              %get3A_532 = vector.shape_cast %get3A_531 : vector<1x16xf32> to vector<16xf32>
              %mul3A_533 = arith.constant 16 : i32
              %mul3A_534 = arith.muli %scan3A_520, %mul3A_533 : i32
              %get3A_535 = arith.index_cast %mul3A_534 : i32 to index
              %get3A_536 = tpu.vector_load %arg12[%get3A_535] {strides = array<i32>} : memref<1024xf32, #tpu.memory_space<vmem>>, vector<16xf32>,
              %get3A_537 = vector.shape_cast %get3A_536 : vector<16xf32> to vector<16xf32>
              %add3A_538 = arith.addf %get3A_526, %get3A_532 : vector<16xf32>
              %mul3A_539 = arith.constant 2.000000e-01 : f32
              %mul3A_540 = vector.broadcast %mul3A_539 : f32 to vector<16xf32>
              %mul3A_541 = arith.mulf %mul3A_540, %add3A_538 : vector<16xf32>
              %max3A_542 = arith.maximumf %add3A_538, %mul3A_541 : vector<16xf32>
              %mul3A_543 = arith.mulf %max3A_542, %get3A_537 : vector<16xf32>
              %add3A_544 = arith.addf %add3A_518, %mul3A_543 : vector<16xf32>
              %scan3A_545 = arith.constant 4 : i32
              %scan3A_546 = arith.addi %scan3A_441, %scan3A_545 : i32
              %mul3A_547 = arith.constant 16 : i32
              %mul3A_548 = arith.muli %scan3A_546, %mul3A_547 : i32
              %get3A_549 = arith.index_cast %scan3A_369 : i32 to index
              %get3A_550 = arith.index_cast %mul3A_548 : i32 to index
              %get3A_551 = tpu.vector_load %arg15[%get3A_549, %get3A_550] {strides = array<i32>} : memref<16x1024xf32, #tpu.memory_space<vmem>>, vector<1x16xf32>,
              %get3A_552 = vector.shape_cast %get3A_551 : vector<1x16xf32> to vector<16xf32>
              %mul3A_553 = arith.constant 16 : i32
              %mul3A_554 = arith.muli %scan3A_546, %mul3A_553 : i32
              %get3A_555 = arith.index_cast %convert_element_type3A_381 : i32 to index
              %get3A_556 = arith.index_cast %mul3A_554 : i32 to index
              %get3A_557 = tpu.vector_load %arg16[%get3A_555, %get3A_556] {strides = array<i32>} : memref<32x1024xf32, #tpu.memory_space<vmem>>, vector<1x16xf32>,
              %get3A_558 = vector.shape_cast %get3A_557 : vector<1x16xf32> to vector<16xf32>
              %mul3A_559 = arith.constant 16 : i32
              %mul3A_560 = arith.muli %scan3A_546, %mul3A_559 : i32
              %get3A_561 = arith.index_cast %mul3A_560 : i32 to index
              %get3A_562 = tpu.vector_load %arg12[%get3A_561] {strides = array<i32>} : memref<1024xf32, #tpu.memory_space<vmem>>, vector<16xf32>,
              %get3A_563 = vector.shape_cast %get3A_562 : vector<16xf32> to vector<16xf32>
              %add3A_564 = arith.addf %get3A_552, %get3A_558 : vector<16xf32>
              %mul3A_565 = arith.constant 2.000000e-01 : f32
              %mul3A_566 = vector.broadcast %mul3A_565 : f32 to vector<16xf32>
              %mul3A_567 = arith.mulf %mul3A_566, %add3A_564 : vector<16xf32>
              %max3A_568 = arith.maximumf %add3A_564, %mul3A_567 : vector<16xf32>
              %mul3A_569 = arith.mulf %max3A_568, %get3A_563 : vector<16xf32>
              %add3A_570 = arith.addf %add3A_544, %mul3A_569 : vector<16xf32>
              %scan3A_571 = arith.constant 5 : i32
              %scan3A_572 = arith.addi %scan3A_441, %scan3A_571 : i32
              %mul3A_573 = arith.constant 16 : i32
              %mul3A_574 = arith.muli %scan3A_572, %mul3A_573 : i32
              %get3A_575 = arith.index_cast %scan3A_369 : i32 to index
              %get3A_576 = arith.index_cast %mul3A_574 : i32 to index
              %get3A_577 = tpu.vector_load %arg15[%get3A_575, %get3A_576] {strides = array<i32>} : memref<16x1024xf32, #tpu.memory_space<vmem>>, vector<1x16xf32>,
              %get3A_578 = vector.shape_cast %get3A_577 : vector<1x16xf32> to vector<16xf32>
              %mul3A_579 = arith.constant 16 : i32
              %mul3A_580 = arith.muli %scan3A_572, %mul3A_579 : i32
              %get3A_581 = arith.index_cast %convert_element_type3A_381 : i32 to index
              %get3A_582 = arith.index_cast %mul3A_580 : i32 to index
              %get3A_583 = tpu.vector_load %arg16[%get3A_581, %get3A_582] {strides = array<i32>} : memref<32x1024xf32, #tpu.memory_space<vmem>>, vector<1x16xf32>,
              %get3A_584 = vector.shape_cast %get3A_583 : vector<1x16xf32> to vector<16xf32>
              %mul3A_585 = arith.constant 16 : i32
              %mul3A_586 = arith.muli %scan3A_572, %mul3A_585 : i32
              %get3A_587 = arith.index_cast %mul3A_586 : i32 to index
              %get3A_588 = tpu.vector_load %arg12[%get3A_587] {strides = array<i32>} : memref<1024xf32, #tpu.memory_space<vmem>>, vector<16xf32>,
              %get3A_589 = vector.shape_cast %get3A_588 : vector<16xf32> to vector<16xf32>
              %add3A_590 = arith.addf %get3A_578, %get3A_584 : vector<16xf32>
              %mul3A_591 = arith.constant 2.000000e-01 : f32
              %mul3A_592 = vector.broadcast %mul3A_591 : f32 to vector<16xf32>
              %mul3A_593 = arith.mulf %mul3A_592, %add3A_590 : vector<16xf32>
              %max3A_594 = arith.maximumf %add3A_590, %mul3A_593 : vector<16xf32>
              %mul3A_595 = arith.mulf %max3A_594, %get3A_589 : vector<16xf32>
              %add3A_596 = arith.addf %add3A_570, %mul3A_595 : vector<16xf32>
              %scan3A_597 = arith.constant 6 : i32
              %scan3A_598 = arith.addi %scan3A_441, %scan3A_597 : i32
              %mul3A_599 = arith.constant 16 : i32
              %mul3A_600 = arith.muli %scan3A_598, %mul3A_599 : i32
              %get3A_601 = arith.index_cast %scan3A_369 : i32 to index
              %get3A_602 = arith.index_cast %mul3A_600 : i32 to index
              %get3A_603 = tpu.vector_load %arg15[%get3A_601, %get3A_602] {strides = array<i32>} : memref<16x1024xf32, #tpu.memory_space<vmem>>, vector<1x16xf32>,
              %get3A_604 = vector.shape_cast %get3A_603 : vector<1x16xf32> to vector<16xf32>
              %mul3A_605 = arith.constant 16 : i32
              %mul3A_606 = arith.muli %scan3A_598, %mul3A_605 : i32
              %get3A_607 = arith.index_cast %convert_element_type3A_381 : i32 to index
              %get3A_608 = arith.index_cast %mul3A_606 : i32 to index
              %get3A_609 = tpu.vector_load %arg16[%get3A_607, %get3A_608] {strides = array<i32>} : memref<32x1024xf32, #tpu.memory_space<vmem>>, vector<1x16xf32>,
              %get3A_610 = vector.shape_cast %get3A_609 : vector<1x16xf32> to vector<16xf32>
              %mul3A_611 = arith.constant 16 : i32
              %mul3A_612 = arith.muli %scan3A_598, %mul3A_611 : i32
              %get3A_613 = arith.index_cast %mul3A_612 : i32 to index
              %get3A_614 = tpu.vector_load %arg12[%get3A_613] {strides = array<i32>} : memref<1024xf32, #tpu.memory_space<vmem>>, vector<16xf32>,
              %get3A_615 = vector.shape_cast %get3A_614 : vector<16xf32> to vector<16xf32>
              %add3A_616 = arith.addf %get3A_604, %get3A_610 : vector<16xf32>
              %mul3A_617 = arith.constant 2.000000e-01 : f32
              %mul3A_618 = vector.broadcast %mul3A_617 : f32 to vector<16xf32>
              %mul3A_619 = arith.mulf %mul3A_618, %add3A_616 : vector<16xf32>
              %max3A_620 = arith.maximumf %add3A_616, %mul3A_619 : vector<16xf32>
              %mul3A_621 = arith.mulf %max3A_620, %get3A_615 : vector<16xf32>
              %add3A_622 = arith.addf %add3A_596, %mul3A_621 : vector<16xf32>
              %scan3A_623 = arith.constant 7 : i32
              %scan3A_624 = arith.addi %scan3A_441, %scan3A_623 : i32
              %mul3A_625 = arith.constant 16 : i32
              %mul3A_626 = arith.muli %scan3A_624, %mul3A_625 : i32
              %get3A_627 = arith.index_cast %scan3A_369 : i32 to index
              %get3A_628 = arith.index_cast %mul3A_626 : i32 to index
              %get3A_629 = tpu.vector_load %arg15[%get3A_627, %get3A_628] {strides = array<i32>} : memref<16x1024xf32, #tpu.memory_space<vmem>>, vector<1x16xf32>,
              %get3A_630 = vector.shape_cast %get3A_629 : vector<1x16xf32> to vector<16xf32>
              %mul3A_631 = arith.constant 16 : i32
              %mul3A_632 = arith.muli %scan3A_624, %mul3A_631 : i32
              %get3A_633 = arith.index_cast %convert_element_type3A_381 : i32 to index
              %get3A_634 = arith.index_cast %mul3A_632 : i32 to index
              %get3A_635 = tpu.vector_load %arg16[%get3A_633, %get3A_634] {strides = array<i32>} : memref<32x1024xf32, #tpu.memory_space<vmem>>, vector<1x16xf32>,
              %get3A_636 = vector.shape_cast %get3A_635 : vector<1x16xf32> to vector<16xf32>
              %mul3A_637 = arith.constant 16 : i32
              %mul3A_638 = arith.muli %scan3A_624, %mul3A_637 : i32
              %get3A_639 = arith.index_cast %mul3A_638 : i32 to index
              %get3A_640 = tpu.vector_load %arg12[%get3A_639] {strides = array<i32>} : memref<1024xf32, #tpu.memory_space<vmem>>, vector<16xf32>,
              %get3A_641 = vector.shape_cast %get3A_640 : vector<16xf32> to vector<16xf32>
              %add3A_642 = arith.addf %get3A_630, %get3A_636 : vector<16xf32>
              %mul3A_643 = arith.constant 2.000000e-01 : f32
              %mul3A_644 = vector.broadcast %mul3A_643 : f32 to vector<16xf32>
              %mul3A_645 = arith.mulf %mul3A_644, %add3A_642 : vector<16xf32>
              %max3A_646 = arith.maximumf %add3A_642, %mul3A_645 : vector<16xf32>
              %mul3A_647 = arith.mulf %max3A_646, %get3A_641 : vector<16xf32>
              %add3A_648 = arith.addf %add3A_622, %mul3A_647 : vector<16xf32>
              scf.yield %add3A_648 : vector<16xf32>
            }
            %scan3A_387 = arith.constant 64 : i32
            %xor3A = arith.constant 8 : i32
            %xor3A_388 = vector.broadcast %xor3A : i32 to vector<16xi32>
            %xor3A_389 = arith.xori %iota3A, %xor3A_388 : vector<16xi32>
            %broadcast_in_dim3A_390 = vector.shape_cast %xor3A_389 : vector<16xi32> to vector<16x1xi32>
            %gather3A_391 = vector.shape_cast %broadcast_in_dim3A_390 : vector<16x1xi32> to vector<16xi32>
            %gather3A_392 = tpu.dynamic_gather %scan3A_386[%gather3A_391] in [0] : vector<16xf32>, vector<16xi32> -> vector<16xf32>
            %add3A_393 = arith.addf %scan3A_386, %gather3A_392 : vector<16xf32>
            %xor3A_394 = arith.constant 4 : i32
            %xor3A_395 = vector.broadcast %xor3A_394 : i32 to vector<16xi32>
            %xor3A_396 = arith.xori %iota3A, %xor3A_395 : vector<16xi32>
            %broadcast_in_dim3A_397 = vector.shape_cast %xor3A_396 : vector<16xi32> to vector<16x1xi32>
            %gather3A_398 = vector.shape_cast %broadcast_in_dim3A_397 : vector<16x1xi32> to vector<16xi32>
            %gather3A_399 = tpu.dynamic_gather %add3A_393[%gather3A_398] in [0] : vector<16xf32>, vector<16xi32> -> vector<16xf32>
            %add3A_400 = arith.addf %add3A_393, %gather3A_399 : vector<16xf32>
            %xor3A_401 = arith.constant 2 : i32
            %xor3A_402 = vector.broadcast %xor3A_401 : i32 to vector<16xi32>
            %xor3A_403 = arith.xori %iota3A, %xor3A_402 : vector<16xi32>
            %broadcast_in_dim3A_404 = vector.shape_cast %xor3A_403 : vector<16xi32> to vector<16x1xi32>
            %gather3A_405 = vector.shape_cast %broadcast_in_dim3A_404 : vector<16x1xi32> to vector<16xi32>
            %gather3A_406 = tpu.dynamic_gather %add3A_400[%gather3A_405] in [0] : vector<16xf32>, vector<16xi32> -> vector<16xf32>
            %add3A_407 = arith.addf %add3A_400, %gather3A_406 : vector<16xf32>
            %xor3A_408 = arith.constant 1 : i32
            %xor3A_409 = vector.broadcast %xor3A_408 : i32 to vector<16xi32>
            %xor3A_410 = arith.xori %iota3A, %xor3A_409 : vector<16xi32>
            %broadcast_in_dim3A_411 = vector.shape_cast %xor3A_410 : vector<16xi32> to vector<16x1xi32>
            %gather3A_412 = vector.shape_cast %broadcast_in_dim3A_411 : vector<16x1xi32> to vector<16xi32>
            %gather3A_413 = tpu.dynamic_gather %add3A_407[%gather3A_412] in [0] : vector<16xf32>, vector<16xi32> -> vector<16xf32>
            %add3A_414 = arith.addf %add3A_407, %gather3A_413 : vector<16xf32>
            %exp3A = math.exp %add3A_414 : vector<16xf32>
            %lt3A_415 = arith.cmpi slt, %scan3A_369, %sub3A_353 : i32
            %jit3A_416 = arith.constant 0.000000e+00 : f32
            %broadcast_in_dim3A_417 = vector.broadcast %jit3A_416 : f32 to vector<16xf32>
            %select_n3A_418 = arith.select %lt3A_415, %exp3A, %broadcast_in_dim3A_417 : vector<16xf32>
            %scan3A_419 = arith.constant 0 : i32
            %scan3A_420 = arith.constant 0 : i32
            %scan3A_421 = arith.constant 64 : i32
            %scan3A_422 = arith.addi %scan3A_420, %scan3A_421 : i32
            %scan3A_423 = arith.constant 8 : i32
            %scan3A_424 = scf.for %scan3A_441 = %scan3A_420 to %scan3A_422 step %scan3A_423 iter_args(%scan3A_442 = %scan3A_419) -> (i32)  : i32 {
              %mul3A_443 = arith.constant 16 : i32
              %mul3A_444 = arith.muli %scan3A_441, %mul3A_443 : i32
              %get3A_445 = arith.index_cast %scan3A_369 : i32 to index
              %get3A_446 = arith.index_cast %mul3A_444 : i32 to index
              %get3A_447 = tpu.vector_load %arg15[%get3A_445, %get3A_446] {strides = array<i32>} : memref<16x1024xf32, #tpu.memory_space<vmem>>, vector<1x16xf32>,
              %get3A_448 = vector.shape_cast %get3A_447 : vector<1x16xf32> to vector<16xf32>
              %mul3A_449 = arith.constant 16 : i32
              %mul3A_450 = arith.muli %scan3A_441, %mul3A_449 : i32
              %get3A_451 = arith.index_cast %convert_element_type3A_381 : i32 to index
              %get3A_452 = arith.index_cast %mul3A_450 : i32 to index
              %get3A_453 = tpu.vector_load %arg17[%get3A_451, %get3A_452] {strides = array<i32>} : memref<32x1024xf32, #tpu.memory_space<vmem>>, vector<1x16xf32>,
              %get3A_454 = vector.shape_cast %get3A_453 : vector<1x16xf32> to vector<16xf32>
              %mul3A_455 = arith.mulf %select_n3A_418, %get3A_448 : vector<16xf32>
              %add3A_456 = arith.addf %get3A_454, %mul3A_455 : vector<16xf32>
              %mul3A_457 = arith.constant 16 : i32
              %mul3A_458 = arith.muli %scan3A_441, %mul3A_457 : i32
              %swap3A_459 = arith.index_cast %convert_element_type3A_381 : i32 to index
              %swap3A_460 = arith.index_cast %mul3A_458 : i32 to index
              %swap3A_461 = tpu.vector_load %arg17[%swap3A_459, %swap3A_460] {strides = array<i32>} : memref<32x1024xf32, #tpu.memory_space<vmem>>, vector<1x16xf32>,
              %swap3A_462 = vector.shape_cast %swap3A_461 : vector<1x16xf32> to vector<16xf32>
              %swap3A_463 = vector.shape_cast %add3A_456 : vector<16xf32> to vector<1x16xf32>
              tpu.vector_store %arg17[%swap3A_459, %swap3A_460], %swap3A_463 {strides = array<i32>} : memref<32x1024xf32, #tpu.memory_space<vmem>>, vector<1x16xf32>,
              %scan3A_464 = arith.constant 0 : i32
              %scan3A_465 = arith.constant 1 : i32
              %scan3A_466 = arith.addi %scan3A_441, %scan3A_465 : i32
              %mul3A_467 = arith.constant 16 : i32
              %mul3A_468 = arith.muli %scan3A_466, %mul3A_467 : i32
              %get3A_469 = arith.index_cast %scan3A_369 : i32 to index
              %get3A_470 = arith.index_cast %mul3A_468 : i32 to index
              %get3A_471 = tpu.vector_load %arg15[%get3A_469, %get3A_470] {strides = array<i32>} : memref<16x1024xf32, #tpu.memory_space<vmem>>, vector<1x16xf32>,
              %get3A_472 = vector.shape_cast %get3A_471 : vector<1x16xf32> to vector<16xf32>
              %mul3A_473 = arith.constant 16 : i32
              %mul3A_474 = arith.muli %scan3A_466, %mul3A_473 : i32
              %get3A_475 = arith.index_cast %convert_element_type3A_381 : i32 to index
              %get3A_476 = arith.index_cast %mul3A_474 : i32 to index
              %get3A_477 = tpu.vector_load %arg17[%get3A_475, %get3A_476] {strides = array<i32>} : memref<32x1024xf32, #tpu.memory_space<vmem>>, vector<1x16xf32>,
              %get3A_478 = vector.shape_cast %get3A_477 : vector<1x16xf32> to vector<16xf32>
              %mul3A_479 = arith.mulf %select_n3A_418, %get3A_472 : vector<16xf32>
              %add3A_480 = arith.addf %get3A_478, %mul3A_479 : vector<16xf32>
              %mul3A_481 = arith.constant 16 : i32
              %mul3A_482 = arith.muli %scan3A_466, %mul3A_481 : i32
              %swap3A_483 = arith.index_cast %convert_element_type3A_381 : i32 to index
              %swap3A_484 = arith.index_cast %mul3A_482 : i32 to index
              %swap3A_485 = tpu.vector_load %arg17[%swap3A_483, %swap3A_484] {strides = array<i32>} : memref<32x1024xf32, #tpu.memory_space<vmem>>, vector<1x16xf32>,
              %swap3A_486 = vector.shape_cast %swap3A_485 : vector<1x16xf32> to vector<16xf32>
              %swap3A_487 = vector.shape_cast %add3A_480 : vector<16xf32> to vector<1x16xf32>
              tpu.vector_store %arg17[%swap3A_483, %swap3A_484], %swap3A_487 {strides = array<i32>} : memref<32x1024xf32, #tpu.memory_space<vmem>>, vector<1x16xf32>,
              %scan3A_488 = arith.constant 0 : i32
              %scan3A_489 = arith.constant 2 : i32
              %scan3A_490 = arith.addi %scan3A_441, %scan3A_489 : i32
              %mul3A_491 = arith.constant 16 : i32
              %mul3A_492 = arith.muli %scan3A_490, %mul3A_491 : i32
              %get3A_493 = arith.index_cast %scan3A_369 : i32 to index
              %get3A_494 = arith.index_cast %mul3A_492 : i32 to index
              %get3A_495 = tpu.vector_load %arg15[%get3A_493, %get3A_494] {strides = array<i32>} : memref<16x1024xf32, #tpu.memory_space<vmem>>, vector<1x16xf32>,
              %get3A_496 = vector.shape_cast %get3A_495 : vector<1x16xf32> to vector<16xf32>
              %mul3A_497 = arith.constant 16 : i32
              %mul3A_498 = arith.muli %scan3A_490, %mul3A_497 : i32
              %get3A_499 = arith.index_cast %convert_element_type3A_381 : i32 to index
              %get3A_500 = arith.index_cast %mul3A_498 : i32 to index
              %get3A_501 = tpu.vector_load %arg17[%get3A_499, %get3A_500] {strides = array<i32>} : memref<32x1024xf32, #tpu.memory_space<vmem>>, vector<1x16xf32>,
              %get3A_502 = vector.shape_cast %get3A_501 : vector<1x16xf32> to vector<16xf32>
              %mul3A_503 = arith.mulf %select_n3A_418, %get3A_496 : vector<16xf32>
              %add3A_504 = arith.addf %get3A_502, %mul3A_503 : vector<16xf32>
              %mul3A_505 = arith.constant 16 : i32
              %mul3A_506 = arith.muli %scan3A_490, %mul3A_505 : i32
              %swap3A_507 = arith.index_cast %convert_element_type3A_381 : i32 to index
              %swap3A_508 = arith.index_cast %mul3A_506 : i32 to index
              %swap3A_509 = tpu.vector_load %arg17[%swap3A_507, %swap3A_508] {strides = array<i32>} : memref<32x1024xf32, #tpu.memory_space<vmem>>, vector<1x16xf32>,
              %swap3A_510 = vector.shape_cast %swap3A_509 : vector<1x16xf32> to vector<16xf32>
              %swap3A_511 = vector.shape_cast %add3A_504 : vector<16xf32> to vector<1x16xf32>
              tpu.vector_store %arg17[%swap3A_507, %swap3A_508], %swap3A_511 {strides = array<i32>} : memref<32x1024xf32, #tpu.memory_space<vmem>>, vector<1x16xf32>,
              %scan3A_512 = arith.constant 0 : i32
              %scan3A_513 = arith.constant 3 : i32
              %scan3A_514 = arith.addi %scan3A_441, %scan3A_513 : i32
              %mul3A_515 = arith.constant 16 : i32
              %mul3A_516 = arith.muli %scan3A_514, %mul3A_515 : i32
              %get3A_517 = arith.index_cast %scan3A_369 : i32 to index
              %get3A_518 = arith.index_cast %mul3A_516 : i32 to index
              %get3A_519 = tpu.vector_load %arg15[%get3A_517, %get3A_518] {strides = array<i32>} : memref<16x1024xf32, #tpu.memory_space<vmem>>, vector<1x16xf32>,
              %get3A_520 = vector.shape_cast %get3A_519 : vector<1x16xf32> to vector<16xf32>
              %mul3A_521 = arith.constant 16 : i32
              %mul3A_522 = arith.muli %scan3A_514, %mul3A_521 : i32
              %get3A_523 = arith.index_cast %convert_element_type3A_381 : i32 to index
              %get3A_524 = arith.index_cast %mul3A_522 : i32 to index
              %get3A_525 = tpu.vector_load %arg17[%get3A_523, %get3A_524] {strides = array<i32>} : memref<32x1024xf32, #tpu.memory_space<vmem>>, vector<1x16xf32>,
              %get3A_526 = vector.shape_cast %get3A_525 : vector<1x16xf32> to vector<16xf32>
              %mul3A_527 = arith.mulf %select_n3A_418, %get3A_520 : vector<16xf32>
              %add3A_528 = arith.addf %get3A_526, %mul3A_527 : vector<16xf32>
              %mul3A_529 = arith.constant 16 : i32
              %mul3A_530 = arith.muli %scan3A_514, %mul3A_529 : i32
              %swap3A_531 = arith.index_cast %convert_element_type3A_381 : i32 to index
              %swap3A_532 = arith.index_cast %mul3A_530 : i32 to index
              %swap3A_533 = tpu.vector_load %arg17[%swap3A_531, %swap3A_532] {strides = array<i32>} : memref<32x1024xf32, #tpu.memory_space<vmem>>, vector<1x16xf32>,
              %swap3A_534 = vector.shape_cast %swap3A_533 : vector<1x16xf32> to vector<16xf32>
              %swap3A_535 = vector.shape_cast %add3A_528 : vector<16xf32> to vector<1x16xf32>
              tpu.vector_store %arg17[%swap3A_531, %swap3A_532], %swap3A_535 {strides = array<i32>} : memref<32x1024xf32, #tpu.memory_space<vmem>>, vector<1x16xf32>,
              %scan3A_536 = arith.constant 0 : i32
              %scan3A_537 = arith.constant 4 : i32
              %scan3A_538 = arith.addi %scan3A_441, %scan3A_537 : i32
              %mul3A_539 = arith.constant 16 : i32
              %mul3A_540 = arith.muli %scan3A_538, %mul3A_539 : i32
              %get3A_541 = arith.index_cast %scan3A_369 : i32 to index
              %get3A_542 = arith.index_cast %mul3A_540 : i32 to index
              %get3A_543 = tpu.vector_load %arg15[%get3A_541, %get3A_542] {strides = array<i32>} : memref<16x1024xf32, #tpu.memory_space<vmem>>, vector<1x16xf32>,
              %get3A_544 = vector.shape_cast %get3A_543 : vector<1x16xf32> to vector<16xf32>
              %mul3A_545 = arith.constant 16 : i32
              %mul3A_546 = arith.muli %scan3A_538, %mul3A_545 : i32
              %get3A_547 = arith.index_cast %convert_element_type3A_381 : i32 to index
              %get3A_548 = arith.index_cast %mul3A_546 : i32 to index
              %get3A_549 = tpu.vector_load %arg17[%get3A_547, %get3A_548] {strides = array<i32>} : memref<32x1024xf32, #tpu.memory_space<vmem>>, vector<1x16xf32>,
              %get3A_550 = vector.shape_cast %get3A_549 : vector<1x16xf32> to vector<16xf32>
              %mul3A_551 = arith.mulf %select_n3A_418, %get3A_544 : vector<16xf32>
              %add3A_552 = arith.addf %get3A_550, %mul3A_551 : vector<16xf32>
              %mul3A_553 = arith.constant 16 : i32
              %mul3A_554 = arith.muli %scan3A_538, %mul3A_553 : i32
              %swap3A_555 = arith.index_cast %convert_element_type3A_381 : i32 to index
              %swap3A_556 = arith.index_cast %mul3A_554 : i32 to index
              %swap3A_557 = tpu.vector_load %arg17[%swap3A_555, %swap3A_556] {strides = array<i32>} : memref<32x1024xf32, #tpu.memory_space<vmem>>, vector<1x16xf32>,
              %swap3A_558 = vector.shape_cast %swap3A_557 : vector<1x16xf32> to vector<16xf32>
              %swap3A_559 = vector.shape_cast %add3A_552 : vector<16xf32> to vector<1x16xf32>
              tpu.vector_store %arg17[%swap3A_555, %swap3A_556], %swap3A_559 {strides = array<i32>} : memref<32x1024xf32, #tpu.memory_space<vmem>>, vector<1x16xf32>,
              %scan3A_560 = arith.constant 0 : i32
              %scan3A_561 = arith.constant 5 : i32
              %scan3A_562 = arith.addi %scan3A_441, %scan3A_561 : i32
              %mul3A_563 = arith.constant 16 : i32
              %mul3A_564 = arith.muli %scan3A_562, %mul3A_563 : i32
              %get3A_565 = arith.index_cast %scan3A_369 : i32 to index
              %get3A_566 = arith.index_cast %mul3A_564 : i32 to index
              %get3A_567 = tpu.vector_load %arg15[%get3A_565, %get3A_566] {strides = array<i32>} : memref<16x1024xf32, #tpu.memory_space<vmem>>, vector<1x16xf32>,
              %get3A_568 = vector.shape_cast %get3A_567 : vector<1x16xf32> to vector<16xf32>
              %mul3A_569 = arith.constant 16 : i32
              %mul3A_570 = arith.muli %scan3A_562, %mul3A_569 : i32
              %get3A_571 = arith.index_cast %convert_element_type3A_381 : i32 to index
              %get3A_572 = arith.index_cast %mul3A_570 : i32 to index
              %get3A_573 = tpu.vector_load %arg17[%get3A_571, %get3A_572] {strides = array<i32>} : memref<32x1024xf32, #tpu.memory_space<vmem>>, vector<1x16xf32>,
              %get3A_574 = vector.shape_cast %get3A_573 : vector<1x16xf32> to vector<16xf32>
              %mul3A_575 = arith.mulf %select_n3A_418, %get3A_568 : vector<16xf32>
              %add3A_576 = arith.addf %get3A_574, %mul3A_575 : vector<16xf32>
              %mul3A_577 = arith.constant 16 : i32
              %mul3A_578 = arith.muli %scan3A_562, %mul3A_577 : i32
              %swap3A_579 = arith.index_cast %convert_element_type3A_381 : i32 to index
              %swap3A_580 = arith.index_cast %mul3A_578 : i32 to index
              %swap3A_581 = tpu.vector_load %arg17[%swap3A_579, %swap3A_580] {strides = array<i32>} : memref<32x1024xf32, #tpu.memory_space<vmem>>, vector<1x16xf32>,
              %swap3A_582 = vector.shape_cast %swap3A_581 : vector<1x16xf32> to vector<16xf32>
              %swap3A_583 = vector.shape_cast %add3A_576 : vector<16xf32> to vector<1x16xf32>
              tpu.vector_store %arg17[%swap3A_579, %swap3A_580], %swap3A_583 {strides = array<i32>} : memref<32x1024xf32, #tpu.memory_space<vmem>>, vector<1x16xf32>,
              %scan3A_584 = arith.constant 0 : i32
              %scan3A_585 = arith.constant 6 : i32
              %scan3A_586 = arith.addi %scan3A_441, %scan3A_585 : i32
              %mul3A_587 = arith.constant 16 : i32
              %mul3A_588 = arith.muli %scan3A_586, %mul3A_587 : i32
              %get3A_589 = arith.index_cast %scan3A_369 : i32 to index
              %get3A_590 = arith.index_cast %mul3A_588 : i32 to index
              %get3A_591 = tpu.vector_load %arg15[%get3A_589, %get3A_590] {strides = array<i32>} : memref<16x1024xf32, #tpu.memory_space<vmem>>, vector<1x16xf32>,
              %get3A_592 = vector.shape_cast %get3A_591 : vector<1x16xf32> to vector<16xf32>
              %mul3A_593 = arith.constant 16 : i32
              %mul3A_594 = arith.muli %scan3A_586, %mul3A_593 : i32
              %get3A_595 = arith.index_cast %convert_element_type3A_381 : i32 to index
              %get3A_596 = arith.index_cast %mul3A_594 : i32 to index
              %get3A_597 = tpu.vector_load %arg17[%get3A_595, %get3A_596] {strides = array<i32>} : memref<32x1024xf32, #tpu.memory_space<vmem>>, vector<1x16xf32>,
              %get3A_598 = vector.shape_cast %get3A_597 : vector<1x16xf32> to vector<16xf32>
              %mul3A_599 = arith.mulf %select_n3A_418, %get3A_592 : vector<16xf32>
              %add3A_600 = arith.addf %get3A_598, %mul3A_599 : vector<16xf32>
              %mul3A_601 = arith.constant 16 : i32
              %mul3A_602 = arith.muli %scan3A_586, %mul3A_601 : i32
              %swap3A_603 = arith.index_cast %convert_element_type3A_381 : i32 to index
              %swap3A_604 = arith.index_cast %mul3A_602 : i32 to index
              %swap3A_605 = tpu.vector_load %arg17[%swap3A_603, %swap3A_604] {strides = array<i32>} : memref<32x1024xf32, #tpu.memory_space<vmem>>, vector<1x16xf32>,
              %swap3A_606 = vector.shape_cast %swap3A_605 : vector<1x16xf32> to vector<16xf32>
              %swap3A_607 = vector.shape_cast %add3A_600 : vector<16xf32> to vector<1x16xf32>
              tpu.vector_store %arg17[%swap3A_603, %swap3A_604], %swap3A_607 {strides = array<i32>} : memref<32x1024xf32, #tpu.memory_space<vmem>>, vector<1x16xf32>,
              %scan3A_608 = arith.constant 0 : i32
              %scan3A_609 = arith.constant 7 : i32
              %scan3A_610 = arith.addi %scan3A_441, %scan3A_609 : i32
              %mul3A_611 = arith.constant 16 : i32
              %mul3A_612 = arith.muli %scan3A_610, %mul3A_611 : i32
              %get3A_613 = arith.index_cast %scan3A_369 : i32 to index
              %get3A_614 = arith.index_cast %mul3A_612 : i32 to index
              %get3A_615 = tpu.vector_load %arg15[%get3A_613, %get3A_614] {strides = array<i32>} : memref<16x1024xf32, #tpu.memory_space<vmem>>, vector<1x16xf32>,
              %get3A_616 = vector.shape_cast %get3A_615 : vector<1x16xf32> to vector<16xf32>
              %mul3A_617 = arith.constant 16 : i32
              %mul3A_618 = arith.muli %scan3A_610, %mul3A_617 : i32
              %get3A_619 = arith.index_cast %convert_element_type3A_381 : i32 to index
              %get3A_620 = arith.index_cast %mul3A_618 : i32 to index
              %get3A_621 = tpu.vector_load %arg17[%get3A_619, %get3A_620] {strides = array<i32>} : memref<32x1024xf32, #tpu.memory_space<vmem>>, vector<1x16xf32>,
              %get3A_622 = vector.shape_cast %get3A_621 : vector<1x16xf32> to vector<16xf32>
              %mul3A_623 = arith.mulf %select_n3A_418, %get3A_616 : vector<16xf32>
              %add3A_624 = arith.addf %get3A_622, %mul3A_623 : vector<16xf32>
              %mul3A_625 = arith.constant 16 : i32
              %mul3A_626 = arith.muli %scan3A_610, %mul3A_625 : i32
              %swap3A_627 = arith.index_cast %convert_element_type3A_381 : i32 to index
              %swap3A_628 = arith.index_cast %mul3A_626 : i32 to index
              %swap3A_629 = tpu.vector_load %arg17[%swap3A_627, %swap3A_628] {strides = array<i32>} : memref<32x1024xf32, #tpu.memory_space<vmem>>, vector<1x16xf32>,
              %swap3A_630 = vector.shape_cast %swap3A_629 : vector<1x16xf32> to vector<16xf32>
              %swap3A_631 = vector.shape_cast %add3A_624 : vector<16xf32> to vector<1x16xf32>
              tpu.vector_store %arg17[%swap3A_627, %swap3A_628], %swap3A_631 {strides = array<i32>} : memref<32x1024xf32, #tpu.memory_space<vmem>>, vector<1x16xf32>,
              %scan3A_632 = arith.constant 0 : i32
              scf.yield %scan3A_632 : i32
            }
            %scan3A_425 = arith.constant 64 : i32
            %get3A_426 = arith.index_cast %convert_element_type3A_381 : i32 to index
            %get3A_427 = arith.constant 0 : index
            %get3A_428 = tpu.vector_load %arg18[%get3A_426, %get3A_427] {strides = array<i32>} : memref<32x128xf32, #tpu.memory_space<vmem>>, vector<1x16xf32>,
            %get3A_429 = vector.shape_cast %get3A_428 : vector<1x16xf32> to vector<16xf32>
            %eq3A = arith.constant 0 : i32
            %eq3A_430 = vector.broadcast %eq3A : i32 to vector<16xi32>
            %eq3A_431 = arith.cmpi eq, %iota3A, %eq3A_430 : vector<16xi32>
            %jit3A_432 = arith.constant 0.000000e+00 : f32
            %broadcast_in_dim3A_433 = vector.broadcast %jit3A_432 : f32 to vector<16xf32>
            %select_n3A_434 = arith.select %eq3A_431, %select_n3A_418, %broadcast_in_dim3A_433 : vector<16xi1>, vector<16xf32>
            %add3A_435 = arith.addf %get3A_429, %select_n3A_434 : vector<16xf32>
            %swap3A = arith.index_cast %convert_element_type3A_381 : i32 to index
            %swap3A_436 = arith.constant 0 : index
            %swap3A_437 = tpu.vector_load %arg18[%swap3A, %swap3A_436] {strides = array<i32>} : memref<32x128xf32, #tpu.memory_space<vmem>>, vector<1x16xf32>,
            %swap3A_438 = vector.shape_cast %swap3A_437 : vector<1x16xf32> to vector<16xf32>
            %swap3A_439 = vector.shape_cast %add3A_435 : vector<16xf32> to vector<1x16xf32>
            tpu.vector_store %arg18[%swap3A, %swap3A_436], %swap3A_439 {strides = array<i32>} : memref<32x128xf32, #tpu.memory_space<vmem>>, vector<1x16xf32>,
            %scan3A_440 = arith.constant 0 : i32
            scf.yield %scan3A_440 : i32
          }
          %scan3A_368 = arith.constant 16 : i32
        } else {
        }
        scf.yield %select_n3A_326, %get3A_338 : i32, vector<16xi32>
      }
      %while3A_222 = arith.constant 1 : i32
      %while3A_223:2 = scf.for %while3A_225 = %while3A_219 to %while3A_215 step %while3A_222 iter_args(%while3A_226 = %while3A_221#0, %while3A_227 = %while3A_221#1) -> (i32, vector<16xi32>)  : i32 {
        %mul3A_228 = arith.constant 2 : i32
        %mul3A_229 = arith.muli %mul3A_228, %while3A_225 : i32
        %add3A_230 = arith.constant 1 : i32
        %add3A_231 = arith.addi %mul3A_229, %add3A_230 : i32
        %mul3A_232 = arith.constant 16 : i32
        %mul3A_233 = arith.muli %add3A_231, %mul3A_232 : i32
        %add3A_234 = arith.addi %convert_element_type3A_47, %mul3A_233 : i32
        %add3A_235 = arith.constant 16 : i32
        %add3A_236 = arith.addi %add3A_234, %add3A_235 : i32
        %add3A_237 = arith.constant 2048 : i32
        %add3A_238 = arith.addi %while3A_226, %add3A_237 : i32
        %gt3A_239 = arith.cmpi sgt, %add3A_236, %add3A_238 : i32
        %lt3A = arith.cmpi slt, %add3A_231, %select_n3A_121 : i32
        %and3A_240 = arith.andi %gt3A_239, %lt3A : i1
        %jit3A_241 = arith.constant 8 : i32
        %div3A_242 = arith.divsi %add3A_234, %jit3A_241 : i32
        %sign3A_243 = arith.constant 0 : i32
        %sign3A_244 = arith.cmpi sgt, %add3A_234, %sign3A_243 : i32
        %sign3A_245 = arith.extui %sign3A_244 : i1 to i32
        %sign3A_246 = arith.constant 0 : i32
        %sign3A_247 = arith.cmpi slt, %add3A_234, %sign3A_246 : i32
        %sign3A_248 = arith.extui %sign3A_247 : i1 to i32
        %sign3A_249 = arith.subi %sign3A_245, %sign3A_248 : i32
        %sign3A_250 = arith.constant 0 : i32
        %sign3A_251 = arith.cmpi sgt, %jit3A_241, %sign3A_250 : i32
        %sign3A_252 = arith.extui %sign3A_251 : i1 to i32
        %sign3A_253 = arith.constant 0 : i32
        %sign3A_254 = arith.cmpi slt, %jit3A_241, %sign3A_253 : i32
        %sign3A_255 = arith.extui %sign3A_254 : i1 to i32
        %sign3A_256 = arith.subi %sign3A_252, %sign3A_255 : i32
        %ne3A_257 = arith.cmpi ne, %sign3A_249, %sign3A_256 : i32
        %rem3A_258 = arith.remsi %add3A_234, %jit3A_241 : i32
        %ne3A_259 = arith.constant 0 : i32
        %ne3A_260 = arith.cmpi ne, %rem3A_258, %ne3A_259 : i32
        %and3A_261 = arith.andi %ne3A_257, %ne3A_260 : i1
        %sub3A_262 = arith.constant 1 : i32
        %sub3A_263 = arith.subi %div3A_242, %sub3A_262 : i32
        %select_n3A_264 = arith.select %and3A_261, %sub3A_263, %div3A_242 : i32
        %mul3A_265 = arith.constant 8 : i32
        %mul3A_266 = arith.muli %select_n3A_264, %mul3A_265 : i32
        %select_n3A_267 = arith.select %and3A_240, %mul3A_266, %while3A_226 : i32
        %convert_element_type3A_268 = arith.extui %and3A_240 : i1 to i32
        %cond3A_269 = arith.constant 0 : i32
        %cond3A_270 = arith.cmpi ne, %convert_element_type3A_268, %cond3A_269 : i32
        scf.if %cond3A_270 {
          %multiple_of3A_347 = tpu.assume_multiple %select_n3A_267, 8 : i32
          "tpu.region"() ({
            %run_scoped3A = tpu.sem_alloc : memref<!tpu.dma_semaphore, #tpu.memory_space<semaphore_mem>>
            %dma_start3A_348 = tpu.memref_slice %arg5[%multiple_of3A_347] : memref<327680xi32, #tpu.memory_space<hbm>> -> memref<2048xi32, #tpu.memory_space<hbm>>
            %dma_start3A_349 = tpu.memref_slice %arg5[%multiple_of3A_347] : memref<327680xi32, #tpu.memory_space<hbm>> -> memref<2048xi32, #tpu.memory_space<hbm>>
            tpu.enqueue_dma source(%dma_start3A_349 : memref<2048xi32, #tpu.memory_space<hbm>>) target(%arg10 : memref<2048xi32, #tpu.memory_space<vmem>>) target_semaphore(%run_scoped3A : memref<!tpu.dma_semaphore, #tpu.memory_space<semaphore_mem>>)
            %dma_wait3A_350 = tpu.memref_slice %arg5[%multiple_of3A_347] : memref<327680xi32, #tpu.memory_space<hbm>> -> memref<2048xi32, #tpu.memory_space<hbm>>
            %dma_wait3A_351 = tpu.memref_slice %arg5[%multiple_of3A_347] : memref<327680xi32, #tpu.memory_space<hbm>> -> memref<2048xi32, #tpu.memory_space<hbm>>
            tpu.wait_dma2 semaphore(%run_scoped3A : memref<!tpu.dma_semaphore, #tpu.memory_space<semaphore_mem>>) src(%dma_wait3A_351 : memref<2048xi32, #tpu.memory_space<hbm>>) dst(%arg10 : memref<2048xi32, #tpu.memory_space<vmem>>)
            tpu.yield
          }) : () -> ()
          "tpu.region"() ({
            %run_scoped3A = tpu.sem_alloc : memref<!tpu.dma_semaphore, #tpu.memory_space<semaphore_mem>>
            %dma_start3A_348 = tpu.memref_slice %arg6[%multiple_of3A_347] : memref<327680xi32, #tpu.memory_space<hbm>> -> memref<2048xi32, #tpu.memory_space<hbm>>
            %dma_start3A_349 = tpu.memref_slice %arg6[%multiple_of3A_347] : memref<327680xi32, #tpu.memory_space<hbm>> -> memref<2048xi32, #tpu.memory_space<hbm>>
            tpu.enqueue_dma source(%dma_start3A_349 : memref<2048xi32, #tpu.memory_space<hbm>>) target(%arg11 : memref<2048xi32, #tpu.memory_space<vmem>>) target_semaphore(%run_scoped3A : memref<!tpu.dma_semaphore, #tpu.memory_space<semaphore_mem>>)
            %dma_wait3A_350 = tpu.memref_slice %arg6[%multiple_of3A_347] : memref<327680xi32, #tpu.memory_space<hbm>> -> memref<2048xi32, #tpu.memory_space<hbm>>
            %dma_wait3A_351 = tpu.memref_slice %arg6[%multiple_of3A_347] : memref<327680xi32, #tpu.memory_space<hbm>> -> memref<2048xi32, #tpu.memory_space<hbm>>
            tpu.wait_dma2 semaphore(%run_scoped3A : memref<!tpu.dma_semaphore, #tpu.memory_space<semaphore_mem>>) src(%dma_wait3A_351 : memref<2048xi32, #tpu.memory_space<hbm>>) dst(%arg11 : memref<2048xi32, #tpu.memory_space<vmem>>)
            tpu.yield
          }) : () -> ()
        } else {
        }
        %sub3A_271 = arith.subi %add3A_234, %select_n3A_267 : i32
        %min3A_272 = arith.constant 2032 : i32
        %min3A_273 = arith.minsi %sub3A_271, %min3A_272 : i32
        %get3A_274 = arith.index_cast %min3A_273 : i32 to index
        %get3A_275 = tpu.vector_load %arg10[%get3A_274] {strides = array<i32>} : memref<2048xi32, #tpu.memory_space<vmem>>, vector<16xi32>,
        %get3A_276 = vector.shape_cast %get3A_275 : vector<16xi32> to vector<16xi32>
        %get3A_277 = arith.index_cast %min3A_273 : i32 to index
        %get3A_278 = tpu.vector_load %arg11[%get3A_277] {strides = array<i32>} : memref<2048xi32, #tpu.memory_space<vmem>>, vector<16xi32>,
        %get3A_279 = vector.shape_cast %get3A_278 : vector<16xi32> to vector<16xi32>
        %lt3A_280 = arith.cmpi slt, %add3A_231, %select_n3A_121 : i32
        %convert_element_type3A_281 = arith.extui %lt3A_280 : i1 to i32
        %cond3A_282 = arith.constant 0 : i32
        %cond3A_283 = arith.cmpi ne, %convert_element_type3A_281, %cond3A_282 : i32
        scf.if %cond3A_283 {
          %min3A_347 = arith.constant 9999 : i32
          %min3A_348 = vector.broadcast %min3A_347 : i32 to vector<16xi32>
          %min3A_349 = arith.minsi %get3A_276, %min3A_348 : vector<16xi32>
          %swap3A = arith.constant 0 : index
          %swap3A_350 = tpu.vector_load %arg20[%swap3A] {strides = array<i32>} : memref<16xi32, #tpu.memory_space<vmem>>, vector<16xi32>,
          %swap3A_351 = vector.shape_cast %swap3A_350 : vector<16xi32> to vector<16xi32>
          %swap3A_352 = vector.shape_cast %min3A_349 : vector<16xi32> to vector<16xi32>
          tpu.vector_store %arg20[%swap3A], %swap3A_352 {strides = array<i32>} : memref<16xi32, #tpu.memory_space<vmem>>, vector<16xi32>,
          %dma_start3A_353 = arith.constant 0 : i32
          %dma_start3A_354 = arith.constant 0 : i32
          %dma_start3A_355 = tpu.memref_slice %arg2[%dma_start3A_353, %dma_start3A_354] : memref<10240x1024xf32, #tpu.memory_space<hbm>> -> memref<10240x1024xf32, #tpu.memory_space<hbm>>
          tpu.enqueue_indirect_dma source(%dma_start3A_355 : memref<10240x1024xf32, #tpu.memory_space<hbm>>) target(%arg15 : memref<16x1024xf32, #tpu.memory_space<vmem>>) offsets(%arg20 : memref<16xi32, #tpu.memory_space<vmem>>) semaphore(%arg22 : memref<!tpu.dma_semaphore, #tpu.memory_space<semaphore_mem>>)
        } else {
        }
        %lt3A_284 = arith.cmpi slt, %mul3A_229, %select_n3A_121 : i32
        %convert_element_type3A_285 = arith.extui %lt3A_284 : i1 to i32
        %cond3A_286 = arith.constant 0 : i32
        %cond3A_287 = arith.cmpi ne, %convert_element_type3A_285, %cond3A_286 : i32
        scf.if %cond3A_287 {
          %dma_wait3A_347 = arith.constant 0 : i32
          %dma_wait3A_348 = arith.constant 0 : i32
          %dma_wait3A_349 = tpu.memref_slice %arg2[%dma_wait3A_347, %dma_wait3A_348] : memref<10240x1024xf32, #tpu.memory_space<hbm>> -> memref<10240x1024xf32, #tpu.memory_space<hbm>>
          tpu.wait_indirect_dma semaphore(%arg21 : memref<!tpu.dma_semaphore, #tpu.memory_space<semaphore_mem>>) src(%dma_wait3A_349 : memref<10240x1024xf32, #tpu.memory_space<hbm>>) dst(%arg14 : memref<16x1024xf32, #tpu.memory_space<vmem>>)
          %mul3A_350 = arith.constant 16 : i32
          %mul3A_351 = arith.muli %mul3A_229, %mul3A_350 : i32
          %add3A_352 = arith.addi %convert_element_type3A_47, %mul3A_351 : i32
          %sub3A_353 = arith.subi %convert_element_type3A_92, %add3A_352 : i32
          %sub3A_354 = vector.broadcast %add3A_14 : i32 to vector<16xi32>
          %sub3A_355 = arith.subi %while3A_227, %sub3A_354 : vector<16xi32>
          %jit3A_356 = arith.constant 0 : i32
          %jit3A_357 = arith.constant 31 : i32
          %max3A = vector.broadcast %jit3A_356 : i32 to vector<16xi32>
          %max3A_358 = arith.maxsi %max3A, %sub3A_355 : vector<16xi32>
          %min3A_359 = vector.broadcast %jit3A_357 : i32 to vector<16xi32>
          %min3A_360 = arith.minsi %min3A_359, %max3A_358 : vector<16xi32>
          %convert_element_type3A_361 = arith.sitofp %min3A_360 : vector<16xi32> to vector<16xf32>
          %scan3A_362 = arith.constant 0 : i32
          %scan3A_363 = arith.constant 0 : i32
          %scan3A_364 = arith.constant 16 : i32
          %scan3A_365 = arith.addi %scan3A_363, %scan3A_364 : i32
          %scan3A_366 = arith.constant 1 : i32
          %scan3A_367 = scf.for %scan3A_369 = %scan3A_363 to %scan3A_365 step %scan3A_366 iter_args(%scan3A_370 = %scan3A_362) -> (i32)  : i32 {
            %add3A_371 = vector.broadcast %scan3A_369 : i32 to vector<16xi32>
            %add3A_372 = arith.addi %iota3A, %add3A_371 : vector<16xi32>
            %and3A_373 = arith.constant 15 : i32
            %and3A_374 = vector.broadcast %and3A_373 : i32 to vector<16xi32>
            %and3A_375 = arith.andi %add3A_372, %and3A_374 : vector<16xi32>
            %broadcast_in_dim3A_376 = vector.shape_cast %and3A_375 : vector<16xi32> to vector<16x1xi32>
            %gather3A_377 = vector.shape_cast %broadcast_in_dim3A_376 : vector<16x1xi32> to vector<16xi32>
            %gather3A_378 = tpu.dynamic_gather %convert_element_type3A_361[%gather3A_377] in [0] : vector<16xf32>, vector<16xi32> -> vector<16xf32>
            %slice3A_379 = vector.extract_strided_slice %gather3A_378 {offsets = [0], sizes = [1], strides = [1]} : vector<16xf32> to vector<1xf32>
            %squeeze3A_380 = vector.extract %slice3A_379[0] : f32 from vector<1xf32>
            %convert_element_type3A_381 = arith.fptosi %squeeze3A_380 : f32 to i32
            %scan3A_382 = arith.constant 0 : i32
            %scan3A_383 = arith.constant 64 : i32
            %scan3A_384 = arith.addi %scan3A_382, %scan3A_383 : i32
            %scan3A_385 = arith.constant 8 : i32
            %scan3A_386 = scf.for %scan3A_441 = %scan3A_382 to %scan3A_384 step %scan3A_385 iter_args(%scan3A_442 = %broadcast_in_dim3A_3) -> (vector<16xf32>)  : i32 {
              %mul3A_443 = arith.constant 16 : i32
              %mul3A_444 = arith.muli %scan3A_441, %mul3A_443 : i32
              %get3A_445 = arith.index_cast %scan3A_369 : i32 to index
              %get3A_446 = arith.index_cast %mul3A_444 : i32 to index
              %get3A_447 = tpu.vector_load %arg14[%get3A_445, %get3A_446] {strides = array<i32>} : memref<16x1024xf32, #tpu.memory_space<vmem>>, vector<1x16xf32>,
              %get3A_448 = vector.shape_cast %get3A_447 : vector<1x16xf32> to vector<16xf32>
              %mul3A_449 = arith.constant 16 : i32
              %mul3A_450 = arith.muli %scan3A_441, %mul3A_449 : i32
              %get3A_451 = arith.index_cast %convert_element_type3A_381 : i32 to index
              %get3A_452 = arith.index_cast %mul3A_450 : i32 to index
              %get3A_453 = tpu.vector_load %arg16[%get3A_451, %get3A_452] {strides = array<i32>} : memref<32x1024xf32, #tpu.memory_space<vmem>>, vector<1x16xf32>,
              %get3A_454 = vector.shape_cast %get3A_453 : vector<1x16xf32> to vector<16xf32>
              %mul3A_455 = arith.constant 16 : i32
              %mul3A_456 = arith.muli %scan3A_441, %mul3A_455 : i32
              %get3A_457 = arith.index_cast %mul3A_456 : i32 to index
              %get3A_458 = tpu.vector_load %arg12[%get3A_457] {strides = array<i32>} : memref<1024xf32, #tpu.memory_space<vmem>>, vector<16xf32>,
              %get3A_459 = vector.shape_cast %get3A_458 : vector<16xf32> to vector<16xf32>
              %add3A_460 = arith.addf %get3A_448, %get3A_454 : vector<16xf32>
              %mul3A_461 = arith.constant 2.000000e-01 : f32
              %mul3A_462 = vector.broadcast %mul3A_461 : f32 to vector<16xf32>
              %mul3A_463 = arith.mulf %mul3A_462, %add3A_460 : vector<16xf32>
              %max3A_464 = arith.maximumf %add3A_460, %mul3A_463 : vector<16xf32>
              %mul3A_465 = arith.mulf %max3A_464, %get3A_459 : vector<16xf32>
              %add3A_466 = arith.addf %scan3A_442, %mul3A_465 : vector<16xf32>
              %scan3A_467 = arith.constant 1 : i32
              %scan3A_468 = arith.addi %scan3A_441, %scan3A_467 : i32
              %mul3A_469 = arith.constant 16 : i32
              %mul3A_470 = arith.muli %scan3A_468, %mul3A_469 : i32
              %get3A_471 = arith.index_cast %scan3A_369 : i32 to index
              %get3A_472 = arith.index_cast %mul3A_470 : i32 to index
              %get3A_473 = tpu.vector_load %arg14[%get3A_471, %get3A_472] {strides = array<i32>} : memref<16x1024xf32, #tpu.memory_space<vmem>>, vector<1x16xf32>,
              %get3A_474 = vector.shape_cast %get3A_473 : vector<1x16xf32> to vector<16xf32>
              %mul3A_475 = arith.constant 16 : i32
              %mul3A_476 = arith.muli %scan3A_468, %mul3A_475 : i32
              %get3A_477 = arith.index_cast %convert_element_type3A_381 : i32 to index
              %get3A_478 = arith.index_cast %mul3A_476 : i32 to index
              %get3A_479 = tpu.vector_load %arg16[%get3A_477, %get3A_478] {strides = array<i32>} : memref<32x1024xf32, #tpu.memory_space<vmem>>, vector<1x16xf32>,
              %get3A_480 = vector.shape_cast %get3A_479 : vector<1x16xf32> to vector<16xf32>
              %mul3A_481 = arith.constant 16 : i32
              %mul3A_482 = arith.muli %scan3A_468, %mul3A_481 : i32
              %get3A_483 = arith.index_cast %mul3A_482 : i32 to index
              %get3A_484 = tpu.vector_load %arg12[%get3A_483] {strides = array<i32>} : memref<1024xf32, #tpu.memory_space<vmem>>, vector<16xf32>,
              %get3A_485 = vector.shape_cast %get3A_484 : vector<16xf32> to vector<16xf32>
              %add3A_486 = arith.addf %get3A_474, %get3A_480 : vector<16xf32>
              %mul3A_487 = arith.constant 2.000000e-01 : f32
              %mul3A_488 = vector.broadcast %mul3A_487 : f32 to vector<16xf32>
              %mul3A_489 = arith.mulf %mul3A_488, %add3A_486 : vector<16xf32>
              %max3A_490 = arith.maximumf %add3A_486, %mul3A_489 : vector<16xf32>
              %mul3A_491 = arith.mulf %max3A_490, %get3A_485 : vector<16xf32>
              %add3A_492 = arith.addf %add3A_466, %mul3A_491 : vector<16xf32>
              %scan3A_493 = arith.constant 2 : i32
              %scan3A_494 = arith.addi %scan3A_441, %scan3A_493 : i32
              %mul3A_495 = arith.constant 16 : i32
              %mul3A_496 = arith.muli %scan3A_494, %mul3A_495 : i32
              %get3A_497 = arith.index_cast %scan3A_369 : i32 to index
              %get3A_498 = arith.index_cast %mul3A_496 : i32 to index
              %get3A_499 = tpu.vector_load %arg14[%get3A_497, %get3A_498] {strides = array<i32>} : memref<16x1024xf32, #tpu.memory_space<vmem>>, vector<1x16xf32>,
              %get3A_500 = vector.shape_cast %get3A_499 : vector<1x16xf32> to vector<16xf32>
              %mul3A_501 = arith.constant 16 : i32
              %mul3A_502 = arith.muli %scan3A_494, %mul3A_501 : i32
              %get3A_503 = arith.index_cast %convert_element_type3A_381 : i32 to index
              %get3A_504 = arith.index_cast %mul3A_502 : i32 to index
              %get3A_505 = tpu.vector_load %arg16[%get3A_503, %get3A_504] {strides = array<i32>} : memref<32x1024xf32, #tpu.memory_space<vmem>>, vector<1x16xf32>,
              %get3A_506 = vector.shape_cast %get3A_505 : vector<1x16xf32> to vector<16xf32>
              %mul3A_507 = arith.constant 16 : i32
              %mul3A_508 = arith.muli %scan3A_494, %mul3A_507 : i32
              %get3A_509 = arith.index_cast %mul3A_508 : i32 to index
              %get3A_510 = tpu.vector_load %arg12[%get3A_509] {strides = array<i32>} : memref<1024xf32, #tpu.memory_space<vmem>>, vector<16xf32>,
              %get3A_511 = vector.shape_cast %get3A_510 : vector<16xf32> to vector<16xf32>
              %add3A_512 = arith.addf %get3A_500, %get3A_506 : vector<16xf32>
              %mul3A_513 = arith.constant 2.000000e-01 : f32
              %mul3A_514 = vector.broadcast %mul3A_513 : f32 to vector<16xf32>
              %mul3A_515 = arith.mulf %mul3A_514, %add3A_512 : vector<16xf32>
              %max3A_516 = arith.maximumf %add3A_512, %mul3A_515 : vector<16xf32>
              %mul3A_517 = arith.mulf %max3A_516, %get3A_511 : vector<16xf32>
              %add3A_518 = arith.addf %add3A_492, %mul3A_517 : vector<16xf32>
              %scan3A_519 = arith.constant 3 : i32
              %scan3A_520 = arith.addi %scan3A_441, %scan3A_519 : i32
              %mul3A_521 = arith.constant 16 : i32
              %mul3A_522 = arith.muli %scan3A_520, %mul3A_521 : i32
              %get3A_523 = arith.index_cast %scan3A_369 : i32 to index
              %get3A_524 = arith.index_cast %mul3A_522 : i32 to index
              %get3A_525 = tpu.vector_load %arg14[%get3A_523, %get3A_524] {strides = array<i32>} : memref<16x1024xf32, #tpu.memory_space<vmem>>, vector<1x16xf32>,
              %get3A_526 = vector.shape_cast %get3A_525 : vector<1x16xf32> to vector<16xf32>
              %mul3A_527 = arith.constant 16 : i32
              %mul3A_528 = arith.muli %scan3A_520, %mul3A_527 : i32
              %get3A_529 = arith.index_cast %convert_element_type3A_381 : i32 to index
              %get3A_530 = arith.index_cast %mul3A_528 : i32 to index
              %get3A_531 = tpu.vector_load %arg16[%get3A_529, %get3A_530] {strides = array<i32>} : memref<32x1024xf32, #tpu.memory_space<vmem>>, vector<1x16xf32>,
              %get3A_532 = vector.shape_cast %get3A_531 : vector<1x16xf32> to vector<16xf32>
              %mul3A_533 = arith.constant 16 : i32
              %mul3A_534 = arith.muli %scan3A_520, %mul3A_533 : i32
              %get3A_535 = arith.index_cast %mul3A_534 : i32 to index
              %get3A_536 = tpu.vector_load %arg12[%get3A_535] {strides = array<i32>} : memref<1024xf32, #tpu.memory_space<vmem>>, vector<16xf32>,
              %get3A_537 = vector.shape_cast %get3A_536 : vector<16xf32> to vector<16xf32>
              %add3A_538 = arith.addf %get3A_526, %get3A_532 : vector<16xf32>
              %mul3A_539 = arith.constant 2.000000e-01 : f32
              %mul3A_540 = vector.broadcast %mul3A_539 : f32 to vector<16xf32>
              %mul3A_541 = arith.mulf %mul3A_540, %add3A_538 : vector<16xf32>
              %max3A_542 = arith.maximumf %add3A_538, %mul3A_541 : vector<16xf32>
              %mul3A_543 = arith.mulf %max3A_542, %get3A_537 : vector<16xf32>
              %add3A_544 = arith.addf %add3A_518, %mul3A_543 : vector<16xf32>
              %scan3A_545 = arith.constant 4 : i32
              %scan3A_546 = arith.addi %scan3A_441, %scan3A_545 : i32
              %mul3A_547 = arith.constant 16 : i32
              %mul3A_548 = arith.muli %scan3A_546, %mul3A_547 : i32
              %get3A_549 = arith.index_cast %scan3A_369 : i32 to index
              %get3A_550 = arith.index_cast %mul3A_548 : i32 to index
              %get3A_551 = tpu.vector_load %arg14[%get3A_549, %get3A_550] {strides = array<i32>} : memref<16x1024xf32, #tpu.memory_space<vmem>>, vector<1x16xf32>,
              %get3A_552 = vector.shape_cast %get3A_551 : vector<1x16xf32> to vector<16xf32>
              %mul3A_553 = arith.constant 16 : i32
              %mul3A_554 = arith.muli %scan3A_546, %mul3A_553 : i32
              %get3A_555 = arith.index_cast %convert_element_type3A_381 : i32 to index
              %get3A_556 = arith.index_cast %mul3A_554 : i32 to index
              %get3A_557 = tpu.vector_load %arg16[%get3A_555, %get3A_556] {strides = array<i32>} : memref<32x1024xf32, #tpu.memory_space<vmem>>, vector<1x16xf32>,
              %get3A_558 = vector.shape_cast %get3A_557 : vector<1x16xf32> to vector<16xf32>
              %mul3A_559 = arith.constant 16 : i32
              %mul3A_560 = arith.muli %scan3A_546, %mul3A_559 : i32
              %get3A_561 = arith.index_cast %mul3A_560 : i32 to index
              %get3A_562 = tpu.vector_load %arg12[%get3A_561] {strides = array<i32>} : memref<1024xf32, #tpu.memory_space<vmem>>, vector<16xf32>,
              %get3A_563 = vector.shape_cast %get3A_562 : vector<16xf32> to vector<16xf32>
              %add3A_564 = arith.addf %get3A_552, %get3A_558 : vector<16xf32>
              %mul3A_565 = arith.constant 2.000000e-01 : f32
              %mul3A_566 = vector.broadcast %mul3A_565 : f32 to vector<16xf32>
              %mul3A_567 = arith.mulf %mul3A_566, %add3A_564 : vector<16xf32>
              %max3A_568 = arith.maximumf %add3A_564, %mul3A_567 : vector<16xf32>
              %mul3A_569 = arith.mulf %max3A_568, %get3A_563 : vector<16xf32>
              %add3A_570 = arith.addf %add3A_544, %mul3A_569 : vector<16xf32>
              %scan3A_571 = arith.constant 5 : i32
              %scan3A_572 = arith.addi %scan3A_441, %scan3A_571 : i32
              %mul3A_573 = arith.constant 16 : i32
              %mul3A_574 = arith.muli %scan3A_572, %mul3A_573 : i32
              %get3A_575 = arith.index_cast %scan3A_369 : i32 to index
              %get3A_576 = arith.index_cast %mul3A_574 : i32 to index
              %get3A_577 = tpu.vector_load %arg14[%get3A_575, %get3A_576] {strides = array<i32>} : memref<16x1024xf32, #tpu.memory_space<vmem>>, vector<1x16xf32>,
              %get3A_578 = vector.shape_cast %get3A_577 : vector<1x16xf32> to vector<16xf32>
              %mul3A_579 = arith.constant 16 : i32
              %mul3A_580 = arith.muli %scan3A_572, %mul3A_579 : i32
              %get3A_581 = arith.index_cast %convert_element_type3A_381 : i32 to index
              %get3A_582 = arith.index_cast %mul3A_580 : i32 to index
              %get3A_583 = tpu.vector_load %arg16[%get3A_581, %get3A_582] {strides = array<i32>} : memref<32x1024xf32, #tpu.memory_space<vmem>>, vector<1x16xf32>,
              %get3A_584 = vector.shape_cast %get3A_583 : vector<1x16xf32> to vector<16xf32>
              %mul3A_585 = arith.constant 16 : i32
              %mul3A_586 = arith.muli %scan3A_572, %mul3A_585 : i32
              %get3A_587 = arith.index_cast %mul3A_586 : i32 to index
              %get3A_588 = tpu.vector_load %arg12[%get3A_587] {strides = array<i32>} : memref<1024xf32, #tpu.memory_space<vmem>>, vector<16xf32>,
              %get3A_589 = vector.shape_cast %get3A_588 : vector<16xf32> to vector<16xf32>
              %add3A_590 = arith.addf %get3A_578, %get3A_584 : vector<16xf32>
              %mul3A_591 = arith.constant 2.000000e-01 : f32
              %mul3A_592 = vector.broadcast %mul3A_591 : f32 to vector<16xf32>
              %mul3A_593 = arith.mulf %mul3A_592, %add3A_590 : vector<16xf32>
              %max3A_594 = arith.maximumf %add3A_590, %mul3A_593 : vector<16xf32>
              %mul3A_595 = arith.mulf %max3A_594, %get3A_589 : vector<16xf32>
              %add3A_596 = arith.addf %add3A_570, %mul3A_595 : vector<16xf32>
              %scan3A_597 = arith.constant 6 : i32
              %scan3A_598 = arith.addi %scan3A_441, %scan3A_597 : i32
              %mul3A_599 = arith.constant 16 : i32
              %mul3A_600 = arith.muli %scan3A_598, %mul3A_599 : i32
              %get3A_601 = arith.index_cast %scan3A_369 : i32 to index
              %get3A_602 = arith.index_cast %mul3A_600 : i32 to index
              %get3A_603 = tpu.vector_load %arg14[%get3A_601, %get3A_602] {strides = array<i32>} : memref<16x1024xf32, #tpu.memory_space<vmem>>, vector<1x16xf32>,
              %get3A_604 = vector.shape_cast %get3A_603 : vector<1x16xf32> to vector<16xf32>
              %mul3A_605 = arith.constant 16 : i32
              %mul3A_606 = arith.muli %scan3A_598, %mul3A_605 : i32
              %get3A_607 = arith.index_cast %convert_element_type3A_381 : i32 to index
              %get3A_608 = arith.index_cast %mul3A_606 : i32 to index
              %get3A_609 = tpu.vector_load %arg16[%get3A_607, %get3A_608] {strides = array<i32>} : memref<32x1024xf32, #tpu.memory_space<vmem>>, vector<1x16xf32>,
              %get3A_610 = vector.shape_cast %get3A_609 : vector<1x16xf32> to vector<16xf32>
              %mul3A_611 = arith.constant 16 : i32
              %mul3A_612 = arith.muli %scan3A_598, %mul3A_611 : i32
              %get3A_613 = arith.index_cast %mul3A_612 : i32 to index
              %get3A_614 = tpu.vector_load %arg12[%get3A_613] {strides = array<i32>} : memref<1024xf32, #tpu.memory_space<vmem>>, vector<16xf32>,
              %get3A_615 = vector.shape_cast %get3A_614 : vector<16xf32> to vector<16xf32>
              %add3A_616 = arith.addf %get3A_604, %get3A_610 : vector<16xf32>
              %mul3A_617 = arith.constant 2.000000e-01 : f32
              %mul3A_618 = vector.broadcast %mul3A_617 : f32 to vector<16xf32>
              %mul3A_619 = arith.mulf %mul3A_618, %add3A_616 : vector<16xf32>
              %max3A_620 = arith.maximumf %add3A_616, %mul3A_619 : vector<16xf32>
              %mul3A_621 = arith.mulf %max3A_620, %get3A_615 : vector<16xf32>
              %add3A_622 = arith.addf %add3A_596, %mul3A_621 : vector<16xf32>
              %scan3A_623 = arith.constant 7 : i32
              %scan3A_624 = arith.addi %scan3A_441, %scan3A_623 : i32
              %mul3A_625 = arith.constant 16 : i32
              %mul3A_626 = arith.muli %scan3A_624, %mul3A_625 : i32
              %get3A_627 = arith.index_cast %scan3A_369 : i32 to index
              %get3A_628 = arith.index_cast %mul3A_626 : i32 to index
              %get3A_629 = tpu.vector_load %arg14[%get3A_627, %get3A_628] {strides = array<i32>} : memref<16x1024xf32, #tpu.memory_space<vmem>>, vector<1x16xf32>,
              %get3A_630 = vector.shape_cast %get3A_629 : vector<1x16xf32> to vector<16xf32>
              %mul3A_631 = arith.constant 16 : i32
              %mul3A_632 = arith.muli %scan3A_624, %mul3A_631 : i32
              %get3A_633 = arith.index_cast %convert_element_type3A_381 : i32 to index
              %get3A_634 = arith.index_cast %mul3A_632 : i32 to index
              %get3A_635 = tpu.vector_load %arg16[%get3A_633, %get3A_634] {strides = array<i32>} : memref<32x1024xf32, #tpu.memory_space<vmem>>, vector<1x16xf32>,
              %get3A_636 = vector.shape_cast %get3A_635 : vector<1x16xf32> to vector<16xf32>
              %mul3A_637 = arith.constant 16 : i32
              %mul3A_638 = arith.muli %scan3A_624, %mul3A_637 : i32
              %get3A_639 = arith.index_cast %mul3A_638 : i32 to index
              %get3A_640 = tpu.vector_load %arg12[%get3A_639] {strides = array<i32>} : memref<1024xf32, #tpu.memory_space<vmem>>, vector<16xf32>,
              %get3A_641 = vector.shape_cast %get3A_640 : vector<16xf32> to vector<16xf32>
              %add3A_642 = arith.addf %get3A_630, %get3A_636 : vector<16xf32>
              %mul3A_643 = arith.constant 2.000000e-01 : f32
              %mul3A_644 = vector.broadcast %mul3A_643 : f32 to vector<16xf32>
              %mul3A_645 = arith.mulf %mul3A_644, %add3A_642 : vector<16xf32>
              %max3A_646 = arith.maximumf %add3A_642, %mul3A_645 : vector<16xf32>
              %mul3A_647 = arith.mulf %max3A_646, %get3A_641 : vector<16xf32>
              %add3A_648 = arith.addf %add3A_622, %mul3A_647 : vector<16xf32>
              scf.yield %add3A_648 : vector<16xf32>
            }
            %scan3A_387 = arith.constant 64 : i32
            %xor3A = arith.constant 8 : i32
            %xor3A_388 = vector.broadcast %xor3A : i32 to vector<16xi32>
            %xor3A_389 = arith.xori %iota3A, %xor3A_388 : vector<16xi32>
            %broadcast_in_dim3A_390 = vector.shape_cast %xor3A_389 : vector<16xi32> to vector<16x1xi32>
            %gather3A_391 = vector.shape_cast %broadcast_in_dim3A_390 : vector<16x1xi32> to vector<16xi32>
            %gather3A_392 = tpu.dynamic_gather %scan3A_386[%gather3A_391] in [0] : vector<16xf32>, vector<16xi32> -> vector<16xf32>
            %add3A_393 = arith.addf %scan3A_386, %gather3A_392 : vector<16xf32>
            %xor3A_394 = arith.constant 4 : i32
            %xor3A_395 = vector.broadcast %xor3A_394 : i32 to vector<16xi32>
            %xor3A_396 = arith.xori %iota3A, %xor3A_395 : vector<16xi32>
            %broadcast_in_dim3A_397 = vector.shape_cast %xor3A_396 : vector<16xi32> to vector<16x1xi32>
            %gather3A_398 = vector.shape_cast %broadcast_in_dim3A_397 : vector<16x1xi32> to vector<16xi32>
            %gather3A_399 = tpu.dynamic_gather %add3A_393[%gather3A_398] in [0] : vector<16xf32>, vector<16xi32> -> vector<16xf32>
            %add3A_400 = arith.addf %add3A_393, %gather3A_399 : vector<16xf32>
            %xor3A_401 = arith.constant 2 : i32
            %xor3A_402 = vector.broadcast %xor3A_401 : i32 to vector<16xi32>
            %xor3A_403 = arith.xori %iota3A, %xor3A_402 : vector<16xi32>
            %broadcast_in_dim3A_404 = vector.shape_cast %xor3A_403 : vector<16xi32> to vector<16x1xi32>
            %gather3A_405 = vector.shape_cast %broadcast_in_dim3A_404 : vector<16x1xi32> to vector<16xi32>
            %gather3A_406 = tpu.dynamic_gather %add3A_400[%gather3A_405] in [0] : vector<16xf32>, vector<16xi32> -> vector<16xf32>
            %add3A_407 = arith.addf %add3A_400, %gather3A_406 : vector<16xf32>
            %xor3A_408 = arith.constant 1 : i32
            %xor3A_409 = vector.broadcast %xor3A_408 : i32 to vector<16xi32>
            %xor3A_410 = arith.xori %iota3A, %xor3A_409 : vector<16xi32>
            %broadcast_in_dim3A_411 = vector.shape_cast %xor3A_410 : vector<16xi32> to vector<16x1xi32>
            %gather3A_412 = vector.shape_cast %broadcast_in_dim3A_411 : vector<16x1xi32> to vector<16xi32>
            %gather3A_413 = tpu.dynamic_gather %add3A_407[%gather3A_412] in [0] : vector<16xf32>, vector<16xi32> -> vector<16xf32>
            %add3A_414 = arith.addf %add3A_407, %gather3A_413 : vector<16xf32>
            %exp3A = math.exp %add3A_414 : vector<16xf32>
            %lt3A_415 = arith.cmpi slt, %scan3A_369, %sub3A_353 : i32
            %jit3A_416 = arith.constant 0.000000e+00 : f32
            %broadcast_in_dim3A_417 = vector.broadcast %jit3A_416 : f32 to vector<16xf32>
            %select_n3A_418 = arith.select %lt3A_415, %exp3A, %broadcast_in_dim3A_417 : vector<16xf32>
            %scan3A_419 = arith.constant 0 : i32
            %scan3A_420 = arith.constant 0 : i32
            %scan3A_421 = arith.constant 64 : i32
            %scan3A_422 = arith.addi %scan3A_420, %scan3A_421 : i32
            %scan3A_423 = arith.constant 8 : i32
            %scan3A_424 = scf.for %scan3A_441 = %scan3A_420 to %scan3A_422 step %scan3A_423 iter_args(%scan3A_442 = %scan3A_419) -> (i32)  : i32 {
              %mul3A_443 = arith.constant 16 : i32
              %mul3A_444 = arith.muli %scan3A_441, %mul3A_443 : i32
              %get3A_445 = arith.index_cast %scan3A_369 : i32 to index
              %get3A_446 = arith.index_cast %mul3A_444 : i32 to index
              %get3A_447 = tpu.vector_load %arg14[%get3A_445, %get3A_446] {strides = array<i32>} : memref<16x1024xf32, #tpu.memory_space<vmem>>, vector<1x16xf32>,
              %get3A_448 = vector.shape_cast %get3A_447 : vector<1x16xf32> to vector<16xf32>
              %mul3A_449 = arith.constant 16 : i32
              %mul3A_450 = arith.muli %scan3A_441, %mul3A_449 : i32
              %get3A_451 = arith.index_cast %convert_element_type3A_381 : i32 to index
              %get3A_452 = arith.index_cast %mul3A_450 : i32 to index
              %get3A_453 = tpu.vector_load %arg17[%get3A_451, %get3A_452] {strides = array<i32>} : memref<32x1024xf32, #tpu.memory_space<vmem>>, vector<1x16xf32>,
              %get3A_454 = vector.shape_cast %get3A_453 : vector<1x16xf32> to vector<16xf32>
              %mul3A_455 = arith.mulf %select_n3A_418, %get3A_448 : vector<16xf32>
              %add3A_456 = arith.addf %get3A_454, %mul3A_455 : vector<16xf32>
              %mul3A_457 = arith.constant 16 : i32
              %mul3A_458 = arith.muli %scan3A_441, %mul3A_457 : i32
              %swap3A_459 = arith.index_cast %convert_element_type3A_381 : i32 to index
              %swap3A_460 = arith.index_cast %mul3A_458 : i32 to index
              %swap3A_461 = tpu.vector_load %arg17[%swap3A_459, %swap3A_460] {strides = array<i32>} : memref<32x1024xf32, #tpu.memory_space<vmem>>, vector<1x16xf32>,
              %swap3A_462 = vector.shape_cast %swap3A_461 : vector<1x16xf32> to vector<16xf32>
              %swap3A_463 = vector.shape_cast %add3A_456 : vector<16xf32> to vector<1x16xf32>
              tpu.vector_store %arg17[%swap3A_459, %swap3A_460], %swap3A_463 {strides = array<i32>} : memref<32x1024xf32, #tpu.memory_space<vmem>>, vector<1x16xf32>,
              %scan3A_464 = arith.constant 0 : i32
              %scan3A_465 = arith.constant 1 : i32
              %scan3A_466 = arith.addi %scan3A_441, %scan3A_465 : i32
              %mul3A_467 = arith.constant 16 : i32
              %mul3A_468 = arith.muli %scan3A_466, %mul3A_467 : i32
              %get3A_469 = arith.index_cast %scan3A_369 : i32 to index
              %get3A_470 = arith.index_cast %mul3A_468 : i32 to index
              %get3A_471 = tpu.vector_load %arg14[%get3A_469, %get3A_470] {strides = array<i32>} : memref<16x1024xf32, #tpu.memory_space<vmem>>, vector<1x16xf32>,
              %get3A_472 = vector.shape_cast %get3A_471 : vector<1x16xf32> to vector<16xf32>
              %mul3A_473 = arith.constant 16 : i32
              %mul3A_474 = arith.muli %scan3A_466, %mul3A_473 : i32
              %get3A_475 = arith.index_cast %convert_element_type3A_381 : i32 to index
              %get3A_476 = arith.index_cast %mul3A_474 : i32 to index
              %get3A_477 = tpu.vector_load %arg17[%get3A_475, %get3A_476] {strides = array<i32>} : memref<32x1024xf32, #tpu.memory_space<vmem>>, vector<1x16xf32>,
              %get3A_478 = vector.shape_cast %get3A_477 : vector<1x16xf32> to vector<16xf32>
              %mul3A_479 = arith.mulf %select_n3A_418, %get3A_472 : vector<16xf32>
              %add3A_480 = arith.addf %get3A_478, %mul3A_479 : vector<16xf32>
              %mul3A_481 = arith.constant 16 : i32
              %mul3A_482 = arith.muli %scan3A_466, %mul3A_481 : i32
              %swap3A_483 = arith.index_cast %convert_element_type3A_381 : i32 to index
              %swap3A_484 = arith.index_cast %mul3A_482 : i32 to index
              %swap3A_485 = tpu.vector_load %arg17[%swap3A_483, %swap3A_484] {strides = array<i32>} : memref<32x1024xf32, #tpu.memory_space<vmem>>, vector<1x16xf32>,
              %swap3A_486 = vector.shape_cast %swap3A_485 : vector<1x16xf32> to vector<16xf32>
              %swap3A_487 = vector.shape_cast %add3A_480 : vector<16xf32> to vector<1x16xf32>
              tpu.vector_store %arg17[%swap3A_483, %swap3A_484], %swap3A_487 {strides = array<i32>} : memref<32x1024xf32, #tpu.memory_space<vmem>>, vector<1x16xf32>,
              %scan3A_488 = arith.constant 0 : i32
              %scan3A_489 = arith.constant 2 : i32
              %scan3A_490 = arith.addi %scan3A_441, %scan3A_489 : i32
              %mul3A_491 = arith.constant 16 : i32
              %mul3A_492 = arith.muli %scan3A_490, %mul3A_491 : i32
              %get3A_493 = arith.index_cast %scan3A_369 : i32 to index
              %get3A_494 = arith.index_cast %mul3A_492 : i32 to index
              %get3A_495 = tpu.vector_load %arg14[%get3A_493, %get3A_494] {strides = array<i32>} : memref<16x1024xf32, #tpu.memory_space<vmem>>, vector<1x16xf32>,
              %get3A_496 = vector.shape_cast %get3A_495 : vector<1x16xf32> to vector<16xf32>
              %mul3A_497 = arith.constant 16 : i32
              %mul3A_498 = arith.muli %scan3A_490, %mul3A_497 : i32
              %get3A_499 = arith.index_cast %convert_element_type3A_381 : i32 to index
              %get3A_500 = arith.index_cast %mul3A_498 : i32 to index
              %get3A_501 = tpu.vector_load %arg17[%get3A_499, %get3A_500] {strides = array<i32>} : memref<32x1024xf32, #tpu.memory_space<vmem>>, vector<1x16xf32>,
              %get3A_502 = vector.shape_cast %get3A_501 : vector<1x16xf32> to vector<16xf32>
              %mul3A_503 = arith.mulf %select_n3A_418, %get3A_496 : vector<16xf32>
              %add3A_504 = arith.addf %get3A_502, %mul3A_503 : vector<16xf32>
              %mul3A_505 = arith.constant 16 : i32
              %mul3A_506 = arith.muli %scan3A_490, %mul3A_505 : i32
              %swap3A_507 = arith.index_cast %convert_element_type3A_381 : i32 to index
              %swap3A_508 = arith.index_cast %mul3A_506 : i32 to index
              %swap3A_509 = tpu.vector_load %arg17[%swap3A_507, %swap3A_508] {strides = array<i32>} : memref<32x1024xf32, #tpu.memory_space<vmem>>, vector<1x16xf32>,
              %swap3A_510 = vector.shape_cast %swap3A_509 : vector<1x16xf32> to vector<16xf32>
              %swap3A_511 = vector.shape_cast %add3A_504 : vector<16xf32> to vector<1x16xf32>
              tpu.vector_store %arg17[%swap3A_507, %swap3A_508], %swap3A_511 {strides = array<i32>} : memref<32x1024xf32, #tpu.memory_space<vmem>>, vector<1x16xf32>,
              %scan3A_512 = arith.constant 0 : i32
              %scan3A_513 = arith.constant 3 : i32
              %scan3A_514 = arith.addi %scan3A_441, %scan3A_513 : i32
              %mul3A_515 = arith.constant 16 : i32
              %mul3A_516 = arith.muli %scan3A_514, %mul3A_515 : i32
              %get3A_517 = arith.index_cast %scan3A_369 : i32 to index
              %get3A_518 = arith.index_cast %mul3A_516 : i32 to index
              %get3A_519 = tpu.vector_load %arg14[%get3A_517, %get3A_518] {strides = array<i32>} : memref<16x1024xf32, #tpu.memory_space<vmem>>, vector<1x16xf32>,
              %get3A_520 = vector.shape_cast %get3A_519 : vector<1x16xf32> to vector<16xf32>
              %mul3A_521 = arith.constant 16 : i32
              %mul3A_522 = arith.muli %scan3A_514, %mul3A_521 : i32
              %get3A_523 = arith.index_cast %convert_element_type3A_381 : i32 to index
              %get3A_524 = arith.index_cast %mul3A_522 : i32 to index
              %get3A_525 = tpu.vector_load %arg17[%get3A_523, %get3A_524] {strides = array<i32>} : memref<32x1024xf32, #tpu.memory_space<vmem>>, vector<1x16xf32>,
              %get3A_526 = vector.shape_cast %get3A_525 : vector<1x16xf32> to vector<16xf32>
              %mul3A_527 = arith.mulf %select_n3A_418, %get3A_520 : vector<16xf32>
              %add3A_528 = arith.addf %get3A_526, %mul3A_527 : vector<16xf32>
              %mul3A_529 = arith.constant 16 : i32
              %mul3A_530 = arith.muli %scan3A_514, %mul3A_529 : i32
              %swap3A_531 = arith.index_cast %convert_element_type3A_381 : i32 to index
              %swap3A_532 = arith.index_cast %mul3A_530 : i32 to index
              %swap3A_533 = tpu.vector_load %arg17[%swap3A_531, %swap3A_532] {strides = array<i32>} : memref<32x1024xf32, #tpu.memory_space<vmem>>, vector<1x16xf32>,
              %swap3A_534 = vector.shape_cast %swap3A_533 : vector<1x16xf32> to vector<16xf32>
              %swap3A_535 = vector.shape_cast %add3A_528 : vector<16xf32> to vector<1x16xf32>
              tpu.vector_store %arg17[%swap3A_531, %swap3A_532], %swap3A_535 {strides = array<i32>} : memref<32x1024xf32, #tpu.memory_space<vmem>>, vector<1x16xf32>,
              %scan3A_536 = arith.constant 0 : i32
              %scan3A_537 = arith.constant 4 : i32
              %scan3A_538 = arith.addi %scan3A_441, %scan3A_537 : i32
              %mul3A_539 = arith.constant 16 : i32
              %mul3A_540 = arith.muli %scan3A_538, %mul3A_539 : i32
              %get3A_541 = arith.index_cast %scan3A_369 : i32 to index
              %get3A_542 = arith.index_cast %mul3A_540 : i32 to index
              %get3A_543 = tpu.vector_load %arg14[%get3A_541, %get3A_542] {strides = array<i32>} : memref<16x1024xf32, #tpu.memory_space<vmem>>, vector<1x16xf32>,
              %get3A_544 = vector.shape_cast %get3A_543 : vector<1x16xf32> to vector<16xf32>
              %mul3A_545 = arith.constant 16 : i32
              %mul3A_546 = arith.muli %scan3A_538, %mul3A_545 : i32
              %get3A_547 = arith.index_cast %convert_element_type3A_381 : i32 to index
              %get3A_548 = arith.index_cast %mul3A_546 : i32 to index
              %get3A_549 = tpu.vector_load %arg17[%get3A_547, %get3A_548] {strides = array<i32>} : memref<32x1024xf32, #tpu.memory_space<vmem>>, vector<1x16xf32>,
              %get3A_550 = vector.shape_cast %get3A_549 : vector<1x16xf32> to vector<16xf32>
              %mul3A_551 = arith.mulf %select_n3A_418, %get3A_544 : vector<16xf32>
              %add3A_552 = arith.addf %get3A_550, %mul3A_551 : vector<16xf32>
              %mul3A_553 = arith.constant 16 : i32
              %mul3A_554 = arith.muli %scan3A_538, %mul3A_553 : i32
              %swap3A_555 = arith.index_cast %convert_element_type3A_381 : i32 to index
              %swap3A_556 = arith.index_cast %mul3A_554 : i32 to index
              %swap3A_557 = tpu.vector_load %arg17[%swap3A_555, %swap3A_556] {strides = array<i32>} : memref<32x1024xf32, #tpu.memory_space<vmem>>, vector<1x16xf32>,
              %swap3A_558 = vector.shape_cast %swap3A_557 : vector<1x16xf32> to vector<16xf32>
              %swap3A_559 = vector.shape_cast %add3A_552 : vector<16xf32> to vector<1x16xf32>
              tpu.vector_store %arg17[%swap3A_555, %swap3A_556], %swap3A_559 {strides = array<i32>} : memref<32x1024xf32, #tpu.memory_space<vmem>>, vector<1x16xf32>,
              %scan3A_560 = arith.constant 0 : i32
              %scan3A_561 = arith.constant 5 : i32
              %scan3A_562 = arith.addi %scan3A_441, %scan3A_561 : i32
              %mul3A_563 = arith.constant 16 : i32
              %mul3A_564 = arith.muli %scan3A_562, %mul3A_563 : i32
              %get3A_565 = arith.index_cast %scan3A_369 : i32 to index
              %get3A_566 = arith.index_cast %mul3A_564 : i32 to index
              %get3A_567 = tpu.vector_load %arg14[%get3A_565, %get3A_566] {strides = array<i32>} : memref<16x1024xf32, #tpu.memory_space<vmem>>, vector<1x16xf32>,
              %get3A_568 = vector.shape_cast %get3A_567 : vector<1x16xf32> to vector<16xf32>
              %mul3A_569 = arith.constant 16 : i32
              %mul3A_570 = arith.muli %scan3A_562, %mul3A_569 : i32
              %get3A_571 = arith.index_cast %convert_element_type3A_381 : i32 to index
              %get3A_572 = arith.index_cast %mul3A_570 : i32 to index
              %get3A_573 = tpu.vector_load %arg17[%get3A_571, %get3A_572] {strides = array<i32>} : memref<32x1024xf32, #tpu.memory_space<vmem>>, vector<1x16xf32>,
              %get3A_574 = vector.shape_cast %get3A_573 : vector<1x16xf32> to vector<16xf32>
              %mul3A_575 = arith.mulf %select_n3A_418, %get3A_568 : vector<16xf32>
              %add3A_576 = arith.addf %get3A_574, %mul3A_575 : vector<16xf32>
              %mul3A_577 = arith.constant 16 : i32
              %mul3A_578 = arith.muli %scan3A_562, %mul3A_577 : i32
              %swap3A_579 = arith.index_cast %convert_element_type3A_381 : i32 to index
              %swap3A_580 = arith.index_cast %mul3A_578 : i32 to index
              %swap3A_581 = tpu.vector_load %arg17[%swap3A_579, %swap3A_580] {strides = array<i32>} : memref<32x1024xf32, #tpu.memory_space<vmem>>, vector<1x16xf32>,
              %swap3A_582 = vector.shape_cast %swap3A_581 : vector<1x16xf32> to vector<16xf32>
              %swap3A_583 = vector.shape_cast %add3A_576 : vector<16xf32> to vector<1x16xf32>
              tpu.vector_store %arg17[%swap3A_579, %swap3A_580], %swap3A_583 {strides = array<i32>} : memref<32x1024xf32, #tpu.memory_space<vmem>>, vector<1x16xf32>,
              %scan3A_584 = arith.constant 0 : i32
              %scan3A_585 = arith.constant 6 : i32
              %scan3A_586 = arith.addi %scan3A_441, %scan3A_585 : i32
              %mul3A_587 = arith.constant 16 : i32
              %mul3A_588 = arith.muli %scan3A_586, %mul3A_587 : i32
              %get3A_589 = arith.index_cast %scan3A_369 : i32 to index
              %get3A_590 = arith.index_cast %mul3A_588 : i32 to index
              %get3A_591 = tpu.vector_load %arg14[%get3A_589, %get3A_590] {strides = array<i32>} : memref<16x1024xf32, #tpu.memory_space<vmem>>, vector<1x16xf32>,
              %get3A_592 = vector.shape_cast %get3A_591 : vector<1x16xf32> to vector<16xf32>
              %mul3A_593 = arith.constant 16 : i32
              %mul3A_594 = arith.muli %scan3A_586, %mul3A_593 : i32
              %get3A_595 = arith.index_cast %convert_element_type3A_381 : i32 to index
              %get3A_596 = arith.index_cast %mul3A_594 : i32 to index
              %get3A_597 = tpu.vector_load %arg17[%get3A_595, %get3A_596] {strides = array<i32>} : memref<32x1024xf32, #tpu.memory_space<vmem>>, vector<1x16xf32>,
              %get3A_598 = vector.shape_cast %get3A_597 : vector<1x16xf32> to vector<16xf32>
              %mul3A_599 = arith.mulf %select_n3A_418, %get3A_592 : vector<16xf32>
              %add3A_600 = arith.addf %get3A_598, %mul3A_599 : vector<16xf32>
              %mul3A_601 = arith.constant 16 : i32
              %mul3A_602 = arith.muli %scan3A_586, %mul3A_601 : i32
              %swap3A_603 = arith.index_cast %convert_element_type3A_381 : i32 to index
              %swap3A_604 = arith.index_cast %mul3A_602 : i32 to index
              %swap3A_605 = tpu.vector_load %arg17[%swap3A_603, %swap3A_604] {strides = array<i32>} : memref<32x1024xf32, #tpu.memory_space<vmem>>, vector<1x16xf32>,
              %swap3A_606 = vector.shape_cast %swap3A_605 : vector<1x16xf32> to vector<16xf32>
              %swap3A_607 = vector.shape_cast %add3A_600 : vector<16xf32> to vector<1x16xf32>
              tpu.vector_store %arg17[%swap3A_603, %swap3A_604], %swap3A_607 {strides = array<i32>} : memref<32x1024xf32, #tpu.memory_space<vmem>>, vector<1x16xf32>,
              %scan3A_608 = arith.constant 0 : i32
              %scan3A_609 = arith.constant 7 : i32
              %scan3A_610 = arith.addi %scan3A_441, %scan3A_609 : i32
              %mul3A_611 = arith.constant 16 : i32
              %mul3A_612 = arith.muli %scan3A_610, %mul3A_611 : i32
              %get3A_613 = arith.index_cast %scan3A_369 : i32 to index
              %get3A_614 = arith.index_cast %mul3A_612 : i32 to index
              %get3A_615 = tpu.vector_load %arg14[%get3A_613, %get3A_614] {strides = array<i32>} : memref<16x1024xf32, #tpu.memory_space<vmem>>, vector<1x16xf32>,
              %get3A_616 = vector.shape_cast %get3A_615 : vector<1x16xf32> to vector<16xf32>
              %mul3A_617 = arith.constant 16 : i32
              %mul3A_618 = arith.muli %scan3A_610, %mul3A_617 : i32
              %get3A_619 = arith.index_cast %convert_element_type3A_381 : i32 to index
              %get3A_620 = arith.index_cast %mul3A_618 : i32 to index
              %get3A_621 = tpu.vector_load %arg17[%get3A_619, %get3A_620] {strides = array<i32>} : memref<32x1024xf32, #tpu.memory_space<vmem>>, vector<1x16xf32>,
              %get3A_622 = vector.shape_cast %get3A_621 : vector<1x16xf32> to vector<16xf32>
              %mul3A_623 = arith.mulf %select_n3A_418, %get3A_616 : vector<16xf32>
              %add3A_624 = arith.addf %get3A_622, %mul3A_623 : vector<16xf32>
              %mul3A_625 = arith.constant 16 : i32
              %mul3A_626 = arith.muli %scan3A_610, %mul3A_625 : i32
              %swap3A_627 = arith.index_cast %convert_element_type3A_381 : i32 to index
              %swap3A_628 = arith.index_cast %mul3A_626 : i32 to index
              %swap3A_629 = tpu.vector_load %arg17[%swap3A_627, %swap3A_628] {strides = array<i32>} : memref<32x1024xf32, #tpu.memory_space<vmem>>, vector<1x16xf32>,
              %swap3A_630 = vector.shape_cast %swap3A_629 : vector<1x16xf32> to vector<16xf32>
              %swap3A_631 = vector.shape_cast %add3A_624 : vector<16xf32> to vector<1x16xf32>
              tpu.vector_store %arg17[%swap3A_627, %swap3A_628], %swap3A_631 {strides = array<i32>} : memref<32x1024xf32, #tpu.memory_space<vmem>>, vector<1x16xf32>,
              %scan3A_632 = arith.constant 0 : i32
              scf.yield %scan3A_632 : i32
            }
            %scan3A_425 = arith.constant 64 : i32
            %get3A_426 = arith.index_cast %convert_element_type3A_381 : i32 to index
            %get3A_427 = arith.constant 0 : index
            %get3A_428 = tpu.vector_load %arg18[%get3A_426, %get3A_427] {strides = array<i32>} : memref<32x128xf32, #tpu.memory_space<vmem>>, vector<1x16xf32>,
            %get3A_429 = vector.shape_cast %get3A_428 : vector<1x16xf32> to vector<16xf32>
            %eq3A = arith.constant 0 : i32
            %eq3A_430 = vector.broadcast %eq3A : i32 to vector<16xi32>
            %eq3A_431 = arith.cmpi eq, %iota3A, %eq3A_430 : vector<16xi32>
            %jit3A_432 = arith.constant 0.000000e+00 : f32
            %broadcast_in_dim3A_433 = vector.broadcast %jit3A_432 : f32 to vector<16xf32>
            %select_n3A_434 = arith.select %eq3A_431, %select_n3A_418, %broadcast_in_dim3A_433 : vector<16xi1>, vector<16xf32>
            %add3A_435 = arith.addf %get3A_429, %select_n3A_434 : vector<16xf32>
            %swap3A = arith.index_cast %convert_element_type3A_381 : i32 to index
            %swap3A_436 = arith.constant 0 : index
            %swap3A_437 = tpu.vector_load %arg18[%swap3A, %swap3A_436] {strides = array<i32>} : memref<32x128xf32, #tpu.memory_space<vmem>>, vector<1x16xf32>,
            %swap3A_438 = vector.shape_cast %swap3A_437 : vector<1x16xf32> to vector<16xf32>
            %swap3A_439 = vector.shape_cast %add3A_435 : vector<16xf32> to vector<1x16xf32>
            tpu.vector_store %arg18[%swap3A, %swap3A_436], %swap3A_439 {strides = array<i32>} : memref<32x128xf32, #tpu.memory_space<vmem>>, vector<1x16xf32>,
            %scan3A_440 = arith.constant 0 : i32
            scf.yield %scan3A_440 : i32
          }
          %scan3A_368 = arith.constant 16 : i32
        } else {
        }
        %add3A_288 = arith.constant 2 : i32
        %add3A_289 = arith.addi %mul3A_229, %add3A_288 : i32
        %mul3A_290 = arith.constant 16 : i32
        %mul3A_291 = arith.muli %add3A_289, %mul3A_290 : i32
        %add3A_292 = arith.addi %convert_element_type3A_47, %mul3A_291 : i32
        %add3A_293 = arith.constant 16 : i32
        %add3A_294 = arith.addi %add3A_292, %add3A_293 : i32
        %add3A_295 = arith.constant 2048 : i32
        %add3A_296 = arith.addi %select_n3A_267, %add3A_295 : i32
        %gt3A_297 = arith.cmpi sgt, %add3A_294, %add3A_296 : i32
        %lt3A_298 = arith.cmpi slt, %add3A_289, %select_n3A_121 : i32
        %and3A_299 = arith.andi %gt3A_297, %lt3A_298 : i1
        %jit3A_300 = arith.constant 8 : i32
        %div3A_301 = arith.divsi %add3A_292, %jit3A_300 : i32
        %sign3A_302 = arith.constant 0 : i32
        %sign3A_303 = arith.cmpi sgt, %add3A_292, %sign3A_302 : i32
        %sign3A_304 = arith.extui %sign3A_303 : i1 to i32
        %sign3A_305 = arith.constant 0 : i32
        %sign3A_306 = arith.cmpi slt, %add3A_292, %sign3A_305 : i32
        %sign3A_307 = arith.extui %sign3A_306 : i1 to i32
        %sign3A_308 = arith.subi %sign3A_304, %sign3A_307 : i32
        %sign3A_309 = arith.constant 0 : i32
        %sign3A_310 = arith.cmpi sgt, %jit3A_300, %sign3A_309 : i32
        %sign3A_311 = arith.extui %sign3A_310 : i1 to i32
        %sign3A_312 = arith.constant 0 : i32
        %sign3A_313 = arith.cmpi slt, %jit3A_300, %sign3A_312 : i32
        %sign3A_314 = arith.extui %sign3A_313 : i1 to i32
        %sign3A_315 = arith.subi %sign3A_311, %sign3A_314 : i32
        %ne3A_316 = arith.cmpi ne, %sign3A_308, %sign3A_315 : i32
        %rem3A_317 = arith.remsi %add3A_292, %jit3A_300 : i32
        %ne3A_318 = arith.constant 0 : i32
        %ne3A_319 = arith.cmpi ne, %rem3A_317, %ne3A_318 : i32
        %and3A_320 = arith.andi %ne3A_316, %ne3A_319 : i1
        %sub3A_321 = arith.constant 1 : i32
        %sub3A_322 = arith.subi %div3A_301, %sub3A_321 : i32
        %select_n3A_323 = arith.select %and3A_320, %sub3A_322, %div3A_301 : i32
        %mul3A_324 = arith.constant 8 : i32
        %mul3A_325 = arith.muli %select_n3A_323, %mul3A_324 : i32
        %select_n3A_326 = arith.select %and3A_299, %mul3A_325, %select_n3A_267 : i32
        %convert_element_type3A_327 = arith.extui %and3A_299 : i1 to i32
        %cond3A_328 = arith.constant 0 : i32
        %cond3A_329 = arith.cmpi ne, %convert_element_type3A_327, %cond3A_328 : i32
        scf.if %cond3A_329 {
          %multiple_of3A_347 = tpu.assume_multiple %select_n3A_326, 8 : i32
          "tpu.region"() ({
            %run_scoped3A = tpu.sem_alloc : memref<!tpu.dma_semaphore, #tpu.memory_space<semaphore_mem>>
            %dma_start3A_348 = tpu.memref_slice %arg5[%multiple_of3A_347] : memref<327680xi32, #tpu.memory_space<hbm>> -> memref<2048xi32, #tpu.memory_space<hbm>>
            %dma_start3A_349 = tpu.memref_slice %arg5[%multiple_of3A_347] : memref<327680xi32, #tpu.memory_space<hbm>> -> memref<2048xi32, #tpu.memory_space<hbm>>
            tpu.enqueue_dma source(%dma_start3A_349 : memref<2048xi32, #tpu.memory_space<hbm>>) target(%arg10 : memref<2048xi32, #tpu.memory_space<vmem>>) target_semaphore(%run_scoped3A : memref<!tpu.dma_semaphore, #tpu.memory_space<semaphore_mem>>)
            %dma_wait3A_350 = tpu.memref_slice %arg5[%multiple_of3A_347] : memref<327680xi32, #tpu.memory_space<hbm>> -> memref<2048xi32, #tpu.memory_space<hbm>>
            %dma_wait3A_351 = tpu.memref_slice %arg5[%multiple_of3A_347] : memref<327680xi32, #tpu.memory_space<hbm>> -> memref<2048xi32, #tpu.memory_space<hbm>>
            tpu.wait_dma2 semaphore(%run_scoped3A : memref<!tpu.dma_semaphore, #tpu.memory_space<semaphore_mem>>) src(%dma_wait3A_351 : memref<2048xi32, #tpu.memory_space<hbm>>) dst(%arg10 : memref<2048xi32, #tpu.memory_space<vmem>>)
            tpu.yield
          }) : () -> ()
          "tpu.region"() ({
            %run_scoped3A = tpu.sem_alloc : memref<!tpu.dma_semaphore, #tpu.memory_space<semaphore_mem>>
            %dma_start3A_348 = tpu.memref_slice %arg6[%multiple_of3A_347] : memref<327680xi32, #tpu.memory_space<hbm>> -> memref<2048xi32, #tpu.memory_space<hbm>>
            %dma_start3A_349 = tpu.memref_slice %arg6[%multiple_of3A_347] : memref<327680xi32, #tpu.memory_space<hbm>> -> memref<2048xi32, #tpu.memory_space<hbm>>
            tpu.enqueue_dma source(%dma_start3A_349 : memref<2048xi32, #tpu.memory_space<hbm>>) target(%arg11 : memref<2048xi32, #tpu.memory_space<vmem>>) target_semaphore(%run_scoped3A : memref<!tpu.dma_semaphore, #tpu.memory_space<semaphore_mem>>)
            %dma_wait3A_350 = tpu.memref_slice %arg6[%multiple_of3A_347] : memref<327680xi32, #tpu.memory_space<hbm>> -> memref<2048xi32, #tpu.memory_space<hbm>>
            %dma_wait3A_351 = tpu.memref_slice %arg6[%multiple_of3A_347] : memref<327680xi32, #tpu.memory_space<hbm>> -> memref<2048xi32, #tpu.memory_space<hbm>>
            tpu.wait_dma2 semaphore(%run_scoped3A : memref<!tpu.dma_semaphore, #tpu.memory_space<semaphore_mem>>) src(%dma_wait3A_351 : memref<2048xi32, #tpu.memory_space<hbm>>) dst(%arg11 : memref<2048xi32, #tpu.memory_space<vmem>>)
            tpu.yield
          }) : () -> ()
        } else {
        }
        %sub3A_330 = arith.subi %add3A_292, %select_n3A_326 : i32
        %min3A_331 = arith.constant 2032 : i32
        %min3A_332 = arith.minsi %sub3A_330, %min3A_331 : i32
        %get3A_333 = arith.index_cast %min3A_332 : i32 to index
        %get3A_334 = tpu.vector_load %arg10[%get3A_333] {strides = array<i32>} : memref<2048xi32, #tpu.memory_space<vmem>>, vector<16xi32>,
        %get3A_335 = vector.shape_cast %get3A_334 : vector<16xi32> to vector<16xi32>
        %get3A_336 = arith.index_cast %min3A_332 : i32 to index
        %get3A_337 = tpu.vector_load %arg11[%get3A_336] {strides = array<i32>} : memref<2048xi32, #tpu.memory_space<vmem>>, vector<16xi32>,
        %get3A_338 = vector.shape_cast %get3A_337 : vector<16xi32> to vector<16xi32>
        %lt3A_339 = arith.cmpi slt, %add3A_289, %select_n3A_121 : i32
        %convert_element_type3A_340 = arith.extui %lt3A_339 : i1 to i32
        %cond3A_341 = arith.constant 0 : i32
        %cond3A_342 = arith.cmpi ne, %convert_element_type3A_340, %cond3A_341 : i32
        scf.if %cond3A_342 {
          %min3A_347 = arith.constant 9999 : i32
          %min3A_348 = vector.broadcast %min3A_347 : i32 to vector<16xi32>
          %min3A_349 = arith.minsi %get3A_335, %min3A_348 : vector<16xi32>
          %swap3A = arith.constant 0 : index
          %swap3A_350 = tpu.vector_load %arg19[%swap3A] {strides = array<i32>} : memref<16xi32, #tpu.memory_space<vmem>>, vector<16xi32>,
          %swap3A_351 = vector.shape_cast %swap3A_350 : vector<16xi32> to vector<16xi32>
          %swap3A_352 = vector.shape_cast %min3A_349 : vector<16xi32> to vector<16xi32>
          tpu.vector_store %arg19[%swap3A], %swap3A_352 {strides = array<i32>} : memref<16xi32, #tpu.memory_space<vmem>>, vector<16xi32>,
          %dma_start3A_353 = arith.constant 0 : i32
          %dma_start3A_354 = arith.constant 0 : i32
          %dma_start3A_355 = tpu.memref_slice %arg2[%dma_start3A_353, %dma_start3A_354] : memref<10240x1024xf32, #tpu.memory_space<hbm>> -> memref<10240x1024xf32, #tpu.memory_space<hbm>>
          tpu.enqueue_indirect_dma source(%dma_start3A_355 : memref<10240x1024xf32, #tpu.memory_space<hbm>>) target(%arg14 : memref<16x1024xf32, #tpu.memory_space<vmem>>) offsets(%arg19 : memref<16xi32, #tpu.memory_space<vmem>>) semaphore(%arg21 : memref<!tpu.dma_semaphore, #tpu.memory_space<semaphore_mem>>)
        } else {
        }
        %lt3A_343 = arith.cmpi slt, %add3A_231, %select_n3A_121 : i32
        %convert_element_type3A_344 = arith.extui %lt3A_343 : i1 to i32
        %cond3A_345 = arith.constant 0 : i32
        %cond3A_346 = arith.cmpi ne, %convert_element_type3A_344, %cond3A_345 : i32
        scf.if %cond3A_346 {
          %dma_wait3A_347 = arith.constant 0 : i32
          %dma_wait3A_348 = arith.constant 0 : i32
          %dma_wait3A_349 = tpu.memref_slice %arg2[%dma_wait3A_347, %dma_wait3A_348] : memref<10240x1024xf32, #tpu.memory_space<hbm>> -> memref<10240x1024xf32, #tpu.memory_space<hbm>>
          tpu.wait_indirect_dma semaphore(%arg22 : memref<!tpu.dma_semaphore, #tpu.memory_space<semaphore_mem>>) src(%dma_wait3A_349 : memref<10240x1024xf32, #tpu.memory_space<hbm>>) dst(%arg15 : memref<16x1024xf32, #tpu.memory_space<vmem>>)
          %mul3A_350 = arith.constant 16 : i32
          %mul3A_351 = arith.muli %add3A_231, %mul3A_350 : i32
          %add3A_352 = arith.addi %convert_element_type3A_47, %mul3A_351 : i32
          %sub3A_353 = arith.subi %convert_element_type3A_92, %add3A_352 : i32
          %sub3A_354 = vector.broadcast %add3A_14 : i32 to vector<16xi32>
          %sub3A_355 = arith.subi %get3A_279, %sub3A_354 : vector<16xi32>
          %jit3A_356 = arith.constant 0 : i32
          %jit3A_357 = arith.constant 31 : i32
          %max3A = vector.broadcast %jit3A_356 : i32 to vector<16xi32>
          %max3A_358 = arith.maxsi %max3A, %sub3A_355 : vector<16xi32>
          %min3A_359 = vector.broadcast %jit3A_357 : i32 to vector<16xi32>
          %min3A_360 = arith.minsi %min3A_359, %max3A_358 : vector<16xi32>
          %convert_element_type3A_361 = arith.sitofp %min3A_360 : vector<16xi32> to vector<16xf32>
          %scan3A_362 = arith.constant 0 : i32
          %scan3A_363 = arith.constant 0 : i32
          %scan3A_364 = arith.constant 16 : i32
          %scan3A_365 = arith.addi %scan3A_363, %scan3A_364 : i32
          %scan3A_366 = arith.constant 1 : i32
          %scan3A_367 = scf.for %scan3A_369 = %scan3A_363 to %scan3A_365 step %scan3A_366 iter_args(%scan3A_370 = %scan3A_362) -> (i32)  : i32 {
            %add3A_371 = vector.broadcast %scan3A_369 : i32 to vector<16xi32>
            %add3A_372 = arith.addi %iota3A, %add3A_371 : vector<16xi32>
            %and3A_373 = arith.constant 15 : i32
            %and3A_374 = vector.broadcast %and3A_373 : i32 to vector<16xi32>
            %and3A_375 = arith.andi %add3A_372, %and3A_374 : vector<16xi32>
            %broadcast_in_dim3A_376 = vector.shape_cast %and3A_375 : vector<16xi32> to vector<16x1xi32>
            %gather3A_377 = vector.shape_cast %broadcast_in_dim3A_376 : vector<16x1xi32> to vector<16xi32>
            %gather3A_378 = tpu.dynamic_gather %convert_element_type3A_361[%gather3A_377] in [0] : vector<16xf32>, vector<16xi32> -> vector<16xf32>
            %slice3A_379 = vector.extract_strided_slice %gather3A_378 {offsets = [0], sizes = [1], strides = [1]} : vector<16xf32> to vector<1xf32>
            %squeeze3A_380 = vector.extract %slice3A_379[0] : f32 from vector<1xf32>
            %convert_element_type3A_381 = arith.fptosi %squeeze3A_380 : f32 to i32
            %scan3A_382 = arith.constant 0 : i32
            %scan3A_383 = arith.constant 64 : i32
            %scan3A_384 = arith.addi %scan3A_382, %scan3A_383 : i32
            %scan3A_385 = arith.constant 8 : i32
            %scan3A_386 = scf.for %scan3A_441 = %scan3A_382 to %scan3A_384 step %scan3A_385 iter_args(%scan3A_442 = %broadcast_in_dim3A_3) -> (vector<16xf32>)  : i32 {
              %mul3A_443 = arith.constant 16 : i32
              %mul3A_444 = arith.muli %scan3A_441, %mul3A_443 : i32
              %get3A_445 = arith.index_cast %scan3A_369 : i32 to index
              %get3A_446 = arith.index_cast %mul3A_444 : i32 to index
              %get3A_447 = tpu.vector_load %arg15[%get3A_445, %get3A_446] {strides = array<i32>} : memref<16x1024xf32, #tpu.memory_space<vmem>>, vector<1x16xf32>,
              %get3A_448 = vector.shape_cast %get3A_447 : vector<1x16xf32> to vector<16xf32>
              %mul3A_449 = arith.constant 16 : i32
              %mul3A_450 = arith.muli %scan3A_441, %mul3A_449 : i32
              %get3A_451 = arith.index_cast %convert_element_type3A_381 : i32 to index
              %get3A_452 = arith.index_cast %mul3A_450 : i32 to index
              %get3A_453 = tpu.vector_load %arg16[%get3A_451, %get3A_452] {strides = array<i32>} : memref<32x1024xf32, #tpu.memory_space<vmem>>, vector<1x16xf32>,
              %get3A_454 = vector.shape_cast %get3A_453 : vector<1x16xf32> to vector<16xf32>
              %mul3A_455 = arith.constant 16 : i32
              %mul3A_456 = arith.muli %scan3A_441, %mul3A_455 : i32
              %get3A_457 = arith.index_cast %mul3A_456 : i32 to index
              %get3A_458 = tpu.vector_load %arg12[%get3A_457] {strides = array<i32>} : memref<1024xf32, #tpu.memory_space<vmem>>, vector<16xf32>,
              %get3A_459 = vector.shape_cast %get3A_458 : vector<16xf32> to vector<16xf32>
              %add3A_460 = arith.addf %get3A_448, %get3A_454 : vector<16xf32>
              %mul3A_461 = arith.constant 2.000000e-01 : f32
              %mul3A_462 = vector.broadcast %mul3A_461 : f32 to vector<16xf32>
              %mul3A_463 = arith.mulf %mul3A_462, %add3A_460 : vector<16xf32>
              %max3A_464 = arith.maximumf %add3A_460, %mul3A_463 : vector<16xf32>
              %mul3A_465 = arith.mulf %max3A_464, %get3A_459 : vector<16xf32>
              %add3A_466 = arith.addf %scan3A_442, %mul3A_465 : vector<16xf32>
              %scan3A_467 = arith.constant 1 : i32
              %scan3A_468 = arith.addi %scan3A_441, %scan3A_467 : i32
              %mul3A_469 = arith.constant 16 : i32
              %mul3A_470 = arith.muli %scan3A_468, %mul3A_469 : i32
              %get3A_471 = arith.index_cast %scan3A_369 : i32 to index
              %get3A_472 = arith.index_cast %mul3A_470 : i32 to index
              %get3A_473 = tpu.vector_load %arg15[%get3A_471, %get3A_472] {strides = array<i32>} : memref<16x1024xf32, #tpu.memory_space<vmem>>, vector<1x16xf32>,
              %get3A_474 = vector.shape_cast %get3A_473 : vector<1x16xf32> to vector<16xf32>
              %mul3A_475 = arith.constant 16 : i32
              %mul3A_476 = arith.muli %scan3A_468, %mul3A_475 : i32
              %get3A_477 = arith.index_cast %convert_element_type3A_381 : i32 to index
              %get3A_478 = arith.index_cast %mul3A_476 : i32 to index
              %get3A_479 = tpu.vector_load %arg16[%get3A_477, %get3A_478] {strides = array<i32>} : memref<32x1024xf32, #tpu.memory_space<vmem>>, vector<1x16xf32>,
              %get3A_480 = vector.shape_cast %get3A_479 : vector<1x16xf32> to vector<16xf32>
              %mul3A_481 = arith.constant 16 : i32
              %mul3A_482 = arith.muli %scan3A_468, %mul3A_481 : i32
              %get3A_483 = arith.index_cast %mul3A_482 : i32 to index
              %get3A_484 = tpu.vector_load %arg12[%get3A_483] {strides = array<i32>} : memref<1024xf32, #tpu.memory_space<vmem>>, vector<16xf32>,
              %get3A_485 = vector.shape_cast %get3A_484 : vector<16xf32> to vector<16xf32>
              %add3A_486 = arith.addf %get3A_474, %get3A_480 : vector<16xf32>
              %mul3A_487 = arith.constant 2.000000e-01 : f32
              %mul3A_488 = vector.broadcast %mul3A_487 : f32 to vector<16xf32>
              %mul3A_489 = arith.mulf %mul3A_488, %add3A_486 : vector<16xf32>
              %max3A_490 = arith.maximumf %add3A_486, %mul3A_489 : vector<16xf32>
              %mul3A_491 = arith.mulf %max3A_490, %get3A_485 : vector<16xf32>
              %add3A_492 = arith.addf %add3A_466, %mul3A_491 : vector<16xf32>
              %scan3A_493 = arith.constant 2 : i32
              %scan3A_494 = arith.addi %scan3A_441, %scan3A_493 : i32
              %mul3A_495 = arith.constant 16 : i32
              %mul3A_496 = arith.muli %scan3A_494, %mul3A_495 : i32
              %get3A_497 = arith.index_cast %scan3A_369 : i32 to index
              %get3A_498 = arith.index_cast %mul3A_496 : i32 to index
              %get3A_499 = tpu.vector_load %arg15[%get3A_497, %get3A_498] {strides = array<i32>} : memref<16x1024xf32, #tpu.memory_space<vmem>>, vector<1x16xf32>,
              %get3A_500 = vector.shape_cast %get3A_499 : vector<1x16xf32> to vector<16xf32>
              %mul3A_501 = arith.constant 16 : i32
              %mul3A_502 = arith.muli %scan3A_494, %mul3A_501 : i32
              %get3A_503 = arith.index_cast %convert_element_type3A_381 : i32 to index
              %get3A_504 = arith.index_cast %mul3A_502 : i32 to index
              %get3A_505 = tpu.vector_load %arg16[%get3A_503, %get3A_504] {strides = array<i32>} : memref<32x1024xf32, #tpu.memory_space<vmem>>, vector<1x16xf32>,
              %get3A_506 = vector.shape_cast %get3A_505 : vector<1x16xf32> to vector<16xf32>
              %mul3A_507 = arith.constant 16 : i32
              %mul3A_508 = arith.muli %scan3A_494, %mul3A_507 : i32
              %get3A_509 = arith.index_cast %mul3A_508 : i32 to index
              %get3A_510 = tpu.vector_load %arg12[%get3A_509] {strides = array<i32>} : memref<1024xf32, #tpu.memory_space<vmem>>, vector<16xf32>,
              %get3A_511 = vector.shape_cast %get3A_510 : vector<16xf32> to vector<16xf32>
              %add3A_512 = arith.addf %get3A_500, %get3A_506 : vector<16xf32>
              %mul3A_513 = arith.constant 2.000000e-01 : f32
              %mul3A_514 = vector.broadcast %mul3A_513 : f32 to vector<16xf32>
              %mul3A_515 = arith.mulf %mul3A_514, %add3A_512 : vector<16xf32>
              %max3A_516 = arith.maximumf %add3A_512, %mul3A_515 : vector<16xf32>
              %mul3A_517 = arith.mulf %max3A_516, %get3A_511 : vector<16xf32>
              %add3A_518 = arith.addf %add3A_492, %mul3A_517 : vector<16xf32>
              %scan3A_519 = arith.constant 3 : i32
              %scan3A_520 = arith.addi %scan3A_441, %scan3A_519 : i32
              %mul3A_521 = arith.constant 16 : i32
              %mul3A_522 = arith.muli %scan3A_520, %mul3A_521 : i32
              %get3A_523 = arith.index_cast %scan3A_369 : i32 to index
              %get3A_524 = arith.index_cast %mul3A_522 : i32 to index
              %get3A_525 = tpu.vector_load %arg15[%get3A_523, %get3A_524] {strides = array<i32>} : memref<16x1024xf32, #tpu.memory_space<vmem>>, vector<1x16xf32>,
              %get3A_526 = vector.shape_cast %get3A_525 : vector<1x16xf32> to vector<16xf32>
              %mul3A_527 = arith.constant 16 : i32
              %mul3A_528 = arith.muli %scan3A_520, %mul3A_527 : i32
              %get3A_529 = arith.index_cast %convert_element_type3A_381 : i32 to index
              %get3A_530 = arith.index_cast %mul3A_528 : i32 to index
              %get3A_531 = tpu.vector_load %arg16[%get3A_529, %get3A_530] {strides = array<i32>} : memref<32x1024xf32, #tpu.memory_space<vmem>>, vector<1x16xf32>,
              %get3A_532 = vector.shape_cast %get3A_531 : vector<1x16xf32> to vector<16xf32>
              %mul3A_533 = arith.constant 16 : i32
              %mul3A_534 = arith.muli %scan3A_520, %mul3A_533 : i32
              %get3A_535 = arith.index_cast %mul3A_534 : i32 to index
              %get3A_536 = tpu.vector_load %arg12[%get3A_535] {strides = array<i32>} : memref<1024xf32, #tpu.memory_space<vmem>>, vector<16xf32>,
              %get3A_537 = vector.shape_cast %get3A_536 : vector<16xf32> to vector<16xf32>
              %add3A_538 = arith.addf %get3A_526, %get3A_532 : vector<16xf32>
              %mul3A_539 = arith.constant 2.000000e-01 : f32
              %mul3A_540 = vector.broadcast %mul3A_539 : f32 to vector<16xf32>
              %mul3A_541 = arith.mulf %mul3A_540, %add3A_538 : vector<16xf32>
              %max3A_542 = arith.maximumf %add3A_538, %mul3A_541 : vector<16xf32>
              %mul3A_543 = arith.mulf %max3A_542, %get3A_537 : vector<16xf32>
              %add3A_544 = arith.addf %add3A_518, %mul3A_543 : vector<16xf32>
              %scan3A_545 = arith.constant 4 : i32
              %scan3A_546 = arith.addi %scan3A_441, %scan3A_545 : i32
              %mul3A_547 = arith.constant 16 : i32
              %mul3A_548 = arith.muli %scan3A_546, %mul3A_547 : i32
              %get3A_549 = arith.index_cast %scan3A_369 : i32 to index
              %get3A_550 = arith.index_cast %mul3A_548 : i32 to index
              %get3A_551 = tpu.vector_load %arg15[%get3A_549, %get3A_550] {strides = array<i32>} : memref<16x1024xf32, #tpu.memory_space<vmem>>, vector<1x16xf32>,
              %get3A_552 = vector.shape_cast %get3A_551 : vector<1x16xf32> to vector<16xf32>
              %mul3A_553 = arith.constant 16 : i32
              %mul3A_554 = arith.muli %scan3A_546, %mul3A_553 : i32
              %get3A_555 = arith.index_cast %convert_element_type3A_381 : i32 to index
              %get3A_556 = arith.index_cast %mul3A_554 : i32 to index
              %get3A_557 = tpu.vector_load %arg16[%get3A_555, %get3A_556] {strides = array<i32>} : memref<32x1024xf32, #tpu.memory_space<vmem>>, vector<1x16xf32>,
              %get3A_558 = vector.shape_cast %get3A_557 : vector<1x16xf32> to vector<16xf32>
              %mul3A_559 = arith.constant 16 : i32
              %mul3A_560 = arith.muli %scan3A_546, %mul3A_559 : i32
              %get3A_561 = arith.index_cast %mul3A_560 : i32 to index
              %get3A_562 = tpu.vector_load %arg12[%get3A_561] {strides = array<i32>} : memref<1024xf32, #tpu.memory_space<vmem>>, vector<16xf32>,
              %get3A_563 = vector.shape_cast %get3A_562 : vector<16xf32> to vector<16xf32>
              %add3A_564 = arith.addf %get3A_552, %get3A_558 : vector<16xf32>
              %mul3A_565 = arith.constant 2.000000e-01 : f32
              %mul3A_566 = vector.broadcast %mul3A_565 : f32 to vector<16xf32>
              %mul3A_567 = arith.mulf %mul3A_566, %add3A_564 : vector<16xf32>
              %max3A_568 = arith.maximumf %add3A_564, %mul3A_567 : vector<16xf32>
              %mul3A_569 = arith.mulf %max3A_568, %get3A_563 : vector<16xf32>
              %add3A_570 = arith.addf %add3A_544, %mul3A_569 : vector<16xf32>
              %scan3A_571 = arith.constant 5 : i32
              %scan3A_572 = arith.addi %scan3A_441, %scan3A_571 : i32
              %mul3A_573 = arith.constant 16 : i32
              %mul3A_574 = arith.muli %scan3A_572, %mul3A_573 : i32
              %get3A_575 = arith.index_cast %scan3A_369 : i32 to index
              %get3A_576 = arith.index_cast %mul3A_574 : i32 to index
              %get3A_577 = tpu.vector_load %arg15[%get3A_575, %get3A_576] {strides = array<i32>} : memref<16x1024xf32, #tpu.memory_space<vmem>>, vector<1x16xf32>,
              %get3A_578 = vector.shape_cast %get3A_577 : vector<1x16xf32> to vector<16xf32>
              %mul3A_579 = arith.constant 16 : i32
              %mul3A_580 = arith.muli %scan3A_572, %mul3A_579 : i32
              %get3A_581 = arith.index_cast %convert_element_type3A_381 : i32 to index
              %get3A_582 = arith.index_cast %mul3A_580 : i32 to index
              %get3A_583 = tpu.vector_load %arg16[%get3A_581, %get3A_582] {strides = array<i32>} : memref<32x1024xf32, #tpu.memory_space<vmem>>, vector<1x16xf32>,
              %get3A_584 = vector.shape_cast %get3A_583 : vector<1x16xf32> to vector<16xf32>
              %mul3A_585 = arith.constant 16 : i32
              %mul3A_586 = arith.muli %scan3A_572, %mul3A_585 : i32
              %get3A_587 = arith.index_cast %mul3A_586 : i32 to index
              %get3A_588 = tpu.vector_load %arg12[%get3A_587] {strides = array<i32>} : memref<1024xf32, #tpu.memory_space<vmem>>, vector<16xf32>,
              %get3A_589 = vector.shape_cast %get3A_588 : vector<16xf32> to vector<16xf32>
              %add3A_590 = arith.addf %get3A_578, %get3A_584 : vector<16xf32>
              %mul3A_591 = arith.constant 2.000000e-01 : f32
              %mul3A_592 = vector.broadcast %mul3A_591 : f32 to vector<16xf32>
              %mul3A_593 = arith.mulf %mul3A_592, %add3A_590 : vector<16xf32>
              %max3A_594 = arith.maximumf %add3A_590, %mul3A_593 : vector<16xf32>
              %mul3A_595 = arith.mulf %max3A_594, %get3A_589 : vector<16xf32>
              %add3A_596 = arith.addf %add3A_570, %mul3A_595 : vector<16xf32>
              %scan3A_597 = arith.constant 6 : i32
              %scan3A_598 = arith.addi %scan3A_441, %scan3A_597 : i32
              %mul3A_599 = arith.constant 16 : i32
              %mul3A_600 = arith.muli %scan3A_598, %mul3A_599 : i32
              %get3A_601 = arith.index_cast %scan3A_369 : i32 to index
              %get3A_602 = arith.index_cast %mul3A_600 : i32 to index
              %get3A_603 = tpu.vector_load %arg15[%get3A_601, %get3A_602] {strides = array<i32>} : memref<16x1024xf32, #tpu.memory_space<vmem>>, vector<1x16xf32>,
              %get3A_604 = vector.shape_cast %get3A_603 : vector<1x16xf32> to vector<16xf32>
              %mul3A_605 = arith.constant 16 : i32
              %mul3A_606 = arith.muli %scan3A_598, %mul3A_605 : i32
              %get3A_607 = arith.index_cast %convert_element_type3A_381 : i32 to index
              %get3A_608 = arith.index_cast %mul3A_606 : i32 to index
              %get3A_609 = tpu.vector_load %arg16[%get3A_607, %get3A_608] {strides = array<i32>} : memref<32x1024xf32, #tpu.memory_space<vmem>>, vector<1x16xf32>,
              %get3A_610 = vector.shape_cast %get3A_609 : vector<1x16xf32> to vector<16xf32>
              %mul3A_611 = arith.constant 16 : i32
              %mul3A_612 = arith.muli %scan3A_598, %mul3A_611 : i32
              %get3A_613 = arith.index_cast %mul3A_612 : i32 to index
              %get3A_614 = tpu.vector_load %arg12[%get3A_613] {strides = array<i32>} : memref<1024xf32, #tpu.memory_space<vmem>>, vector<16xf32>,
              %get3A_615 = vector.shape_cast %get3A_614 : vector<16xf32> to vector<16xf32>
              %add3A_616 = arith.addf %get3A_604, %get3A_610 : vector<16xf32>
              %mul3A_617 = arith.constant 2.000000e-01 : f32
              %mul3A_618 = vector.broadcast %mul3A_617 : f32 to vector<16xf32>
              %mul3A_619 = arith.mulf %mul3A_618, %add3A_616 : vector<16xf32>
              %max3A_620 = arith.maximumf %add3A_616, %mul3A_619 : vector<16xf32>
              %mul3A_621 = arith.mulf %max3A_620, %get3A_615 : vector<16xf32>
              %add3A_622 = arith.addf %add3A_596, %mul3A_621 : vector<16xf32>
              %scan3A_623 = arith.constant 7 : i32
              %scan3A_624 = arith.addi %scan3A_441, %scan3A_623 : i32
              %mul3A_625 = arith.constant 16 : i32
              %mul3A_626 = arith.muli %scan3A_624, %mul3A_625 : i32
              %get3A_627 = arith.index_cast %scan3A_369 : i32 to index
              %get3A_628 = arith.index_cast %mul3A_626 : i32 to index
              %get3A_629 = tpu.vector_load %arg15[%get3A_627, %get3A_628] {strides = array<i32>} : memref<16x1024xf32, #tpu.memory_space<vmem>>, vector<1x16xf32>,
              %get3A_630 = vector.shape_cast %get3A_629 : vector<1x16xf32> to vector<16xf32>
              %mul3A_631 = arith.constant 16 : i32
              %mul3A_632 = arith.muli %scan3A_624, %mul3A_631 : i32
              %get3A_633 = arith.index_cast %convert_element_type3A_381 : i32 to index
              %get3A_634 = arith.index_cast %mul3A_632 : i32 to index
              %get3A_635 = tpu.vector_load %arg16[%get3A_633, %get3A_634] {strides = array<i32>} : memref<32x1024xf32, #tpu.memory_space<vmem>>, vector<1x16xf32>,
              %get3A_636 = vector.shape_cast %get3A_635 : vector<1x16xf32> to vector<16xf32>
              %mul3A_637 = arith.constant 16 : i32
              %mul3A_638 = arith.muli %scan3A_624, %mul3A_637 : i32
              %get3A_639 = arith.index_cast %mul3A_638 : i32 to index
              %get3A_640 = tpu.vector_load %arg12[%get3A_639] {strides = array<i32>} : memref<1024xf32, #tpu.memory_space<vmem>>, vector<16xf32>,
              %get3A_641 = vector.shape_cast %get3A_640 : vector<16xf32> to vector<16xf32>
              %add3A_642 = arith.addf %get3A_630, %get3A_636 : vector<16xf32>
              %mul3A_643 = arith.constant 2.000000e-01 : f32
              %mul3A_644 = vector.broadcast %mul3A_643 : f32 to vector<16xf32>
              %mul3A_645 = arith.mulf %mul3A_644, %add3A_642 : vector<16xf32>
              %max3A_646 = arith.maximumf %add3A_642, %mul3A_645 : vector<16xf32>
              %mul3A_647 = arith.mulf %max3A_646, %get3A_641 : vector<16xf32>
              %add3A_648 = arith.addf %add3A_622, %mul3A_647 : vector<16xf32>
              scf.yield %add3A_648 : vector<16xf32>
            }
            %scan3A_387 = arith.constant 64 : i32
            %xor3A = arith.constant 8 : i32
            %xor3A_388 = vector.broadcast %xor3A : i32 to vector<16xi32>
            %xor3A_389 = arith.xori %iota3A, %xor3A_388 : vector<16xi32>
            %broadcast_in_dim3A_390 = vector.shape_cast %xor3A_389 : vector<16xi32> to vector<16x1xi32>
            %gather3A_391 = vector.shape_cast %broadcast_in_dim3A_390 : vector<16x1xi32> to vector<16xi32>
            %gather3A_392 = tpu.dynamic_gather %scan3A_386[%gather3A_391] in [0] : vector<16xf32>, vector<16xi32> -> vector<16xf32>
            %add3A_393 = arith.addf %scan3A_386, %gather3A_392 : vector<16xf32>
            %xor3A_394 = arith.constant 4 : i32
            %xor3A_395 = vector.broadcast %xor3A_394 : i32 to vector<16xi32>
            %xor3A_396 = arith.xori %iota3A, %xor3A_395 : vector<16xi32>
            %broadcast_in_dim3A_397 = vector.shape_cast %xor3A_396 : vector<16xi32> to vector<16x1xi32>
            %gather3A_398 = vector.shape_cast %broadcast_in_dim3A_397 : vector<16x1xi32> to vector<16xi32>
            %gather3A_399 = tpu.dynamic_gather %add3A_393[%gather3A_398] in [0] : vector<16xf32>, vector<16xi32> -> vector<16xf32>
            %add3A_400 = arith.addf %add3A_393, %gather3A_399 : vector<16xf32>
            %xor3A_401 = arith.constant 2 : i32
            %xor3A_402 = vector.broadcast %xor3A_401 : i32 to vector<16xi32>
            %xor3A_403 = arith.xori %iota3A, %xor3A_402 : vector<16xi32>
            %broadcast_in_dim3A_404 = vector.shape_cast %xor3A_403 : vector<16xi32> to vector<16x1xi32>
            %gather3A_405 = vector.shape_cast %broadcast_in_dim3A_404 : vector<16x1xi32> to vector<16xi32>
            %gather3A_406 = tpu.dynamic_gather %add3A_400[%gather3A_405] in [0] : vector<16xf32>, vector<16xi32> -> vector<16xf32>
            %add3A_407 = arith.addf %add3A_400, %gather3A_406 : vector<16xf32>
            %xor3A_408 = arith.constant 1 : i32
            %xor3A_409 = vector.broadcast %xor3A_408 : i32 to vector<16xi32>
            %xor3A_410 = arith.xori %iota3A, %xor3A_409 : vector<16xi32>
            %broadcast_in_dim3A_411 = vector.shape_cast %xor3A_410 : vector<16xi32> to vector<16x1xi32>
            %gather3A_412 = vector.shape_cast %broadcast_in_dim3A_411 : vector<16x1xi32> to vector<16xi32>
            %gather3A_413 = tpu.dynamic_gather %add3A_407[%gather3A_412] in [0] : vector<16xf32>, vector<16xi32> -> vector<16xf32>
            %add3A_414 = arith.addf %add3A_407, %gather3A_413 : vector<16xf32>
            %exp3A = math.exp %add3A_414 : vector<16xf32>
            %lt3A_415 = arith.cmpi slt, %scan3A_369, %sub3A_353 : i32
            %jit3A_416 = arith.constant 0.000000e+00 : f32
            %broadcast_in_dim3A_417 = vector.broadcast %jit3A_416 : f32 to vector<16xf32>
            %select_n3A_418 = arith.select %lt3A_415, %exp3A, %broadcast_in_dim3A_417 : vector<16xf32>
            %scan3A_419 = arith.constant 0 : i32
            %scan3A_420 = arith.constant 0 : i32
            %scan3A_421 = arith.constant 64 : i32
            %scan3A_422 = arith.addi %scan3A_420, %scan3A_421 : i32
            %scan3A_423 = arith.constant 8 : i32
            %scan3A_424 = scf.for %scan3A_441 = %scan3A_420 to %scan3A_422 step %scan3A_423 iter_args(%scan3A_442 = %scan3A_419) -> (i32)  : i32 {
              %mul3A_443 = arith.constant 16 : i32
              %mul3A_444 = arith.muli %scan3A_441, %mul3A_443 : i32
              %get3A_445 = arith.index_cast %scan3A_369 : i32 to index
              %get3A_446 = arith.index_cast %mul3A_444 : i32 to index
              %get3A_447 = tpu.vector_load %arg15[%get3A_445, %get3A_446] {strides = array<i32>} : memref<16x1024xf32, #tpu.memory_space<vmem>>, vector<1x16xf32>,
              %get3A_448 = vector.shape_cast %get3A_447 : vector<1x16xf32> to vector<16xf32>
              %mul3A_449 = arith.constant 16 : i32
              %mul3A_450 = arith.muli %scan3A_441, %mul3A_449 : i32
              %get3A_451 = arith.index_cast %convert_element_type3A_381 : i32 to index
              %get3A_452 = arith.index_cast %mul3A_450 : i32 to index
              %get3A_453 = tpu.vector_load %arg17[%get3A_451, %get3A_452] {strides = array<i32>} : memref<32x1024xf32, #tpu.memory_space<vmem>>, vector<1x16xf32>,
              %get3A_454 = vector.shape_cast %get3A_453 : vector<1x16xf32> to vector<16xf32>
              %mul3A_455 = arith.mulf %select_n3A_418, %get3A_448 : vector<16xf32>
              %add3A_456 = arith.addf %get3A_454, %mul3A_455 : vector<16xf32>
              %mul3A_457 = arith.constant 16 : i32
              %mul3A_458 = arith.muli %scan3A_441, %mul3A_457 : i32
              %swap3A_459 = arith.index_cast %convert_element_type3A_381 : i32 to index
              %swap3A_460 = arith.index_cast %mul3A_458 : i32 to index
              %swap3A_461 = tpu.vector_load %arg17[%swap3A_459, %swap3A_460] {strides = array<i32>} : memref<32x1024xf32, #tpu.memory_space<vmem>>, vector<1x16xf32>,
              %swap3A_462 = vector.shape_cast %swap3A_461 : vector<1x16xf32> to vector<16xf32>
              %swap3A_463 = vector.shape_cast %add3A_456 : vector<16xf32> to vector<1x16xf32>
              tpu.vector_store %arg17[%swap3A_459, %swap3A_460], %swap3A_463 {strides = array<i32>} : memref<32x1024xf32, #tpu.memory_space<vmem>>, vector<1x16xf32>,
              %scan3A_464 = arith.constant 0 : i32
              %scan3A_465 = arith.constant 1 : i32
              %scan3A_466 = arith.addi %scan3A_441, %scan3A_465 : i32
              %mul3A_467 = arith.constant 16 : i32
              %mul3A_468 = arith.muli %scan3A_466, %mul3A_467 : i32
              %get3A_469 = arith.index_cast %scan3A_369 : i32 to index
              %get3A_470 = arith.index_cast %mul3A_468 : i32 to index
              %get3A_471 = tpu.vector_load %arg15[%get3A_469, %get3A_470] {strides = array<i32>} : memref<16x1024xf32, #tpu.memory_space<vmem>>, vector<1x16xf32>,
              %get3A_472 = vector.shape_cast %get3A_471 : vector<1x16xf32> to vector<16xf32>
              %mul3A_473 = arith.constant 16 : i32
              %mul3A_474 = arith.muli %scan3A_466, %mul3A_473 : i32
              %get3A_475 = arith.index_cast %convert_element_type3A_381 : i32 to index
              %get3A_476 = arith.index_cast %mul3A_474 : i32 to index
              %get3A_477 = tpu.vector_load %arg17[%get3A_475, %get3A_476] {strides = array<i32>} : memref<32x1024xf32, #tpu.memory_space<vmem>>, vector<1x16xf32>,
              %get3A_478 = vector.shape_cast %get3A_477 : vector<1x16xf32> to vector<16xf32>
              %mul3A_479 = arith.mulf %select_n3A_418, %get3A_472 : vector<16xf32>
              %add3A_480 = arith.addf %get3A_478, %mul3A_479 : vector<16xf32>
              %mul3A_481 = arith.constant 16 : i32
              %mul3A_482 = arith.muli %scan3A_466, %mul3A_481 : i32
              %swap3A_483 = arith.index_cast %convert_element_type3A_381 : i32 to index
              %swap3A_484 = arith.index_cast %mul3A_482 : i32 to index
              %swap3A_485 = tpu.vector_load %arg17[%swap3A_483, %swap3A_484] {strides = array<i32>} : memref<32x1024xf32, #tpu.memory_space<vmem>>, vector<1x16xf32>,
              %swap3A_486 = vector.shape_cast %swap3A_485 : vector<1x16xf32> to vector<16xf32>
              %swap3A_487 = vector.shape_cast %add3A_480 : vector<16xf32> to vector<1x16xf32>
              tpu.vector_store %arg17[%swap3A_483, %swap3A_484], %swap3A_487 {strides = array<i32>} : memref<32x1024xf32, #tpu.memory_space<vmem>>, vector<1x16xf32>,
              %scan3A_488 = arith.constant 0 : i32
              %scan3A_489 = arith.constant 2 : i32
              %scan3A_490 = arith.addi %scan3A_441, %scan3A_489 : i32
              %mul3A_491 = arith.constant 16 : i32
              %mul3A_492 = arith.muli %scan3A_490, %mul3A_491 : i32
              %get3A_493 = arith.index_cast %scan3A_369 : i32 to index
              %get3A_494 = arith.index_cast %mul3A_492 : i32 to index
              %get3A_495 = tpu.vector_load %arg15[%get3A_493, %get3A_494] {strides = array<i32>} : memref<16x1024xf32, #tpu.memory_space<vmem>>, vector<1x16xf32>,
              %get3A_496 = vector.shape_cast %get3A_495 : vector<1x16xf32> to vector<16xf32>
              %mul3A_497 = arith.constant 16 : i32
              %mul3A_498 = arith.muli %scan3A_490, %mul3A_497 : i32
              %get3A_499 = arith.index_cast %convert_element_type3A_381 : i32 to index
              %get3A_500 = arith.index_cast %mul3A_498 : i32 to index
              %get3A_501 = tpu.vector_load %arg17[%get3A_499, %get3A_500] {strides = array<i32>} : memref<32x1024xf32, #tpu.memory_space<vmem>>, vector<1x16xf32>,
              %get3A_502 = vector.shape_cast %get3A_501 : vector<1x16xf32> to vector<16xf32>
              %mul3A_503 = arith.mulf %select_n3A_418, %get3A_496 : vector<16xf32>
              %add3A_504 = arith.addf %get3A_502, %mul3A_503 : vector<16xf32>
              %mul3A_505 = arith.constant 16 : i32
              %mul3A_506 = arith.muli %scan3A_490, %mul3A_505 : i32
              %swap3A_507 = arith.index_cast %convert_element_type3A_381 : i32 to index
              %swap3A_508 = arith.index_cast %mul3A_506 : i32 to index
              %swap3A_509 = tpu.vector_load %arg17[%swap3A_507, %swap3A_508] {strides = array<i32>} : memref<32x1024xf32, #tpu.memory_space<vmem>>, vector<1x16xf32>,
              %swap3A_510 = vector.shape_cast %swap3A_509 : vector<1x16xf32> to vector<16xf32>
              %swap3A_511 = vector.shape_cast %add3A_504 : vector<16xf32> to vector<1x16xf32>
              tpu.vector_store %arg17[%swap3A_507, %swap3A_508], %swap3A_511 {strides = array<i32>} : memref<32x1024xf32, #tpu.memory_space<vmem>>, vector<1x16xf32>,
              %scan3A_512 = arith.constant 0 : i32
              %scan3A_513 = arith.constant 3 : i32
              %scan3A_514 = arith.addi %scan3A_441, %scan3A_513 : i32
              %mul3A_515 = arith.constant 16 : i32
              %mul3A_516 = arith.muli %scan3A_514, %mul3A_515 : i32
              %get3A_517 = arith.index_cast %scan3A_369 : i32 to index
              %get3A_518 = arith.index_cast %mul3A_516 : i32 to index
              %get3A_519 = tpu.vector_load %arg15[%get3A_517, %get3A_518] {strides = array<i32>} : memref<16x1024xf32, #tpu.memory_space<vmem>>, vector<1x16xf32>,
              %get3A_520 = vector.shape_cast %get3A_519 : vector<1x16xf32> to vector<16xf32>
              %mul3A_521 = arith.constant 16 : i32
              %mul3A_522 = arith.muli %scan3A_514, %mul3A_521 : i32
              %get3A_523 = arith.index_cast %convert_element_type3A_381 : i32 to index
              %get3A_524 = arith.index_cast %mul3A_522 : i32 to index
              %get3A_525 = tpu.vector_load %arg17[%get3A_523, %get3A_524] {strides = array<i32>} : memref<32x1024xf32, #tpu.memory_space<vmem>>, vector<1x16xf32>,
              %get3A_526 = vector.shape_cast %get3A_525 : vector<1x16xf32> to vector<16xf32>
              %mul3A_527 = arith.mulf %select_n3A_418, %get3A_520 : vector<16xf32>
              %add3A_528 = arith.addf %get3A_526, %mul3A_527 : vector<16xf32>
              %mul3A_529 = arith.constant 16 : i32
              %mul3A_530 = arith.muli %scan3A_514, %mul3A_529 : i32
              %swap3A_531 = arith.index_cast %convert_element_type3A_381 : i32 to index
              %swap3A_532 = arith.index_cast %mul3A_530 : i32 to index
              %swap3A_533 = tpu.vector_load %arg17[%swap3A_531, %swap3A_532] {strides = array<i32>} : memref<32x1024xf32, #tpu.memory_space<vmem>>, vector<1x16xf32>,
              %swap3A_534 = vector.shape_cast %swap3A_533 : vector<1x16xf32> to vector<16xf32>
              %swap3A_535 = vector.shape_cast %add3A_528 : vector<16xf32> to vector<1x16xf32>
              tpu.vector_store %arg17[%swap3A_531, %swap3A_532], %swap3A_535 {strides = array<i32>} : memref<32x1024xf32, #tpu.memory_space<vmem>>, vector<1x16xf32>,
              %scan3A_536 = arith.constant 0 : i32
              %scan3A_537 = arith.constant 4 : i32
              %scan3A_538 = arith.addi %scan3A_441, %scan3A_537 : i32
              %mul3A_539 = arith.constant 16 : i32
              %mul3A_540 = arith.muli %scan3A_538, %mul3A_539 : i32
              %get3A_541 = arith.index_cast %scan3A_369 : i32 to index
              %get3A_542 = arith.index_cast %mul3A_540 : i32 to index
              %get3A_543 = tpu.vector_load %arg15[%get3A_541, %get3A_542] {strides = array<i32>} : memref<16x1024xf32, #tpu.memory_space<vmem>>, vector<1x16xf32>,
              %get3A_544 = vector.shape_cast %get3A_543 : vector<1x16xf32> to vector<16xf32>
              %mul3A_545 = arith.constant 16 : i32
              %mul3A_546 = arith.muli %scan3A_538, %mul3A_545 : i32
              %get3A_547 = arith.index_cast %convert_element_type3A_381 : i32 to index
              %get3A_548 = arith.index_cast %mul3A_546 : i32 to index
              %get3A_549 = tpu.vector_load %arg17[%get3A_547, %get3A_548] {strides = array<i32>} : memref<32x1024xf32, #tpu.memory_space<vmem>>, vector<1x16xf32>,
              %get3A_550 = vector.shape_cast %get3A_549 : vector<1x16xf32> to vector<16xf32>
              %mul3A_551 = arith.mulf %select_n3A_418, %get3A_544 : vector<16xf32>
              %add3A_552 = arith.addf %get3A_550, %mul3A_551 : vector<16xf32>
              %mul3A_553 = arith.constant 16 : i32
              %mul3A_554 = arith.muli %scan3A_538, %mul3A_553 : i32
              %swap3A_555 = arith.index_cast %convert_element_type3A_381 : i32 to index
              %swap3A_556 = arith.index_cast %mul3A_554 : i32 to index
              %swap3A_557 = tpu.vector_load %arg17[%swap3A_555, %swap3A_556] {strides = array<i32>} : memref<32x1024xf32, #tpu.memory_space<vmem>>, vector<1x16xf32>,
              %swap3A_558 = vector.shape_cast %swap3A_557 : vector<1x16xf32> to vector<16xf32>
              %swap3A_559 = vector.shape_cast %add3A_552 : vector<16xf32> to vector<1x16xf32>
              tpu.vector_store %arg17[%swap3A_555, %swap3A_556], %swap3A_559 {strides = array<i32>} : memref<32x1024xf32, #tpu.memory_space<vmem>>, vector<1x16xf32>,
              %scan3A_560 = arith.constant 0 : i32
              %scan3A_561 = arith.constant 5 : i32
              %scan3A_562 = arith.addi %scan3A_441, %scan3A_561 : i32
              %mul3A_563 = arith.constant 16 : i32
              %mul3A_564 = arith.muli %scan3A_562, %mul3A_563 : i32
              %get3A_565 = arith.index_cast %scan3A_369 : i32 to index
              %get3A_566 = arith.index_cast %mul3A_564 : i32 to index
              %get3A_567 = tpu.vector_load %arg15[%get3A_565, %get3A_566] {strides = array<i32>} : memref<16x1024xf32, #tpu.memory_space<vmem>>, vector<1x16xf32>,
              %get3A_568 = vector.shape_cast %get3A_567 : vector<1x16xf32> to vector<16xf32>
              %mul3A_569 = arith.constant 16 : i32
              %mul3A_570 = arith.muli %scan3A_562, %mul3A_569 : i32
              %get3A_571 = arith.index_cast %convert_element_type3A_381 : i32 to index
              %get3A_572 = arith.index_cast %mul3A_570 : i32 to index
              %get3A_573 = tpu.vector_load %arg17[%get3A_571, %get3A_572] {strides = array<i32>} : memref<32x1024xf32, #tpu.memory_space<vmem>>, vector<1x16xf32>,
              %get3A_574 = vector.shape_cast %get3A_573 : vector<1x16xf32> to vector<16xf32>
              %mul3A_575 = arith.mulf %select_n3A_418, %get3A_568 : vector<16xf32>
              %add3A_576 = arith.addf %get3A_574, %mul3A_575 : vector<16xf32>
              %mul3A_577 = arith.constant 16 : i32
              %mul3A_578 = arith.muli %scan3A_562, %mul3A_577 : i32
              %swap3A_579 = arith.index_cast %convert_element_type3A_381 : i32 to index
              %swap3A_580 = arith.index_cast %mul3A_578 : i32 to index
              %swap3A_581 = tpu.vector_load %arg17[%swap3A_579, %swap3A_580] {strides = array<i32>} : memref<32x1024xf32, #tpu.memory_space<vmem>>, vector<1x16xf32>,
              %swap3A_582 = vector.shape_cast %swap3A_581 : vector<1x16xf32> to vector<16xf32>
              %swap3A_583 = vector.shape_cast %add3A_576 : vector<16xf32> to vector<1x16xf32>
              tpu.vector_store %arg17[%swap3A_579, %swap3A_580], %swap3A_583 {strides = array<i32>} : memref<32x1024xf32, #tpu.memory_space<vmem>>, vector<1x16xf32>,
              %scan3A_584 = arith.constant 0 : i32
              %scan3A_585 = arith.constant 6 : i32
              %scan3A_586 = arith.addi %scan3A_441, %scan3A_585 : i32
              %mul3A_587 = arith.constant 16 : i32
              %mul3A_588 = arith.muli %scan3A_586, %mul3A_587 : i32
              %get3A_589 = arith.index_cast %scan3A_369 : i32 to index
              %get3A_590 = arith.index_cast %mul3A_588 : i32 to index
              %get3A_591 = tpu.vector_load %arg15[%get3A_589, %get3A_590] {strides = array<i32>} : memref<16x1024xf32, #tpu.memory_space<vmem>>, vector<1x16xf32>,
              %get3A_592 = vector.shape_cast %get3A_591 : vector<1x16xf32> to vector<16xf32>
              %mul3A_593 = arith.constant 16 : i32
              %mul3A_594 = arith.muli %scan3A_586, %mul3A_593 : i32
              %get3A_595 = arith.index_cast %convert_element_type3A_381 : i32 to index
              %get3A_596 = arith.index_cast %mul3A_594 : i32 to index
              %get3A_597 = tpu.vector_load %arg17[%get3A_595, %get3A_596] {strides = array<i32>} : memref<32x1024xf32, #tpu.memory_space<vmem>>, vector<1x16xf32>,
              %get3A_598 = vector.shape_cast %get3A_597 : vector<1x16xf32> to vector<16xf32>
              %mul3A_599 = arith.mulf %select_n3A_418, %get3A_592 : vector<16xf32>
              %add3A_600 = arith.addf %get3A_598, %mul3A_599 : vector<16xf32>
              %mul3A_601 = arith.constant 16 : i32
              %mul3A_602 = arith.muli %scan3A_586, %mul3A_601 : i32
              %swap3A_603 = arith.index_cast %convert_element_type3A_381 : i32 to index
              %swap3A_604 = arith.index_cast %mul3A_602 : i32 to index
              %swap3A_605 = tpu.vector_load %arg17[%swap3A_603, %swap3A_604] {strides = array<i32>} : memref<32x1024xf32, #tpu.memory_space<vmem>>, vector<1x16xf32>,
              %swap3A_606 = vector.shape_cast %swap3A_605 : vector<1x16xf32> to vector<16xf32>
              %swap3A_607 = vector.shape_cast %add3A_600 : vector<16xf32> to vector<1x16xf32>
              tpu.vector_store %arg17[%swap3A_603, %swap3A_604], %swap3A_607 {strides = array<i32>} : memref<32x1024xf32, #tpu.memory_space<vmem>>, vector<1x16xf32>,
              %scan3A_608 = arith.constant 0 : i32
              %scan3A_609 = arith.constant 7 : i32
              %scan3A_610 = arith.addi %scan3A_441, %scan3A_609 : i32
              %mul3A_611 = arith.constant 16 : i32
              %mul3A_612 = arith.muli %scan3A_610, %mul3A_611 : i32
              %get3A_613 = arith.index_cast %scan3A_369 : i32 to index
              %get3A_614 = arith.index_cast %mul3A_612 : i32 to index
              %get3A_615 = tpu.vector_load %arg15[%get3A_613, %get3A_614] {strides = array<i32>} : memref<16x1024xf32, #tpu.memory_space<vmem>>, vector<1x16xf32>,
              %get3A_616 = vector.shape_cast %get3A_615 : vector<1x16xf32> to vector<16xf32>
              %mul3A_617 = arith.constant 16 : i32
              %mul3A_618 = arith.muli %scan3A_610, %mul3A_617 : i32
              %get3A_619 = arith.index_cast %convert_element_type3A_381 : i32 to index
              %get3A_620 = arith.index_cast %mul3A_618 : i32 to index
              %get3A_621 = tpu.vector_load %arg17[%get3A_619, %get3A_620] {strides = array<i32>} : memref<32x1024xf32, #tpu.memory_space<vmem>>, vector<1x16xf32>,
              %get3A_622 = vector.shape_cast %get3A_621 : vector<1x16xf32> to vector<16xf32>
              %mul3A_623 = arith.mulf %select_n3A_418, %get3A_616 : vector<16xf32>
              %add3A_624 = arith.addf %get3A_622, %mul3A_623 : vector<16xf32>
              %mul3A_625 = arith.constant 16 : i32
              %mul3A_626 = arith.muli %scan3A_610, %mul3A_625 : i32
              %swap3A_627 = arith.index_cast %convert_element_type3A_381 : i32 to index
              %swap3A_628 = arith.index_cast %mul3A_626 : i32 to index
              %swap3A_629 = tpu.vector_load %arg17[%swap3A_627, %swap3A_628] {strides = array<i32>} : memref<32x1024xf32, #tpu.memory_space<vmem>>, vector<1x16xf32>,
              %swap3A_630 = vector.shape_cast %swap3A_629 : vector<1x16xf32> to vector<16xf32>
              %swap3A_631 = vector.shape_cast %add3A_624 : vector<16xf32> to vector<1x16xf32>
              tpu.vector_store %arg17[%swap3A_627, %swap3A_628], %swap3A_631 {strides = array<i32>} : memref<32x1024xf32, #tpu.memory_space<vmem>>, vector<1x16xf32>,
              %scan3A_632 = arith.constant 0 : i32
              scf.yield %scan3A_632 : i32
            }
            %scan3A_425 = arith.constant 64 : i32
            %get3A_426 = arith.index_cast %convert_element_type3A_381 : i32 to index
            %get3A_427 = arith.constant 0 : index
            %get3A_428 = tpu.vector_load %arg18[%get3A_426, %get3A_427] {strides = array<i32>} : memref<32x128xf32, #tpu.memory_space<vmem>>, vector<1x16xf32>,
            %get3A_429 = vector.shape_cast %get3A_428 : vector<1x16xf32> to vector<16xf32>
            %eq3A = arith.constant 0 : i32
            %eq3A_430 = vector.broadcast %eq3A : i32 to vector<16xi32>
            %eq3A_431 = arith.cmpi eq, %iota3A, %eq3A_430 : vector<16xi32>
            %jit3A_432 = arith.constant 0.000000e+00 : f32
            %broadcast_in_dim3A_433 = vector.broadcast %jit3A_432 : f32 to vector<16xf32>
            %select_n3A_434 = arith.select %eq3A_431, %select_n3A_418, %broadcast_in_dim3A_433 : vector<16xi1>, vector<16xf32>
            %add3A_435 = arith.addf %get3A_429, %select_n3A_434 : vector<16xf32>
            %swap3A = arith.index_cast %convert_element_type3A_381 : i32 to index
            %swap3A_436 = arith.constant 0 : index
            %swap3A_437 = tpu.vector_load %arg18[%swap3A, %swap3A_436] {strides = array<i32>} : memref<32x128xf32, #tpu.memory_space<vmem>>, vector<1x16xf32>,
            %swap3A_438 = vector.shape_cast %swap3A_437 : vector<1x16xf32> to vector<16xf32>
            %swap3A_439 = vector.shape_cast %add3A_435 : vector<16xf32> to vector<1x16xf32>
            tpu.vector_store %arg18[%swap3A, %swap3A_436], %swap3A_439 {strides = array<i32>} : memref<32x128xf32, #tpu.memory_space<vmem>>, vector<1x16xf32>,
            %scan3A_440 = arith.constant 0 : i32
            scf.yield %scan3A_440 : i32
          }
          %scan3A_368 = arith.constant 16 : i32
        } else {
        }
        scf.yield %select_n3A_326, %get3A_338 : i32, vector<16xi32>
      }
      "tpu.region"() ({
        %run_scoped3A = tpu.sem_alloc : memref<!tpu.dma_semaphore, #tpu.memory_space<semaphore_mem>>
        %dma_start3A_225 = arith.constant 0 : i32
        %dma_start3A_226 = tpu.memref_slice %arg8[%multiple_of3A, %dma_start3A_225] : memref<10240x1024xf32, #tpu.memory_space<hbm>> -> memref<32x1024xf32, #tpu.memory_space<hbm>>
        %dma_start3A_227 = arith.constant 0 : i32
        %dma_start3A_228 = tpu.memref_slice %arg8[%multiple_of3A, %dma_start3A_227] : memref<10240x1024xf32, #tpu.memory_space<hbm>> -> memref<32x1024xf32, #tpu.memory_space<hbm>>
        tpu.enqueue_dma source(%arg17 : memref<32x1024xf32, #tpu.memory_space<vmem>>) target(%dma_start3A_228 : memref<32x1024xf32, #tpu.memory_space<hbm>>) target_semaphore(%run_scoped3A : memref<!tpu.dma_semaphore, #tpu.memory_space<semaphore_mem>>)
        %dma_wait3A_229 = arith.constant 0 : i32
        %dma_wait3A_230 = tpu.memref_slice %arg8[%multiple_of3A, %dma_wait3A_229] : memref<10240x1024xf32, #tpu.memory_space<hbm>> -> memref<32x1024xf32, #tpu.memory_space<hbm>>
        %dma_wait3A_231 = arith.constant 0 : i32
        %dma_wait3A_232 = tpu.memref_slice %arg8[%multiple_of3A, %dma_wait3A_231] : memref<10240x1024xf32, #tpu.memory_space<hbm>> -> memref<32x1024xf32, #tpu.memory_space<hbm>>
        tpu.wait_dma2 semaphore(%run_scoped3A : memref<!tpu.dma_semaphore, #tpu.memory_space<semaphore_mem>>) src(%arg17 : memref<32x1024xf32, #tpu.memory_space<vmem>>) dst(%dma_wait3A_232 : memref<32x1024xf32, #tpu.memory_space<hbm>>)
        tpu.yield
      }) : () -> ()
      "tpu.region"() ({
        %run_scoped3A = tpu.sem_alloc : memref<!tpu.dma_semaphore, #tpu.memory_space<semaphore_mem>>
        %dma_start3A_225 = arith.constant 0 : i32
        %dma_start3A_226 = tpu.memref_slice %arg9[%multiple_of3A, %dma_start3A_225] : memref<10240x128xf32, #tpu.memory_space<hbm>> -> memref<32x128xf32, #tpu.memory_space<hbm>>
        %dma_start3A_227 = arith.constant 0 : i32
        %dma_start3A_228 = tpu.memref_slice %arg9[%multiple_of3A, %dma_start3A_227] : memref<10240x128xf32, #tpu.memory_space<hbm>> -> memref<32x128xf32, #tpu.memory_space<hbm>>
        tpu.enqueue_dma source(%arg18 : memref<32x128xf32, #tpu.memory_space<vmem>>) target(%dma_start3A_228 : memref<32x128xf32, #tpu.memory_space<hbm>>) target_semaphore(%run_scoped3A : memref<!tpu.dma_semaphore, #tpu.memory_space<semaphore_mem>>)
        %dma_wait3A_229 = arith.constant 0 : i32
        %dma_wait3A_230 = tpu.memref_slice %arg9[%multiple_of3A, %dma_wait3A_229] : memref<10240x128xf32, #tpu.memory_space<hbm>> -> memref<32x128xf32, #tpu.memory_space<hbm>>
        %dma_wait3A_231 = arith.constant 0 : i32
        %dma_wait3A_232 = tpu.memref_slice %arg9[%multiple_of3A, %dma_wait3A_231] : memref<10240x128xf32, #tpu.memory_space<hbm>> -> memref<32x128xf32, #tpu.memory_space<hbm>>
        tpu.wait_dma2 semaphore(%run_scoped3A : memref<!tpu.dma_semaphore, #tpu.memory_space<semaphore_mem>>) src(%arg18 : memref<32x128xf32, #tpu.memory_space<vmem>>) dst(%dma_wait3A_232 : memref<32x128xf32, #tpu.memory_space<hbm>>)
        tpu.yield
      }) : () -> ()
      %scan3A_224 = arith.constant 0 : i32
      scf.yield %scan3A_224 : i32
    }
    %scan3A_9 = arith.constant 10 : i32
    return
  }
}

module attributes {stable_mosaic.version = 14 : i64} {
  func.func @_xform_body(%arg0: i32, %arg1: memref<256x128xf32, #tpu.memory_space<vmem>>, %arg2: memref<128x1024xf32, #tpu.memory_space<vmem>>, %arg3: memref<1024xf32, #tpu.memory_space<vmem>>, %arg4: memref<128x1024xf32, #tpu.memory_space<vmem>>, %arg5: memref<256x1024xf32, #tpu.memory_space<vmem>>, %arg6: memref<256x1024xf32, #tpu.memory_space<vmem>>) attributes {dimension_semantics = [#tpu.dimension_semantics<arbitrary>], iteration_bounds = array<i64: 40>, scalar_prefetch = 0 : i64, scratch_operands = 0 : i64, tpu.core_type = #tpu.core_type<tc>, window_params = [{transform_indices = @transform_0, window_bounds = array<i64: 256, 128>}, {pipeline_mode = #tpu.pipeline_mode<synchronous>, transform_indices = @transform_1, window_bounds = array<i64: 128, 1024>}, {pipeline_mode = #tpu.pipeline_mode<synchronous>, transform_indices = @transform_2, window_bounds = array<i64: 1024>}, {pipeline_mode = #tpu.pipeline_mode<synchronous>, transform_indices = @transform_3, window_bounds = array<i64: 128, 1024>}, {transform_indices = @transform_4, window_bounds = array<i64: 256, 1024>}, {transform_indices = @transform_5, window_bounds = array<i64: 256, 1024>}]} {
    %get3A = arith.constant 0 : index
    %get3A_0 = arith.constant 0 : index
    %get3A_1 = vector.load %arg1[%get3A, %get3A_0] : memref<256x128xf32, #tpu.memory_space<vmem>>, vector<256x128xf32>
    %get3A_2 = arith.constant 0 : index
    %get3A_3 = arith.constant 0 : index
    %get3A_4 = vector.load %arg2[%get3A_2, %get3A_3] : memref<128x1024xf32, #tpu.memory_space<vmem>>, vector<128x1024xf32>
    %dot_general3A = arith.constant dense<0.000000e+00> : vector<256x1024xf32>
    %dot_general3A_5 = tpu.matmul %get3A_1, %get3A_4, %dot_general3A {dimension_numbers = #tpu.dot_dimension_numbers<[1], [0], [0], [1], [0, 0, 1, 1], [], []>, transpose_lhs_hint = false} : vector<256x128xf32>, vector<128x1024xf32>, vector<256x1024xf32> -> vector<256x1024xf32>
    %get3A_6 = arith.constant 0 : index
    %get3A_7 = vector.load %arg3[%get3A_6] : memref<1024xf32, #tpu.memory_space<vmem>>, vector<1024xf32>
    %broadcast_in_dim3A = vector.shape_cast %get3A_7 : vector<1024xf32> to vector<1x1024xf32>
    %add3A = vector.broadcast %broadcast_in_dim3A : vector<1x1024xf32> to vector<256x1024xf32>
    %add3A_8 = arith.addf %dot_general3A_5, %add3A : vector<256x1024xf32>
    %swap3A = arith.constant 0 : index
    %swap3A_9 = arith.constant 0 : index
    %swap3A_10 = vector.load %arg5[%swap3A, %swap3A_9] : memref<256x1024xf32, #tpu.memory_space<vmem>>, vector<256x1024xf32>
    tpu.vector_store %arg5[%swap3A, %swap3A_9], %add3A_8 {strides = array<i32>} : memref<256x1024xf32, #tpu.memory_space<vmem>>, vector<256x1024xf32>,
    %get3A_11 = arith.constant 0 : index
    %get3A_12 = arith.constant 0 : index
    %get3A_13 = vector.load %arg4[%get3A_11, %get3A_12] : memref<128x1024xf32, #tpu.memory_space<vmem>>, vector<128x1024xf32>
    %dot_general3A_14 = arith.constant dense<0.000000e+00> : vector<256x1024xf32>
    %dot_general3A_15 = tpu.matmul %get3A_1, %get3A_13, %dot_general3A_14 {dimension_numbers = #tpu.dot_dimension_numbers<[1], [0], [0], [1], [0, 0, 1, 1], [], []>, transpose_lhs_hint = false} : vector<256x128xf32>, vector<128x1024xf32>, vector<256x1024xf32> -> vector<256x1024xf32>
    %swap3A_16 = arith.constant 0 : index
    %swap3A_17 = arith.constant 0 : index
    %swap3A_18 = vector.load %arg6[%swap3A_16, %swap3A_17] : memref<256x1024xf32, #tpu.memory_space<vmem>>, vector<256x1024xf32>
    tpu.vector_store %arg6[%swap3A_16, %swap3A_17], %dot_general3A_15 {strides = array<i32>} : memref<256x1024xf32, #tpu.memory_space<vmem>>, vector<256x1024xf32>,
    return
  }
  func.func @transform_0(%arg0: i32) -> (i32, i32) {
    %c0_i32 = arith.constant 0 : i32
    %c0_i32_0 = arith.constant 0 : i32
    return %arg0, %c0_i32 : i32, i32
  }
  func.func @transform_1(%arg0: i32) -> (i32, i32) {
    %c0_i32 = arith.constant 0 : i32
    %c0_i32_0 = arith.constant 0 : i32
    %c0_i32_1 = arith.constant 0 : i32
    return %c0_i32, %c0_i32_0 : i32, i32
  }
  func.func @transform_2(%arg0: i32) -> i32 {
    %c0_i32 = arith.constant 0 : i32
    %c0_i32_0 = arith.constant 0 : i32
    return %c0_i32 : i32
  }
  func.func @transform_3(%arg0: i32) -> (i32, i32) {
    %c0_i32 = arith.constant 0 : i32
    %c0_i32_0 = arith.constant 0 : i32
    %c0_i32_1 = arith.constant 0 : i32
    return %c0_i32, %c0_i32_0 : i32, i32
  }
  func.func @transform_4(%arg0: i32) -> (i32, i32) {
    %c0_i32 = arith.constant 0 : i32
    %c0_i32_0 = arith.constant 0 : i32
    return %arg0, %c0_i32 : i32, i32
  }
  func.func @transform_5(%arg0: i32) -> (i32, i32) {
    %c0_i32 = arith.constant 0 : i32
    %c0_i32_0 = arith.constant 0 : i32
    return %arg0, %c0_i32 : i32, i32
  }
}

module attributes {stable_mosaic.version = 14 : i64} {
  func.func @_mlp_body(%arg0: i32, %arg1: memref<400x1024xf32, #tpu.memory_space<vmem>>, %arg2: memref<400x128xf32, #tpu.memory_space<vmem>>, %arg3: memref<1024xf32, #tpu.memory_space<vmem>>, %arg4: memref<1024x512xf32, #tpu.memory_space<vmem>>, %arg5: memref<512xf32, #tpu.memory_space<vmem>>, %arg6: memref<512x128xf32, #tpu.memory_space<vmem>>, %arg7: memref<128xf32, #tpu.memory_space<vmem>>, %arg8: memref<128x40xf32, #tpu.memory_space<vmem>>, %arg9: memref<40xf32, #tpu.memory_space<vmem>>, %arg10: memref<400x40xf32, #tpu.memory_space<vmem>>) attributes {dimension_semantics = [#tpu.dimension_semantics<arbitrary>], iteration_bounds = array<i64: 25>, scalar_prefetch = 0 : i64, scratch_operands = 0 : i64, tpu.core_type = #tpu.core_type<tc>, window_params = [{transform_indices = @transform_0, window_bounds = array<i64: 400, 1024>}, {transform_indices = @transform_1, window_bounds = array<i64: 400, 128>}, {pipeline_mode = #tpu.pipeline_mode<synchronous>, transform_indices = @transform_2, window_bounds = array<i64: 1024>}, {pipeline_mode = #tpu.pipeline_mode<synchronous>, transform_indices = @transform_3, window_bounds = array<i64: 1024, 512>}, {pipeline_mode = #tpu.pipeline_mode<synchronous>, transform_indices = @transform_4, window_bounds = array<i64: 512>}, {pipeline_mode = #tpu.pipeline_mode<synchronous>, transform_indices = @transform_5, window_bounds = array<i64: 512, 128>}, {pipeline_mode = #tpu.pipeline_mode<synchronous>, transform_indices = @transform_6, window_bounds = array<i64: 128>}, {pipeline_mode = #tpu.pipeline_mode<synchronous>, transform_indices = @transform_7, window_bounds = array<i64: 128, 40>}, {pipeline_mode = #tpu.pipeline_mode<synchronous>, transform_indices = @transform_8, window_bounds = array<i64: 40>}, {transform_indices = @transform_9, window_bounds = array<i64: 400, 40>}]} {
    %get3A = arith.constant 0 : index
    %get3A_0 = arith.constant 0 : index
    %get3A_1 = vector.load %arg2[%get3A, %get3A_0] : memref<400x128xf32, #tpu.memory_space<vmem>>, vector<400x1xf32>
    %get3A_2 = arith.constant 0 : index
    %get3A_3 = arith.constant 0 : index
    %get3A_4 = vector.load %arg1[%get3A_2, %get3A_3] : memref<400x1024xf32, #tpu.memory_space<vmem>>, vector<400x1024xf32>
    %add3A = arith.constant 1.000000e-16 : f32
    %add3A_5 = vector.broadcast %add3A : f32 to vector<400x1xf32>
    %add3A_6 = arith.addf %get3A_1, %add3A_5 : vector<400x1xf32>
    %div3A = arith.constant 1.000000e+00 : f32
    %div3A_7 = vector.broadcast %div3A : f32 to vector<400x1xf32>
    %div3A_8 = arith.divf %div3A_7, %add3A_6 : vector<400x1xf32>
    %mul3A = vector.broadcast %div3A_8 : vector<400x1xf32> to vector<400x1024xf32>
    %mul3A_9 = arith.mulf %get3A_4, %mul3A : vector<400x1024xf32>
    %get3A_10 = arith.constant 0 : index
    %get3A_11 = vector.load %arg3[%get3A_10] : memref<1024xf32, #tpu.memory_space<vmem>>, vector<1024xf32>
    %broadcast_in_dim3A = vector.shape_cast %get3A_11 : vector<1024xf32> to vector<1x1024xf32>
    %add3A_12 = vector.broadcast %broadcast_in_dim3A : vector<1x1024xf32> to vector<400x1024xf32>
    %add3A_13 = arith.addf %mul3A_9, %add3A_12 : vector<400x1024xf32>
    %max3A = arith.constant 0.000000e+00 : f32
    %max3A_14 = vector.broadcast %max3A : f32 to vector<400x1024xf32>
    %max3A_15 = arith.maximumf %add3A_13, %max3A_14 : vector<400x1024xf32>
    %get3A_16 = arith.constant 0 : index
    %get3A_17 = arith.constant 0 : index
    %get3A_18 = vector.load %arg4[%get3A_16, %get3A_17] : memref<1024x512xf32, #tpu.memory_space<vmem>>, vector<1024x512xf32>
    %dot_general3A = arith.constant dense<0.000000e+00> : vector<400x512xf32>
    %dot_general3A_19 = tpu.matmul %max3A_15, %get3A_18, %dot_general3A {dimension_numbers = #tpu.dot_dimension_numbers<[1], [0], [0], [1], [0, 0, 1, 1], [], []>, transpose_lhs_hint = false} : vector<400x1024xf32>, vector<1024x512xf32>, vector<400x512xf32> -> vector<400x512xf32>
    %get3A_20 = arith.constant 0 : index
    %get3A_21 = vector.load %arg5[%get3A_20] : memref<512xf32, #tpu.memory_space<vmem>>, vector<512xf32>
    %broadcast_in_dim3A_22 = vector.shape_cast %get3A_21 : vector<512xf32> to vector<1x512xf32>
    %add3A_23 = vector.broadcast %broadcast_in_dim3A_22 : vector<1x512xf32> to vector<400x512xf32>
    %add3A_24 = arith.addf %dot_general3A_19, %add3A_23 : vector<400x512xf32>
    %max3A_25 = arith.constant 0.000000e+00 : f32
    %max3A_26 = vector.broadcast %max3A_25 : f32 to vector<400x512xf32>
    %max3A_27 = arith.maximumf %add3A_24, %max3A_26 : vector<400x512xf32>
    %get3A_28 = arith.constant 0 : index
    %get3A_29 = arith.constant 0 : index
    %get3A_30 = vector.load %arg6[%get3A_28, %get3A_29] : memref<512x128xf32, #tpu.memory_space<vmem>>, vector<512x128xf32>
    %dot_general3A_31 = arith.constant dense<0.000000e+00> : vector<400x128xf32>
    %dot_general3A_32 = tpu.matmul %max3A_27, %get3A_30, %dot_general3A_31 {dimension_numbers = #tpu.dot_dimension_numbers<[1], [0], [0], [1], [0, 0, 1, 1], [], []>, transpose_lhs_hint = false} : vector<400x512xf32>, vector<512x128xf32>, vector<400x128xf32> -> vector<400x128xf32>
    %get3A_33 = arith.constant 0 : index
    %get3A_34 = vector.load %arg7[%get3A_33] : memref<128xf32, #tpu.memory_space<vmem>>, vector<128xf32>
    %broadcast_in_dim3A_35 = vector.shape_cast %get3A_34 : vector<128xf32> to vector<1x128xf32>
    %add3A_36 = vector.broadcast %broadcast_in_dim3A_35 : vector<1x128xf32> to vector<400x128xf32>
    %add3A_37 = arith.addf %dot_general3A_32, %add3A_36 : vector<400x128xf32>
    %max3A_38 = arith.constant 0.000000e+00 : f32
    %max3A_39 = vector.broadcast %max3A_38 : f32 to vector<400x128xf32>
    %max3A_40 = arith.maximumf %add3A_37, %max3A_39 : vector<400x128xf32>
    %get3A_41 = arith.constant 0 : index
    %get3A_42 = arith.constant 0 : index
    %get3A_43 = vector.load %arg8[%get3A_41, %get3A_42] : memref<128x40xf32, #tpu.memory_space<vmem>>, vector<128x40xf32>
    %dot_general3A_44 = arith.constant dense<0.000000e+00> : vector<400x40xf32>
    %dot_general3A_45 = tpu.matmul %max3A_40, %get3A_43, %dot_general3A_44 {dimension_numbers = #tpu.dot_dimension_numbers<[1], [0], [0], [1], [0, 0, 1, 1], [], []>, transpose_lhs_hint = false} : vector<400x128xf32>, vector<128x40xf32>, vector<400x40xf32> -> vector<400x40xf32>
    %get3A_46 = arith.constant 0 : index
    %get3A_47 = vector.load %arg9[%get3A_46] : memref<40xf32, #tpu.memory_space<vmem>>, vector<40xf32>
    %broadcast_in_dim3A_48 = vector.shape_cast %get3A_47 : vector<40xf32> to vector<1x40xf32>
    %add3A_49 = vector.broadcast %broadcast_in_dim3A_48 : vector<1x40xf32> to vector<400x40xf32>
    %add3A_50 = arith.addf %dot_general3A_45, %add3A_49 : vector<400x40xf32>
    %swap3A = arith.constant 0 : index
    %swap3A_51 = arith.constant 0 : index
    %swap3A_52 = vector.load %arg10[%swap3A, %swap3A_51] : memref<400x40xf32, #tpu.memory_space<vmem>>, vector<400x40xf32>
    tpu.vector_store %arg10[%swap3A, %swap3A_51], %add3A_50 {strides = array<i32>} : memref<400x40xf32, #tpu.memory_space<vmem>>, vector<400x40xf32>,
    return
  }
  func.func @transform_0(%arg0: i32) -> (i32, i32) {
    %c0_i32 = arith.constant 0 : i32
    %c0_i32_0 = arith.constant 0 : i32
    return %arg0, %c0_i32 : i32, i32
  }
  func.func @transform_1(%arg0: i32) -> (i32, i32) {
    %c0_i32 = arith.constant 0 : i32
    %c0_i32_0 = arith.constant 0 : i32
    return %arg0, %c0_i32 : i32, i32
  }
  func.func @transform_2(%arg0: i32) -> i32 {
    %c0_i32 = arith.constant 0 : i32
    %c0_i32_0 = arith.constant 0 : i32
    return %c0_i32 : i32
  }
  func.func @transform_3(%arg0: i32) -> (i32, i32) {
    %c0_i32 = arith.constant 0 : i32
    %c0_i32_0 = arith.constant 0 : i32
    %c0_i32_1 = arith.constant 0 : i32
    return %c0_i32, %c0_i32_0 : i32, i32
  }
  func.func @transform_4(%arg0: i32) -> i32 {
    %c0_i32 = arith.constant 0 : i32
    %c0_i32_0 = arith.constant 0 : i32
    return %c0_i32 : i32
  }
  func.func @transform_5(%arg0: i32) -> (i32, i32) {
    %c0_i32 = arith.constant 0 : i32
    %c0_i32_0 = arith.constant 0 : i32
    %c0_i32_1 = arith.constant 0 : i32
    return %c0_i32, %c0_i32_0 : i32, i32
  }
  func.func @transform_6(%arg0: i32) -> i32 {
    %c0_i32 = arith.constant 0 : i32
    %c0_i32_0 = arith.constant 0 : i32
    return %c0_i32 : i32
  }
  func.func @transform_7(%arg0: i32) -> (i32, i32) {
    %c0_i32 = arith.constant 0 : i32
    %c0_i32_0 = arith.constant 0 : i32
    %c0_i32_1 = arith.constant 0 : i32
    return %c0_i32, %c0_i32_0 : i32, i32
  }
  func.func @transform_8(%arg0: i32) -> i32 {
    %c0_i32 = arith.constant 0 : i32
    %c0_i32_0 = arith.constant 0 : i32
    return %c0_i32 : i32
  }
  func.func @transform_9(%arg0: i32) -> (i32, i32) {
    %c0_i32 = arith.constant 0 : i32
    %c0_i32_0 = arith.constant 0 : i32
    return %arg0, %c0_i32 : i32, i32
  }
}

</mosaic_0001>

<sc_bundles>
// kernel: gather_offload_async_start.1
scs
__scs_entry_jumppad:
0x0: {  	(pc) =	sbr.rel $0x88, $3  }
0x1: {  	(tag) =	ssettag $0x0;
	lr =	simm.s32 $0x1  }
0x2: {  	[smem:$0x3F94] =	sst lr;
	_ =	strace $0xD0000000  }
0x3: {  	_ = 	snop  }
0x4: {  	_ = 	snop  }
0x5: {  	_ = 	snop  }
0x6: {  	_ = 	snop  }
0x7: {  	_ = 	snop  }
__scs_overlays_trampoline_lowered:
0x8: {  	[smem:$0x3FA3] =	sst s0  }
0x9: {  	[smem:$0x3FA4] =	sst s1  }
0xa: {  	[smem:$0x3FA5] =	sst s2  }
0xb: {  	[smem:$0x3FA6] =	sst s3  }
0xc: {  	[smem:$0x3FA7] =	sst s4  }
0xd: {  	[smem:$0x3FA8] =	sst s5  }
0xe: {  	[smem:$0x3FA9] =	sst s6  }
0xf: {  	[smem:$0x3FAA] =	sst s7  }
0x10: {  	[smem:$0x3FAB] =	sst s8  }
0x11: {  	[smem:$0x3FAC] =	sst s9;
	s0 =	simm.s32 @!p0 $0x0  }
0x12: {  	s1 =	sld [smem:$0x3F92];
	s0 =	simm.s32 @p0 $0x1  }
0x13: {  	[smem:$0x3FAD] =	sst s0;
	s0 =	simm.s32 @!p1 $0x0  }
0x14: {  	s2 =	sld [smem:$0x3F91];
	s0 =	simm.s32 @p1 $0x1  }
0x15: {  	[smem:$0x3FAE] =	sst s0;
	s0 =	simm.s32 @!p2 $0x0  }
0x16: {  	s3 =	sld [smem:$0x3FDB];
	s0 =	simm.s32 @p2 $0x1  }
0x17: {  	s4 =	simm.s32 $0x1BF5;
	[smem:$0x3FB0] =	sst s0  }
0x18: {  	s0 =	sld [smem:$0x3F93];
	_ =	swait.ge [sflag:s4], $0x0  }
0x19: {  	s7 =	sld [smem:$0x3F94]  }
0x1a: {  	s8 =	sadd.s32 $0xFFFFE003, lr  }
0x1b: {  	s9 =	sadd.s32 $0xFFFFFEF7, lr;
	s5 =	simm.s32 $0xFFFFFFFF;
	p2 =	slt.u32 s8, $0xFFFFF086  }
0x1c: {  	p1 =	slt.u32 s9, $0xF7A;
	s5 =	simm.s32 @!p2 $0x0  }
0x1d: {  	s5 =	simm.s32 @p1 $0x1;
	p0 =	seq.s32 s7, s2  }
0x1e: {  	s7 =	smul.u32 @!p0 $0xF7A, s2;
	p2 =	seq.s32 @!p0 s5, $0x0  }
0x1f: {  	s9 =	smul.u32 $0xF7A, s1;
	s8 =	simm.s32 @!p0 $0x1BF5;
	p2 =	por !p2, p0  }
0x20: {  	[sflag:s8] =	ssyncset.s32 @!p0 $0xFFFFF086;
	s6 =	sadd.s32 @!p0 s3, s7;
	s7 =	simm.s32 @!p0 $0x108  }
0x21: {  	s3 =	sadd.s32 s3, s9;
	s6 =	sadd.s32 @!p0 $0x88, s6;
	s7 =	simm.s32 @p2 $0x1082  }
0x22: {  	[simem:s7], [sflag:s8] =	dma.local @!p0 [hbm:s6], $0xF7A  }
0x23: {  	s9 =	sor.u32 $0xD0000000, s2;
	s6 =	simm.s32 $0x108;
	_ =	swait.ge @!p0 [sflag:s8], $0x0  }
0x24: {  	s3 =	sadd.s32 $0x88, s3;
	s6 =	simm.s32 @!p1 $0x1082;
	[sflag:s4] =	ssyncset.s32 $0xFFFFF086  }
0x25: {  	[simem:s6], [sflag:s4] =	dma.local [hbm:s3], $0xF7A  }
0x26: {  	[smem:$0x3F94] =	sst s1;
	(tag) =	ssettag s2;
	_ =	strace s9  }
0x27: {  	s1 =	sld [smem:$0x3FA4]  }
0x28: {  	s2 =	sld [smem:$0x3FA5]  }
0x29: {  	s4 =	sld [smem:$0x3FA7]  }
0x2a: {  	p0 =	seq.s32 s5, $0x0;
	s5 =	sld [smem:$0x3FA8]  }
0x2b: {  	s6 =	sld [smem:$0x3FA9]  }
0x2c: {  	s7 =	sld [smem:$0x3FAA]  }
0x2d: {  	s3 =	simm.s32 $0x108;
	s8 =	sld [smem:$0x3FAB]  }
0x2e: {  	s3 =	simm.s32 @!p0 $0x1082;
	s9 =	sld [smem:$0x3FAC]  }
0x2f: {  	lr =	sadd.s32 s0, s3;
	s0 =	sld [smem:$0x3FA3]  }
0x30: {  	s3 =	sld [smem:$0x3FA6]  }
0x31: {  	[smem:$0x3FAF] =	sst s10  }
0x32: {  	s10 =	sld [smem:$0x3FAD];
	_ =	sdelay $0x3  }
0x33: {  	p0 =	seq.s32 s10, $0x1;
	s10 =	sld [smem:$0x3FAF];
	_ =	sdelay $0x3  }
0x34: {  	[smem:$0x3FAF] =	sst s10  }
0x35: {  	s10 =	sld [smem:$0x3FAE];
	_ =	sdelay $0x3  }
0x36: {  	p1 =	seq.s32 s10, $0x1;
	s10 =	sld [smem:$0x3FAF];
	_ =	sdelay $0x3  }
0x37: {  	[smem:$0x3FAF] =	sst s10  }
0x38: {  	s10 =	sld [smem:$0x3FB0]  }
0x39: {  	_ = 	snop;
	(pc) =	sbr.ind lr, $3  }
0x3a: {  	_ = 	snop  }
0x3b: {  	_ = 	snop  }
0x3c: {  	p2 =	seq.s32 s10, $0x1;
	s10 =	sld [smem:$0x3FAF]  }
0x3d: {  	_ =	shalt  }
0x3e: {  	_ =	shalt  }
0x3f: {  	_ =	shalt  }
0x40: {  	_ =	shalt  }
0x41: {  	_ =	shalt  }
0x42: {  	_ =	shalt  }
0x43: {  	_ =	shalt  }
0x44: {  	_ =	shalt  }
0x45: {  	_ =	shalt  }
0x46: {  	_ =	shalt  }
0x47: {  	_ =	shalt  }
0x48: {  	_ =	shalt  }
0x49: {  	_ =	shalt  }
0x4a: {  	_ =	shalt  }
0x4b: {  	_ =	shalt  }
0x4c: {  	_ =	shalt  }
0x4d: {  	_ =	shalt  }
0x4e: {  	_ =	shalt  }
0x4f: {  	_ =	shalt  }
0x50: {  	_ =	shalt  }
0x51: {  	_ =	shalt  }
0x52: {  	_ =	shalt  }
0x53: {  	_ =	shalt  }
0x54: {  	_ =	shalt  }
0x55: {  	_ =	shalt  }
0x56: {  	_ =	shalt  }
0x57: {  	_ =	shalt  }
0x58: {  	_ =	shalt  }
0x59: {  	_ =	shalt  }
0x5a: {  	_ =	shalt  }
0x5b: {  	_ =	shalt  }
0x5c: {  	_ =	shalt  }
0x5d: {  	_ =	shalt  }
0x5e: {  	_ =	shalt  }
0x5f: {  	_ =	shalt  }
0x60: {  	_ =	shalt  }
0x61: {  	_ =	shalt  }
0x62: {  	_ =	shalt  }
0x63: {  	_ =	shalt  }
0x64: {  	_ =	shalt  }
0x65: {  	_ =	shalt  }
0x66: {  	_ =	shalt  }
0x67: {  	_ =	shalt  }
0x68: {  	_ =	shalt  }
0x69: {  	_ =	shalt  }
0x6a: {  	_ =	shalt  }
0x6b: {  	_ =	shalt  }
0x6c: {  	_ =	shalt  }
0x6d: {  	_ =	shalt  }
0x6e: {  	_ =	shalt  }
0x6f: {  	_ =	shalt  }
0x70: {  	_ =	shalt  }
0x71: {  	_ =	shalt  }
0x72: {  	_ =	shalt  }
0x73: {  	_ =	shalt  }
0x74: {  	_ =	shalt  }
0x75: {  	_ =	shalt  }
0x76: {  	_ =	shalt  }
0x77: {  	_ =	shalt  }
0x78: {  	_ =	shalt  }
0x79: {  	_ =	shalt  }
0x7a: {  	_ =	shalt  }
0x7b: {  	_ =	shalt  }
0x7c: {  	_ =	shalt  }
0x7d: {  	_ =	shalt  }
0x7e: {  	_ =	shalt  }
0x7f: {  	_ =	shalt  }
0x80: {  	_ =	shalt  }
0x81: {  	_ =	shalt  }
0x82: {  	_ =	shalt  }
0x83: {  	_ =	shalt  }
0x84: {  	_ =	shalt  }
0x85: {  	_ =	shalt  }
0x86: {  	_ =	shalt  }
0x87: {  	_ =	shalt  }
.Lfunc_end0:
.L_simem_size_0:
called_computation.1_lowered:
.L_overlay_start_0:
0x88: {  	s2 =	sld [smem:$0x3FD9]  }
0x89: {  	s3 =	sld [smem:$0x3FFE];
	_ =	sdelay $0x1  }
0x8a: {  	s1 =	srdreg.scid  }
0x8b: {  	s0 =	sand.u32 $0x1, s1  }
0x8c: {  	s16 =	sshll.u32 s0, $0xA;
	s2 =	sadd.s32 s3, s2  }
0x8d: {  	s2 =	sadd.s32 s2, s16  }
0x8e: {  	[smem:$0x3FBB] =	sst s2  }
0x8f: {  	_ = 	snop  }
0x90: {  	(tm) =	ssettm $0x1  }
0x91: {  	s17 =	sld [smem:$0x3FFB];
	_ =	sdelay $0x3  }
0x92: {  	_ =	strace s17  }
0x93: {  	s2 =	sld [smem:$0x3FFC];
	_ =	sdelay $0x3  }
0x94: {  	_ =	strace s2  }
0x95: {  	s2 =	sld [smem:$0x3FFD];
	_ =	sdelay $0x3  }
0x96: {  	_ =	strace s2  }
0x97: {  	_ =	strace $0x8FFFFFFF  }
0x98: {  	s18 =	sld [smem:$0x3FDB];
	_ =	sdelay $0x1  }
0x99: {  	s19 =	simm.s32 $_scs_section_size  }
0x9a: {  	s4 =	simm.s32 $_size__tile_overlayer_lowered;
	s5 =	simm.s32 $_tile_overlayer_lowered  }
0x9b: {  	s22 =	simm.s32 $0x1BFF;
	s21 =	sshll.u32 s5, $0x1;
	s2 =	sadd.s32 s19, s18  }
0x9c: {  	s6 =	simm.s32 $0x0;
	s20 =	sshll.u32 s4, $0x1;
	s4 =	sadd.s32 s21, s2  }
0x9d: {  	[timem:s6], [sflag:s22] =	dma.local [hbm:s4], s20  }
0x9e: {  	_ =	swait.ge [sflag:s22], s20  }
0x9f: {  	s3 =	ssub.s32 $0x0, s20;
	[sflag:s22] =	ssyncset.done $0x0  }
0xa0: {  	[sflag:s22] =	ssyncadd.s32 s3;
	_ =	sdelay $0x1  }
0xa1: {  	s23 =	simm.s32 $0x1B8B  }
0xa2: {  	_ =	swait.ge [sflag:s23], $0x1  }
0xa3: {  	[sflag:s23] =	ssyncset.done $0x0  }
0xa4: {  	s25 =	simm.s32 $0x1B8E;
	s24 =	sld [smem:$0x3FFE];
	[sflag:s23] =	ssyncadd.s32 $0xFFFFFFFF  }
0xa5: {  	s26 =	simm.s32 $execute0_lowered;
	[smem:$0x3FD2] =	sst s25  }
0xa6: {  	s4 =	sshll.u32 s26, $0x1;
	_ =	strace $0x80000046;
	[dreg:$0x1] =	wrdreg $0xFFFFFFFF  }
0xa7: {  	s28 =	simm.s32 $_size_execute0_lowered;
	s2 =	sadd.s32 s2, s4;
	[dreg:$0x0] =	wrdreg $0x0  }
0xa8: {  	s4 =	sshll.u32 s28, $0x1;
	[dreg:$0x2] =	wrdreg s2  }
0xa9: {  	[dreg:$0x3] =	wrdreg s4  }
0xaa: {  	[dreg:$0x4] =	wrdreg $0xC0  }
0xab: {  	_ =	task [dreg:s6], $0x5FFFF  }
0xac: {  	[dreg:$0x1] =	wrdreg $0xFFFFFFFF  }
0xad: {  	[dreg:$0x0] =	wrdreg $0x60  }
0xae: {  	[dreg:$0x2] =	wrdreg s24  }
0xaf: {  	[dreg:$0x3] =	wrdreg $0x9  }
0xb0: {  	_ =	task.clear_ibuf [dreg:s6], $0x4FFFF;
	_ =	strace $0x90000046  }
0xb1: {  	s29 =	simm.s32 $0x9;
	_ =	strace $0x80000048  }
0xb2: {  	_ =	swait.ge [sflag:s29], $0x1  }
0xb3: {  	[sflag:s29] =	ssyncadd.s32 $0xFFFFFFFF  }
0xb4: {  	_ =	strace $0x90000048  }
0xb5: {  	_ =	sfence  }
0xb6: {  	s30 =	sld [smem:$0x0];
	_ =	sdelay $0x2  }
0xb7: {  	s31 =	sshll.u32 s1, $0xD;
	s1 =	sshrl.u32 s1, $0x2  }
0xb8: {  	s3 =	sand.u32 $0x4000, s31;
	s1 =	sadd.s32 s1, s30  }
0xb9: {  	s0 =	sor.u32 s3, s0;
	s1 =	sshll.u32 s1, $0x11  }
0xba: {  	s0 =	sor.u32 s1, s0  }
0xbb: {  	s0 =	sadd.s32 $0x8F2B, s0  }
0xbc: {  	[sflag:s0] =	ssyncadd.remote.s32 $0x1  }
0xbd: {  	_ =	sfence.sel $0xFFFF  }
0xbe: {  	[dreg:$0x0] =	wrdreg $0xFFFFFFFF;
	(pc) =	sbr.abs _section_cstart, $3  }
0xbf: {  	[dreg:$0x1] =	wrdreg $0xFFFFFFFF  }
0xc0: {  	_ =	task.clear_ibuf [dreg:s6], $0x2FFFF;
	_ =	strace $0x9FFFFFFF  }
0xc1: {  	(tm) =	ssettm $0x7FFFFFFF  }
tec
execute0_lowered:
.L_overlay_start_1:
0x0: {  	(tag) =	ssettag $0x1  }
0x1: {  	s8 =	rddreg [dreg:$0x0]  }
0x2: {  	s0 =	rddreg [dreg:$0x1];
	_ =	strace $0x80000047;
	s1 =	stileid.u32  }
0x3: {  	s3 =	srdreg.scid;
	s4 =	simm.s32 $0x1;
	s7 =	simm.s32 $0x1  }
0x4: {  	s9 =	simm.s32 $0x1;
	s10 =	simm.s32 $0x3;
	s13 =	simm.s32 $0x0  }
0x5: {  	s12 =	simm.s32 $0x0;
	s5 =	sand.u32 $0x1, s3;
	s6 =	sshll.u32 s1, $0x1  }
0x6: {  	s2 =	sadd.s32 $0x3200, s8;
	s3 =	sadd.s32 $0x16E00, s8;
	s5 =	sor.u32 s6, s5  }
.Ltmp0:
0x7: {  	[sflag:s4] =	ssyncpa.u1 $0x0;
	p0 =	slt.u32 s5, $0x9;
	(pc) =	sbr.rel .LBB2_1-.Ltmp0, $4  }
0x8: {  	s6 =	simm.s32 $0x2;
	s7 =	simm.s32 @!p0 $0x0;
	p0 =	sne.s32 s5, $0x8  }
0x9: {  	[sflag:s6] =	ssyncpa.u1 $0x0;
	s5 =	smul.u32 $0x1F40, s5;
	s9 =	simm.s32 @!p0 $0x0  }
0xa: {  	s8 =	sadd.s32 $0x48E00, s8;
	[sflag:s10] =	ssyncpa.u1 $0x0;
	s7 =	sadd.s32 s9, s7  }
0xb: {  	vm0 =	vmmov $0xffff;
	s10 =	simm.s32 $0x0;
	s11 =	smov.u32 s5;
	s9 =	sadd.s32 $0x1, s7  }
.LBB2_4:
0xc: {  	v2 =	vnsel vm1, $0x0, v2  }
0xd: {  	vm1 =	vgt.s32 v0, $0x0;
	v2 =	vmin.u32 v2, $0x4E1FF  }
0xe: {  	v0 =	vnsel vm1, $0x0, v0  }
0xf: {  	v0 =	vmin.u32 v0, $0x4E1FF  }
0x10: {  	[tilespmem:s18], [sflag:$0x1] =	stream.indirect_vreg.gather [hbm4b:s2+s10], $0x1, v1, vm0, $0x4038;
	[tilespmem:$0x7D00] =	vst v63  }
0x11: {  	(ifvalue) =	ssetifvalue $0x7FFFFFFF  }
0x12: {  	[tilespmem:s15], [sflag:$0x1] =	stream.indirect_vreg.gather [hbm4b:s2+s10], $0x1, v2, vm0, $0x4038;
	[tilespmem:$0x7D00] =	vst v63  }
0x13: {  	s29 =	sadd.s32 $0x10, s15;
	(ifvalue) =	ssetifvalue $0x7FFFFFFF  }
0x14: {  	[tilespmem:s29], [sflag:$0x1] =	stream.indirect_vreg.gather [hbm4b:s2+s10], $0x1, v0, vm0, $0x4038;
	[tilespmem:$0x7D00] =	vst v63  }
0x15: {  	_ =	swait.ge [sflag:s4], $0x1F40  }
0x16: {  	s30 =	sshrl.u32 s13, $0x3;
	[sflag:s4] =	ssyncset.done $0x0  }
0x17: {  	s31 =	sand.u32 $0x7, s13;
	s15 =	sadd.s32 s8, s30;
	[sflag:s4] =	ssyncadd.s32 $0xFFFFE0C0  }
0x18: {  	[hbm4b:s15+s31] =	stream.linear.scatter [tilespmem:s14], [sflag:$0x3], $0x1F40, $0x38;
	[tilespmem:$0x7D00] =	vst v63  }
.LBB2_5:
0x19: {  	s15 =	sadd.s32 $0x3E800, s11  }
0x1a: {  	p1 =	sgt.s32 s15, $0x4E1FF  }
0x1b: {  	s15 =	smov.u32 @p1 s5;
	p1 =	sne.s32 s12, s9  }
.Ltmp1:
0x1c: {  	p0 =	slt.u32 s12, $0x2;
	(pc) =	sbr.rel @!p1 .LBB2_6-.Ltmp1, $4  }
0x1d: {  	s14 =	simm.s32 @!p0 $0x3  }
0x1e: {  	_ =	swait.ge @!p0 [sflag:s14], $0x1F40  }
0x1f: {  	s16 =	sadd.s32 $0x1, s12;
	s13 =	smov.u32 s11;
	[sflag:s14] =	ssyncset.done @!p0 $0x0  }
0x20: {  	s12 =	smov.u32 s16;
	s11 =	smov.u32 s15;
	[sflag:s14] =	ssyncadd.s32 @!p0 $0xFFFFE0C0  }
.LBB2_1:
0x21: {  	p0 =	sge.u32 s12, s7  }
0x22: {  	s14 =	sxor.u32 @!p0 $0x1, s12  }
0x23: {  	s14 =	smul.u32 @!p0 $0x7D00, s14  }
0x24: {  	s31 =	sadd.s32 $0xFFFFFFFF, s12;
	s15 =	sshrl.u32 @!p0 s11, $0x3  }
0x25: {  	s16 =	sand.u32 @!p0 $0x7, s11;
	s15 =	sadd.s32 @!p0 s3, s15;
	s14 =	sshra.s32 @!p0 s14, $0x2  }
0x26: {  	[tilespmem:s14], [sflag:$0x2] =	stream.linear.gather @!p0 [hbm4b:s15+s16], $0x1F40, $0x38;
	[tilespmem:$0x7D00] =	vst v63  }
0x27: {  	p0 =	sge.u32 s31, s7  }
.Ltmp2:
0x28: {  	_ = 	snop;
	(pc) =	sbr.rel @p0 .LBB2_5-.Ltmp2, $1  }
0x29: {  	_ =	sdelay $0x3  }
0x2a: {  	s14 =	sand.u32 $0x1, s12  }
0x2b: {  	_ =	swait.ge [sflag:s6], $0x1F40;
	p0 =	seq.s32 s14, $0x1;
	s14 =	simm.s32 $0x1F40  }
0x2c: {  	[sflag:s6] =	ssyncset.done $0x0;
	s14 =	simm.s32 @!p0 $0x0  }
0x2d: {  	[sflag:s6] =	ssyncadd.s32 $0xFFFFE0C0;
	(ifvalue) =	ssetifvalue $0x7FFFFFFF;
	v0 =	vld.msk [tilespmem:s14+$0x0 ss:$0x1], $0xffff;
	_ =	sdelay $0x4  }
0x2e: {  	s15 =	sadd.s32 $0x10, s14;
	vm1 =	vgt.s32 v0, $0x0  }
0x2f: {  	v2 =	vld.msk [tilespmem:s15+$0x0 ss:$0x1], $0xffff;
	v1 =	vnsel vm1, $0x0, v0  }
0x30: {  	v1 =	vmin.u32 v1, $0x4E1FF;
	_ =	sdelay $0x2  }
0x31: {  	s17 =	simm.s32 $0x20;
	s14 =	sadd.s32 $0x3E80, s14;
	s16 =	sadd.s32 $0x10, s15  }
0x32: {  	s15 =	sadd.s32 $0x10, s14;
	s18 =	smov.u32 s14;
	v0 =	vld.msk [tilespmem:s16+$0x0 ss:$0x1], $0xffff;
	vm1 =	vgt.s32 v2, $0x0;
	(ifvalue) =	ssetifvalue $0x7FFFFFFF  }
.LBB2_3:
0x33: {  	[tilespmem:s18], [sflag:$0x1] =	stream.indirect_vreg.gather [hbm4b:s2+s10], $0x1, v1, vm0, $0x4038;
	[tilespmem:$0x7D00] =	vst v63  }
0x34: {  	s17 =	sadd.s32 $0x10, s17  }
0x35: {  	v2 =	vnsel vm1, $0x0, v2;
	p0 =	slt.u32 s17, $0x1F30  }
.Ltmp3:
0x36: {  	s18 =	smov.u32 s15;
	v1 =	vmin.u32 v2, $0x4E1FF;
	(pc) =	sbr.rel @p0 .LBB2_3-.Ltmp3, $3  }
0x37: {  	_ =	sdelay $0x1  }
0x38: {  	s16 =	sadd.s32 $0x10, s16  }
0x39: {  	vm1 =	vgt.s32 v0, $0x0;
	s15 =	sadd.s32 $0x10, s15;
	v2 =	vmov v0;
	(ifvalue) =	ssetifvalue $0x7FFFFFFF;
	v0 =	vld.msk [tilespmem:s16+$0x0 ss:$0x1], $0xffff  }
.Ltmp4:
0x3a: {  	_ = 	snop;
	(pc) =	sbr.rel .LBB2_4-.Ltmp4, $1  }
0x3b: {  	_ =	sdelay $0x3  }
.LBB2_6:
0x3c: {  	_ =	sfence.sel $0x180000  }
0x3d: {  	s2 =	simm.s32 $0x2;
	[bflag:$0x0] =	sbarrier.arrive $0xFFFF  }
0x3e: {  	s30 =	simm.s32 $0x3;
	[sflag:s2] =	ssyncpa.u1 $0x1  }
0x3f: {  	s31 =	simm.s32 $0x1;
	[sflag:s30] =	ssyncpa.u1 $0x1  }
0x40: {  	[sflag:s31] =	ssyncpa.u1 $0x1  }
0x41: {  	p0 =	sne.s32 s1, $0x0;
	_ =	strace $0x90000047  }
0x42: {  	s0 =	sadd.s32 @!p0 $0x100000, s0;
	[bflag:$0x2] =	sbarrier.arrive $0xFFFF  }
0x43: {  	[sflag:s0] =	ssyncadd.tile.s32 @!p0 $0x1;
	_ =	shalt  }
.Lfunc_end2:
_tile_overlayer_lowered:
.L_overlay_start_2:
0x44: {  	(tag) =	ssettag $0x2  }
0x45: {  	s0 =	rddreg [dreg:$0x0];
	s2 =	stileid.u32  }
0x46: {  	s1 =	rddreg [dreg:$0x1];
	p0 =	sne.s32 s2, $0x0  }
0x47: {  	s3 =	rddreg [dreg:$0x2];
	[bflag:$0x3] =	sbarrier.arrive $0xFFFF;
	s2 =	simm.s32 @!p0 $0x1C01  }
0x48: {  	[timem:s3], [sflag:s2] =	dma.local @!p0 [hbm:s0], s1  }
0x49: {  	s0 =	simm.s32 @!p0 $0x1  }
0x4a: {  	_ =	swait.ge @!p0 [sflag:s0], s1  }
0x4b: {  	s1 =	ssub.s32 @!p0 $0x0, s1;
	[sflag:s0] =	ssyncset.done @!p0 $0x0  }
0x4c: {  	[sflag:s0] =	ssyncadd.s32 @!p0 s1  }
0x4d: {  	[bflag:$0x3] =	sbarrier.arrive $0xFFFF  }
0x4e: {  	_ =	shalt  }

// kernel: gather_offload_async_start
scs
__scs_entry_jumppad:
0x0: {  	(pc) =	sbr.rel $0x88, $3  }
0x1: {  	(tag) =	ssettag $0x0;
	lr =	simm.s32 $0x1  }
0x2: {  	[smem:$0x3F94] =	sst lr;
	_ =	strace $0xD0000000  }
0x3: {  	_ = 	snop  }
0x4: {  	_ = 	snop  }
0x5: {  	_ = 	snop  }
0x6: {  	_ = 	snop  }
0x7: {  	_ = 	snop  }
__scs_overlays_trampoline_lowered:
0x8: {  	[smem:$0x3FA3] =	sst s0  }
0x9: {  	[smem:$0x3FA4] =	sst s1  }
0xa: {  	[smem:$0x3FA5] =	sst s2  }
0xb: {  	[smem:$0x3FA6] =	sst s3  }
0xc: {  	[smem:$0x3FA7] =	sst s4  }
0xd: {  	[smem:$0x3FA8] =	sst s5  }
0xe: {  	[smem:$0x3FA9] =	sst s6  }
0xf: {  	[smem:$0x3FAA] =	sst s7  }
0x10: {  	[smem:$0x3FAB] =	sst s8  }
0x11: {  	[smem:$0x3FAC] =	sst s9;
	s0 =	simm.s32 @!p0 $0x0  }
0x12: {  	s1 =	sld [smem:$0x3F92];
	s0 =	simm.s32 @p0 $0x1  }
0x13: {  	[smem:$0x3FAD] =	sst s0;
	s0 =	simm.s32 @!p1 $0x0  }
0x14: {  	s2 =	sld [smem:$0x3F91];
	s0 =	simm.s32 @p1 $0x1  }
0x15: {  	[smem:$0x3FAE] =	sst s0;
	s0 =	simm.s32 @!p2 $0x0  }
0x16: {  	s3 =	sld [smem:$0x3FDB];
	s0 =	simm.s32 @p2 $0x1  }
0x17: {  	s4 =	simm.s32 $0x1BF5;
	[smem:$0x3FB0] =	sst s0  }
0x18: {  	s0 =	sld [smem:$0x3F93];
	_ =	swait.ge [sflag:s4], $0x0  }
0x19: {  	s7 =	sld [smem:$0x3F94]  }
0x1a: {  	s8 =	sadd.s32 $0xFFFFE003, lr  }
0x1b: {  	s9 =	sadd.s32 $0xFFFFFEF7, lr;
	s5 =	simm.s32 $0xFFFFFFFF;
	p2 =	slt.u32 s8, $0xFFFFF086  }
0x1c: {  	p1 =	slt.u32 s9, $0xF7A;
	s5 =	simm.s32 @!p2 $0x0  }
0x1d: {  	s5 =	simm.s32 @p1 $0x1;
	p0 =	seq.s32 s7, s2  }
0x1e: {  	s7 =	smul.u32 @!p0 $0xF7A, s2;
	p2 =	seq.s32 @!p0 s5, $0x0  }
0x1f: {  	s9 =	smul.u32 $0xF7A, s1;
	s8 =	simm.s32 @!p0 $0x1BF5;
	p2 =	por !p2, p0  }
0x20: {  	[sflag:s8] =	ssyncset.s32 @!p0 $0xFFFFF086;
	s6 =	sadd.s32 @!p0 s3, s7;
	s7 =	simm.s32 @!p0 $0x108  }
0x21: {  	s3 =	sadd.s32 s3, s9;
	s6 =	sadd.s32 @!p0 $0x88, s6;
	s7 =	simm.s32 @p2 $0x1082  }
0x22: {  	[simem:s7], [sflag:s8] =	dma.local @!p0 [hbm:s6], $0xF7A  }
0x23: {  	s9 =	sor.u32 $0xD0000000, s2;
	s6 =	simm.s32 $0x108;
	_ =	swait.ge @!p0 [sflag:s8], $0x0  }
0x24: {  	s3 =	sadd.s32 $0x88, s3;
	s6 =	simm.s32 @!p1 $0x1082;
	[sflag:s4] =	ssyncset.s32 $0xFFFFF086  }
0x25: {  	[simem:s6], [sflag:s4] =	dma.local [hbm:s3], $0xF7A  }
0x26: {  	[smem:$0x3F94] =	sst s1;
	(tag) =	ssettag s2;
	_ =	strace s9  }
0x27: {  	s1 =	sld [smem:$0x3FA4]  }
0x28: {  	s2 =	sld [smem:$0x3FA5]  }
0x29: {  	s4 =	sld [smem:$0x3FA7]  }
0x2a: {  	p0 =	seq.s32 s5, $0x0;
	s5 =	sld [smem:$0x3FA8]  }
0x2b: {  	s6 =	sld [smem:$0x3FA9]  }
0x2c: {  	s7 =	sld [smem:$0x3FAA]  }
0x2d: {  	s3 =	simm.s32 $0x108;
	s8 =	sld [smem:$0x3FAB]  }
0x2e: {  	s3 =	simm.s32 @!p0 $0x1082;
	s9 =	sld [smem:$0x3FAC]  }
0x2f: {  	lr =	sadd.s32 s0, s3;
	s0 =	sld [smem:$0x3FA3]  }
0x30: {  	s3 =	sld [smem:$0x3FA6]  }
0x31: {  	[smem:$0x3FAF] =	sst s10  }
0x32: {  	s10 =	sld [smem:$0x3FAD];
	_ =	sdelay $0x3  }
0x33: {  	p0 =	seq.s32 s10, $0x1;
	s10 =	sld [smem:$0x3FAF];
	_ =	sdelay $0x3  }
0x34: {  	[smem:$0x3FAF] =	sst s10  }
0x35: {  	s10 =	sld [smem:$0x3FAE];
	_ =	sdelay $0x3  }
0x36: {  	p1 =	seq.s32 s10, $0x1;
	s10 =	sld [smem:$0x3FAF];
	_ =	sdelay $0x3  }
0x37: {  	[smem:$0x3FAF] =	sst s10  }
0x38: {  	s10 =	sld [smem:$0x3FB0]  }
0x39: {  	_ = 	snop;
	(pc) =	sbr.ind lr, $3  }
0x3a: {  	_ = 	snop  }
0x3b: {  	_ = 	snop  }
0x3c: {  	p2 =	seq.s32 s10, $0x1;
	s10 =	sld [smem:$0x3FAF]  }
0x3d: {  	_ =	shalt  }
0x3e: {  	_ =	shalt  }
0x3f: {  	_ =	shalt  }
0x40: {  	_ =	shalt  }
0x41: {  	_ =	shalt  }
0x42: {  	_ =	shalt  }
0x43: {  	_ =	shalt  }
0x44: {  	_ =	shalt  }
0x45: {  	_ =	shalt  }
0x46: {  	_ =	shalt  }
0x47: {  	_ =	shalt  }
0x48: {  	_ =	shalt  }
0x49: {  	_ =	shalt  }
0x4a: {  	_ =	shalt  }
0x4b: {  	_ =	shalt  }
0x4c: {  	_ =	shalt  }
0x4d: {  	_ =	shalt  }
0x4e: {  	_ =	shalt  }
0x4f: {  	_ =	shalt  }
0x50: {  	_ =	shalt  }
0x51: {  	_ =	shalt  }
0x52: {  	_ =	shalt  }
0x53: {  	_ =	shalt  }
0x54: {  	_ =	shalt  }
0x55: {  	_ =	shalt  }
0x56: {  	_ =	shalt  }
0x57: {  	_ =	shalt  }
0x58: {  	_ =	shalt  }
0x59: {  	_ =	shalt  }
0x5a: {  	_ =	shalt  }
0x5b: {  	_ =	shalt  }
0x5c: {  	_ =	shalt  }
0x5d: {  	_ =	shalt  }
0x5e: {  	_ =	shalt  }
0x5f: {  	_ =	shalt  }
0x60: {  	_ =	shalt  }
0x61: {  	_ =	shalt  }
0x62: {  	_ =	shalt  }
0x63: {  	_ =	shalt  }
0x64: {  	_ =	shalt  }
0x65: {  	_ =	shalt  }
0x66: {  	_ =	shalt  }
0x67: {  	_ =	shalt  }
0x68: {  	_ =	shalt  }
0x69: {  	_ =	shalt  }
0x6a: {  	_ =	shalt  }
0x6b: {  	_ =	shalt  }
0x6c: {  	_ =	shalt  }
0x6d: {  	_ =	shalt  }
0x6e: {  	_ =	shalt  }
0x6f: {  	_ =	shalt  }
0x70: {  	_ =	shalt  }
0x71: {  	_ =	shalt  }
0x72: {  	_ =	shalt  }
0x73: {  	_ =	shalt  }
0x74: {  	_ =	shalt  }
0x75: {  	_ =	shalt  }
0x76: {  	_ =	shalt  }
0x77: {  	_ =	shalt  }
0x78: {  	_ =	shalt  }
0x79: {  	_ =	shalt  }
0x7a: {  	_ =	shalt  }
0x7b: {  	_ =	shalt  }
0x7c: {  	_ =	shalt  }
0x7d: {  	_ =	shalt  }
0x7e: {  	_ =	shalt  }
0x7f: {  	_ =	shalt  }
0x80: {  	_ =	shalt  }
0x81: {  	_ =	shalt  }
0x82: {  	_ =	shalt  }
0x83: {  	_ =	shalt  }
0x84: {  	_ =	shalt  }
0x85: {  	_ =	shalt  }
0x86: {  	_ =	shalt  }
0x87: {  	_ =	shalt  }
.Lfunc_end0:
.L_simem_size_0:
called_computation_lowered:
.L_overlay_start_0:
0x88: {  	s2 =	sld [smem:$0x3FD9]  }
0x89: {  	s3 =	sld [smem:$0x3FFE];
	_ =	sdelay $0x1  }
0x8a: {  	s1 =	srdreg.scid  }
0x8b: {  	s0 =	sand.u32 $0x1, s1  }
0x8c: {  	s17 =	sshll.u32 s0, $0xA;
	s2 =	sadd.s32 s3, s2  }
0x8d: {  	s2 =	sadd.s32 s2, s17  }
0x8e: {  	[smem:$0x3FBB] =	sst s2  }
0x8f: {  	_ = 	snop  }
0x90: {  	s2 =	sld [smem:$0x3FD0];
	(tm) =	ssettm $0x1  }
0x91: {  	s18 =	sld [smem:$0x3FFB];
	_ =	sdelay $0x3  }
0x92: {  	_ =	strace s18  }
0x93: {  	s3 =	sld [smem:$0x3FFC];
	_ =	sdelay $0x3  }
0x94: {  	_ =	strace s3  }
0x95: {  	s3 =	sld [smem:$0x3FFD];
	_ =	sdelay $0x3  }
0x96: {  	_ =	strace s3  }
0x97: {  	_ =	strace $0x8FFFFFFF  }
0x98: {  	s19 =	sld [smem:$0x3FDB];
	_ =	sdelay $0x1  }
0x99: {  	s4 =	simm.s32 $_scs_section_size  }
0x9a: {  	s5 =	simm.s32 $_size__tile_overlayer_lowered;
	s6 =	simm.s32 $_tile_overlayer_lowered  }
0x9b: {  	s22 =	simm.s32 $0x1BFF;
	s21 =	sshll.u32 s6, $0x1;
	s3 =	sadd.s32 s4, s19  }
0x9c: {  	s7 =	simm.s32 $0x0;
	s20 =	sshll.u32 s5, $0x1;
	s5 =	sadd.s32 s21, s3  }
0x9d: {  	[timem:s7], [sflag:s22] =	dma.local [hbm:s5], s20  }
0x9e: {  	_ =	swait.ge [sflag:s22], s20  }
0x9f: {  	s4 =	ssub.s32 $0x0, s20;
	[sflag:s22] =	ssyncset.done $0x0  }
0xa0: {  	[sflag:s22] =	ssyncadd.s32 s4;
	_ =	sdelay $0x1  }
0xa1: {  	s23 =	simm.s32 $0x1B8B  }
0xa2: {  	_ =	swait.ge [sflag:s23], $0x1  }
0xa3: {  	[sflag:s23] =	ssyncset.done $0x0  }
0xa4: {  	s25 =	simm.s32 $0x1B8E;
	s24 =	sld [smem:$0x3FFE];
	[sflag:s23] =	ssyncadd.s32 $0xFFFFFFFF  }
0xa5: {  	s26 =	simm.s32 $execute0_lowered;
	[smem:$0x3FD2] =	sst s25  }
0xa6: {  	s5 =	sshll.u32 s26, $0x1;
	_ =	strace $0x80000049;
	[dreg:$0x1] =	wrdreg $0xFFFFFFFF  }
0xa7: {  	s28 =	simm.s32 $_size_execute0_lowered;
	s3 =	sadd.s32 s3, s5;
	[dreg:$0x0] =	wrdreg $0x0  }
0xa8: {  	s5 =	sshll.u32 s28, $0x1;
	[dreg:$0x2] =	wrdreg s3  }
0xa9: {  	[dreg:$0x3] =	wrdreg s5  }
0xaa: {  	[dreg:$0x4] =	wrdreg $0xC0  }
0xab: {  	_ =	task [dreg:s7], $0x5FFFF  }
0xac: {  	[dreg:$0x1] =	wrdreg $0xFFFFFFFF  }
0xad: {  	[dreg:$0x0] =	wrdreg $0x60  }
0xae: {  	[dreg:$0x2] =	wrdreg s2  }
0xaf: {  	[dreg:$0x3] =	wrdreg s24  }
0xb0: {  	[dreg:$0x4] =	wrdreg $0x9  }
0xb1: {  	_ =	task.clear_ibuf [dreg:s7], $0x5FFFF;
	_ =	strace $0x90000049  }
0xb2: {  	s29 =	simm.s32 $0x9;
	_ =	strace $0x8000004B  }
0xb3: {  	_ =	swait.ge [sflag:s29], $0x1  }
0xb4: {  	[sflag:s29] =	ssyncadd.s32 $0xFFFFFFFF  }
0xb5: {  	_ =	strace $0x9000004B  }
0xb6: {  	_ =	sfence  }
0xb7: {  	s30 =	sld [smem:$0x0];
	_ =	sdelay $0x2  }
0xb8: {  	s31 =	sshll.u32 s1, $0xD;
	s1 =	sshrl.u32 s1, $0x2  }
0xb9: {  	s3 =	sand.u32 $0x4000, s31;
	s1 =	sadd.s32 s1, s30  }
0xba: {  	s0 =	sor.u32 s3, s0;
	s1 =	sshll.u32 s1, $0x11  }
0xbb: {  	s0 =	sor.u32 s1, s0  }
0xbc: {  	s0 =	sadd.s32 $0x8F2B, s0  }
0xbd: {  	[sflag:s0] =	ssyncadd.remote.s32 $0x1  }
0xbe: {  	_ =	sfence.sel $0xFFFF  }
0xbf: {  	[dreg:$0x0] =	wrdreg $0xFFFFFFFF;
	(pc) =	sbr.abs _section_cstart, $3  }
0xc0: {  	[dreg:$0x1] =	wrdreg $0xFFFFFFFF  }
0xc1: {  	_ =	task.clear_ibuf [dreg:s7], $0x2FFFF;
	_ =	strace $0x9FFFFFFF  }
0xc2: {  	(tm) =	ssettm $0x7FFFFFFF  }
0xc3: {  	_ =	shalt  }
tec
execute0_lowered:
.L_overlay_start_1:
0x0: {  	(tag) =	ssettag $0x1  }
0x1: {  	s2 =	rddreg [dreg:$0x0]  }
0x2: {  	s8 =	rddreg [dreg:$0x1]  }
0x3: {  	s0 =	rddreg [dreg:$0x2];
	s1 =	stileid.u32  }
0x4: {  	s3 =	srdreg.scid;
	_ =	strace $0x8000004A;
	s4 =	simm.s32 $0x1  }
0x5: {  	s7 =	simm.s32 $0x1;
	s9 =	simm.s32 $0x1;
	s10 =	simm.s32 $0x3  }
0x6: {  	s13 =	simm.s32 $0x0;
	s5 =	sand.u32 $0x1, s3;
	s6 =	sshll.u32 s1, $0x1  }
0x7: {  	s12 =	simm.s32 $0x0;
	s3 =	sadd.s32 $0x16E00, s8;
	s5 =	sor.u32 s6, s5  }
.Ltmp0:
0x8: {  	[sflag:s4] =	ssyncpa.u1 $0x0;
	p0 =	slt.u32 s5, $0x9;
	(pc) =	sbr.rel .LBB2_1-.Ltmp0, $4  }
0x9: {  	s6 =	simm.s32 $0x2;
	s7 =	simm.s32 @!p0 $0x0;
	p0 =	sne.s32 s5, $0x8  }
0xa: {  	[sflag:s6] =	ssyncpa.u1 $0x0;
	s5 =	smul.u32 $0x1F40, s5;
	s9 =	simm.s32 @!p0 $0x0  }
0xb: {  	s8 =	sadd.s32 $0x20C00, s8;
	[sflag:s10] =	ssyncpa.u1 $0x0;
	s7 =	sadd.s32 s9, s7  }
0xc: {  	vm0 =	vmmov $0xffff;
	s10 =	simm.s32 $0x0;
	s11 =	smov.u32 s5;
	s9 =	sadd.s32 $0x1, s7  }
.LBB2_4:
0xd: {  	v2 =	vnsel vm1, $0x0, v2  }
0xe: {  	vm1 =	vgt.s32 v0, $0x0;
	v2 =	vmin.u32 v2, $0x4E1FF  }
0xf: {  	v0 =	vnsel vm1, $0x0, v0  }
0x10: {  	v0 =	vmin.u32 v0, $0x4E1FF  }
0x11: {  	[tilespmem:s18], [sflag:$0x1] =	stream.indirect_vreg.gather [hbm4b:s2+s10], $0x1, v1, vm0, $0x4038;
	[tilespmem:$0x7D00] =	vst v63  }
0x12: {  	(ifvalue) =	ssetifvalue $0x7FFFFFFF  }
0x13: {  	[tilespmem:s15], [sflag:$0x1] =	stream.indirect_vreg.gather [hbm4b:s2+s10], $0x1, v2, vm0, $0x4038;
	[tilespmem:$0x7D00] =	vst v63  }
0x14: {  	s29 =	sadd.s32 $0x10, s15;
	(ifvalue) =	ssetifvalue $0x7FFFFFFF  }
0x15: {  	[tilespmem:s29], [sflag:$0x1] =	stream.indirect_vreg.gather [hbm4b:s2+s10], $0x1, v0, vm0, $0x4038;
	[tilespmem:$0x7D00] =	vst v63  }
0x16: {  	_ =	swait.ge [sflag:s4], $0x1F40  }
0x17: {  	s30 =	sshrl.u32 s13, $0x3;
	[sflag:s4] =	ssyncset.done $0x0  }
0x18: {  	s31 =	sand.u32 $0x7, s13;
	s15 =	sadd.s32 s8, s30;
	[sflag:s4] =	ssyncadd.s32 $0xFFFFE0C0  }
0x19: {  	[hbm4b:s15+s31] =	stream.linear.scatter [tilespmem:s14], [sflag:$0x3], $0x1F40, $0x38;
	[tilespmem:$0x7D00] =	vst v63  }
.LBB2_5:
0x1a: {  	s15 =	sadd.s32 $0x3E800, s11  }
0x1b: {  	p1 =	sgt.s32 s15, $0x4E1FF  }
0x1c: {  	s15 =	smov.u32 @p1 s5;
	p1 =	sne.s32 s12, s9  }
.Ltmp1:
0x1d: {  	p0 =	slt.u32 s12, $0x2;
	(pc) =	sbr.rel @!p1 .LBB2_6-.Ltmp1, $4  }
0x1e: {  	s14 =	simm.s32 @!p0 $0x3  }
0x1f: {  	_ =	swait.ge @!p0 [sflag:s14], $0x1F40  }
0x20: {  	s16 =	sadd.s32 $0x1, s12;
	s13 =	smov.u32 s11;
	[sflag:s14] =	ssyncset.done @!p0 $0x0  }
0x21: {  	s12 =	smov.u32 s16;
	s11 =	smov.u32 s15;
	[sflag:s14] =	ssyncadd.s32 @!p0 $0xFFFFE0C0  }
.LBB2_1:
0x22: {  	p0 =	sge.u32 s12, s7  }
0x23: {  	s14 =	sxor.u32 @!p0 $0x1, s12  }
0x24: {  	s14 =	smul.u32 @!p0 $0x7D00, s14  }
0x25: {  	s31 =	sadd.s32 $0xFFFFFFFF, s12;
	s15 =	sshrl.u32 @!p0 s11, $0x3  }
0x26: {  	s16 =	sand.u32 @!p0 $0x7, s11;
	s15 =	sadd.s32 @!p0 s3, s15;
	s14 =	sshra.s32 @!p0 s14, $0x2  }
0x27: {  	[tilespmem:s14], [sflag:$0x2] =	stream.linear.gather @!p0 [hbm4b:s15+s16], $0x1F40, $0x38;
	[tilespmem:$0x7D00] =	vst v63  }
0x28: {  	p0 =	sge.u32 s31, s7  }
.Ltmp2:
0x29: {  	_ = 	snop;
	(pc) =	sbr.rel @p0 .LBB2_5-.Ltmp2, $1  }
0x2a: {  	_ =	sdelay $0x3  }
0x2b: {  	s14 =	sand.u32 $0x1, s12  }
0x2c: {  	_ =	swait.ge [sflag:s6], $0x1F40;
	p0 =	seq.s32 s14, $0x1;
	s14 =	simm.s32 $0x1F40  }
0x2d: {  	[sflag:s6] =	ssyncset.done $0x0;
	s14 =	simm.s32 @!p0 $0x0  }
0x2e: {  	[sflag:s6] =	ssyncadd.s32 $0xFFFFE0C0;
	(ifvalue) =	ssetifvalue $0x7FFFFFFF;
	v0 =	vld.msk [tilespmem:s14+$0x0 ss:$0x1], $0xffff;
	_ =	sdelay $0x4  }
0x2f: {  	s15 =	sadd.s32 $0x10, s14;
	vm1 =	vgt.s32 v0, $0x0  }
0x30: {  	v2 =	vld.msk [tilespmem:s15+$0x0 ss:$0x1], $0xffff;
	v1 =	vnsel vm1, $0x0, v0  }
0x31: {  	v1 =	vmin.u32 v1, $0x4E1FF;
	_ =	sdelay $0x2  }
0x32: {  	s17 =	simm.s32 $0x20;
	s14 =	sadd.s32 $0x3E80, s14;
	s16 =	sadd.s32 $0x10, s15  }
0x33: {  	s15 =	sadd.s32 $0x10, s14;
	s18 =	smov.u32 s14;
	v0 =	vld.msk [tilespmem:s16+$0x0 ss:$0x1], $0xffff;
	vm1 =	vgt.s32 v2, $0x0;
	(ifvalue) =	ssetifvalue $0x7FFFFFFF  }
.LBB2_3:
0x34: {  	[tilespmem:s18], [sflag:$0x1] =	stream.indirect_vreg.gather [hbm4b:s2+s10], $0x1, v1, vm0, $0x4038;
	[tilespmem:$0x7D00] =	vst v63  }
0x35: {  	s17 =	sadd.s32 $0x10, s17  }
0x36: {  	v2 =	vnsel vm1, $0x0, v2;
	p0 =	slt.u32 s17, $0x1F30  }
.Ltmp3:
0x37: {  	s18 =	smov.u32 s15;
	v1 =	vmin.u32 v2, $0x4E1FF;
	(pc) =	sbr.rel @p0 .LBB2_3-.Ltmp3, $3  }
0x38: {  	_ =	sdelay $0x1  }
0x39: {  	s16 =	sadd.s32 $0x10, s16  }
0x3a: {  	vm1 =	vgt.s32 v0, $0x0;
	s15 =	sadd.s32 $0x10, s15;
	v2 =	vmov v0;
	(ifvalue) =	ssetifvalue $0x7FFFFFFF;
	v0 =	vld.msk [tilespmem:s16+$0x0 ss:$0x1], $0xffff  }
.Ltmp4:
0x3b: {  	_ = 	snop;
	(pc) =	sbr.rel .LBB2_4-.Ltmp4, $1  }
0x3c: {  	_ =	sdelay $0x3  }
.LBB2_6:
0x3d: {  	_ =	sfence.sel $0x180000  }
0x3e: {  	s2 =	simm.s32 $0x2;
	[bflag:$0x0] =	sbarrier.arrive $0xFFFF  }
0x3f: {  	s30 =	simm.s32 $0x3;
	[sflag:s2] =	ssyncpa.u1 $0x1  }
0x40: {  	s31 =	simm.s32 $0x1;
	[sflag:s30] =	ssyncpa.u1 $0x1  }
0x41: {  	[sflag:s31] =	ssyncpa.u1 $0x1  }
0x42: {  	p0 =	sne.s32 s1, $0x0;
	_ =	strace $0x9000004A  }
0x43: {  	s0 =	sadd.s32 @!p0 $0x100000, s0;
	[bflag:$0x2] =	sbarrier.arrive $0xFFFF  }
0x44: {  	[sflag:s0] =	ssyncadd.tile.s32 @!p0 $0x1;
	_ =	shalt  }
.Lfunc_end2:
_tile_overlayer_lowered:
.L_overlay_start_2:
0x45: {  	(tag) =	ssettag $0x2  }
0x46: {  	s0 =	rddreg [dreg:$0x0];
	s2 =	stileid.u32  }
0x47: {  	s1 =	rddreg [dreg:$0x1];
	p0 =	sne.s32 s2, $0x0  }
0x48: {  	s3 =	rddreg [dreg:$0x2];
	[bflag:$0x3] =	sbarrier.arrive $0xFFFF;
	s2 =	simm.s32 @!p0 $0x1C01  }
0x49: {  	[timem:s3], [sflag:s2] =	dma.local @!p0 [hbm:s0], s1  }
0x4a: {  	s0 =	simm.s32 @!p0 $0x1  }
0x4b: {  	_ =	swait.ge @!p0 [sflag:s0], s1  }
0x4c: {  	s1 =	ssub.s32 @!p0 $0x0, s1;
	[sflag:s0] =	ssyncset.done @!p0 $0x0  }
0x4d: {  	[sflag:s0] =	ssyncadd.s32 @!p0 s1  }
0x4e: {  	[bflag:$0x3] =	sbarrier.arrive $0xFFFF  }
0x4f: {  	_ =	shalt  }

// kernel: kernel.5.cloned.1.call-start
scs
__scs_entry_jumppad:
0x0: {  	(pc) =	sbr.rel $0x88, $3  }
0x1: {  	(tag) =	ssettag $0x0;
	lr =	simm.s32 $0x1  }
0x2: {  	[smem:$0x3F94] =	sst lr;
	_ =	strace $0xD0000000  }
0x3: {  	_ = 	snop  }
0x4: {  	_ = 	snop  }
0x5: {  	_ = 	snop  }
0x6: {  	_ = 	snop  }
0x7: {  	_ = 	snop  }
__scs_overlays_trampoline_lowered:
0x8: {  	[smem:$0x3FA3] =	sst s0  }
0x9: {  	[smem:$0x3FA4] =	sst s1  }
0xa: {  	[smem:$0x3FA5] =	sst s2  }
0xb: {  	[smem:$0x3FA6] =	sst s3  }
0xc: {  	[smem:$0x3FA7] =	sst s4  }
0xd: {  	[smem:$0x3FA8] =	sst s5  }
0xe: {  	[smem:$0x3FA9] =	sst s6  }
0xf: {  	[smem:$0x3FAA] =	sst s7  }
0x10: {  	[smem:$0x3FAB] =	sst s8  }
0x11: {  	[smem:$0x3FAC] =	sst s9;
	s0 =	simm.s32 @!p0 $0x0  }
0x12: {  	s1 =	sld [smem:$0x3F92];
	s0 =	simm.s32 @p0 $0x1  }
0x13: {  	[smem:$0x3FAD] =	sst s0;
	s0 =	simm.s32 @!p1 $0x0  }
0x14: {  	s2 =	sld [smem:$0x3F91];
	s0 =	simm.s32 @p1 $0x1  }
0x15: {  	[smem:$0x3FAE] =	sst s0;
	s0 =	simm.s32 @!p2 $0x0  }
0x16: {  	s3 =	sld [smem:$0x3FDB];
	s0 =	simm.s32 @p2 $0x1  }
0x17: {  	s4 =	simm.s32 $0x1BF5;
	[smem:$0x3FB0] =	sst s0  }
0x18: {  	s0 =	sld [smem:$0x3F93];
	_ =	swait.ge [sflag:s4], $0x0  }
0x19: {  	s7 =	sld [smem:$0x3F94]  }
0x1a: {  	s8 =	sadd.s32 $0xFFFFE003, lr  }
0x1b: {  	s9 =	sadd.s32 $0xFFFFFEF7, lr;
	s5 =	simm.s32 $0xFFFFFFFF;
	p2 =	slt.u32 s8, $0xFFFFF086  }
0x1c: {  	p1 =	slt.u32 s9, $0xF7A;
	s5 =	simm.s32 @!p2 $0x0  }
0x1d: {  	s5 =	simm.s32 @p1 $0x1;
	p0 =	seq.s32 s7, s2  }
0x1e: {  	s7 =	smul.u32 @!p0 $0xF7A, s2;
	p2 =	seq.s32 @!p0 s5, $0x0  }
0x1f: {  	s9 =	smul.u32 $0xF7A, s1;
	s8 =	simm.s32 @!p0 $0x1BF5;
	p2 =	por !p2, p0  }
0x20: {  	[sflag:s8] =	ssyncset.s32 @!p0 $0xFFFFF086;
	s6 =	sadd.s32 @!p0 s3, s7;
	s7 =	simm.s32 @!p0 $0x108  }
0x21: {  	s3 =	sadd.s32 s3, s9;
	s6 =	sadd.s32 @!p0 $0x88, s6;
	s7 =	simm.s32 @p2 $0x1082  }
0x22: {  	[simem:s7], [sflag:s8] =	dma.local @!p0 [hbm:s6], $0xF7A  }
0x23: {  	s9 =	sor.u32 $0xD0000000, s2;
	s6 =	simm.s32 $0x108;
	_ =	swait.ge @!p0 [sflag:s8], $0x0  }
0x24: {  	s3 =	sadd.s32 $0x88, s3;
	s6 =	simm.s32 @!p1 $0x1082;
	[sflag:s4] =	ssyncset.s32 $0xFFFFF086  }
0x25: {  	[simem:s6], [sflag:s4] =	dma.local [hbm:s3], $0xF7A  }
0x26: {  	[smem:$0x3F94] =	sst s1;
	(tag) =	ssettag s2;
	_ =	strace s9  }
0x27: {  	s1 =	sld [smem:$0x3FA4]  }
0x28: {  	s2 =	sld [smem:$0x3FA5]  }
0x29: {  	s4 =	sld [smem:$0x3FA7]  }
0x2a: {  	p0 =	seq.s32 s5, $0x0;
	s5 =	sld [smem:$0x3FA8]  }
0x2b: {  	s6 =	sld [smem:$0x3FA9]  }
0x2c: {  	s7 =	sld [smem:$0x3FAA]  }
0x2d: {  	s3 =	simm.s32 $0x108;
	s8 =	sld [smem:$0x3FAB]  }
0x2e: {  	s3 =	simm.s32 @!p0 $0x1082;
	s9 =	sld [smem:$0x3FAC]  }
0x2f: {  	lr =	sadd.s32 s0, s3;
	s0 =	sld [smem:$0x3FA3]  }
0x30: {  	s3 =	sld [smem:$0x3FA6]  }
0x31: {  	[smem:$0x3FAF] =	sst s10  }
0x32: {  	s10 =	sld [smem:$0x3FAD];
	_ =	sdelay $0x3  }
0x33: {  	p0 =	seq.s32 s10, $0x1;
	s10 =	sld [smem:$0x3FAF];
	_ =	sdelay $0x3  }
0x34: {  	[smem:$0x3FAF] =	sst s10  }
0x35: {  	s10 =	sld [smem:$0x3FAE];
	_ =	sdelay $0x3  }
0x36: {  	p1 =	seq.s32 s10, $0x1;
	s10 =	sld [smem:$0x3FAF];
	_ =	sdelay $0x3  }
0x37: {  	[smem:$0x3FAF] =	sst s10  }
0x38: {  	s10 =	sld [smem:$0x3FB0]  }
0x39: {  	_ = 	snop;
	(pc) =	sbr.ind lr, $3  }
0x3a: {  	_ = 	snop  }
0x3b: {  	_ = 	snop  }
0x3c: {  	p2 =	seq.s32 s10, $0x1;
	s10 =	sld [smem:$0x3FAF]  }
0x3d: {  	_ =	shalt  }
0x3e: {  	_ =	shalt  }
0x3f: {  	_ =	shalt  }
0x40: {  	_ =	shalt  }
0x41: {  	_ =	shalt  }
0x42: {  	_ =	shalt  }
0x43: {  	_ =	shalt  }
0x44: {  	_ =	shalt  }
0x45: {  	_ =	shalt  }
0x46: {  	_ =	shalt  }
0x47: {  	_ =	shalt  }
0x48: {  	_ =	shalt  }
0x49: {  	_ =	shalt  }
0x4a: {  	_ =	shalt  }
0x4b: {  	_ =	shalt  }
0x4c: {  	_ =	shalt  }
0x4d: {  	_ =	shalt  }
0x4e: {  	_ =	shalt  }
0x4f: {  	_ =	shalt  }
0x50: {  	_ =	shalt  }
0x51: {  	_ =	shalt  }
0x52: {  	_ =	shalt  }
0x53: {  	_ =	shalt  }
0x54: {  	_ =	shalt  }
0x55: {  	_ =	shalt  }
0x56: {  	_ =	shalt  }
0x57: {  	_ =	shalt  }
0x58: {  	_ =	shalt  }
0x59: {  	_ =	shalt  }
0x5a: {  	_ =	shalt  }
0x5b: {  	_ =	shalt  }
0x5c: {  	_ =	shalt  }
0x5d: {  	_ =	shalt  }
0x5e: {  	_ =	shalt  }
0x5f: {  	_ =	shalt  }
0x60: {  	_ =	shalt  }
0x61: {  	_ =	shalt  }
0x62: {  	_ =	shalt  }
0x63: {  	_ =	shalt  }
0x64: {  	_ =	shalt  }
0x65: {  	_ =	shalt  }
0x66: {  	_ =	shalt  }
0x67: {  	_ =	shalt  }
0x68: {  	_ =	shalt  }
0x69: {  	_ =	shalt  }
0x6a: {  	_ =	shalt  }
0x6b: {  	_ =	shalt  }
0x6c: {  	_ =	shalt  }
0x6d: {  	_ =	shalt  }
0x6e: {  	_ =	shalt  }
0x6f: {  	_ =	shalt  }
0x70: {  	_ =	shalt  }
0x71: {  	_ =	shalt  }
0x72: {  	_ =	shalt  }
0x73: {  	_ =	shalt  }
0x74: {  	_ =	shalt  }
0x75: {  	_ =	shalt  }
0x76: {  	_ =	shalt  }
0x77: {  	_ =	shalt  }
0x78: {  	_ =	shalt  }
0x79: {  	_ =	shalt  }
0x7a: {  	_ =	shalt  }
0x7b: {  	_ =	shalt  }
0x7c: {  	_ =	shalt  }
0x7d: {  	_ =	shalt  }
0x7e: {  	_ =	shalt  }
0x7f: {  	_ =	shalt  }
0x80: {  	_ =	shalt  }
0x81: {  	_ =	shalt  }
0x82: {  	_ =	shalt  }
0x83: {  	_ =	shalt  }
0x84: {  	_ =	shalt  }
0x85: {  	_ =	shalt  }
0x86: {  	_ =	shalt  }
0x87: {  	_ =	shalt  }
.Lfunc_end0:
.L_simem_size_0:
called_computation.2_lowered:
.L_overlay_start_0:
0x88: {  	s2 =	sld [smem:$0x3FD9]  }
0x89: {  	s3 =	sld [smem:$0x3FFE];
	_ =	sdelay $0x1  }
0x8a: {  	s1 =	srdreg.scid  }
0x8b: {  	s0 =	sand.u32 $0x1, s1  }
0x8c: {  	s17 =	sshll.u32 s0, $0xA;
	s2 =	sadd.s32 s3, s2  }
0x8d: {  	s2 =	sadd.s32 s2, s17  }
0x8e: {  	[smem:$0x3FBB] =	sst s2  }
0x8f: {  	_ = 	snop  }
0x90: {  	s2 =	sld [smem:$0x3FC4]  }
0x91: {  	s18 =	sld [smem:$0x3FD0];
	(tm) =	ssettm $0x1  }
0x92: {  	s4 =	sld [smem:$0x3FFB];
	_ =	sdelay $0x3  }
0x93: {  	_ =	strace s4  }
0x94: {  	s4 =	sld [smem:$0x3FFC];
	_ =	sdelay $0x3  }
0x95: {  	_ =	strace s4  }
0x96: {  	s4 =	sld [smem:$0x3FFD];
	_ =	sdelay $0x3  }
0x97: {  	_ =	strace s4  }
0x98: {  	_ =	strace $0x8FFFFFFF  }
0x99: {  	s19 =	sld [smem:$0x3FDB];
	_ =	sdelay $0x1  }
0x9a: {  	s5 =	simm.s32 $_scs_section_size  }
0x9b: {  	s6 =	simm.s32 $_size__tile_overlayer_lowered;
	s7 =	simm.s32 $_tile_overlayer_lowered  }
0x9c: {  	s22 =	simm.s32 $0x1BFF;
	s21 =	sshll.u32 s7, $0x1;
	s4 =	sadd.s32 s5, s19  }
0x9d: {  	s8 =	simm.s32 $0x0;
	s20 =	sshll.u32 s6, $0x1;
	s6 =	sadd.s32 s21, s4  }
0x9e: {  	[timem:s8], [sflag:s22] =	dma.local [hbm:s6], s20  }
0x9f: {  	_ =	swait.ge [sflag:s22], s20  }
0xa0: {  	s5 =	ssub.s32 $0x0, s20;
	[sflag:s22] =	ssyncset.done $0x0  }
0xa1: {  	[sflag:s22] =	ssyncadd.s32 s5;
	_ =	sdelay $0x1  }
0xa2: {  	s23 =	simm.s32 $0x1B8B  }
0xa3: {  	_ =	swait.ge [sflag:s23], $0x1  }
0xa4: {  	[sflag:s23] =	ssyncset.done $0x0  }
0xa5: {  	s25 =	simm.s32 $0x1B8E;
	s24 =	sld [smem:$0x3FFE];
	[sflag:s23] =	ssyncadd.s32 $0xFFFFFFFF  }
0xa6: {  	s26 =	simm.s32 $execute0_lowered;
	[smem:$0x3FD2] =	sst s25  }
0xa7: {  	s6 =	sshll.u32 s26, $0x1;
	_ =	strace $0x8000004C;
	[dreg:$0x1] =	wrdreg $0xFFFFFFFF  }
0xa8: {  	s28 =	simm.s32 $_size_execute0_lowered;
	s4 =	sadd.s32 s4, s6;
	[dreg:$0x0] =	wrdreg $0x0  }
0xa9: {  	s6 =	sshll.u32 s28, $0x1;
	[dreg:$0x2] =	wrdreg s4  }
0xaa: {  	[dreg:$0x3] =	wrdreg s6  }
0xab: {  	[dreg:$0x4] =	wrdreg $0xC0  }
0xac: {  	_ =	task [dreg:s8], $0x5FFFF  }
0xad: {  	[dreg:$0x1] =	wrdreg $0xFFFFFFFF  }
0xae: {  	[dreg:$0x0] =	wrdreg $0x60  }
0xaf: {  	[dreg:$0x2] =	wrdreg s24  }
0xb0: {  	[dreg:$0x3] =	wrdreg s2  }
0xb1: {  	[dreg:$0x4] =	wrdreg s18  }
0xb2: {  	[dreg:$0x5] =	wrdreg $0x9  }
0xb3: {  	_ =	task.clear_ibuf [dreg:s8], $0x6FFFF;
	_ =	strace $0x9000004C  }
0xb4: {  	s29 =	simm.s32 $0x9;
	_ =	strace $0x8000004E  }
0xb5: {  	_ =	swait.ge [sflag:s29], $0x1  }
0xb6: {  	[sflag:s29] =	ssyncadd.s32 $0xFFFFFFFF  }
0xb7: {  	_ =	strace $0x9000004E  }
0xb8: {  	_ =	sfence  }
0xb9: {  	s30 =	sld [smem:$0x0];
	_ =	sdelay $0x2  }
0xba: {  	s31 =	sshll.u32 s1, $0xD;
	s1 =	sshrl.u32 s1, $0x2  }
0xbb: {  	s3 =	sand.u32 $0x4000, s31;
	s1 =	sadd.s32 s1, s30  }
0xbc: {  	s0 =	sor.u32 s3, s0;
	s1 =	sshll.u32 s1, $0x11  }
0xbd: {  	s0 =	sor.u32 s1, s0  }
0xbe: {  	s0 =	sadd.s32 $0x8F2B, s0  }
0xbf: {  	[sflag:s0] =	ssyncadd.remote.s32 $0x1  }
0xc0: {  	_ =	sfence.sel $0xFFFF  }
0xc1: {  	[dreg:$0x0] =	wrdreg $0xFFFFFFFF;
	(pc) =	sbr.abs _section_cstart, $3  }
0xc2: {  	[dreg:$0x1] =	wrdreg $0xFFFFFFFF  }
0xc3: {  	_ =	task.clear_ibuf [dreg:s8], $0x2FFFF;
	_ =	strace $0x9FFFFFFF  }
0xc4: {  	(tm) =	ssettm $0x7FFFFFFF  }
0xc5: {  	_ =	shalt  }
tec
execute0_lowered:
.L_overlay_start_1:
0x0: {  	(tag) =	ssettag $0x1  }
0x1: {  	s0 =	rddreg [dreg:$0x0];
	v0 =	vimm.s32 $0xFEDCBA98  }
0x2: {  	s2 =	rddreg [dreg:$0x2];
	s3 =	simm.s32 $0x0;
	s25 =	srdreg.scid;
	v1 =	vimm.s32 $0x76543210;
	v3 =	vimm.s32 $0xBA98FEDC;
	v2 =	vunpack.c.l.s4.s8 v0  }
0x3: {  	s8 =	stileid.u32;
	v5 =	vimm.s32 $0x32107654;
	s18 =	simm.s32 $0x4;
	v8 =	vimm.s32 $0xEFCDAB89;
	s21 =	simm.s32 $0x1;
	v1 =	vunpack.c.l.s4.s8 v1  }
0x4: {  	v9 =	vimm.s32 $0x67452301;
	vm0 =	vmmov $0xffff;
	[smem:$0x7FF] =	sst s3;
	s4 =	sadd.s32 $0x52C00, s0;
	s1 =	sadd.s32 $0x192C00, s0;
	v2 =	vunpack.c.0.s8.s32 v2  }
0x5: {  	vm1 =	vmmov $0x1;
	v3 =	vunpack.c.l.s4.s8 v3;
	_ =	strace $0x8000004D;
	[dreg:$0x4] =	wrdreg s1;
	s1 =	sand.u32 $0x1, s25;
	v4 =	vunpack.c.0.s8.s32 v1  }
0x6: {  	s7 =	sadd.s32 $0x5A00, s0;
	v8 =	vunpack.c.l.s4.s8 v8;
	v9 =	vunpack.c.l.s4.s8 v9;
	s26 =	ssub.s32 $0x2, s1;
	s1 =	sshll.u32 s1, $0x4;
	v2 =	vand.u32 $0xF, v2  }
0x7: {  	s5 =	sadd.s32 $0x3000, s0;
	s6 =	sadd.s32 $0x2D2C00, s0;
	s1 =	sor.u32 s8, s1;
	v2 =	vcombine.low v2, v4;
	v4 =	vunpack.c.0.s8.s32 v3;
	v3 =	vimm.s32 $0xDCFE98BA  }
0x8: {  	s29 =	sadd.s32 $0xFA00, s0;
	v5 =	vunpack.c.l.s4.s8 v5;
	[dreg:$0x5] =	wrdreg s5;
	s30 =	smul.u32 $0x140, s1;
	v6 =	vunpack.c.l.s4.s8 v3;
	v3 =	vimm.s32 $0x54761032  }
.Ltmp0:
0x9: {  	s13 =	sadd.s32 $0x52D00, s0;
	[dreg:$0x6] =	wrdreg s6;
	v8 =	vunpack.c.0.s8.s32 v8;
	v9 =	vunpack.c.0.s8.s32 v9;
	v7 =	vunpack.c.l.s4.s8 v3;
	(pc) =	sbr.rel .LBB2_1-.Ltmp0, $4  }
0xa: {  	v0 =	vlaneseq.u32;
	[dreg:$0x7] =	wrdreg s29;
	v1 =	vimm.f32 $0.0e+00;
	v5 =	vunpack.c.0.s8.s32 v5;
	s28 =	sshrl.u32 s26, $0x1;
	s1 =	smul.u32 $0xA, s1  }
0xb: {  	s14 =	sadd.s32 $0x52E00, s0;
	s5 =	ssub.s32 s26, s28;
	v8 =	vcombine.low v9, v8;
	[dreg:$0x8] =	wrdreg s30;
	v6 =	vunpack.c.0.s8.s32 v6;
	v7 =	vunpack.c.0.s8.s32 v7  }
0xc: {  	s15 =	sadd.s32 $0x52F00, s0;
	s31 =	smax.u32 s5, $0x1;
	[dreg:$0x9] =	wrdreg s1;
	v3 =	vand.u32 $0x7, v0;
	v4 =	vcombine.low v5, v4;
	v5 =	vshrl.u32 v0, $0x3  }
0xd: {  	s6 =	simm.s32 $0x2;
	[dreg:$0xa] =	wrdreg s31;
	s1 =	simm.s32 $0x0;
	v5 =	vmul.u32 $0x8, v5;
	v6 =	vcombine.low v7, v6;
	v7 =	vor.u32 $0x8, v0  }
.LBB2_26:
0xe: {  	s1 =	rddreg [dreg:$0xb]  }
0xf: {  	s0 =	rddreg [dreg:$0xa];
	s1 =	sadd.s32 $0x1, s1  }
0x10: {  	p0 =	sne.s32 s1, s0  }
.Ltmp1:
0x11: {  	_ = 	snop;
	(pc) =	sbr.rel @!p0 .LBB2_27-.Ltmp1, $1  }
0x12: {  	_ =	sdelay $0x3  }
.LBB2_1:
0x13: {  	[dreg:$0xb] =	wrdreg s1  }
0x14: {  	s0 =	rddreg [dreg:$0x1];
	s29 =	simm.s32 $0x1000  }
0x15: {  	[tilespmem:s29], [sflag:$0x4] =	stream.linear.gather [hbm4b:s0+s3], $0x400, $0x38;
	[tilespmem:$0x1A680] =	vst v63  }
0x16: {  	_ =	swait.ge [sflag:s18], $0x400  }
0x17: {  	s31 =	simm.s32 $0x1400;
	[sflag:s18] =	ssyncset.done $0x0  }
.Ltmp2:
0x18: {  	s30 =	rddreg [dreg:$0x5];
	[sflag:s18] =	ssyncadd.s32 $0xFFFFFC00;
	(pc) =	sbr.rel .LBB2_2-.Ltmp2, $4  }
0x19: {  	[tilespmem:s31], [sflag:$0x4] =	stream.linear.gather [hbm4b:s30+s3], $0x180, $0x38;
	[tilespmem:$0x1A680] =	vst v63  }
0x1a: {  	_ =	swait.ge [sflag:s18], $0x180  }
0x1b: {  	[sflag:s18] =	ssyncset.done $0x0  }
0x1c: {  	s8 =	simm.s32 $0x0;
	[sflag:s18] =	ssyncadd.s32 $0xFFFFFE80  }
.LBB2_25:
0x1d: {  	s0 =	rddreg [dreg:$0x6]  }
0x1e: {  	s1 =	rddreg [dreg:$0xc]  }
0x1f: {  	s28 =	simm.s32 $0x11580;
	s29 =	sshll.u32 s16, $0x4;
	s0 =	sadd.s32 s0, s1  }
0x20: {  	[hbm4b:s0+s3] =	stream.linear.scatter [tilespmem:s28], [sflag:$0x4], $0x8000, $0x38;
	[tilespmem:$0x1A680] =	vst v63  }
0x21: {  	s31 =	simm.s32 $0x19580;
	s8 =	sadd.s32 $0x1, s8;
	_ =	swait.ge [sflag:s18], $0x8000  }
0x22: {  	p0 =	sne.s32 s8, $0xA;
	[sflag:s18] =	ssyncset.done $0x0;
	s30 =	rddreg [dreg:$0x7]  }
.Ltmp3:
0x23: {  	[sflag:s18] =	ssyncadd.s32 $0xFFFF8000;
	s0 =	sadd.s32 s30, s29;
	(pc) =	sbr.rel @!p0 .LBB2_26-.Ltmp3, $4  }
0x24: {  	[hbm4b:s0+s3] =	stream.linear.scatter [tilespmem:s31], [sflag:$0x4], $0x1000, $0x38;
	[tilespmem:$0x1A680] =	vst v63  }
0x25: {  	_ =	swait.ge [sflag:s18], $0x1000  }
0x26: {  	[sflag:s18] =	ssyncset.done $0x0  }
0x27: {  	[sflag:s18] =	ssyncadd.s32 $0xFFFFF000  }
.LBB2_2:
0x28: {  	s0 =	rddreg [dreg:$0x9]  }
0x29: {  	s1 =	sadd.s32 s0, s8  }
0x2a: {  	s0 =	sand.u32 $0x1FFFFFF0, s1;
	s5 =	sadd.s32 $0x1, s1  }
0x2b: {  	v9 =	vld [tilespmem:s0+$0x1400];
	s28 =	sand.u32 $0x1FFFFFF0, s5  }
0x2c: {  	v10 =	vld [tilespmem:s28+$0x1400];
	_ =	sdelay $0x2  }
0x2d: {  	s29 =	sshll.u32 s8, $0x5;
	s9 =	rddreg [dreg:$0x8]  }
0x2e: {  	s30 =	rddreg [dreg:$0x4];
	s10 =	simm.s32 $0x9580;
	s16 =	sadd.s32 s9, s29  }
0x2f: {  	s9 =	simm.s32 $0x0;
	s12 =	sshll.u32 s16, $0x7;
	v11 =	vadd.s32 s1, v0;
	s1 =	simm.s32 $0x195C0;
	v9 =	vcvt.s32.f32 v9;
	v10 =	vcvt.s32.f32 v10  }
0x30: {  	s31 =	sadd.s32 s30, s12;
	s0 =	simm.s32 $0x0;
	v12 =	vadd.s32 s5, v0;
	s5 =	simm.s32 $0x0  }
0x31: {  	[tilespmem:s10], [sflag:$0x3] =	stream.linear.gather [hbm4b:s31+s0], $0x8000, $0x38;
	v9 =	vperm.xlane v9, v11;
	v10 =	vperm.xlane v10, v12;
	[tilespmem:$0x1A680] =	vst v63  }
.LBB2_3:
0x32: {  	s10 =	sand.u32 $0x6000, s9;
	s11 =	sand.u32 $0x380, s0  }
0x33: {  	s10 =	sor.u32 s11, s10  }
0x34: {  	s11 =	sadd.s32 $0x11580, s10;
	[tilespmem:s10+$0x11580] =	vst v1  }
0x35: {  	[tilespmem:s11+$0x10] =	vst v1  }
0x36: {  	[tilespmem:s11+$0x20] =	vst v1  }
0x37: {  	[tilespmem:s11+$0x30] =	vst v1  }
0x38: {  	[tilespmem:s11+$0x40] =	vst v1  }
0x39: {  	[tilespmem:s11+$0x50] =	vst v1  }
0x3a: {  	[tilespmem:s11+$0x60] =	vst v1  }
0x3b: {  	[tilespmem:s11+$0x70] =	vst v1  }
0x3c: {  	[tilespmem:s11+$0x400] =	vst v1  }
0x3d: {  	[tilespmem:s11+$0x410] =	vst v1  }
0x3e: {  	[tilespmem:s11+$0x420] =	vst v1  }
0x3f: {  	[tilespmem:s11+$0x430] =	vst v1  }
0x40: {  	[tilespmem:s11+$0x440] =	vst v1  }
0x41: {  	[tilespmem:s11+$0x450] =	vst v1  }
0x42: {  	[tilespmem:s11+$0x460] =	vst v1  }
0x43: {  	[tilespmem:s11+$0x470] =	vst v1  }
0x44: {  	[tilespmem:s11+$0x800] =	vst v1  }
0x45: {  	[tilespmem:s11+$0x810] =	vst v1  }
0x46: {  	[tilespmem:s11+$0x820] =	vst v1  }
0x47: {  	[tilespmem:s11+$0x830] =	vst v1  }
0x48: {  	[tilespmem:s11+$0x840] =	vst v1  }
0x49: {  	[tilespmem:s11+$0x850] =	vst v1  }
0x4a: {  	[tilespmem:s11+$0x860] =	vst v1  }
0x4b: {  	[tilespmem:s11+$0x870] =	vst v1  }
0x4c: {  	[tilespmem:s11+$0xC00] =	vst v1  }
0x4d: {  	[tilespmem:s11+$0xC10] =	vst v1  }
0x4e: {  	[tilespmem:s11+$0xC20] =	vst v1  }
0x4f: {  	[tilespmem:s11+$0xC30] =	vst v1  }
0x50: {  	[tilespmem:s11+$0xC40] =	vst v1  }
0x51: {  	[tilespmem:s11+$0xC50] =	vst v1  }
0x52: {  	[tilespmem:s11+$0xC60] =	vst v1  }
0x53: {  	[tilespmem:s11+$0xC70] =	vst v1  }
0x54: {  	[tilespmem:s11+$0x1000] =	vst v1  }
0x55: {  	[tilespmem:s11+$0x1010] =	vst v1  }
0x56: {  	[tilespmem:s11+$0x1020] =	vst v1  }
0x57: {  	[tilespmem:s11+$0x1030] =	vst v1  }
0x58: {  	[tilespmem:s11+$0x1040] =	vst v1  }
0x59: {  	[tilespmem:s11+$0x1050] =	vst v1  }
0x5a: {  	[tilespmem:s11+$0x1060] =	vst v1  }
0x5b: {  	[tilespmem:s11+$0x1070] =	vst v1  }
0x5c: {  	[tilespmem:s11+$0x1400] =	vst v1  }
0x5d: {  	[tilespmem:s11+$0x1410] =	vst v1  }
0x5e: {  	[tilespmem:s11+$0x1420] =	vst v1  }
0x5f: {  	[tilespmem:s11+$0x1430] =	vst v1  }
0x60: {  	[tilespmem:s11+$0x1440] =	vst v1  }
0x61: {  	[tilespmem:s11+$0x1450] =	vst v1  }
0x62: {  	[tilespmem:s11+$0x1460] =	vst v1  }
0x63: {  	[tilespmem:s11+$0x1470] =	vst v1  }
0x64: {  	[tilespmem:s11+$0x1800] =	vst v1  }
0x65: {  	[tilespmem:s11+$0x1810] =	vst v1  }
0x66: {  	[tilespmem:s11+$0x1820] =	vst v1  }
0x67: {  	[tilespmem:s11+$0x1830] =	vst v1  }
0x68: {  	s23 =	sand.u32 $0x7, s5;
	[tilespmem:s11+$0x1840] =	vst v1  }
0x69: {  	s10 =	sshll.u32 s23, $0x7;
	[tilespmem:s11+$0x1850] =	vst v1  }
0x6a: {  	[tilespmem:s11+$0x1860] =	vst v1;
	s10 =	sadd.s32 s10, s9  }
0x6b: {  	[tilespmem:s11+$0x1870] =	vst v1;
	s24 =	sor.u32 $0x1C00, s10  }
0x6c: {  	s25 =	sor.u32 $0x1C10, s10;
	[tilespmem:s24+$0x11580] =	vst v1  }
0x6d: {  	s26 =	sor.u32 $0x1C20, s10;
	[tilespmem:s25+$0x11580] =	vst v1  }
0x6e: {  	s28 =	sor.u32 $0x1C30, s10;
	[tilespmem:s26+$0x11580] =	vst v1  }
0x6f: {  	s29 =	sor.u32 $0x1C40, s10;
	[tilespmem:s28+$0x11580] =	vst v1  }
0x70: {  	s30 =	sor.u32 $0x1C50, s10;
	[tilespmem:s29+$0x11580] =	vst v1  }
0x71: {  	s31 =	sor.u32 $0x1C60, s10;
	[tilespmem:s30+$0x11580] =	vst v1  }
0x72: {  	s10 =	sor.u32 $0x1C70, s10;
	[tilespmem:s31+$0x11580] =	vst v1  }
0x73: {  	[tilespmem:s10+$0x11580] =	vst v1  }
0x74: {  	[tilespmem:s1+$0xFFFFFFC0] =	vst v1  }
0x75: {  	[tilespmem:s1+$0xFFFFFFD0] =	vst v1  }
0x76: {  	p0 =	sne.s32 s9, $0x7C00;
	[tilespmem:s1+$0xFFFFFFE0] =	vst v1  }
.Ltmp4:
0x77: {  	[tilespmem:s1+$0xFFFFFFF0] =	vst v1;
	(pc) =	sbr.rel @p0 .LBB2_3-.Ltmp4, $4  }
0x78: {  	[tilespmem:s1+$0x0] =	vst v1  }
0x79: {  	[tilespmem:s1+$0x10] =	vst v1  }
0x7a: {  	s5 =	sadd.s32 $0x1, s5;
	[tilespmem:s1+$0x20] =	vst v1  }
0x7b: {  	s0 =	sadd.s32 $0x80, s0;
	s9 =	sadd.s32 $0x400, s9;
	[tilespmem:s1+$0x30] =	vst v1;
	s1 =	sadd.s32 $0x80, s1  }
0x7c: {  	(v2sf) =	vpush v9, $0x0  }
0x7d: {  	(v2sf) =	vpush v10, $0x0;
	_ =	sdelay $0xd  }
0x7e: {  	s0 =	spop (v2sf)  }
0x7f: {  	s1 =	spop (v2sf)  }
0x80: {  	s23 =	scvt.f32.s32 s0;
	s24 =	scvt.f32.s32 s1  }
0x81: {  	_ = 	snop  }
0x82: {  	s0 =	ssub.s32 s24, s23  }
0x83: {  	s0 =	sadd.s32 $0xF, s0  }
0x84: {  	s22 =	sand.u32 $0xF, s0  }
0x85: {  	s5 =	sshra.s32 s0, $0x1F;
	p0 =	slt.s32 s0, $0x1;
	p1 =	sne.s32 s22, $0x0  }
0x86: {  	s25 =	sshrl.u32 s5, $0x1C;
	p0 =	por !p0, !p1  }
0x87: {  	s1 =	simm.s32 $0x1;
	s0 =	sadd.s32 s25, s0;
	p0 =	por !p0, !p0  }
0x88: {  	s0 =	sshra.s32 s0, $0x4;
	s1 =	simm.s32 @!p0 $0x0  }
0x89: {  	s26 =	sadd.s32 $0x10, s23;
	s25 =	ssub.s32 s0, s1  }
0x8a: {  	s31 =	simm.s32 $0x3;
	p5 =	sgt.s32 s26, $0xC0000800;
	p2 =	sgt.s32 s25, $0x0  }
0x8b: {  	s28 =	sand.u32 $0x7, s23;
	s29 =	sshra.s32 s23, $0x1F;
	p1 =	por !p5, !p2  }
0x8c: {  	p3 =	slt.s32 s23, $0x1;
	p0 =	sne.s32 s28, $0x0;
	p1 =	por !p1, !p1  }
.Ltmp5:
0x8d: {  	s30 =	sshrl.u32 s29, $0x1D;
	p6 =	por !p3, !p0;
	(pc) =	sbr.rel @!p1 .LBB2_6-.Ltmp5, $4  }
0x8e: {  	s0 =	sadd.s32 s30, s23;
	s1 =	simm.s32 $0x1;
	p2 =	por !p6, !p6  }
0x8f: {  	_ =	swait.ge [sflag:s31], $0x8000;
	s0 =	sshra.s32 s0, $0x3;
	s1 =	simm.s32 @!p2 $0x0  }
0x90: {  	[sflag:s31] =	ssyncset.done $0x0;
	s0 =	ssub.s32 s0, s1  }
0x91: {  	[dreg:$0xc] =	wrdreg s12;
	[sflag:s31] =	ssyncadd.s32 $0xFFFF8000;
	s26 =	sshll.u32 s0, $0x3  }
0x92: {  	s0 =	sand.u32 $0x1FFFFFFF, s0  }
0x93: {  	s1 =	sadd.s32 s2, s0  }
0x94: {  	[tilespmem:s3], [sflag:$0x4] =	stream.linear.gather [hbm4b:s1+s3], $0x800, $0x38;
	[tilespmem:$0x1A680] =	vst v63  }
0x95: {  	_ =	swait.ge [sflag:s18], $0x800  }
0x96: {  	[sflag:s18] =	ssyncset.done $0x0  }
0x97: {  	s31 =	simm.s32 $0x800;
	s0 =	sadd.s32 s7, s0;
	[sflag:s18] =	ssyncadd.s32 $0xFFFFF800  }
0x98: {  	[tilespmem:s31], [sflag:$0x4] =	stream.linear.gather [hbm4b:s0+s3], $0x800, $0x38;
	[tilespmem:$0x1A680] =	vst v63  }
.Ltmp6:
0x99: {  	_ = 	snop;
	(pc) =	sbr.rel .LBB2_7-.Ltmp6, $4  }
0x9a: {  	s0 =	ssub.s32 s23, s26;
	_ =	swait.ge [sflag:s18], $0x800  }
0x9b: {  	p2 =	slt.s32 s0, $0x7F0;
	[sflag:s18] =	ssyncset.done $0x0  }
0x9c: {  	s0 =	simm.s32 @!p2 $0x7F0;
	[sflag:s18] =	ssyncadd.s32 $0xFFFFF800  }
0x9d: {  	v10 =	vld [tilespmem:s0+$0x800]  }
.LBB2_6:
0x9e: {  	p3 =	slt.s32 s25, $0x1  }
.Ltmp7:
0x9f: {  	_ = 	snop;
	(pc) =	sbr.rel @p3 .LBB2_8-.Ltmp7, $4  }
0xa0: {  	s0 =	sadd.s32 $0x40000000, s23  }
0xa1: {  	p2 =	slt.s32 s0, $0x7F0  }
0xa2: {  	s0 =	simm.s32 @!p2 $0x7F0  }
0xa3: {  	v10 =	vld [tilespmem:s0+$0x800]  }
.LBB2_7:
0xa4: {  	v9 =	vld [tilespmem:s0+$0x0];
	_ =	sdelay $0x4  }
0xa5: {  	vm2 =	vlt.s32 v9, $0x270F  }
0xa6: {  	v9 =	vnsel vm2, $0x270F, v9  }
0xa7: {  	v11 =	vshll.u32 v9, $0x3  }
0xa8: {  	v12 =	vand.u32 $0x7, v9;
	v11 =	vand.u32 $0xFFFFFFC0, v11  }
0xa9: {  	v11 =	vor.u32 v12, v11  }
0xaa: {  	v12 =	vperm.xlane v11, v3;
	_ =	sdelay $0x1  }
0xab: {  	v12 =	vadd.s32 v5, v12;
	_ =	sdelay $0x3  }
0xac: {  	s17 =	simm.s32 $0x1580;
	[tilespmem:$0x1A580] =	vst v9  }
0xad: {  	[tilespmem:s17], [sflag:$0x1] =	stream.indirect_vreg.gather [hbm4b:s4+s3], $0x80, v12, vm0, $0xb8;
	[tilespmem:$0x1A680] =	vst v63  }
0xae: {  	s19 =	simm.s32 $0x1D80;
	v9 =	vperm.xlane v11, v7  }
0xaf: {  	[tilespmem:s19], [sflag:$0x1] =	stream.indirect_vreg.gather [hbm4b:s13+s3], $0x80, v12, vm0, $0xb8;
	[tilespmem:$0x1A680] =	vst v63  }
0xb0: {  	s20 =	simm.s32 $0x2580;
	v9 =	vadd.s32 v5, v9  }
0xb1: {  	[tilespmem:s20], [sflag:$0x1] =	stream.indirect_vreg.gather [hbm4b:s14+s3], $0x80, v12, vm0, $0xb8;
	[tilespmem:$0x1A680] =	vst v63  }
0xb2: {  	s22 =	simm.s32 $0x2D80  }
0xb3: {  	[tilespmem:s22], [sflag:$0x1] =	stream.indirect_vreg.gather [hbm4b:s15+s3], $0x80, v12, vm0, $0xb8;
	[tilespmem:$0x1A680] =	vst v63  }
0xb4: {  	s28 =	simm.s32 $0x3580  }
0xb5: {  	[tilespmem:s28], [sflag:$0x1] =	stream.indirect_vreg.gather [hbm4b:s4+s3], $0x80, v9, vm0, $0xb8;
	[tilespmem:$0x1A680] =	vst v63  }
0xb6: {  	s29 =	simm.s32 $0x3D80  }
0xb7: {  	[tilespmem:s29], [sflag:$0x1] =	stream.indirect_vreg.gather [hbm4b:s13+s3], $0x80, v9, vm0, $0xb8;
	[tilespmem:$0x1A680] =	vst v63  }
0xb8: {  	s30 =	simm.s32 $0x4580  }
0xb9: {  	[tilespmem:s30], [sflag:$0x1] =	stream.indirect_vreg.gather [hbm4b:s14+s3], $0x80, v9, vm0, $0xb8;
	[tilespmem:$0x1A680] =	vst v63  }
0xba: {  	s31 =	simm.s32 $0x4D80  }
0xbb: {  	[tilespmem:s31], [sflag:$0x1] =	stream.indirect_vreg.gather [hbm4b:s15+s3], $0x80, v9, vm0, $0xb8;
	[tilespmem:$0x1A680] =	vst v63  }
.LBB2_8:
0xbc: {  	s0 =	sadd.s32 $0x1, s25  }
0xbd: {  	s1 =	sand.u32 $0x1, s0  }
0xbe: {  	p2 =	slt.s32 s25, $0x0;
	p3 =	seq.s32 s1, $0x1  }
0xbf: {  	s31 =	sshrl.u32 s0, $0x1F;
	p2 =	por !p2, !p3  }
0xc0: {  	s0 =	sadd.s32 s31, s0;
	s1 =	simm.s32 $0x1;
	p2 =	por !p2, !p2  }
0xc1: {  	s0 =	sshra.s32 s0, $0x1;
	s1 =	simm.s32 @!p2 $0x0  }
0xc2: {  	s28 =	ssub.s32 s0, s1  }
0xc3: {  	p2 =	slt.s32 s28, $0x1  }
.Ltmp8:
0xc4: {  	_ = 	snop;
	(pc) =	sbr.rel @p2 .LBB2_25-.Ltmp8, $1  }
0xc5: {  	_ =	sdelay $0x3  }
.Ltmp9:
0xc6: {  	(pc) =	sbr.rel .LBB2_10-.Ltmp9, $2  }
0xc7: {  	_ =	sdelay $0x2  }
0xc8: {  	s26 =	simm.s32 @!p1 $0xC0000000;
	v9 =	vmov s16;
	s29 =	simm.s32 $0x0  }
.LBB2_24:
0xc9: {  	s29 =	sadd.s32 $0x1, s29  }
0xca: {  	p1 =	sne.s32 s29, s28  }
.Ltmp10:
0xcb: {  	_ = 	snop;
	(pc) =	sbr.rel @!p1 .LBB2_25-.Ltmp10, $1  }
0xcc: {  	_ =	sdelay $0x3  }
.LBB2_10:
0xcd: {  	s0 =	sshllo.u32 s29, $0x1  }
0xce: {  	s1 =	sshll.u32 s0, $0x4  }
0xcf: {  	s5 =	sadd.s32 $0x800, s26;
	p3 =	slt.s32 s0, s25;
	s30 =	sadd.s32 s23, s1  }
0xd0: {  	s1 =	sadd.s32 $0x10, s30;
	s22 =	sshra.s32 s30, $0x1F;
	p2 =	slt.s32 s30, $0x1  }
0xd1: {  	p1 =	sgt.s32 s1, s5;
	s1 =	sshrl.u32 s22, $0x1D;
	p2 =	por !p0, !p2  }
0xd2: {  	s5 =	simm.s32 $0x1;
	s1 =	sadd.s32 s1, s30;
	p2 =	por !p2, !p2  }
0xd3: {  	p1 =	por !p3, !p1;
	s1 =	sshra.s32 s1, $0x3;
	s5 =	simm.s32 @!p2 $0x0  }
0xd4: {  	p1 =	por !p1, !p1;
	s1 =	ssub.s32 s1, s5  }
0xd5: {  	s5 =	sand.u32 @p1 $0x1FFFFFFF, s1  }
0xd6: {  	s10 =	simm.s32 @p1 $0x0;
	s9 =	sadd.s32 @p1 s2, s5  }
0xd7: {  	[tilespmem:s10], [sflag:$0x4] =	stream.linear.gather @p1 [hbm4b:s9+s10], $0x800, $0x38;
	[tilespmem:$0x1A680] =	vst v63  }
0xd8: {  	s9 =	simm.s32 @p1 $0x4  }
0xd9: {  	s1 =	sshll.u32 s1, $0x3;
	_ =	swait.ge @p1 [sflag:s9], $0x800  }
0xda: {  	s26 =	smov.u32 @p1 s1;
	[sflag:s9] =	ssyncset.done @p1 $0x0  }
0xdb: {  	s1 =	sadd.s32 @p1 s7, s5;
	s5 =	simm.s32 @p1 $0x800;
	[sflag:s9] =	ssyncadd.s32 @p1 $0xFFFFF800  }
0xdc: {  	[tilespmem:s5], [sflag:$0x4] =	stream.linear.gather @p1 [hbm4b:s1+s10], $0x800, $0x38;
	[tilespmem:$0x1A680] =	vst v63  }
0xdd: {  	s1 =	ssub.s32 s30, s26;
	_ =	swait.ge @p1 [sflag:s9], $0x800  }
0xde: {  	p2 =	slt.s32 s1, $0x7F0;
	[sflag:s9] =	ssyncset.done @p1 $0x0  }
0xdf: {  	s1 =	simm.s32 @!p2 $0x7F0;
	[sflag:s9] =	ssyncadd.s32 @p1 $0xFFFFF800;
	p1 =	sge.s32 s0, s25  }
0xe0: {  	v11 =	vld @!p1 [tilespmem:s1+$0x0];
	_ =	sdelay $0x4  }
0xe1: {  	vm2 =	vlt.s32 @!p1 v11, $0x270F  }
0xe2: {  	v12 =	vnsel @!p1 vm2, $0x270F, v11  }
0xe3: {  	v11 =	vshll.u32 @!p1 v12, $0x3  }
0xe4: {  	v14 =	vlaneseq.u32 @!p1;
	v13 =	vand.u32 @!p1 $0x7, v12;
	v11 =	vand.u32 @!p1 $0xFFFFFFC0, v11  }
0xe5: {  	v15 =	vshrl.u32 @!p1 v14, $0x3;
	v13 =	vor.u32 @!p1 v13, v11;
	v11 =	vand.u32 @!p1 $0x7, v14  }
0xe6: {  	v15 =	vmul.u32 @!p1 $0x8, v15;
	v11 =	vperm.xlane @!p1 v13, v11;
	_ =	sdelay $0x1  }
0xe7: {  	v16 =	vadd.s32 @!p1 v15, v11;
	_ =	sdelay $0x3  }
0xe8: {  	s0 =	simm.s32 @!p1 $0x0;
	vm2 =	vmmov @!p1 $0xffff;
	v11 =	vld [tilespmem:s1+$0x800];
	[tilespmem:$0x1A600] =	vst @!p1 v12;
	s1 =	simm.s32 @!p1 $0x5580  }
0xe9: {  	v12 =	vor.u32 @!p1 $0x8, v14;
	[tilespmem:s1], [sflag:$0x2] =	stream.indirect_vreg.gather @!p1 [hbm4b:s4+s0], $0x80, v16, vm2, $0xb8;
	[tilespmem:$0x1A680] =	vst v63  }
0xea: {  	v12 =	vperm.xlane @!p1 v13, v12;
	s1 =	simm.s32 @!p1 $0x5D80  }
0xeb: {  	[tilespmem:s1], [sflag:$0x2] =	stream.indirect_vreg.gather @!p1 [hbm4b:s13+s0], $0x80, v16, vm2, $0xb8;
	[tilespmem:$0x1A680] =	vst v63  }
0xec: {  	v12 =	vadd.s32 @!p1 v15, v12;
	s1 =	simm.s32 @!p1 $0x6580  }
0xed: {  	[tilespmem:s1], [sflag:$0x2] =	stream.indirect_vreg.gather @!p1 [hbm4b:s14+s0], $0x80, v16, vm2, $0xb8;
	[tilespmem:$0x1A680] =	vst v63  }
0xee: {  	s1 =	simm.s32 @!p1 $0x6D80  }
0xef: {  	[tilespmem:s1], [sflag:$0x2] =	stream.indirect_vreg.gather @!p1 [hbm4b:s15+s0], $0x80, v16, vm2, $0xb8;
	[tilespmem:$0x1A680] =	vst v63  }
0xf0: {  	s31 =	sshll.u32 s29, $0x1;
	s1 =	simm.s32 @!p1 $0x7580  }
0xf1: {  	[tilespmem:s1], [sflag:$0x2] =	stream.indirect_vreg.gather @!p1 [hbm4b:s4+s0], $0x80, v12, vm2, $0xb8;
	[tilespmem:$0x1A680] =	vst v63  }
0xf2: {  	p2 =	sge.s32 s31, s25;
	s1 =	simm.s32 @!p1 $0x7D80  }
0xf3: {  	[tilespmem:s1], [sflag:$0x2] =	stream.indirect_vreg.gather @!p1 [hbm4b:s13+s0], $0x80, v12, vm2, $0xb8;
	[tilespmem:$0x1A680] =	vst v63  }
.Ltmp11:
0xf4: {  	_ = 	snop;
	(pc) =	sbr.rel @p2 .LBB2_17-.Ltmp11, $4  }
0xf5: {  	s1 =	simm.s32 @!p1 $0x8580  }
0xf6: {  	[tilespmem:s1], [sflag:$0x2] =	stream.indirect_vreg.gather @!p1 [hbm4b:s14+s0], $0x80, v12, vm2, $0xb8;
	[tilespmem:$0x1A680] =	vst v63  }
0xf7: {  	s1 =	simm.s32 @!p1 $0x8D80  }
0xf8: {  	[tilespmem:s1], [sflag:$0x2] =	stream.indirect_vreg.gather @!p1 [hbm4b:s15+s0], $0x80, v12, vm2, $0xb8;
	[tilespmem:$0x1A680] =	vst v63  }
0xf9: {  	v10 =	vsub.s32 v10, v9  }
0xfa: {  	vm2 =	vgt.s32 v10, $0x0  }
0xfb: {  	_ =	swait.ge [sflag:s21], $0x4000;
	s0 =	sshll.u32 s29, $0x5;
	s20 =	simm.s32 $0x0;
	v10 =	vnsel vm2, $0x0, v10  }
0xfc: {  	s1 =	simm.s32 $0x0;
	[sflag:s21] =	ssyncset.done $0x0;
	s0 =	sadd.s32 s23, s0;
	v10 =	vmin.u32 v10, $0x1F  }
0xfd: {  	s17 =	simm.s32 $0x0;
	[sflag:s21] =	ssyncadd.s32 $0xFFFFC000;
	s0 =	ssub.s32 s24, s0;
	v10 =	vcvt.s32.f32 v10  }
.LBB2_12:
0xfe: {  	v12 =	vadd.s32 s17, v0  }
0xff: {  	v12 =	vperm.xlane v10, v12;
	_ =	sdelay $0x1  }
0x100: {  	(v2sf) =	vpush v12, $0x0;
	_ =	sdelay $0xb  }
0x101: {  	s5 =	sshll.u32 s1, $0x2;
	s9 =	sand.u32 $0x7, s20  }
0x102: {  	s5 =	sand.u32 $0xFFFF8000, s5;
	s9 =	sshll.u32 s9, $0x9  }
0x103: {  	s5 =	sor.u32 s9, s5  }
0x104: {  	s5 =	sshrl.u32 s5, $0x2;
	s10 =	spop (v2sf)  }
0x105: {  	s12 =	simm.s32 $0x1040;
	s9 =	sadd.s32 $0x15C0, s5;
	s5 =	scvt.f32.s32 s10  }
0x106: {  	v23 =	vld [tilespmem:s12+$0xFFFFFFC0]  }
0x107: {  	v25 =	vld [tilespmem:s12+$0xFFFFFFD0];
	s10 =	sshll.u32 s5, $0xC;
	s11 =	sand.u32 $0x7, s5  }
0x108: {  	v26 =	vld [tilespmem:s12+$0xFFFFFFE0];
	s10 =	sand.u32 $0xFFFF8000, s10;
	s11 =	sshll.u32 s11, $0x9  }
0x109: {  	v27 =	vld [tilespmem:s12+$0xFFFFFFF0];
	s10 =	sor.u32 s11, s10  }
0x10a: {  	v12 =	vld [tilespmem:s9+$0x30];
	s10 =	sshra.s32 s10, $0x2  }
0x10b: {  	v16 =	vld [tilespmem:s9+$0xFFFFFFC0];
	s11 =	sadd.s32 $0x95C0, s10  }
0x10c: {  	v17 =	vld [tilespmem:s11+$0xFFFFFFC0]  }
0x10d: {  	v18 =	vld [tilespmem:s9+$0xFFFFFFD0]  }
0x10e: {  	v20 =	vld [tilespmem:s11+$0xFFFFFFD0]  }
0x10f: {  	v21 =	vld [tilespmem:s9+$0xFFFFFFE0]  }
0x110: {  	v22 =	vld [tilespmem:s11+$0xFFFFFFE0]  }
0x111: {  	v14 =	vld [tilespmem:s9+$0xFFFFFFF0];
	v16 =	vadd.f32 v17, v16  }
0x112: {  	v17 =	vld [tilespmem:s11+$0xFFFFFFF0]  }
0x113: {  	v15 =	vld [tilespmem:s9+$0x0];
	v18 =	vadd.f32 v20, v18;
	v24 =	vmul.f32 $2.000000030e-01, v16  }
0x114: {  	v20 =	vld [tilespmem:s11+$0x0]  }
0x115: {  	v13 =	vld [tilespmem:s9+$0x10];
	v21 =	vadd.f32 v22, v21;
	v60 =	vmul.f32 $2.000000030e-01, v18;
	v16 =	vmax.f32 v16, v24  }
0x116: {  	v22 =	vimm.f32 $0.0e+00;
	v16 =	vmul.f32 v16, v23;
	v23 =	vld [tilespmem:s11+$0x10]  }
0x117: {  	v19 =	vld [tilespmem:s9+$0x20];
	v61 =	vmul.f32 $2.000000030e-01, v21;
	v18 =	vmax.f32 v18, v60;
	v17 =	vadd.f32 v17, v14  }
0x118: {  	v62 =	vld [tilespmem:s11+$0x20];
	v18 =	vmul.f32 v18, v25;
	v16 =	vadd.f32 v16, v22  }
0x119: {  	v21 =	vmax.f32 v21, v61;
	v14 =	vld [tilespmem:s12+$0x0];
	v63 =	vadd.f32 v20, v15;
	v22 =	vmul.f32 $2.000000030e-01, v17  }
0x11a: {  	v21 =	vmul.f32 v21, v26;
	v15 =	vld [tilespmem:s11+$0x30];
	v20 =	vadd.f32 v18, v16  }
0x11b: {  	v17 =	vmax.f32 v17, v22;
	v22 =	vmul.f32 $2.000000030e-01, v63;
	v16 =	vld [tilespmem:s12+$0x10];
	v18 =	vadd.f32 v23, v13  }
0x11c: {  	v13 =	vld [tilespmem:s12+$0x30];
	v20 =	vadd.f32 v21, v20;
	v21 =	vmul.f32 v17, v27  }
0x11d: {  	s22 =	simm.s32 $0x0;
	s19 =	sadd.s32 $0x400, s9;
	v19 =	vadd.f32 v62, v19;
	v23 =	vmax.f32 v63, v22;
	v17 =	vld [tilespmem:s12+$0x20];
	v22 =	vmul.f32 $2.000000030e-01, v18  }
.LBB2_13:
0x11e: {  	v24 =	vld [tilespmem:s19+$0x30];
	v20 =	vadd.f32 v21, v20;
	v14 =	vmul.f32 v23, v14  }
0x11f: {  	v25 =	vld [tilespmem:s19+$0x20];
	v18 =	vmax.f32 v18, v22;
	v21 =	vmul.f32 $2.000000030e-01, v19;
	v12 =	vadd.f32 v15, v12  }
0x120: {  	v22 =	vld [tilespmem:s19+$0x10];
	v14 =	vadd.f32 v14, v20;
	v15 =	vmul.f32 v18, v16  }
0x121: {  	v16 =	vld [tilespmem:s19+$0x0];
	v18 =	vmax.f32 v19, v21;
	v19 =	vmul.f32 $2.000000030e-01, v12  }
0x122: {  	v20 =	vld [tilespmem:s19+$0xFFFFFFF0];
	v14 =	vadd.f32 v15, v14;
	v15 =	vmul.f32 v18, v17  }
0x123: {  	s11 =	sadd.s32 $0x400, s11;
	v17 =	vld [tilespmem:s19+$0xFFFFFFC0];
	v18 =	vmax.f32 v12, v19;
	v12 =	vmov v24  }
0x124: {  	s22 =	sadd.s32 $0x8, s22;
	v19 =	vld [tilespmem:s11+$0xFFFFFFC0];
	v14 =	vadd.f32 v15, v14;
	v13 =	vmul.f32 v18, v13  }
0x125: {  	p2 =	slt.u32 s22, $0x38;
	v15 =	vld [tilespmem:s19+$0xFFFFFFD0]  }
0x126: {  	v18 =	vld [tilespmem:s11+$0xFFFFFFD0];
	v13 =	vadd.f32 v13, v14  }
0x127: {  	v14 =	vld [tilespmem:s19+$0xFFFFFFE0]  }
0x128: {  	s12 =	sadd.s32 $0x80, s12;
	v21 =	vld [tilespmem:s11+$0xFFFFFFE0]  }
0x129: {  	v23 =	vld [tilespmem:s12+$0xFFFFFFC0];
	v17 =	vadd.f32 v19, v17  }
0x12a: {  	v19 =	vld [tilespmem:s11+$0xFFFFFFF0]  }
0x12b: {  	v24 =	vmul.f32 $2.000000030e-01, v17;
	v26 =	vld [tilespmem:s12+$0xFFFFFFD0];
	v15 =	vadd.f32 v18, v15  }
0x12c: {  	v18 =	vld [tilespmem:s11+$0x0]  }
0x12d: {  	v17 =	vmax.f32 v17, v24;
	v24 =	vmul.f32 $2.000000030e-01, v15;
	v27 =	vld [tilespmem:s12+$0xFFFFFFE0];
	v14 =	vadd.f32 v21, v14  }
0x12e: {  	v17 =	vmul.f32 v17, v23;
	v21 =	vld [tilespmem:s11+$0x10]  }
0x12f: {  	v15 =	vmax.f32 v15, v24;
	v23 =	vmul.f32 $2.000000030e-01, v14;
	v24 =	vld [tilespmem:s12+$0xFFFFFFF0];
	v19 =	vadd.f32 v19, v20  }
0x130: {  	v13 =	vadd.f32 v17, v13;
	v15 =	vmul.f32 v15, v26;
	v26 =	vld [tilespmem:s11+$0x20]  }
.Ltmp12:
0x131: {  	v17 =	vmax.f32 v14, v23;
	v20 =	vmul.f32 $2.000000030e-01, v19;
	v14 =	vld [tilespmem:s12+$0x0];
	v23 =	vadd.f32 v18, v16;
	(pc) =	sbr.rel @p2 .LBB2_13-.Ltmp12, $4  }
0x132: {  	v13 =	vadd.f32 v15, v13;
	v17 =	vmul.f32 v17, v27;
	v15 =	vld [tilespmem:s11+$0x30]  }
0x133: {  	v19 =	vmax.f32 v19, v20;
	v27 =	vmul.f32 $2.000000030e-01, v23;
	v16 =	vld [tilespmem:s12+$0x10];
	v18 =	vadd.f32 v21, v22  }
0x134: {  	v20 =	vadd.f32 v17, v13;
	v21 =	vmul.f32 v19, v24;
	v13 =	vld [tilespmem:s12+$0x30]  }
0x135: {  	s19 =	sadd.s32 $0x400, s19;
	v23 =	vmax.f32 v23, v27;
	v22 =	vmul.f32 $2.000000030e-01, v18;
	v17 =	vld [tilespmem:s12+$0x20];
	v19 =	vadd.f32 v26, v25  }
0x136: {  	v20 =	vadd.f32 v21, v20;
	v14 =	vmul.f32 v23, v14  }
0x137: {  	v18 =	vmax.f32 v18, v22;
	v61 =	vmul.f32 $2.000000030e-01, v19;
	v12 =	vadd.f32 v15, v12  }
0x138: {  	v14 =	vadd.f32 v14, v20;
	v15 =	vmul.f32 v18, v16  }
0x139: {  	v62 =	vmax.f32 v19, v61;
	v63 =	vmul.f32 $2.000000030e-01, v12  }
0x13a: {  	v14 =	vadd.f32 v15, v14;
	v15 =	vmul.f32 v62, v17  }
0x13b: {  	v12 =	vmax.f32 v12, v63  }
0x13c: {  	v14 =	vadd.f32 v15, v14;
	v12 =	vmul.f32 v12, v13;
	_ =	sdelay $0x1  }
0x13d: {  	v12 =	vadd.f32 v12, v14;
	_ =	sdelay $0x1  }
0x13e: {  	v13 =	vperm.xlane v12, v2;
	_ =	sdelay $0x1  }
0x13f: {  	v12 =	vadd.f32 v13, v12;
	_ =	sdelay $0x1  }
0x140: {  	v13 =	vperm.xlane v12, v4;
	_ =	sdelay $0x1  }
0x141: {  	v12 =	vadd.f32 v13, v12;
	_ =	sdelay $0x1  }
0x142: {  	v13 =	vperm.xlane v12, v6;
	_ =	sdelay $0x1  }
0x143: {  	v12 =	vadd.f32 v13, v12;
	_ =	sdelay $0x1  }
0x144: {  	v13 =	vperm.xlane v12, v8;
	_ =	sdelay $0x1  }
0x145: {  	v12 =	vadd.f32 v13, v12;
	_ =	sdelay $0x1  }
0x146: {  	v12 =	vmul.f32 $1.442695020e+00, v12;
	_ =	sdelay $0x1  }
0x147: {  	(erf) = vpow2.f32 v12;
	_ =	sdelay $0x5  }
0x148: {  	v13 =	vld [tilespmem:s9+$0xFFFFFFC0]  }
0x149: {  	s10 =	sadd.s32 $0x115C0, s10  }
0x14a: {  	v14 =	vld [tilespmem:s10+$0xFFFFFFC0]  }
0x14b: {  	p2 =	slt.s32 s17, s0;
	v12 =	vpop (erf)  }
0x14c: {  	v12 =	vpsel !p2, $0x0, v12  }
0x14d: {  	v13 =	vmul.f32 v13, v12;
	_ =	sdelay $0x1  }
0x14e: {  	v13 =	vadd.f32 v13, v14;
	_ =	sdelay $0x1  }
0x14f: {  	[tilespmem:s10+$0xFFFFFFC0] =	vst v13  }
0x150: {  	v13 =	vld [tilespmem:s9+$0xFFFFFFD0];
	_ =	sdelay $0x1  }
0x151: {  	v14 =	vld [tilespmem:s10+$0xFFFFFFD0];
	_ =	sdelay $0x2  }
0x152: {  	v13 =	vmul.f32 v13, v12;
	_ =	sdelay $0x1  }
0x153: {  	v13 =	vadd.f32 v13, v14;
	_ =	sdelay $0x1  }
0x154: {  	[tilespmem:s10+$0xFFFFFFD0] =	vst v13  }
0x155: {  	v13 =	vld [tilespmem:s9+$0xFFFFFFE0];
	_ =	sdelay $0x1  }
0x156: {  	v14 =	vld [tilespmem:s10+$0xFFFFFFE0];
	_ =	sdelay $0x2  }
0x157: {  	v13 =	vmul.f32 v13, v12;
	_ =	sdelay $0x1  }
0x158: {  	v13 =	vadd.f32 v13, v14;
	_ =	sdelay $0x1  }
0x159: {  	[tilespmem:s10+$0xFFFFFFE0] =	vst v13  }
0x15a: {  	v13 =	vld [tilespmem:s9+$0xFFFFFFF0];
	_ =	sdelay $0x1  }
0x15b: {  	v14 =	vld [tilespmem:s10+$0xFFFFFFF0];
	_ =	sdelay $0x2  }
0x15c: {  	v13 =	vmul.f32 v13, v12;
	_ =	sdelay $0x1  }
0x15d: {  	v13 =	vadd.f32 v13, v14;
	_ =	sdelay $0x1  }
0x15e: {  	[tilespmem:s10+$0xFFFFFFF0] =	vst v13  }
0x15f: {  	v13 =	vld [tilespmem:s9+$0x0];
	_ =	sdelay $0x1  }
0x160: {  	v14 =	vld [tilespmem:s10+$0x0];
	_ =	sdelay $0x2  }
0x161: {  	v13 =	vmul.f32 v13, v12;
	_ =	sdelay $0x1  }
0x162: {  	v13 =	vadd.f32 v13, v14;
	_ =	sdelay $0x1  }
0x163: {  	[tilespmem:s10+$0x0] =	vst v13  }
0x164: {  	v13 =	vld [tilespmem:s9+$0x10];
	_ =	sdelay $0x1  }
0x165: {  	v14 =	vld [tilespmem:s10+$0x10];
	_ =	sdelay $0x2  }
0x166: {  	v13 =	vmul.f32 v13, v12;
	_ =	sdelay $0x1  }
0x167: {  	v13 =	vadd.f32 v13, v14;
	_ =	sdelay $0x1  }
0x168: {  	[tilespmem:s10+$0x10] =	vst v13  }
0x169: {  	v13 =	vld [tilespmem:s9+$0x20];
	_ =	sdelay $0x1  }
0x16a: {  	v14 =	vld [tilespmem:s10+$0x20];
	_ =	sdelay $0x2  }
0x16b: {  	v13 =	vmul.f32 v13, v12;
	_ =	sdelay $0x1  }
0x16c: {  	v13 =	vadd.f32 v13, v14;
	_ =	sdelay $0x1  }
0x16d: {  	[tilespmem:s10+$0x20] =	vst v13  }
0x16e: {  	v13 =	vld [tilespmem:s9+$0x30];
	_ =	sdelay $0x1  }
0x16f: {  	v14 =	vld [tilespmem:s10+$0x30];
	_ =	sdelay $0x2  }
0x170: {  	v13 =	vmul.f32 v13, v12;
	_ =	sdelay $0x1  }
0x171: {  	v13 =	vadd.f32 v13, v14;
	_ =	sdelay $0x1  }
0x172: {  	s11 =	simm.s32 $0x0;
	s9 =	sadd.s32 $0x400, s9;
	[tilespmem:s10+$0x30] =	vst v13  }
.LBB2_15:
0x173: {  	v13 =	vld [tilespmem:s9+$0xFFFFFFC0];
	s11 =	sadd.s32 $0x8, s11  }
0x174: {  	s10 =	sadd.s32 $0x400, s10;
	p2 =	slt.u32 s11, $0x38  }
0x175: {  	v14 =	vld [tilespmem:s10+$0xFFFFFFC0];
	_ =	sdelay $0x2  }
0x176: {  	v13 =	vmul.f32 v13, v12;
	_ =	sdelay $0x1  }
0x177: {  	v13 =	vadd.f32 v13, v14;
	_ =	sdelay $0x1  }
0x178: {  	[tilespmem:s10+$0xFFFFFFC0] =	vst v13  }
0x179: {  	v13 =	vld [tilespmem:s9+$0xFFFFFFD0];
	_ =	sdelay $0x1  }
0x17a: {  	v14 =	vld [tilespmem:s10+$0xFFFFFFD0];
	_ =	sdelay $0x2  }
0x17b: {  	v13 =	vmul.f32 v13, v12;
	_ =	sdelay $0x1  }
0x17c: {  	v13 =	vadd.f32 v13, v14;
	_ =	sdelay $0x1  }
0x17d: {  	[tilespmem:s10+$0xFFFFFFD0] =	vst v13  }
0x17e: {  	v13 =	vld [tilespmem:s9+$0xFFFFFFE0];
	_ =	sdelay $0x1  }
0x17f: {  	v14 =	vld [tilespmem:s10+$0xFFFFFFE0];
	_ =	sdelay $0x2  }
0x180: {  	v13 =	vmul.f32 v13, v12;
	_ =	sdelay $0x1  }
0x181: {  	v13 =	vadd.f32 v13, v14;
	_ =	sdelay $0x1  }
0x182: {  	[tilespmem:s10+$0xFFFFFFE0] =	vst v13  }
0x183: {  	v13 =	vld [tilespmem:s9+$0xFFFFFFF0];
	_ =	sdelay $0x1  }
0x184: {  	v14 =	vld [tilespmem:s10+$0xFFFFFFF0];
	_ =	sdelay $0x2  }
0x185: {  	v13 =	vmul.f32 v13, v12;
	_ =	sdelay $0x1  }
0x186: {  	v13 =	vadd.f32 v13, v14;
	_ =	sdelay $0x1  }
0x187: {  	[tilespmem:s10+$0xFFFFFFF0] =	vst v13  }
0x188: {  	v13 =	vld [tilespmem:s9+$0x0];
	_ =	sdelay $0x1  }
0x189: {  	v14 =	vld [tilespmem:s10+$0x0];
	_ =	sdelay $0x2  }
0x18a: {  	v13 =	vmul.f32 v13, v12;
	_ =	sdelay $0x1  }
0x18b: {  	v13 =	vadd.f32 v13, v14;
	_ =	sdelay $0x1  }
0x18c: {  	[tilespmem:s10+$0x0] =	vst v13  }
0x18d: {  	v13 =	vld [tilespmem:s9+$0x10];
	_ =	sdelay $0x1  }
0x18e: {  	v14 =	vld [tilespmem:s10+$0x10];
	_ =	sdelay $0x2  }
0x18f: {  	v13 =	vmul.f32 v13, v12;
	_ =	sdelay $0x1  }
0x190: {  	v13 =	vadd.f32 v13, v14;
	_ =	sdelay $0x1  }
0x191: {  	[tilespmem:s10+$0x10] =	vst v13  }
0x192: {  	v13 =	vld [tilespmem:s9+$0x20];
	_ =	sdelay $0x1  }
0x193: {  	v14 =	vld [tilespmem:s10+$0x20];
	_ =	sdelay $0x2  }
0x194: {  	v13 =	vmul.f32 v13, v12;
	_ =	sdelay $0x1  }
0x195: {  	v13 =	vadd.f32 v13, v14;
	_ =	sdelay $0x1  }
0x196: {  	[tilespmem:s10+$0x20] =	vst v13  }
0x197: {  	v13 =	vld [tilespmem:s9+$0x30];
	_ =	sdelay $0x1  }
0x198: {  	v14 =	vld [tilespmem:s10+$0x30];
	_ =	sdelay $0x2  }
.Ltmp13:
0x199: {  	v13 =	vmul.f32 v13, v12;
	(pc) =	sbr.rel @p2 .LBB2_15-.Ltmp13, $3  }
0x19a: {  	_ = 	snop  }
0x19b: {  	v13 =	vadd.f32 v13, v14;
	_ =	sdelay $0x1  }
0x19c: {  	s9 =	sadd.s32 $0x400, s9;
	[tilespmem:s10+$0x30] =	vst v13  }
0x19d: {  	s5 =	sshll.u32 s5, $0x9  }
0x19e: {  	s5 =	sshra.s32 s5, $0x2  }
0x19f: {  	v13 =	vld [tilespmem:s5+$0x19580]  }
0x1a0: {  	s17 =	sadd.s32 $0x1, s17  }
0x1a1: {  	p2 =	sne.s32 s17, $0x10  }
.Ltmp14:
0x1a2: {  	_ = 	snop;
	(pc) =	sbr.rel @p2 .LBB2_12-.Ltmp14, $3  }
0x1a3: {  	v12 =	vnsel vm1, $0x0, v12  }
0x1a4: {  	v12 =	vadd.f32 v13, v12;
	_ =	sdelay $0x1  }
0x1a5: {  	s1 =	sadd.s32 $0x400, s1;
	s20 =	sadd.s32 $0x1, s20;
	[tilespmem:s5+$0x19580] =	vst v12  }
.LBB2_17:
0x1a6: {  	s0 =	sadd.s32 $0x2, s31  }
0x1a7: {  	s1 =	sshll.u32 s0, $0x4  }
0x1a8: {  	s9 =	sadd.s32 $0x800, s26;
	p4 =	slt.s32 s0, s25;
	s1 =	sadd.s32 s23, s1  }
0x1a9: {  	s5 =	sadd.s32 $0x10, s1;
	s31 =	sshra.s32 s1, $0x1F;
	p3 =	slt.s32 s1, $0x1  }
0x1aa: {  	p2 =	sgt.s32 s5, s9;
	s5 =	sshrl.u32 s31, $0x1D;
	p3 =	por !p0, !p3  }
0x1ab: {  	s9 =	simm.s32 $0x1;
	s5 =	sadd.s32 s5, s1;
	p3 =	por !p3, !p3  }
0x1ac: {  	p2 =	por !p4, !p2;
	s5 =	sshra.s32 s5, $0x3;
	s9 =	simm.s32 @!p3 $0x0  }
0x1ad: {  	p2 =	por !p2, !p2;
	s5 =	ssub.s32 s5, s9  }
0x1ae: {  	s9 =	sand.u32 @p2 $0x1FFFFFFF, s5  }
0x1af: {  	s11 =	simm.s32 @p2 $0x0;
	s10 =	sadd.s32 @p2 s2, s9  }
0x1b0: {  	[tilespmem:s11], [sflag:$0x4] =	stream.linear.gather @p2 [hbm4b:s10+s11], $0x800, $0x38;
	[tilespmem:$0x1A680] =	vst v63  }
0x1b1: {  	s10 =	simm.s32 @p2 $0x4  }
0x1b2: {  	s5 =	sshll.u32 s5, $0x3;
	_ =	swait.ge @p2 [sflag:s10], $0x800  }
0x1b3: {  	s26 =	smov.u32 @p2 s5;
	[sflag:s10] =	ssyncset.done @p2 $0x0  }
0x1b4: {  	s5 =	sadd.s32 @p2 s7, s9;
	s9 =	simm.s32 @p2 $0x800;
	[sflag:s10] =	ssyncadd.s32 @p2 $0xFFFFF800  }
0x1b5: {  	[tilespmem:s9], [sflag:$0x4] =	stream.linear.gather @p2 [hbm4b:s5+s11], $0x800, $0x38;
	[tilespmem:$0x1A680] =	vst v63  }
0x1b6: {  	s1 =	ssub.s32 s1, s26;
	_ =	swait.ge @p2 [sflag:s10], $0x800  }
0x1b7: {  	p3 =	slt.s32 s1, $0x7F0;
	[sflag:s10] =	ssyncset.done @p2 $0x0  }
0x1b8: {  	s1 =	simm.s32 @!p3 $0x7F0;
	[sflag:s10] =	ssyncadd.s32 @p2 $0xFFFFF800;
	p2 =	sge.s32 s0, s25  }
0x1b9: {  	v10 =	vld @!p2 [tilespmem:s1+$0x0];
	_ =	sdelay $0x4  }
0x1ba: {  	vm2 =	vlt.s32 @!p2 v10, $0x270F  }
0x1bb: {  	v12 =	vnsel @!p2 vm2, $0x270F, v10  }
0x1bc: {  	v10 =	vshll.u32 @!p2 v12, $0x3  }
0x1bd: {  	v14 =	vlaneseq.u32 @!p2;
	v13 =	vand.u32 @!p2 $0x7, v12;
	v10 =	vand.u32 @!p2 $0xFFFFFFC0, v10  }
0x1be: {  	v15 =	vshrl.u32 @!p2 v14, $0x3;
	v13 =	vor.u32 @!p2 v13, v10;
	v10 =	vand.u32 @!p2 $0x7, v14  }
0x1bf: {  	v15 =	vmul.u32 @!p2 $0x8, v15;
	v10 =	vperm.xlane @!p2 v13, v10;
	_ =	sdelay $0x1  }
0x1c0: {  	v16 =	vadd.s32 @!p2 v15, v10;
	_ =	sdelay $0x3  }
0x1c1: {  	s0 =	simm.s32 @!p2 $0x0;
	vm2 =	vmmov @!p2 $0xffff;
	v10 =	vld [tilespmem:s1+$0x800];
	[tilespmem:$0x1A580] =	vst @!p2 v12;
	s1 =	simm.s32 @!p2 $0x1580  }
0x1c2: {  	v12 =	vor.u32 @!p2 $0x8, v14;
	[tilespmem:s1], [sflag:$0x1] =	stream.indirect_vreg.gather @!p2 [hbm4b:s4+s0], $0x80, v16, vm2, $0xb8;
	[tilespmem:$0x1A680] =	vst v63  }
0x1c3: {  	v12 =	vperm.xlane @!p2 v13, v12;
	s1 =	simm.s32 @!p2 $0x1D80  }
0x1c4: {  	[tilespmem:s1], [sflag:$0x1] =	stream.indirect_vreg.gather @!p2 [hbm4b:s13+s0], $0x80, v16, vm2, $0xb8;
	[tilespmem:$0x1A680] =	vst v63  }
0x1c5: {  	v12 =	vadd.s32 @!p2 v15, v12;
	s1 =	simm.s32 @!p2 $0x2580  }
0x1c6: {  	[tilespmem:s1], [sflag:$0x1] =	stream.indirect_vreg.gather @!p2 [hbm4b:s14+s0], $0x80, v16, vm2, $0xb8;
	[tilespmem:$0x1A680] =	vst v63  }
0x1c7: {  	s1 =	simm.s32 @!p2 $0x2D80  }
0x1c8: {  	[tilespmem:s1], [sflag:$0x1] =	stream.indirect_vreg.gather @!p2 [hbm4b:s15+s0], $0x80, v16, vm2, $0xb8;
	[tilespmem:$0x1A680] =	vst v63  }
0x1c9: {  	s1 =	simm.s32 @!p2 $0x3580  }
0x1ca: {  	[tilespmem:s1], [sflag:$0x1] =	stream.indirect_vreg.gather @!p2 [hbm4b:s4+s0], $0x80, v12, vm2, $0xb8;
	[tilespmem:$0x1A680] =	vst v63  }
0x1cb: {  	s1 =	simm.s32 @!p2 $0x3D80  }
0x1cc: {  	[tilespmem:s1], [sflag:$0x1] =	stream.indirect_vreg.gather @!p2 [hbm4b:s13+s0], $0x80, v12, vm2, $0xb8;
	[tilespmem:$0x1A680] =	vst v63  }
.Ltmp15:
0x1cd: {  	_ = 	snop;
	(pc) =	sbr.rel @p1 .LBB2_24-.Ltmp15, $4  }
0x1ce: {  	s1 =	simm.s32 @!p2 $0x4580  }
0x1cf: {  	[tilespmem:s1], [sflag:$0x1] =	stream.indirect_vreg.gather @!p2 [hbm4b:s14+s0], $0x80, v12, vm2, $0xb8;
	[tilespmem:$0x1A680] =	vst v63  }
0x1d0: {  	s1 =	simm.s32 @!p2 $0x4D80  }
0x1d1: {  	[tilespmem:s1], [sflag:$0x1] =	stream.indirect_vreg.gather @!p2 [hbm4b:s15+s0], $0x80, v12, vm2, $0xb8;
	[tilespmem:$0x1A680] =	vst v63  }
0x1d2: {  	v11 =	vsub.s32 v11, v9  }
0x1d3: {  	vm2 =	vgt.s32 v11, $0x0  }
0x1d4: {  	_ =	swait.ge [sflag:s6], $0x4000;
	v11 =	vnsel vm2, $0x0, v11  }
0x1d5: {  	s0 =	ssub.s32 s24, s30;
	s20 =	simm.s32 $0x0;
	[sflag:s6] =	ssyncset.done $0x0;
	v11 =	vmin.u32 v11, $0x1F  }
0x1d6: {  	s1 =	simm.s32 $0x0;
	s17 =	simm.s32 $0x0;
	[sflag:s6] =	ssyncadd.s32 $0xFFFFC000;
	v11 =	vcvt.s32.f32 v11  }
.LBB2_19:
0x1d7: {  	v12 =	vadd.s32 s17, v0  }
0x1d8: {  	v12 =	vperm.xlane v11, v12;
	_ =	sdelay $0x1  }
0x1d9: {  	(v2sf) =	vpush v12, $0x0;
	_ =	sdelay $0xb  }
0x1da: {  	s5 =	sshll.u32 s1, $0x2;
	s9 =	sand.u32 $0x7, s20  }
0x1db: {  	s5 =	sand.u32 $0xFFFF8000, s5;
	s9 =	sshll.u32 s9, $0x9  }
0x1dc: {  	s5 =	sor.u32 s9, s5  }
0x1dd: {  	s5 =	sshrl.u32 s5, $0x2;
	s10 =	spop (v2sf)  }
0x1de: {  	s12 =	simm.s32 $0x1040;
	s9 =	sadd.s32 $0x55C0, s5;
	s5 =	scvt.f32.s32 s10  }
0x1df: {  	v23 =	vld [tilespmem:s12+$0xFFFFFFC0]  }
0x1e0: {  	v25 =	vld [tilespmem:s12+$0xFFFFFFD0];
	s10 =	sshll.u32 s5, $0xC;
	s11 =	sand.u32 $0x7, s5  }
0x1e1: {  	v26 =	vld [tilespmem:s12+$0xFFFFFFE0];
	s10 =	sand.u32 $0xFFFF8000, s10;
	s11 =	sshll.u32 s11, $0x9  }
0x1e2: {  	v27 =	vld [tilespmem:s12+$0xFFFFFFF0];
	s10 =	sor.u32 s11, s10  }
0x1e3: {  	v12 =	vld [tilespmem:s9+$0x30];
	s10 =	sshra.s32 s10, $0x2  }
0x1e4: {  	v16 =	vld [tilespmem:s9+$0xFFFFFFC0];
	s11 =	sadd.s32 $0x95C0, s10  }
0x1e5: {  	v17 =	vld [tilespmem:s11+$0xFFFFFFC0]  }
0x1e6: {  	v18 =	vld [tilespmem:s9+$0xFFFFFFD0]  }
0x1e7: {  	v20 =	vld [tilespmem:s11+$0xFFFFFFD0]  }
0x1e8: {  	v21 =	vld [tilespmem:s9+$0xFFFFFFE0]  }
0x1e9: {  	v22 =	vld [tilespmem:s11+$0xFFFFFFE0]  }
0x1ea: {  	v14 =	vld [tilespmem:s9+$0xFFFFFFF0];
	v16 =	vadd.f32 v17, v16  }
0x1eb: {  	v17 =	vld [tilespmem:s11+$0xFFFFFFF0]  }
0x1ec: {  	v15 =	vld [tilespmem:s9+$0x0];
	v18 =	vadd.f32 v20, v18;
	v24 =	vmul.f32 $2.000000030e-01, v16  }
0x1ed: {  	v20 =	vld [tilespmem:s11+$0x0]  }
0x1ee: {  	v13 =	vld [tilespmem:s9+$0x10];
	v21 =	vadd.f32 v22, v21;
	v60 =	vmul.f32 $2.000000030e-01, v18;
	v16 =	vmax.f32 v16, v24  }
0x1ef: {  	v22 =	vimm.f32 $0.0e+00;
	v16 =	vmul.f32 v16, v23;
	v23 =	vld [tilespmem:s11+$0x10]  }
0x1f0: {  	v19 =	vld [tilespmem:s9+$0x20];
	v61 =	vmul.f32 $2.000000030e-01, v21;
	v18 =	vmax.f32 v18, v60;
	v17 =	vadd.f32 v17, v14  }
0x1f1: {  	v62 =	vld [tilespmem:s11+$0x20];
	v18 =	vmul.f32 v18, v25;
	v16 =	vadd.f32 v16, v22  }
0x1f2: {  	v21 =	vmax.f32 v21, v61;
	v14 =	vld [tilespmem:s12+$0x0];
	v63 =	vadd.f32 v20, v15;
	v22 =	vmul.f32 $2.000000030e-01, v17  }
0x1f3: {  	v21 =	vmul.f32 v21, v26;
	v15 =	vld [tilespmem:s11+$0x30];
	v20 =	vadd.f32 v18, v16  }
0x1f4: {  	v17 =	vmax.f32 v17, v22;
	v22 =	vmul.f32 $2.000000030e-01, v63;
	v16 =	vld [tilespmem:s12+$0x10];
	v18 =	vadd.f32 v23, v13  }
0x1f5: {  	v13 =	vld [tilespmem:s12+$0x30];
	v20 =	vadd.f32 v21, v20;
	v21 =	vmul.f32 v17, v27  }
0x1f6: {  	s22 =	simm.s32 $0x0;
	s19 =	sadd.s32 $0x400, s9;
	v19 =	vadd.f32 v62, v19;
	v23 =	vmax.f32 v63, v22;
	v17 =	vld [tilespmem:s12+$0x20];
	v22 =	vmul.f32 $2.000000030e-01, v18  }
.LBB2_20:
0x1f7: {  	v24 =	vld [tilespmem:s19+$0x30];
	v20 =	vadd.f32 v21, v20;
	v14 =	vmul.f32 v23, v14  }
0x1f8: {  	v25 =	vld [tilespmem:s19+$0x20];
	v18 =	vmax.f32 v18, v22;
	v21 =	vmul.f32 $2.000000030e-01, v19;
	v12 =	vadd.f32 v15, v12  }
0x1f9: {  	v22 =	vld [tilespmem:s19+$0x10];
	v14 =	vadd.f32 v14, v20;
	v15 =	vmul.f32 v18, v16  }
0x1fa: {  	v16 =	vld [tilespmem:s19+$0x0];
	v18 =	vmax.f32 v19, v21;
	v19 =	vmul.f32 $2.000000030e-01, v12  }
0x1fb: {  	v20 =	vld [tilespmem:s19+$0xFFFFFFF0];
	v14 =	vadd.f32 v15, v14;
	v15 =	vmul.f32 v18, v17  }
0x1fc: {  	s11 =	sadd.s32 $0x400, s11;
	v17 =	vld [tilespmem:s19+$0xFFFFFFC0];
	v18 =	vmax.f32 v12, v19;
	v12 =	vmov v24  }
0x1fd: {  	s22 =	sadd.s32 $0x8, s22;
	v19 =	vld [tilespmem:s11+$0xFFFFFFC0];
	v14 =	vadd.f32 v15, v14;
	v13 =	vmul.f32 v18, v13  }
0x1fe: {  	p1 =	slt.u32 s22, $0x38;
	v15 =	vld [tilespmem:s19+$0xFFFFFFD0]  }
0x1ff: {  	v18 =	vld [tilespmem:s11+$0xFFFFFFD0];
	v13 =	vadd.f32 v13, v14  }
0x200: {  	v14 =	vld [tilespmem:s19+$0xFFFFFFE0]  }
0x201: {  	s12 =	sadd.s32 $0x80, s12;
	v21 =	vld [tilespmem:s11+$0xFFFFFFE0]  }
0x202: {  	v23 =	vld [tilespmem:s12+$0xFFFFFFC0];
	v17 =	vadd.f32 v19, v17  }
0x203: {  	v19 =	vld [tilespmem:s11+$0xFFFFFFF0]  }
0x204: {  	v24 =	vmul.f32 $2.000000030e-01, v17;
	v26 =	vld [tilespmem:s12+$0xFFFFFFD0];
	v15 =	vadd.f32 v18, v15  }
0x205: {  	v18 =	vld [tilespmem:s11+$0x0]  }
0x206: {  	v17 =	vmax.f32 v17, v24;
	v24 =	vmul.f32 $2.000000030e-01, v15;
	v27 =	vld [tilespmem:s12+$0xFFFFFFE0];
	v14 =	vadd.f32 v21, v14  }
0x207: {  	v17 =	vmul.f32 v17, v23;
	v21 =	vld [tilespmem:s11+$0x10]  }
0x208: {  	v15 =	vmax.f32 v15, v24;
	v23 =	vmul.f32 $2.000000030e-01, v14;
	v24 =	vld [tilespmem:s12+$0xFFFFFFF0];
	v19 =	vadd.f32 v19, v20  }
0x209: {  	v13 =	vadd.f32 v17, v13;
	v15 =	vmul.f32 v15, v26;
	v26 =	vld [tilespmem:s11+$0x20]  }
.Ltmp16:
0x20a: {  	v17 =	vmax.f32 v14, v23;
	v20 =	vmul.f32 $2.000000030e-01, v19;
	v14 =	vld [tilespmem:s12+$0x0];
	v23 =	vadd.f32 v18, v16;
	(pc) =	sbr.rel @p1 .LBB2_20-.Ltmp16, $4  }
0x20b: {  	v13 =	vadd.f32 v15, v13;
	v17 =	vmul.f32 v17, v27;
	v15 =	vld [tilespmem:s11+$0x30]  }
0x20c: {  	v19 =	vmax.f32 v19, v20;
	v27 =	vmul.f32 $2.000000030e-01, v23;
	v16 =	vld [tilespmem:s12+$0x10];
	v18 =	vadd.f32 v21, v22  }
0x20d: {  	v20 =	vadd.f32 v17, v13;
	v21 =	vmul.f32 v19, v24;
	v13 =	vld [tilespmem:s12+$0x30]  }
0x20e: {  	s19 =	sadd.s32 $0x400, s19;
	v23 =	vmax.f32 v23, v27;
	v22 =	vmul.f32 $2.000000030e-01, v18;
	v17 =	vld [tilespmem:s12+$0x20];
	v19 =	vadd.f32 v26, v25  }
0x20f: {  	v20 =	vadd.f32 v21, v20;
	v14 =	vmul.f32 v23, v14  }
0x210: {  	v18 =	vmax.f32 v18, v22;
	v61 =	vmul.f32 $2.000000030e-01, v19;
	v12 =	vadd.f32 v15, v12  }
0x211: {  	v14 =	vadd.f32 v14, v20;
	v15 =	vmul.f32 v18, v16  }
0x212: {  	v62 =	vmax.f32 v19, v61;
	v63 =	vmul.f32 $2.000000030e-01, v12  }
0x213: {  	v14 =	vadd.f32 v15, v14;
	v15 =	vmul.f32 v62, v17  }
0x214: {  	v12 =	vmax.f32 v12, v63  }
0x215: {  	v14 =	vadd.f32 v15, v14;
	v12 =	vmul.f32 v12, v13;
	_ =	sdelay $0x1  }
0x216: {  	v12 =	vadd.f32 v12, v14;
	_ =	sdelay $0x1  }
0x217: {  	v13 =	vperm.xlane v12, v2;
	_ =	sdelay $0x1  }
0x218: {  	v12 =	vadd.f32 v13, v12;
	_ =	sdelay $0x1  }
0x219: {  	v13 =	vperm.xlane v12, v4;
	_ =	sdelay $0x1  }
0x21a: {  	v12 =	vadd.f32 v13, v12;
	_ =	sdelay $0x1  }
0x21b: {  	v13 =	vperm.xlane v12, v6;
	_ =	sdelay $0x1  }
0x21c: {  	v12 =	vadd.f32 v13, v12;
	_ =	sdelay $0x1  }
0x21d: {  	v13 =	vperm.xlane v12, v8;
	_ =	sdelay $0x1  }
0x21e: {  	v12 =	vadd.f32 v13, v12;
	_ =	sdelay $0x1  }
0x21f: {  	v12 =	vmul.f32 $1.442695020e+00, v12;
	_ =	sdelay $0x1  }
0x220: {  	(erf) = vpow2.f32 v12;
	_ =	sdelay $0x5  }
0x221: {  	v13 =	vld [tilespmem:s9+$0xFFFFFFC0]  }
0x222: {  	s10 =	sadd.s32 $0x115C0, s10  }
0x223: {  	v14 =	vld [tilespmem:s10+$0xFFFFFFC0]  }
0x224: {  	p1 =	slt.s32 s17, s0;
	v12 =	vpop (erf)  }
0x225: {  	v12 =	vpsel !p1, $0x0, v12  }
0x226: {  	v13 =	vmul.f32 v13, v12;
	_ =	sdelay $0x1  }
0x227: {  	v13 =	vadd.f32 v13, v14;
	_ =	sdelay $0x1  }
0x228: {  	[tilespmem:s10+$0xFFFFFFC0] =	vst v13  }
0x229: {  	v13 =	vld [tilespmem:s9+$0xFFFFFFD0];
	_ =	sdelay $0x1  }
0x22a: {  	v14 =	vld [tilespmem:s10+$0xFFFFFFD0];
	_ =	sdelay $0x2  }
0x22b: {  	v13 =	vmul.f32 v13, v12;
	_ =	sdelay $0x1  }
0x22c: {  	v13 =	vadd.f32 v13, v14;
	_ =	sdelay $0x1  }
0x22d: {  	[tilespmem:s10+$0xFFFFFFD0] =	vst v13  }
0x22e: {  	v13 =	vld [tilespmem:s9+$0xFFFFFFE0];
	_ =	sdelay $0x1  }
0x22f: {  	v14 =	vld [tilespmem:s10+$0xFFFFFFE0];
	_ =	sdelay $0x2  }
0x230: {  	v13 =	vmul.f32 v13, v12;
	_ =	sdelay $0x1  }
0x231: {  	v13 =	vadd.f32 v13, v14;
	_ =	sdelay $0x1  }
0x232: {  	[tilespmem:s10+$0xFFFFFFE0] =	vst v13  }
0x233: {  	v13 =	vld [tilespmem:s9+$0xFFFFFFF0];
	_ =	sdelay $0x1  }
0x234: {  	v14 =	vld [tilespmem:s10+$0xFFFFFFF0];
	_ =	sdelay $0x2  }
0x235: {  	v13 =	vmul.f32 v13, v12;
	_ =	sdelay $0x1  }
0x236: {  	v13 =	vadd.f32 v13, v14;
	_ =	sdelay $0x1  }
0x237: {  	[tilespmem:s10+$0xFFFFFFF0] =	vst v13  }
0x238: {  	v13 =	vld [tilespmem:s9+$0x0];
	_ =	sdelay $0x1  }
0x239: {  	v14 =	vld [tilespmem:s10+$0x0];
	_ =	sdelay $0x2  }
0x23a: {  	v13 =	vmul.f32 v13, v12;
	_ =	sdelay $0x1  }
0x23b: {  	v13 =	vadd.f32 v13, v14;
	_ =	sdelay $0x1  }
0x23c: {  	[tilespmem:s10+$0x0] =	vst v13  }
0x23d: {  	v13 =	vld [tilespmem:s9+$0x10];
	_ =	sdelay $0x1  }
0x23e: {  	v14 =	vld [tilespmem:s10+$0x10];
	_ =	sdelay $0x2  }
0x23f: {  	v13 =	vmul.f32 v13, v12;
	_ =	sdelay $0x1  }
0x240: {  	v13 =	vadd.f32 v13, v14;
	_ =	sdelay $0x1  }
0x241: {  	[tilespmem:s10+$0x10] =	vst v13  }
0x242: {  	v13 =	vld [tilespmem:s9+$0x20];
	_ =	sdelay $0x1  }
0x243: {  	v14 =	vld [tilespmem:s10+$0x20];
	_ =	sdelay $0x2  }
0x244: {  	v13 =	vmul.f32 v13, v12;
	_ =	sdelay $0x1  }
0x245: {  	v13 =	vadd.f32 v13, v14;
	_ =	sdelay $0x1  }
0x246: {  	[tilespmem:s10+$0x20] =	vst v13  }
0x247: {  	v13 =	vld [tilespmem:s9+$0x30];
	_ =	sdelay $0x1  }
0x248: {  	v14 =	vld [tilespmem:s10+$0x30];
	_ =	sdelay $0x2  }
0x249: {  	v13 =	vmul.f32 v13, v12;
	_ =	sdelay $0x1  }
0x24a: {  	v13 =	vadd.f32 v13, v14;
	_ =	sdelay $0x1  }
0x24b: {  	s11 =	simm.s32 $0x0;
	s9 =	sadd.s32 $0x400, s9;
	[tilespmem:s10+$0x30] =	vst v13  }
.LBB2_22:
0x24c: {  	v13 =	vld [tilespmem:s9+$0xFFFFFFC0];
	s11 =	sadd.s32 $0x8, s11  }
0x24d: {  	s10 =	sadd.s32 $0x400, s10;
	p1 =	slt.u32 s11, $0x38  }
0x24e: {  	v14 =	vld [tilespmem:s10+$0xFFFFFFC0];
	_ =	sdelay $0x2  }
0x24f: {  	v13 =	vmul.f32 v13, v12;
	_ =	sdelay $0x1  }
0x250: {  	v13 =	vadd.f32 v13, v14;
	_ =	sdelay $0x1  }
0x251: {  	[tilespmem:s10+$0xFFFFFFC0] =	vst v13  }
0x252: {  	v13 =	vld [tilespmem:s9+$0xFFFFFFD0];
	_ =	sdelay $0x1  }
0x253: {  	v14 =	vld [tilespmem:s10+$0xFFFFFFD0];
	_ =	sdelay $0x2  }
0x254: {  	v13 =	vmul.f32 v13, v12;
	_ =	sdelay $0x1  }
0x255: {  	v13 =	vadd.f32 v13, v14;
	_ =	sdelay $0x1  }
0x256: {  	[tilespmem:s10+$0xFFFFFFD0] =	vst v13  }
0x257: {  	v13 =	vld [tilespmem:s9+$0xFFFFFFE0];
	_ =	sdelay $0x1  }
0x258: {  	v14 =	vld [tilespmem:s10+$0xFFFFFFE0];
	_ =	sdelay $0x2  }
0x259: {  	v13 =	vmul.f32 v13, v12;
	_ =	sdelay $0x1  }
0x25a: {  	v13 =	vadd.f32 v13, v14;
	_ =	sdelay $0x1  }
0x25b: {  	[tilespmem:s10+$0xFFFFFFE0] =	vst v13  }
0x25c: {  	v13 =	vld [tilespmem:s9+$0xFFFFFFF0];
	_ =	sdelay $0x1  }
0x25d: {  	v14 =	vld [tilespmem:s10+$0xFFFFFFF0];
	_ =	sdelay $0x2  }
0x25e: {  	v13 =	vmul.f32 v13, v12;
	_ =	sdelay $0x1  }
0x25f: {  	v13 =	vadd.f32 v13, v14;
	_ =	sdelay $0x1  }
0x260: {  	[tilespmem:s10+$0xFFFFFFF0] =	vst v13  }
0x261: {  	v13 =	vld [tilespmem:s9+$0x0];
	_ =	sdelay $0x1  }
0x262: {  	v14 =	vld [tilespmem:s10+$0x0];
	_ =	sdelay $0x2  }
0x263: {  	v13 =	vmul.f32 v13, v12;
	_ =	sdelay $0x1  }
0x264: {  	v13 =	vadd.f32 v13, v14;
	_ =	sdelay $0x1  }
0x265: {  	[tilespmem:s10+$0x0] =	vst v13  }
0x266: {  	v13 =	vld [tilespmem:s9+$0x10];
	_ =	sdelay $0x1  }
0x267: {  	v14 =	vld [tilespmem:s10+$0x10];
	_ =	sdelay $0x2  }
0x268: {  	v13 =	vmul.f32 v13, v12;
	_ =	sdelay $0x1  }
0x269: {  	v13 =	vadd.f32 v13, v14;
	_ =	sdelay $0x1  }
0x26a: {  	[tilespmem:s10+$0x10] =	vst v13  }
0x26b: {  	v13 =	vld [tilespmem:s9+$0x20];
	_ =	sdelay $0x1  }
0x26c: {  	v14 =	vld [tilespmem:s10+$0x20];
	_ =	sdelay $0x2  }
0x26d: {  	v13 =	vmul.f32 v13, v12;
	_ =	sdelay $0x1  }
0x26e: {  	v13 =	vadd.f32 v13, v14;
	_ =	sdelay $0x1  }
0x26f: {  	[tilespmem:s10+$0x20] =	vst v13  }
0x270: {  	v13 =	vld [tilespmem:s9+$0x30];
	_ =	sdelay $0x1  }
0x271: {  	v14 =	vld [tilespmem:s10+$0x30];
	_ =	sdelay $0x2  }
.Ltmp17:
0x272: {  	v13 =	vmul.f32 v13, v12;
	(pc) =	sbr.rel @p1 .LBB2_22-.Ltmp17, $3  }
0x273: {  	_ = 	snop  }
0x274: {  	v13 =	vadd.f32 v13, v14;
	_ =	sdelay $0x1  }
0x275: {  	s9 =	sadd.s32 $0x400, s9;
	[tilespmem:s10+$0x30] =	vst v13  }
0x276: {  	s5 =	sshll.u32 s5, $0x9  }
0x277: {  	s5 =	sshra.s32 s5, $0x2  }
0x278: {  	v13 =	vld [tilespmem:s5+$0x19580]  }
0x279: {  	s17 =	sadd.s32 $0x1, s17  }
0x27a: {  	p1 =	sne.s32 s17, $0x10  }
.Ltmp18:
0x27b: {  	_ = 	snop;
	(pc) =	sbr.rel @p1 .LBB2_19-.Ltmp18, $4  }
.Ltmp19:
0x27c: {  	v12 =	vnsel vm1, $0x0, v12;
	(pc) =	sbr.rel @!p1 .LBB2_24-.Ltmp19, $4  }
0x27d: {  	v12 =	vadd.f32 v13, v12  }
0x27e: {  	_ = 	snop  }
0x27f: {  	s1 =	sadd.s32 $0x400, s1;
	s20 =	sadd.s32 $0x1, s20;
	[tilespmem:s5+$0x19580] =	vst v12  }
0x280: {  	_ = 	snop  }
.LBB2_27:
0x281: {  	_ =	sfence.sel $0x180000  }
0x282: {  	[bflag:$0x0] =	sbarrier.arrive $0xFFFF  }
0x283: {  	_ =	strace $0x9000004D  }
0x284: {  	s0 =	stileid.u32;
	[bflag:$0x2] =	sbarrier.arrive $0xFFFF  }
0x285: {  	p0 =	sne.s32 s0, $0x0;
	s0 =	rddreg [dreg:$0x3]  }
0x286: {  	s0 =	sadd.s32 @!p0 $0x100000, s0  }
0x287: {  	[sflag:s0] =	ssyncadd.tile.s32 @!p0 $0x1;
	_ =	shalt  }
.Lfunc_end2:
_tile_overlayer_lowered:
.L_overlay_start_2:
0x288: {  	(tag) =	ssettag $0x2  }
0x289: {  	s0 =	rddreg [dreg:$0x0];
	s2 =	stileid.u32  }
0x28a: {  	s1 =	rddreg [dreg:$0x1];
	p0 =	sne.s32 s2, $0x0  }
0x28b: {  	s3 =	rddreg [dreg:$0x2];
	[bflag:$0x3] =	sbarrier.arrive $0xFFFF;
	s2 =	simm.s32 @!p0 $0x1C04  }
0x28c: {  	[timem:s3], [sflag:s2] =	dma.local @!p0 [hbm:s0], s1  }
0x28d: {  	s0 =	simm.s32 @!p0 $0x4  }
0x28e: {  	_ =	swait.ge @!p0 [sflag:s0], s1  }
0x28f: {  	s1 =	ssub.s32 @!p0 $0x0, s1;
	[sflag:s0] =	ssyncset.done @!p0 $0x0  }
0x290: {  	[sflag:s0] =	ssyncadd.s32 @!p0 s1  }
0x291: {  	[bflag:$0x3] =	sbarrier.arrive $0xFFFF  }
0x292: {  	_ =	shalt  }

</sc_bundles>
